<compile_context>
chip_gen: v7x
topology: tpu7x:2x2x1
jax: 0.10.2.dev20260603
libtpu: 0.0.44.dev20260713+nightly
codegen_flags: <defaults>
</compile_context>

<pallas_src>
import functools

import jax
import jax.numpy as jnp
from jax import lax
from jax.experimental import pallas as pl
from jax.experimental.pallas import tpu as pltpu
from jax.experimental.pallas import tpu_sc as plsc

B = 16384
B2 = 2 * B
ENT = 1000000
REL = 1000
D = 64
G = 64
NT = 1536
NS = NT * G
NW = 32
NC = 2
CHUNK = 128
SCH = 3
SROWS = SCH * CHUNK
NCH = NS // NW // CHUNK
NSC = NCH // SCH
TPB = 32
PAIRS_W = B // NW

_mesh = plsc.VectorSubcoreMesh(core_axis_name="c", subcore_axis_name="s")


def _wid():
    return lax.axis_index("s") * NC + lax.axis_index("c")



@functools.partial(
    pl.kernel,
    out_type=(
        jax.ShapeDtypeStruct((NS, D), jnp.float32),
        jax.ShapeDtypeStruct((NS, D), jnp.float32),
    ),
    mesh=_mesh,
    scratch_types=[
        pltpu.VMEM((NCH, CHUNK), jnp.int32),
        pltpu.VMEM((B2,), jnp.int32),
        pltpu.VMEM((B2,), jnp.int32),
        pltpu.VMEM((NCH, CHUNK), jnp.int32),
        pltpu.VMEM((NCH, CHUNK), jnp.int32),
        pltpu.VMEM((SROWS, D), jnp.float32),
        pltpu.VMEM((SROWS, D), jnp.float32),
        pltpu.SemaphoreType.DMA,
        pltpu.SemaphoreType.DMA,
    ],
    compiler_params=pltpu.CompilerParams(use_tc_tiling_on_sc=False,
                                         needs_layout_passes=False),
)
def _sc_gather(table, ss, h_all, t_all, hout, tout,
               ss_v, hall_v, tall_v, hidx_v, tidx_v, buf0, buf1, sem0, sem1):
    wid = _wid()
    base = wid * (NCH * CHUNK)
    pltpu.sync_copy(ss.at[wid], ss_v)
    pltpu.sync_copy(h_all, hall_v)
    pltpu.sync_copy(t_all, tall_v)

    def trans(j, carry):
        for k in range(CHUNK // 16):
            sv = ss_v[j, pl.ds(k * 16, 16)]
            hidx_v[j, pl.ds(k * 16, 16)] = plsc.load_gather(hall_v, [sv])
            tidx_v[j, pl.ds(k * 16, 16)] = plsc.load_gather(tall_v, [sv])
        return carry

    lax.fori_loop(0, NCH, trans, 0, unroll=False)

    bufs = (buf0, buf1)
    sems = (sem0, sem1)

    def _fire(idx_v, s, buf, sem):
        for c in range(SCH):
            pltpu.async_copy(table.at[idx_v.at[s * SCH + c]],
                             buf.at[pl.ds(c * CHUNK, CHUNK)], sem)

    def _drain(idx_v, buf, sem):
        for c in range(SCH):
            pltpu.make_async_copy(table.at[idx_v.at[c]],
                                  buf.at[pl.ds(c * CHUNK, CHUNK)], sem).wait()

    def _run(idx_v, out_hbm):
        _fire(idx_v, 0, bufs[0], sems[0])
        _fire(idx_v, 1, bufs[1], sems[1])

        def body(i, carry):
            for slot in range(2):
                @pl.when(lax.rem(i, 2) == slot)
                def _():
                    _drain(idx_v, bufs[slot], sems[slot])
                    pltpu.sync_copy(bufs[slot],
                                    out_hbm.at[pl.ds(base + i * SROWS, SROWS)])

                    @pl.when(i < NSC - 2)
                    def _():
                        _fire(idx_v, i + 2, bufs[slot], sems[slot])
            return carry

        lax.fori_loop(0, NSC, body, 0, unroll=False)

    _run(hidx_v, hout)
    _run(tidx_v, tout)



def _tc_body(tile_rel_ref, h_ref, t_ref, rel_ref, out_ref):
    i = pl.program_id(0)
    for j in range(TPB):
        h = h_ref[j].astype(jnp.bfloat16)
        t = t_ref[j]
        rid = tile_rel_ref[TPB * i + j]
        r = rel_ref[rid].astype(jnp.bfloat16)
        u = lax.dot_general(h, r, (((1,), (0,)), ((), ())),
                            preferred_element_type=jnp.float32)
        s = jnp.sum(u * t, axis=1, keepdims=True) * (1.0 / D)
        out_ref[j] = s


def _tc_score(tile_rel, h3, t3, rel3):
    in_specs = [
        pl.BlockSpec((TPB, G, D), lambda i, tr: (i, 0, 0)),
        pl.BlockSpec((TPB, G, D), lambda i, tr: (i, 0, 0)),
        pl.BlockSpec((REL, D, D), lambda i, tr: (0, 0, 0)),
    ]
    grid_spec = pltpu.PrefetchScalarGridSpec(
        num_scalar_prefetch=1,
        grid=(NT // TPB,),
        in_specs=in_specs,
        out_specs=pl.BlockSpec((TPB, G, 1), lambda i, tr: (i, 0, 0)),
    )
    return pl.pallas_call(
        _tc_body,
        grid_spec=grid_spec,
        out_shape=jax.ShapeDtypeStruct((NT, G, 1), jnp.float32),
        compiler_params=pltpu.CompilerParams(
            vmem_limit_bytes=48 * 1024 * 1024),
    )(tile_rel, h3, t3, rel3)



@functools.partial(
    pl.kernel,
    out_type=jax.ShapeDtypeStruct((NW, 16), jnp.float32),
    mesh=_mesh,
    scratch_types=[
        pltpu.VMEM((NS,), jnp.float32),
        pltpu.VMEM((2 * PAIRS_W,), jnp.int32),
        pltpu.VMEM((16,), jnp.float32),
    ],
    compiler_params=pltpu.CompilerParams(use_tc_tiling_on_sc=False,
                                         needs_layout_passes=False),
)
def _sc_loss(s_hbm, spn_hbm, out_hbm, s_v, idx_v, acc_v):
    wid = _wid()
    pltpu.sync_copy(s_hbm, s_v)
    pltpu.sync_copy(spn_hbm.at[wid], idx_v)

    def body(i, acc):
        ip = idx_v[pl.ds(i * 16, 16)]
        im = idx_v[pl.ds(PAIRS_W + i * 16, 16)]
        sp = plsc.load_gather(s_v, [ip])
        sn = plsc.load_gather(s_v, [im])
        return acc + jnp.maximum(0.0, sn - sp + 1.0)

    acc = lax.fori_loop(0, PAIRS_W // 16, body, jnp.zeros((16,), jnp.float32),
                        unroll=False)
    acc_v[...] = acc
    pltpu.sync_copy(acc_v, out_hbm.at[wid])



def kernel(ph, pt, pr, nh, nt, nr, ent_embeddings, rel_matrices):
    r_all = jnp.concatenate([pr, nr]).astype(jnp.int32)
    order = jnp.argsort(r_all).astype(jnp.int32)
    r_sorted = jnp.take(r_all, order)
    p = jnp.arange(B2, dtype=jnp.int32)
    is_new = jnp.concatenate(
        [jnp.ones(1, jnp.bool_), r_sorted[1:] != r_sorted[:-1]])
    group_start = lax.cummax(jnp.where(is_new, p, 0))
    rank = p - group_start
    rk = rank % G
    istart = (rk == 0).astype(jnp.int32)
    tile_id = jnp.cumsum(istart, dtype=jnp.int32) - 1
    slot = tile_id * G + rk
    tile_rel = jnp.zeros(NT, jnp.int32).at[tile_id].max(r_sorted)
    slot_sample = (jnp.arange(NS, dtype=jnp.int32) % B2).at[slot].add(
        order - (slot % B2))
    slot_of = jnp.zeros(B2, jnp.int32).at[order].add(slot)

    h_all = jnp.concatenate([ph, nh]).astype(jnp.int32)
    t_all = jnp.concatenate([pt, nt]).astype(jnp.int32)
    spn = jnp.concatenate(
        [slot_of[:B].reshape(NW, PAIRS_W), slot_of[B:].reshape(NW, PAIRS_W)],
        axis=1)

    hgath, tgath = _sc_gather(ent_embeddings,
                              slot_sample.reshape(NW, NCH, CHUNK),
                              h_all, t_all)

    s_slot = _tc_score(tile_rel,
                       hgath.reshape(NT, G, D),
                       tgath.reshape(NT, G, D),
                       rel_matrices.reshape(REL, D, D))

    partials = _sc_loss(s_slot.reshape(NS), spn)
    return jnp.sum(partials)

# --- scband reference (transcript-rebuilt; emitter-appended) ---
"""Pipeline reference for scband-rescal-69544110456887 (READ-ONLY COPY).

The authoritative reference and input builder live on the scoring server;
editing this copy changes nothing except your own understanding.
"""

import jax, jax.numpy as jnp
import numpy as np

ENT = 1000000
REL = 1000
D = 64
MARGIN = 1.0
B = 16384

def setup_inputs(seed: int = 0) -> dict:
    key = jax.random.key(seed)
    ks = jax.random.split(key, 8)
    ph = jax.random.randint(ks[0], (B,), 0, ENT, dtype=jnp.int32)
    pt = jax.random.randint(ks[1], (B,), 0, ENT, dtype=jnp.int32)
    pr = jax.random.randint(ks[2], (B,), 0, REL, dtype=jnp.int32)
    nh = jax.random.randint(ks[3], (B,), 0, ENT, dtype=jnp.int32)
    nt = jax.random.randint(ks[4], (B,), 0, ENT, dtype=jnp.int32)
    nr = jax.random.randint(ks[5], (B,), 0, REL, dtype=jnp.int32)
    # xavier(uniform=False) ~ truncated normal with std sqrt(2/(fan_in+fan_out)); approximate with normal
    ent_embeddings = jax.random.normal(ks[6], (ENT, D), dtype=jnp.float32) * np.sqrt(2.0 / (ENT + D))
    rel_matrices = jax.random.normal(ks[7], (REL, D * D), dtype=jnp.float32) * np.sqrt(2.0 / (REL + D * D))
    return {"ph": ph, "pt": pt, "pr": pr, "nh": nh, "nt": nt, "nr": nr,
            "ent_embeddings": ent_embeddings, "rel_matrices": rel_matrices}

def reference(ph, pt, pr, nh, nt, nr, ent_embeddings, rel_matrices):
    def score(h_idx, t_idx, r_idx):
        h = jnp.take(ent_embeddings, h_idx, axis=0).reshape(-1, D, 1)
        t = jnp.take(ent_embeddings, t_idx, axis=0).reshape(-1, D, 1)
        r = jnp.take(rel_matrices, r_idx, axis=0).reshape(-1, D, D)
        s = h * jnp.matmul(r, t)                 # [B, D, 1]
        s = jnp.mean(s, axis=1)                  # [B, 1]
        s = jnp.sum(s, axis=1, keepdims=True)    # [B, 1]
        return s
    sp = score(ph, pt, pr)
    sn = score(nh, nt, nr)
    loss = jnp.sum(jnp.maximum(0.0, sn - sp + MARGIN))
    return loss

if __name__ == "__main__":
    import jax
    _d = setup_inputs()
    print(jax.jit(kernel)(*tuple(_d.values())))

</pallas_src>

<mosaic_0001>
#map = affine_map<(d0, d1) -> (0, 0)>
#map1 = affine_map<(d0, d1) -> (0, 0, 0)>
#map2 = affine_map<(d0, d1) -> (0)>
module attributes {stable_mosaic.version = 14 : i64} {
  func.func @_sc_gather(%arg0: i32, %arg1: i32, %arg2: memref<1000000x64xf32, #tpu.memory_space<hbm>>, %arg3: memref<32x24x128xi32, #tpu.memory_space<hbm>>, %arg4: memref<32768xi32, #tpu.memory_space<hbm>>, %arg5: memref<32768xi32, #tpu.memory_space<hbm>>, %arg6: memref<98304x64xf32, #tpu.memory_space<hbm>>, %arg7: memref<98304x64xf32, #tpu.memory_space<hbm>>, %arg8: memref<24x128xi32, #tpu.memory_space<vmem>>, %arg9: memref<32768xi32, #tpu.memory_space<vmem>>, %arg10: memref<32768xi32, #tpu.memory_space<vmem>>, %arg11: memref<24x128xi32, #tpu.memory_space<vmem>>, %arg12: memref<24x128xi32, #tpu.memory_space<vmem>>, %arg13: memref<384x64xf32, #tpu.memory_space<vmem>>, %arg14: memref<384x64xf32, #tpu.memory_space<vmem>>, %arg15: memref<!tpu.dma_semaphore, #tpu.memory_space<semaphore_mem>>, %arg16: memref<!tpu.dma_semaphore, #tpu.memory_space<semaphore_mem>>) attributes {dimension_semantics = [#tpu.dimension_semantics<core_parallel>, #tpu.dimension_semantics<subcore_parallel>], iteration_bounds = array<i64: 2, 16>, scalar_prefetch = 0 : i64, scratch_operands = 9 : i64, tpu.core_type = #tpu.core_type<sc_vector_subcore>, window_params = [{transform_indices = #map}, {transform_indices = #map1}, {transform_indices = #map2}, {transform_indices = #map2}, {transform_indices = #map}, {transform_indices = #map}]} {
    %mul3A = arith.constant 2 : i32
    %mul3A_0 = arith.muli %arg1, %mul3A : i32
    %add3A = arith.addi %mul3A_0, %arg0 : i32
    %mul3A_1 = arith.constant 3072 : i32
    %mul3A_2 = arith.muli %add3A, %mul3A_1 : i32
    "tpu.region"() ({
      %run_scoped3A = tpu.sem_alloc : memref<!tpu.dma_semaphore, #tpu.memory_space<semaphore_mem>>
      %dma_start3A_139 = arith.constant 0 : i32
      %dma_start3A_140 = arith.constant 0 : i32
      %dma_start3A_141 = tpu.memref_slice %arg3[%add3A, %dma_start3A_139, %dma_start3A_140] : memref<32x24x128xi32, #tpu.memory_space<hbm>> -> memref<1x24x128xi32, #tpu.memory_space<hbm>>
      %dma_start3A_142 = tpu.memref_squeeze %dma_start3A_141 : memref<1x24x128xi32, #tpu.memory_space<hbm>> -> memref<24x128xi32, #tpu.memory_space<hbm>>
      %dma_start3A_143 = arith.constant 0 : i32
      %dma_start3A_144 = arith.constant 0 : i32
      %dma_start3A_145 = tpu.memref_slice %arg3[%add3A, %dma_start3A_143, %dma_start3A_144] : memref<32x24x128xi32, #tpu.memory_space<hbm>> -> memref<1x24x128xi32, #tpu.memory_space<hbm>>
      %dma_start3A_146 = tpu.memref_squeeze %dma_start3A_145 : memref<1x24x128xi32, #tpu.memory_space<hbm>> -> memref<24x128xi32, #tpu.memory_space<hbm>>
      tpu.enqueue_dma source(%dma_start3A_146 : memref<24x128xi32, #tpu.memory_space<hbm>>) target(%arg8 : memref<24x128xi32, #tpu.memory_space<vmem>>) target_semaphore(%run_scoped3A : memref<!tpu.dma_semaphore, #tpu.memory_space<semaphore_mem>>)
      %dma_wait3A = arith.constant 0 : i32
      %dma_wait3A_147 = arith.constant 0 : i32
      %dma_wait3A_148 = tpu.memref_slice %arg3[%add3A, %dma_wait3A, %dma_wait3A_147] : memref<32x24x128xi32, #tpu.memory_space<hbm>> -> memref<1x24x128xi32, #tpu.memory_space<hbm>>
      %dma_wait3A_149 = tpu.memref_squeeze %dma_wait3A_148 : memref<1x24x128xi32, #tpu.memory_space<hbm>> -> memref<24x128xi32, #tpu.memory_space<hbm>>
      %dma_wait3A_150 = arith.constant 0 : i32
      %dma_wait3A_151 = arith.constant 0 : i32
      %dma_wait3A_152 = tpu.memref_slice %arg3[%add3A, %dma_wait3A_150, %dma_wait3A_151] : memref<32x24x128xi32, #tpu.memory_space<hbm>> -> memref<1x24x128xi32, #tpu.memory_space<hbm>>
      %dma_wait3A_153 = tpu.memref_squeeze %dma_wait3A_152 : memref<1x24x128xi32, #tpu.memory_space<hbm>> -> memref<24x128xi32, #tpu.memory_space<hbm>>
      tpu.wait_dma2 semaphore(%run_scoped3A : memref<!tpu.dma_semaphore, #tpu.memory_space<semaphore_mem>>) src(%dma_wait3A_153 : memref<24x128xi32, #tpu.memory_space<hbm>>) dst(%arg8 : memref<24x128xi32, #tpu.memory_space<vmem>>)
      tpu.yield
    }) : () -> ()
    "tpu.region"() ({
      %run_scoped3A = tpu.sem_alloc : memref<!tpu.dma_semaphore, #tpu.memory_space<semaphore_mem>>
      tpu.enqueue_dma source(%arg4 : memref<32768xi32, #tpu.memory_space<hbm>>) target(%arg9 : memref<32768xi32, #tpu.memory_space<vmem>>) target_semaphore(%run_scoped3A : memref<!tpu.dma_semaphore, #tpu.memory_space<semaphore_mem>>)
      tpu.wait_dma2 semaphore(%run_scoped3A : memref<!tpu.dma_semaphore, #tpu.memory_space<semaphore_mem>>) src(%arg4 : memref<32768xi32, #tpu.memory_space<hbm>>) dst(%arg9 : memref<32768xi32, #tpu.memory_space<vmem>>)
      tpu.yield
    }) : () -> ()
    "tpu.region"() ({
      %run_scoped3A = tpu.sem_alloc : memref<!tpu.dma_semaphore, #tpu.memory_space<semaphore_mem>>
      tpu.enqueue_dma source(%arg5 : memref<32768xi32, #tpu.memory_space<hbm>>) target(%arg10 : memref<32768xi32, #tpu.memory_space<vmem>>) target_semaphore(%run_scoped3A : memref<!tpu.dma_semaphore, #tpu.memory_space<semaphore_mem>>)
      tpu.wait_dma2 semaphore(%run_scoped3A : memref<!tpu.dma_semaphore, #tpu.memory_space<semaphore_mem>>) src(%arg5 : memref<32768xi32, #tpu.memory_space<hbm>>) dst(%arg10 : memref<32768xi32, #tpu.memory_space<vmem>>)
      tpu.yield
    }) : () -> ()
    %scan3A = arith.constant 0 : i32
    %scan3A_3 = arith.constant 0 : i32
    %scan3A_4 = arith.constant 24 : i32
    %scan3A_5 = arith.addi %scan3A_3, %scan3A_4 : i32
    %scan3A_6 = arith.constant 1 : i32
    scf.for %scan3A_139 = %scan3A_3 to %scan3A_5 step %scan3A_6  : i32 {
      %get3A = arith.index_cast %scan3A_139 : i32 to index
      %get3A_140 = arith.constant 0 : index
      %get3A_141 = tpu.vector_load %arg8[%get3A, %get3A_140] {strides = array<i32>} : memref<24x128xi32, #tpu.memory_space<vmem>>, vector<16xi32>,
      %gather3A = tpu.vector_load_idx %arg9[%get3A_141] : memref<32768xi32, #tpu.memory_space<vmem>>[vector<16xi32>], vector<16xi32>,
      %swap3A = arith.index_cast %scan3A_139 : i32 to index
      %swap3A_142 = arith.constant 0 : index
      %swap3A_143 = tpu.vector_load %arg11[%swap3A, %swap3A_142] {strides = array<i32>} : memref<24x128xi32, #tpu.memory_space<vmem>>, vector<16xi32>,
      tpu.vector_store %arg11[%swap3A, %swap3A_142], %gather3A {strides = array<i32>} : memref<24x128xi32, #tpu.memory_space<vmem>>, vector<16xi32>,
      %gather3A_144 = tpu.vector_load_idx %arg10[%get3A_141] : memref<32768xi32, #tpu.memory_space<vmem>>[vector<16xi32>], vector<16xi32>,
      %swap3A_145 = arith.index_cast %scan3A_139 : i32 to index
      %swap3A_146 = arith.constant 0 : index
      %swap3A_147 = tpu.vector_load %arg12[%swap3A_145, %swap3A_146] {strides = array<i32>} : memref<24x128xi32, #tpu.memory_space<vmem>>, vector<16xi32>,
      tpu.vector_store %arg12[%swap3A_145, %swap3A_146], %gather3A_144 {strides = array<i32>} : memref<24x128xi32, #tpu.memory_space<vmem>>, vector<16xi32>,
      %get3A_148 = arith.index_cast %scan3A_139 : i32 to index
      %get3A_149 = arith.constant 16 : index
      %get3A_150 = tpu.vector_load %arg8[%get3A_148, %get3A_149] {strides = array<i32>} : memref<24x128xi32, #tpu.memory_space<vmem>>, vector<16xi32>,
      %gather3A_151 = tpu.vector_load_idx %arg9[%get3A_150] : memref<32768xi32, #tpu.memory_space<vmem>>[vector<16xi32>], vector<16xi32>,
      %swap3A_152 = arith.index_cast %scan3A_139 : i32 to index
      %swap3A_153 = arith.constant 16 : index
      %swap3A_154 = tpu.vector_load %arg11[%swap3A_152, %swap3A_153] {strides = array<i32>} : memref<24x128xi32, #tpu.memory_space<vmem>>, vector<16xi32>,
      tpu.vector_store %arg11[%swap3A_152, %swap3A_153], %gather3A_151 {strides = array<i32>} : memref<24x128xi32, #tpu.memory_space<vmem>>, vector<16xi32>,
      %gather3A_155 = tpu.vector_load_idx %arg10[%get3A_150] : memref<32768xi32, #tpu.memory_space<vmem>>[vector<16xi32>], vector<16xi32>,
      %swap3A_156 = arith.index_cast %scan3A_139 : i32 to index
      %swap3A_157 = arith.constant 16 : index
      %swap3A_158 = tpu.vector_load %arg12[%swap3A_156, %swap3A_157] {strides = array<i32>} : memref<24x128xi32, #tpu.memory_space<vmem>>, vector<16xi32>,
      tpu.vector_store %arg12[%swap3A_156, %swap3A_157], %gather3A_155 {strides = array<i32>} : memref<24x128xi32, #tpu.memory_space<vmem>>, vector<16xi32>,
      %get3A_159 = arith.index_cast %scan3A_139 : i32 to index
      %get3A_160 = arith.constant 32 : index
      %get3A_161 = tpu.vector_load %arg8[%get3A_159, %get3A_160] {strides = array<i32>} : memref<24x128xi32, #tpu.memory_space<vmem>>, vector<16xi32>,
      %gather3A_162 = tpu.vector_load_idx %arg9[%get3A_161] : memref<32768xi32, #tpu.memory_space<vmem>>[vector<16xi32>], vector<16xi32>,
      %swap3A_163 = arith.index_cast %scan3A_139 : i32 to index
      %swap3A_164 = arith.constant 32 : index
      %swap3A_165 = tpu.vector_load %arg11[%swap3A_163, %swap3A_164] {strides = array<i32>} : memref<24x128xi32, #tpu.memory_space<vmem>>, vector<16xi32>,
      tpu.vector_store %arg11[%swap3A_163, %swap3A_164], %gather3A_162 {strides = array<i32>} : memref<24x128xi32, #tpu.memory_space<vmem>>, vector<16xi32>,
      %gather3A_166 = tpu.vector_load_idx %arg10[%get3A_161] : memref<32768xi32, #tpu.memory_space<vmem>>[vector<16xi32>], vector<16xi32>,
      %swap3A_167 = arith.index_cast %scan3A_139 : i32 to index
      %swap3A_168 = arith.constant 32 : index
      %swap3A_169 = tpu.vector_load %arg12[%swap3A_167, %swap3A_168] {strides = array<i32>} : memref<24x128xi32, #tpu.memory_space<vmem>>, vector<16xi32>,
      tpu.vector_store %arg12[%swap3A_167, %swap3A_168], %gather3A_166 {strides = array<i32>} : memref<24x128xi32, #tpu.memory_space<vmem>>, vector<16xi32>,
      %get3A_170 = arith.index_cast %scan3A_139 : i32 to index
      %get3A_171 = arith.constant 48 : index
      %get3A_172 = tpu.vector_load %arg8[%get3A_170, %get3A_171] {strides = array<i32>} : memref<24x128xi32, #tpu.memory_space<vmem>>, vector<16xi32>,
      %gather3A_173 = tpu.vector_load_idx %arg9[%get3A_172] : memref<32768xi32, #tpu.memory_space<vmem>>[vector<16xi32>], vector<16xi32>,
      %swap3A_174 = arith.index_cast %scan3A_139 : i32 to index
      %swap3A_175 = arith.constant 48 : index
      %swap3A_176 = tpu.vector_load %arg11[%swap3A_174, %swap3A_175] {strides = array<i32>} : memref<24x128xi32, #tpu.memory_space<vmem>>, vector<16xi32>,
      tpu.vector_store %arg11[%swap3A_174, %swap3A_175], %gather3A_173 {strides = array<i32>} : memref<24x128xi32, #tpu.memory_space<vmem>>, vector<16xi32>,
      %gather3A_177 = tpu.vector_load_idx %arg10[%get3A_172] : memref<32768xi32, #tpu.memory_space<vmem>>[vector<16xi32>], vector<16xi32>,
      %swap3A_178 = arith.index_cast %scan3A_139 : i32 to index
      %swap3A_179 = arith.constant 48 : index
      %swap3A_180 = tpu.vector_load %arg12[%swap3A_178, %swap3A_179] {strides = array<i32>} : memref<24x128xi32, #tpu.memory_space<vmem>>, vector<16xi32>,
      tpu.vector_store %arg12[%swap3A_178, %swap3A_179], %gather3A_177 {strides = array<i32>} : memref<24x128xi32, #tpu.memory_space<vmem>>, vector<16xi32>,
      %get3A_181 = arith.index_cast %scan3A_139 : i32 to index
      %get3A_182 = arith.constant 64 : index
      %get3A_183 = tpu.vector_load %arg8[%get3A_181, %get3A_182] {strides = array<i32>} : memref<24x128xi32, #tpu.memory_space<vmem>>, vector<16xi32>,
      %gather3A_184 = tpu.vector_load_idx %arg9[%get3A_183] : memref<32768xi32, #tpu.memory_space<vmem>>[vector<16xi32>], vector<16xi32>,
      %swap3A_185 = arith.index_cast %scan3A_139 : i32 to index
      %swap3A_186 = arith.constant 64 : index
      %swap3A_187 = tpu.vector_load %arg11[%swap3A_185, %swap3A_186] {strides = array<i32>} : memref<24x128xi32, #tpu.memory_space<vmem>>, vector<16xi32>,
      tpu.vector_store %arg11[%swap3A_185, %swap3A_186], %gather3A_184 {strides = array<i32>} : memref<24x128xi32, #tpu.memory_space<vmem>>, vector<16xi32>,
      %gather3A_188 = tpu.vector_load_idx %arg10[%get3A_183] : memref<32768xi32, #tpu.memory_space<vmem>>[vector<16xi32>], vector<16xi32>,
      %swap3A_189 = arith.index_cast %scan3A_139 : i32 to index
      %swap3A_190 = arith.constant 64 : index
      %swap3A_191 = tpu.vector_load %arg12[%swap3A_189, %swap3A_190] {strides = array<i32>} : memref<24x128xi32, #tpu.memory_space<vmem>>, vector<16xi32>,
      tpu.vector_store %arg12[%swap3A_189, %swap3A_190], %gather3A_188 {strides = array<i32>} : memref<24x128xi32, #tpu.memory_space<vmem>>, vector<16xi32>,
      %get3A_192 = arith.index_cast %scan3A_139 : i32 to index
      %get3A_193 = arith.constant 80 : index
      %get3A_194 = tpu.vector_load %arg8[%get3A_192, %get3A_193] {strides = array<i32>} : memref<24x128xi32, #tpu.memory_space<vmem>>, vector<16xi32>,
      %gather3A_195 = tpu.vector_load_idx %arg9[%get3A_194] : memref<32768xi32, #tpu.memory_space<vmem>>[vector<16xi32>], vector<16xi32>,
      %swap3A_196 = arith.index_cast %scan3A_139 : i32 to index
      %swap3A_197 = arith.constant 80 : index
      %swap3A_198 = tpu.vector_load %arg11[%swap3A_196, %swap3A_197] {strides = array<i32>} : memref<24x128xi32, #tpu.memory_space<vmem>>, vector<16xi32>,
      tpu.vector_store %arg11[%swap3A_196, %swap3A_197], %gather3A_195 {strides = array<i32>} : memref<24x128xi32, #tpu.memory_space<vmem>>, vector<16xi32>,
      %gather3A_199 = tpu.vector_load_idx %arg10[%get3A_194] : memref<32768xi32, #tpu.memory_space<vmem>>[vector<16xi32>], vector<16xi32>,
      %swap3A_200 = arith.index_cast %scan3A_139 : i32 to index
      %swap3A_201 = arith.constant 80 : index
      %swap3A_202 = tpu.vector_load %arg12[%swap3A_200, %swap3A_201] {strides = array<i32>} : memref<24x128xi32, #tpu.memory_space<vmem>>, vector<16xi32>,
      tpu.vector_store %arg12[%swap3A_200, %swap3A_201], %gather3A_199 {strides = array<i32>} : memref<24x128xi32, #tpu.memory_space<vmem>>, vector<16xi32>,
      %get3A_203 = arith.index_cast %scan3A_139 : i32 to index
      %get3A_204 = arith.constant 96 : index
      %get3A_205 = tpu.vector_load %arg8[%get3A_203, %get3A_204] {strides = array<i32>} : memref<24x128xi32, #tpu.memory_space<vmem>>, vector<16xi32>,
      %gather3A_206 = tpu.vector_load_idx %arg9[%get3A_205] : memref<32768xi32, #tpu.memory_space<vmem>>[vector<16xi32>], vector<16xi32>,
      %swap3A_207 = arith.index_cast %scan3A_139 : i32 to index
      %swap3A_208 = arith.constant 96 : index
      %swap3A_209 = tpu.vector_load %arg11[%swap3A_207, %swap3A_208] {strides = array<i32>} : memref<24x128xi32, #tpu.memory_space<vmem>>, vector<16xi32>,
      tpu.vector_store %arg11[%swap3A_207, %swap3A_208], %gather3A_206 {strides = array<i32>} : memref<24x128xi32, #tpu.memory_space<vmem>>, vector<16xi32>,
      %gather3A_210 = tpu.vector_load_idx %arg10[%get3A_205] : memref<32768xi32, #tpu.memory_space<vmem>>[vector<16xi32>], vector<16xi32>,
      %swap3A_211 = arith.index_cast %scan3A_139 : i32 to index
      %swap3A_212 = arith.constant 96 : index
      %swap3A_213 = tpu.vector_load %arg12[%swap3A_211, %swap3A_212] {strides = array<i32>} : memref<24x128xi32, #tpu.memory_space<vmem>>, vector<16xi32>,
      tpu.vector_store %arg12[%swap3A_211, %swap3A_212], %gather3A_210 {strides = array<i32>} : memref<24x128xi32, #tpu.memory_space<vmem>>, vector<16xi32>,
      %get3A_214 = arith.index_cast %scan3A_139 : i32 to index
      %get3A_215 = arith.constant 112 : index
      %get3A_216 = tpu.vector_load %arg8[%get3A_214, %get3A_215] {strides = array<i32>} : memref<24x128xi32, #tpu.memory_space<vmem>>, vector<16xi32>,
      %gather3A_217 = tpu.vector_load_idx %arg9[%get3A_216] : memref<32768xi32, #tpu.memory_space<vmem>>[vector<16xi32>], vector<16xi32>,
      %swap3A_218 = arith.index_cast %scan3A_139 : i32 to index
      %swap3A_219 = arith.constant 112 : index
      %swap3A_220 = tpu.vector_load %arg11[%swap3A_218, %swap3A_219] {strides = array<i32>} : memref<24x128xi32, #tpu.memory_space<vmem>>, vector<16xi32>,
      tpu.vector_store %arg11[%swap3A_218, %swap3A_219], %gather3A_217 {strides = array<i32>} : memref<24x128xi32, #tpu.memory_space<vmem>>, vector<16xi32>,
      %gather3A_221 = tpu.vector_load_idx %arg10[%get3A_216] : memref<32768xi32, #tpu.memory_space<vmem>>[vector<16xi32>], vector<16xi32>,
      %swap3A_222 = arith.index_cast %scan3A_139 : i32 to index
      %swap3A_223 = arith.constant 112 : index
      %swap3A_224 = tpu.vector_load %arg12[%swap3A_222, %swap3A_223] {strides = array<i32>} : memref<24x128xi32, #tpu.memory_space<vmem>>, vector<16xi32>,
      tpu.vector_store %arg12[%swap3A_222, %swap3A_223], %gather3A_221 {strides = array<i32>} : memref<24x128xi32, #tpu.memory_space<vmem>>, vector<16xi32>,
    }
    %scan3A_7 = arith.constant 24 : i32
    %dma_start3A = arith.constant 0 : i32
    %dma_start3A_8 = arith.constant 0 : i32
    %dma_start3A_9 = arith.constant 0 : i32
    %dma_start3A_10 = tpu.memref_slice %arg13[%dma_start3A_8, %dma_start3A_9] : memref<384x64xf32, #tpu.memory_space<vmem>> -> memref<128x64xf32, #tpu.memory_space<vmem>>
    %dma_start3A_11 = arith.constant 0 : i32
    %dma_start3A_12 = tpu.memref_slice %arg11[%dma_start3A, %dma_start3A_11] : memref<24x128xi32, #tpu.memory_space<vmem>> -> memref<1x128xi32, #tpu.memory_space<vmem>>
    %dma_start3A_13 = tpu.memref_squeeze %dma_start3A_12 : memref<1x128xi32, #tpu.memory_space<vmem>> -> memref<128xi32, #tpu.memory_space<vmem>>
    %dma_start3A_14 = arith.constant 0 : i32
    %dma_start3A_15 = arith.constant 0 : i32
    %dma_start3A_16 = tpu.memref_slice %arg2[%dma_start3A_14, %dma_start3A_15] : memref<1000000x64xf32, #tpu.memory_space<hbm>> -> memref<1000000x64xf32, #tpu.memory_space<hbm>>
    tpu.enqueue_indirect_dma source(%dma_start3A_16 : memref<1000000x64xf32, #tpu.memory_space<hbm>>) target(%dma_start3A_10 : memref<128x64xf32, #tpu.memory_space<vmem>>) offsets(%dma_start3A_13 : memref<128xi32, #tpu.memory_space<vmem>>) semaphore(%arg15 : memref<!tpu.dma_semaphore, #tpu.memory_space<semaphore_mem>>)
    %dma_start3A_17 = arith.constant 1 : i32
    %dma_start3A_18 = arith.constant 128 : i32
    %dma_start3A_19 = arith.constant 0 : i32
    %dma_start3A_20 = tpu.memref_slice %arg13[%dma_start3A_18, %dma_start3A_19] : memref<384x64xf32, #tpu.memory_space<vmem>> -> memref<128x64xf32, #tpu.memory_space<vmem>>
    %dma_start3A_21 = arith.constant 0 : i32
    %dma_start3A_22 = tpu.memref_slice %arg11[%dma_start3A_17, %dma_start3A_21] : memref<24x128xi32, #tpu.memory_space<vmem>> -> memref<1x128xi32, #tpu.memory_space<vmem>>
    %dma_start3A_23 = tpu.memref_squeeze %dma_start3A_22 : memref<1x128xi32, #tpu.memory_space<vmem>> -> memref<128xi32, #tpu.memory_space<vmem>>
    %dma_start3A_24 = arith.constant 0 : i32
    %dma_start3A_25 = arith.constant 0 : i32
    %dma_start3A_26 = tpu.memref_slice %arg2[%dma_start3A_24, %dma_start3A_25] : memref<1000000x64xf32, #tpu.memory_space<hbm>> -> memref<1000000x64xf32, #tpu.memory_space<hbm>>
    tpu.enqueue_indirect_dma source(%dma_start3A_26 : memref<1000000x64xf32, #tpu.memory_space<hbm>>) target(%dma_start3A_20 : memref<128x64xf32, #tpu.memory_space<vmem>>) offsets(%dma_start3A_23 : memref<128xi32, #tpu.memory_space<vmem>>) semaphore(%arg15 : memref<!tpu.dma_semaphore, #tpu.memory_space<semaphore_mem>>)
    %dma_start3A_27 = arith.constant 2 : i32
    %dma_start3A_28 = arith.constant 256 : i32
    %dma_start3A_29 = arith.constant 0 : i32
    %dma_start3A_30 = tpu.memref_slice %arg13[%dma_start3A_28, %dma_start3A_29] : memref<384x64xf32, #tpu.memory_space<vmem>> -> memref<128x64xf32, #tpu.memory_space<vmem>>
    %dma_start3A_31 = arith.constant 0 : i32
    %dma_start3A_32 = tpu.memref_slice %arg11[%dma_start3A_27, %dma_start3A_31] : memref<24x128xi32, #tpu.memory_space<vmem>> -> memref<1x128xi32, #tpu.memory_space<vmem>>
    %dma_start3A_33 = tpu.memref_squeeze %dma_start3A_32 : memref<1x128xi32, #tpu.memory_space<vmem>> -> memref<128xi32, #tpu.memory_space<vmem>>
    %dma_start3A_34 = arith.constant 0 : i32
    %dma_start3A_35 = arith.constant 0 : i32
    %dma_start3A_36 = tpu.memref_slice %arg2[%dma_start3A_34, %dma_start3A_35] : memref<1000000x64xf32, #tpu.memory_space<hbm>> -> memref<1000000x64xf32, #tpu.memory_space<hbm>>
    tpu.enqueue_indirect_dma source(%dma_start3A_36 : memref<1000000x64xf32, #tpu.memory_space<hbm>>) target(%dma_start3A_30 : memref<128x64xf32, #tpu.memory_space<vmem>>) offsets(%dma_start3A_33 : memref<128xi32, #tpu.memory_space<vmem>>) semaphore(%arg15 : memref<!tpu.dma_semaphore, #tpu.memory_space<semaphore_mem>>)
    %dma_start3A_37 = arith.constant 3 : i32
    %dma_start3A_38 = arith.constant 0 : i32
    %dma_start3A_39 = arith.constant 0 : i32
    %dma_start3A_40 = tpu.memref_slice %arg14[%dma_start3A_38, %dma_start3A_39] : memref<384x64xf32, #tpu.memory_space<vmem>> -> memref<128x64xf32, #tpu.memory_space<vmem>>
    %dma_start3A_41 = arith.constant 0 : i32
    %dma_start3A_42 = tpu.memref_slice %arg11[%dma_start3A_37, %dma_start3A_41] : memref<24x128xi32, #tpu.memory_space<vmem>> -> memref<1x128xi32, #tpu.memory_space<vmem>>
    %dma_start3A_43 = tpu.memref_squeeze %dma_start3A_42 : memref<1x128xi32, #tpu.memory_space<vmem>> -> memref<128xi32, #tpu.memory_space<vmem>>
    %dma_start3A_44 = arith.constant 0 : i32
    %dma_start3A_45 = arith.constant 0 : i32
    %dma_start3A_46 = tpu.memref_slice %arg2[%dma_start3A_44, %dma_start3A_45] : memref<1000000x64xf32, #tpu.memory_space<hbm>> -> memref<1000000x64xf32, #tpu.memory_space<hbm>>
    tpu.enqueue_indirect_dma source(%dma_start3A_46 : memref<1000000x64xf32, #tpu.memory_space<hbm>>) target(%dma_start3A_40 : memref<128x64xf32, #tpu.memory_space<vmem>>) offsets(%dma_start3A_43 : memref<128xi32, #tpu.memory_space<vmem>>) semaphore(%arg16 : memref<!tpu.dma_semaphore, #tpu.memory_space<semaphore_mem>>)
    %dma_start3A_47 = arith.constant 4 : i32
    %dma_start3A_48 = arith.constant 128 : i32
    %dma_start3A_49 = arith.constant 0 : i32
    %dma_start3A_50 = tpu.memref_slice %arg14[%dma_start3A_48, %dma_start3A_49] : memref<384x64xf32, #tpu.memory_space<vmem>> -> memref<128x64xf32, #tpu.memory_space<vmem>>
    %dma_start3A_51 = arith.constant 0 : i32
    %dma_start3A_52 = tpu.memref_slice %arg11[%dma_start3A_47, %dma_start3A_51] : memref<24x128xi32, #tpu.memory_space<vmem>> -> memref<1x128xi32, #tpu.memory_space<vmem>>
    %dma_start3A_53 = tpu.memref_squeeze %dma_start3A_52 : memref<1x128xi32, #tpu.memory_space<vmem>> -> memref<128xi32, #tpu.memory_space<vmem>>
    %dma_start3A_54 = arith.constant 0 : i32
    %dma_start3A_55 = arith.constant 0 : i32
    %dma_start3A_56 = tpu.memref_slice %arg2[%dma_start3A_54, %dma_start3A_55] : memref<1000000x64xf32, #tpu.memory_space<hbm>> -> memref<1000000x64xf32, #tpu.memory_space<hbm>>
    tpu.enqueue_indirect_dma source(%dma_start3A_56 : memref<1000000x64xf32, #tpu.memory_space<hbm>>) target(%dma_start3A_50 : memref<128x64xf32, #tpu.memory_space<vmem>>) offsets(%dma_start3A_53 : memref<128xi32, #tpu.memory_space<vmem>>) semaphore(%arg16 : memref<!tpu.dma_semaphore, #tpu.memory_space<semaphore_mem>>)
    %dma_start3A_57 = arith.constant 5 : i32
    %dma_start3A_58 = arith.constant 256 : i32
    %dma_start3A_59 = arith.constant 0 : i32
    %dma_start3A_60 = tpu.memref_slice %arg14[%dma_start3A_58, %dma_start3A_59] : memref<384x64xf32, #tpu.memory_space<vmem>> -> memref<128x64xf32, #tpu.memory_space<vmem>>
    %dma_start3A_61 = arith.constant 0 : i32
    %dma_start3A_62 = tpu.memref_slice %arg11[%dma_start3A_57, %dma_start3A_61] : memref<24x128xi32, #tpu.memory_space<vmem>> -> memref<1x128xi32, #tpu.memory_space<vmem>>
    %dma_start3A_63 = tpu.memref_squeeze %dma_start3A_62 : memref<1x128xi32, #tpu.memory_space<vmem>> -> memref<128xi32, #tpu.memory_space<vmem>>
    %dma_start3A_64 = arith.constant 0 : i32
    %dma_start3A_65 = arith.constant 0 : i32
    %dma_start3A_66 = tpu.memref_slice %arg2[%dma_start3A_64, %dma_start3A_65] : memref<1000000x64xf32, #tpu.memory_space<hbm>> -> memref<1000000x64xf32, #tpu.memory_space<hbm>>
    tpu.enqueue_indirect_dma source(%dma_start3A_66 : memref<1000000x64xf32, #tpu.memory_space<hbm>>) target(%dma_start3A_60 : memref<128x64xf32, #tpu.memory_space<vmem>>) offsets(%dma_start3A_63 : memref<128xi32, #tpu.memory_space<vmem>>) semaphore(%arg16 : memref<!tpu.dma_semaphore, #tpu.memory_space<semaphore_mem>>)
    %scan3A_67 = arith.constant 0 : i32
    %scan3A_68 = arith.constant 0 : i32
    %scan3A_69 = arith.constant 8 : i32
    %scan3A_70 = arith.addi %scan3A_68, %scan3A_69 : i32
    %scan3A_71 = arith.constant 1 : i32
    scf.for %scan3A_139 = %scan3A_68 to %scan3A_70 step %scan3A_71  : i32 {
      %rem3A = arith.constant 2 : i32
      %rem3A_140 = arith.remsi %scan3A_139, %rem3A : i32
      %eq3A = arith.constant 0 : i32
      %eq3A_141 = arith.cmpi eq, %rem3A_140, %eq3A : i32
      %convert_element_type3A = arith.extui %eq3A_141 : i1 to i32
      %cond3A = arith.constant 0 : i32
      %cond3A_142 = arith.cmpi ne, %convert_element_type3A, %cond3A : i32
      scf.if %cond3A_142 {
        %dma_wait3A = arith.constant 0 : i32
        %dma_wait3A_150 = arith.constant 0 : i32
        %dma_wait3A_151 = arith.constant 0 : i32
        %dma_wait3A_152 = tpu.memref_slice %arg13[%dma_wait3A_150, %dma_wait3A_151] : memref<384x64xf32, #tpu.memory_space<vmem>> -> memref<128x64xf32, #tpu.memory_space<vmem>>
        %dma_wait3A_153 = arith.constant 0 : i32
        %dma_wait3A_154 = tpu.memref_slice %arg11[%dma_wait3A, %dma_wait3A_153] : memref<24x128xi32, #tpu.memory_space<vmem>> -> memref<1x128xi32, #tpu.memory_space<vmem>>
        %dma_wait3A_155 = tpu.memref_squeeze %dma_wait3A_154 : memref<1x128xi32, #tpu.memory_space<vmem>> -> memref<128xi32, #tpu.memory_space<vmem>>
        %dma_wait3A_156 = arith.constant 0 : i32
        %dma_wait3A_157 = arith.constant 0 : i32
        %dma_wait3A_158 = tpu.memref_slice %arg2[%dma_wait3A_156, %dma_wait3A_157] : memref<1000000x64xf32, #tpu.memory_space<hbm>> -> memref<1000000x64xf32, #tpu.memory_space<hbm>>
        tpu.wait_indirect_dma semaphore(%arg15 : memref<!tpu.dma_semaphore, #tpu.memory_space<semaphore_mem>>) src(%dma_wait3A_158 : memref<1000000x64xf32, #tpu.memory_space<hbm>>) dst(%dma_wait3A_152 : memref<128x64xf32, #tpu.memory_space<vmem>>)
        %dma_wait3A_159 = arith.constant 1 : i32
        %dma_wait3A_160 = arith.constant 128 : i32
        %dma_wait3A_161 = arith.constant 0 : i32
        %dma_wait3A_162 = tpu.memref_slice %arg13[%dma_wait3A_160, %dma_wait3A_161] : memref<384x64xf32, #tpu.memory_space<vmem>> -> memref<128x64xf32, #tpu.memory_space<vmem>>
        %dma_wait3A_163 = arith.constant 0 : i32
        %dma_wait3A_164 = tpu.memref_slice %arg11[%dma_wait3A_159, %dma_wait3A_163] : memref<24x128xi32, #tpu.memory_space<vmem>> -> memref<1x128xi32, #tpu.memory_space<vmem>>
        %dma_wait3A_165 = tpu.memref_squeeze %dma_wait3A_164 : memref<1x128xi32, #tpu.memory_space<vmem>> -> memref<128xi32, #tpu.memory_space<vmem>>
        %dma_wait3A_166 = arith.constant 0 : i32
        %dma_wait3A_167 = arith.constant 0 : i32
        %dma_wait3A_168 = tpu.memref_slice %arg2[%dma_wait3A_166, %dma_wait3A_167] : memref<1000000x64xf32, #tpu.memory_space<hbm>> -> memref<1000000x64xf32, #tpu.memory_space<hbm>>
        tpu.wait_indirect_dma semaphore(%arg15 : memref<!tpu.dma_semaphore, #tpu.memory_space<semaphore_mem>>) src(%dma_wait3A_168 : memref<1000000x64xf32, #tpu.memory_space<hbm>>) dst(%dma_wait3A_162 : memref<128x64xf32, #tpu.memory_space<vmem>>)
        %dma_wait3A_169 = arith.constant 2 : i32
        %dma_wait3A_170 = arith.constant 256 : i32
        %dma_wait3A_171 = arith.constant 0 : i32
        %dma_wait3A_172 = tpu.memref_slice %arg13[%dma_wait3A_170, %dma_wait3A_171] : memref<384x64xf32, #tpu.memory_space<vmem>> -> memref<128x64xf32, #tpu.memory_space<vmem>>
        %dma_wait3A_173 = arith.constant 0 : i32
        %dma_wait3A_174 = tpu.memref_slice %arg11[%dma_wait3A_169, %dma_wait3A_173] : memref<24x128xi32, #tpu.memory_space<vmem>> -> memref<1x128xi32, #tpu.memory_space<vmem>>
        %dma_wait3A_175 = tpu.memref_squeeze %dma_wait3A_174 : memref<1x128xi32, #tpu.memory_space<vmem>> -> memref<128xi32, #tpu.memory_space<vmem>>
        %dma_wait3A_176 = arith.constant 0 : i32
        %dma_wait3A_177 = arith.constant 0 : i32
        %dma_wait3A_178 = tpu.memref_slice %arg2[%dma_wait3A_176, %dma_wait3A_177] : memref<1000000x64xf32, #tpu.memory_space<hbm>> -> memref<1000000x64xf32, #tpu.memory_space<hbm>>
        tpu.wait_indirect_dma semaphore(%arg15 : memref<!tpu.dma_semaphore, #tpu.memory_space<semaphore_mem>>) src(%dma_wait3A_178 : memref<1000000x64xf32, #tpu.memory_space<hbm>>) dst(%dma_wait3A_172 : memref<128x64xf32, #tpu.memory_space<vmem>>)
        %mul3A_179 = arith.constant 384 : i32
        %mul3A_180 = arith.muli %scan3A_139, %mul3A_179 : i32
        %add3A_181 = arith.addi %mul3A_2, %mul3A_180 : i32
        "tpu.region"() ({
          %run_scoped3A = tpu.sem_alloc : memref<!tpu.dma_semaphore, #tpu.memory_space<semaphore_mem>>
          %dma_start3A_186 = arith.constant 0 : i32
          %dma_start3A_187 = tpu.memref_slice %arg6[%add3A_181, %dma_start3A_186] : memref<98304x64xf32, #tpu.memory_space<hbm>> -> memref<384x64xf32, #tpu.memory_space<hbm>>
          %dma_start3A_188 = arith.constant 0 : i32
          %dma_start3A_189 = tpu.memref_slice %arg6[%add3A_181, %dma_start3A_188] : memref<98304x64xf32, #tpu.memory_space<hbm>> -> memref<384x64xf32, #tpu.memory_space<hbm>>
          tpu.enqueue_dma source(%arg13 : memref<384x64xf32, #tpu.memory_space<vmem>>) target(%dma_start3A_189 : memref<384x64xf32, #tpu.memory_space<hbm>>) target_semaphore(%run_scoped3A : memref<!tpu.dma_semaphore, #tpu.memory_space<semaphore_mem>>)
          %dma_wait3A_190 = arith.constant 0 : i32
          %dma_wait3A_191 = tpu.memref_slice %arg6[%add3A_181, %dma_wait3A_190] : memref<98304x64xf32, #tpu.memory_space<hbm>> -> memref<384x64xf32, #tpu.memory_space<hbm>>
          %dma_wait3A_192 = arith.constant 0 : i32
          %dma_wait3A_193 = tpu.memref_slice %arg6[%add3A_181, %dma_wait3A_192] : memref<98304x64xf32, #tpu.memory_space<hbm>> -> memref<384x64xf32, #tpu.memory_space<hbm>>
          tpu.wait_dma2 semaphore(%run_scoped3A : memref<!tpu.dma_semaphore, #tpu.memory_space<semaphore_mem>>) src(%arg13 : memref<384x64xf32, #tpu.memory_space<vmem>>) dst(%dma_wait3A_193 : memref<384x64xf32, #tpu.memory_space<hbm>>)
          tpu.yield
        }) : () -> ()
        %lt3A = arith.constant 6 : i32
        %lt3A_182 = arith.cmpi slt, %scan3A_139, %lt3A : i32
        %convert_element_type3A_183 = arith.extui %lt3A_182 : i1 to i32
        %cond3A_184 = arith.constant 0 : i32
        %cond3A_185 = arith.cmpi ne, %convert_element_type3A_183, %cond3A_184 : i32
        scf.if %cond3A_185 {
          %add3A_186 = arith.constant 2 : i32
          %add3A_187 = arith.addi %scan3A_139, %add3A_186 : i32
          %mul3A_188 = arith.constant 3 : i32
          %mul3A_189 = arith.muli %add3A_187, %mul3A_188 : i32
          %add3A_190 = arith.constant 0 : i32
          %add3A_191 = arith.addi %mul3A_189, %add3A_190 : i32
          %dma_start3A_192 = arith.constant 0 : i32
          %dma_start3A_193 = arith.constant 0 : i32
          %dma_start3A_194 = tpu.memref_slice %arg13[%dma_start3A_192, %dma_start3A_193] : memref<384x64xf32, #tpu.memory_space<vmem>> -> memref<128x64xf32, #tpu.memory_space<vmem>>
          %dma_start3A_195 = arith.constant 0 : i32
          %dma_start3A_196 = tpu.memref_slice %arg11[%add3A_191, %dma_start3A_195] : memref<24x128xi32, #tpu.memory_space<vmem>> -> memref<1x128xi32, #tpu.memory_space<vmem>>
          %dma_start3A_197 = tpu.memref_squeeze %dma_start3A_196 : memref<1x128xi32, #tpu.memory_space<vmem>> -> memref<128xi32, #tpu.memory_space<vmem>>
          %dma_start3A_198 = arith.constant 0 : i32
          %dma_start3A_199 = arith.constant 0 : i32
          %dma_start3A_200 = tpu.memref_slice %arg2[%dma_start3A_198, %dma_start3A_199] : memref<1000000x64xf32, #tpu.memory_space<hbm>> -> memref<1000000x64xf32, #tpu.memory_space<hbm>>
          tpu.enqueue_indirect_dma source(%dma_start3A_200 : memref<1000000x64xf32, #tpu.memory_space<hbm>>) target(%dma_start3A_194 : memref<128x64xf32, #tpu.memory_space<vmem>>) offsets(%dma_start3A_197 : memref<128xi32, #tpu.memory_space<vmem>>) semaphore(%arg15 : memref<!tpu.dma_semaphore, #tpu.memory_space<semaphore_mem>>)
          %mul3A_201 = arith.constant 3 : i32
          %mul3A_202 = arith.muli %add3A_187, %mul3A_201 : i32
          %add3A_203 = arith.constant 1 : i32
          %add3A_204 = arith.addi %mul3A_202, %add3A_203 : i32
          %dma_start3A_205 = arith.constant 128 : i32
          %dma_start3A_206 = arith.constant 0 : i32
          %dma_start3A_207 = tpu.memref_slice %arg13[%dma_start3A_205, %dma_start3A_206] : memref<384x64xf32, #tpu.memory_space<vmem>> -> memref<128x64xf32, #tpu.memory_space<vmem>>
          %dma_start3A_208 = arith.constant 0 : i32
          %dma_start3A_209 = tpu.memref_slice %arg11[%add3A_204, %dma_start3A_208] : memref<24x128xi32, #tpu.memory_space<vmem>> -> memref<1x128xi32, #tpu.memory_space<vmem>>
          %dma_start3A_210 = tpu.memref_squeeze %dma_start3A_209 : memref<1x128xi32, #tpu.memory_space<vmem>> -> memref<128xi32, #tpu.memory_space<vmem>>
          %dma_start3A_211 = arith.constant 0 : i32
          %dma_start3A_212 = arith.constant 0 : i32
          %dma_start3A_213 = tpu.memref_slice %arg2[%dma_start3A_211, %dma_start3A_212] : memref<1000000x64xf32, #tpu.memory_space<hbm>> -> memref<1000000x64xf32, #tpu.memory_space<hbm>>
          tpu.enqueue_indirect_dma source(%dma_start3A_213 : memref<1000000x64xf32, #tpu.memory_space<hbm>>) target(%dma_start3A_207 : memref<128x64xf32, #tpu.memory_space<vmem>>) offsets(%dma_start3A_210 : memref<128xi32, #tpu.memory_space<vmem>>) semaphore(%arg15 : memref<!tpu.dma_semaphore, #tpu.memory_space<semaphore_mem>>)
          %mul3A_214 = arith.constant 3 : i32
          %mul3A_215 = arith.muli %add3A_187, %mul3A_214 : i32
          %add3A_216 = arith.constant 2 : i32
          %add3A_217 = arith.addi %mul3A_215, %add3A_216 : i32
          %dma_start3A_218 = arith.constant 256 : i32
          %dma_start3A_219 = arith.constant 0 : i32
          %dma_start3A_220 = tpu.memref_slice %arg13[%dma_start3A_218, %dma_start3A_219] : memref<384x64xf32, #tpu.memory_space<vmem>> -> memref<128x64xf32, #tpu.memory_space<vmem>>
          %dma_start3A_221 = arith.constant 0 : i32
          %dma_start3A_222 = tpu.memref_slice %arg11[%add3A_217, %dma_start3A_221] : memref<24x128xi32, #tpu.memory_space<vmem>> -> memref<1x128xi32, #tpu.memory_space<vmem>>
          %dma_start3A_223 = tpu.memref_squeeze %dma_start3A_222 : memref<1x128xi32, #tpu.memory_space<vmem>> -> memref<128xi32, #tpu.memory_space<vmem>>
          %dma_start3A_224 = arith.constant 0 : i32
          %dma_start3A_225 = arith.constant 0 : i32
          %dma_start3A_226 = tpu.memref_slice %arg2[%dma_start3A_224, %dma_start3A_225] : memref<1000000x64xf32, #tpu.memory_space<hbm>> -> memref<1000000x64xf32, #tpu.memory_space<hbm>>
          tpu.enqueue_indirect_dma source(%dma_start3A_226 : memref<1000000x64xf32, #tpu.memory_space<hbm>>) target(%dma_start3A_220 : memref<128x64xf32, #tpu.memory_space<vmem>>) offsets(%dma_start3A_223 : memref<128xi32, #tpu.memory_space<vmem>>) semaphore(%arg15 : memref<!tpu.dma_semaphore, #tpu.memory_space<semaphore_mem>>)
        } else {
        }
      } else {
      }
      %rem3A_143 = arith.constant 2 : i32
      %rem3A_144 = arith.remsi %scan3A_139, %rem3A_143 : i32
      %eq3A_145 = arith.constant 1 : i32
      %eq3A_146 = arith.cmpi eq, %rem3A_144, %eq3A_145 : i32
      %convert_element_type3A_147 = arith.extui %eq3A_146 : i1 to i32
      %cond3A_148 = arith.constant 0 : i32
      %cond3A_149 = arith.cmpi ne, %convert_element_type3A_147, %cond3A_148 : i32
      scf.if %cond3A_149 {
        %dma_wait3A = arith.constant 0 : i32
        %dma_wait3A_150 = arith.constant 0 : i32
        %dma_wait3A_151 = arith.constant 0 : i32
        %dma_wait3A_152 = tpu.memref_slice %arg14[%dma_wait3A_150, %dma_wait3A_151] : memref<384x64xf32, #tpu.memory_space<vmem>> -> memref<128x64xf32, #tpu.memory_space<vmem>>
        %dma_wait3A_153 = arith.constant 0 : i32
        %dma_wait3A_154 = tpu.memref_slice %arg11[%dma_wait3A, %dma_wait3A_153] : memref<24x128xi32, #tpu.memory_space<vmem>> -> memref<1x128xi32, #tpu.memory_space<vmem>>
        %dma_wait3A_155 = tpu.memref_squeeze %dma_wait3A_154 : memref<1x128xi32, #tpu.memory_space<vmem>> -> memref<128xi32, #tpu.memory_space<vmem>>
        %dma_wait3A_156 = arith.constant 0 : i32
        %dma_wait3A_157 = arith.constant 0 : i32
        %dma_wait3A_158 = tpu.memref_slice %arg2[%dma_wait3A_156, %dma_wait3A_157] : memref<1000000x64xf32, #tpu.memory_space<hbm>> -> memref<1000000x64xf32, #tpu.memory_space<hbm>>
        tpu.wait_indirect_dma semaphore(%arg16 : memref<!tpu.dma_semaphore, #tpu.memory_space<semaphore_mem>>) src(%dma_wait3A_158 : memref<1000000x64xf32, #tpu.memory_space<hbm>>) dst(%dma_wait3A_152 : memref<128x64xf32, #tpu.memory_space<vmem>>)
        %dma_wait3A_159 = arith.constant 1 : i32
        %dma_wait3A_160 = arith.constant 128 : i32
        %dma_wait3A_161 = arith.constant 0 : i32
        %dma_wait3A_162 = tpu.memref_slice %arg14[%dma_wait3A_160, %dma_wait3A_161] : memref<384x64xf32, #tpu.memory_space<vmem>> -> memref<128x64xf32, #tpu.memory_space<vmem>>
        %dma_wait3A_163 = arith.constant 0 : i32
        %dma_wait3A_164 = tpu.memref_slice %arg11[%dma_wait3A_159, %dma_wait3A_163] : memref<24x128xi32, #tpu.memory_space<vmem>> -> memref<1x128xi32, #tpu.memory_space<vmem>>
        %dma_wait3A_165 = tpu.memref_squeeze %dma_wait3A_164 : memref<1x128xi32, #tpu.memory_space<vmem>> -> memref<128xi32, #tpu.memory_space<vmem>>
        %dma_wait3A_166 = arith.constant 0 : i32
        %dma_wait3A_167 = arith.constant 0 : i32
        %dma_wait3A_168 = tpu.memref_slice %arg2[%dma_wait3A_166, %dma_wait3A_167] : memref<1000000x64xf32, #tpu.memory_space<hbm>> -> memref<1000000x64xf32, #tpu.memory_space<hbm>>
        tpu.wait_indirect_dma semaphore(%arg16 : memref<!tpu.dma_semaphore, #tpu.memory_space<semaphore_mem>>) src(%dma_wait3A_168 : memref<1000000x64xf32, #tpu.memory_space<hbm>>) dst(%dma_wait3A_162 : memref<128x64xf32, #tpu.memory_space<vmem>>)
        %dma_wait3A_169 = arith.constant 2 : i32
        %dma_wait3A_170 = arith.constant 256 : i32
        %dma_wait3A_171 = arith.constant 0 : i32
        %dma_wait3A_172 = tpu.memref_slice %arg14[%dma_wait3A_170, %dma_wait3A_171] : memref<384x64xf32, #tpu.memory_space<vmem>> -> memref<128x64xf32, #tpu.memory_space<vmem>>
        %dma_wait3A_173 = arith.constant 0 : i32
        %dma_wait3A_174 = tpu.memref_slice %arg11[%dma_wait3A_169, %dma_wait3A_173] : memref<24x128xi32, #tpu.memory_space<vmem>> -> memref<1x128xi32, #tpu.memory_space<vmem>>
        %dma_wait3A_175 = tpu.memref_squeeze %dma_wait3A_174 : memref<1x128xi32, #tpu.memory_space<vmem>> -> memref<128xi32, #tpu.memory_space<vmem>>
        %dma_wait3A_176 = arith.constant 0 : i32
        %dma_wait3A_177 = arith.constant 0 : i32
        %dma_wait3A_178 = tpu.memref_slice %arg2[%dma_wait3A_176, %dma_wait3A_177] : memref<1000000x64xf32, #tpu.memory_space<hbm>> -> memref<1000000x64xf32, #tpu.memory_space<hbm>>
        tpu.wait_indirect_dma semaphore(%arg16 : memref<!tpu.dma_semaphore, #tpu.memory_space<semaphore_mem>>) src(%dma_wait3A_178 : memref<1000000x64xf32, #tpu.memory_space<hbm>>) dst(%dma_wait3A_172 : memref<128x64xf32, #tpu.memory_space<vmem>>)
        %mul3A_179 = arith.constant 384 : i32
        %mul3A_180 = arith.muli %scan3A_139, %mul3A_179 : i32
        %add3A_181 = arith.addi %mul3A_2, %mul3A_180 : i32
        "tpu.region"() ({
          %run_scoped3A = tpu.sem_alloc : memref<!tpu.dma_semaphore, #tpu.memory_space<semaphore_mem>>
          %dma_start3A_186 = arith.constant 0 : i32
          %dma_start3A_187 = tpu.memref_slice %arg6[%add3A_181, %dma_start3A_186] : memref<98304x64xf32, #tpu.memory_space<hbm>> -> memref<384x64xf32, #tpu.memory_space<hbm>>
          %dma_start3A_188 = arith.constant 0 : i32
          %dma_start3A_189 = tpu.memref_slice %arg6[%add3A_181, %dma_start3A_188] : memref<98304x64xf32, #tpu.memory_space<hbm>> -> memref<384x64xf32, #tpu.memory_space<hbm>>
          tpu.enqueue_dma source(%arg14 : memref<384x64xf32, #tpu.memory_space<vmem>>) target(%dma_start3A_189 : memref<384x64xf32, #tpu.memory_space<hbm>>) target_semaphore(%run_scoped3A : memref<!tpu.dma_semaphore, #tpu.memory_space<semaphore_mem>>)
          %dma_wait3A_190 = arith.constant 0 : i32
          %dma_wait3A_191 = tpu.memref_slice %arg6[%add3A_181, %dma_wait3A_190] : memref<98304x64xf32, #tpu.memory_space<hbm>> -> memref<384x64xf32, #tpu.memory_space<hbm>>
          %dma_wait3A_192 = arith.constant 0 : i32
          %dma_wait3A_193 = tpu.memref_slice %arg6[%add3A_181, %dma_wait3A_192] : memref<98304x64xf32, #tpu.memory_space<hbm>> -> memref<384x64xf32, #tpu.memory_space<hbm>>
          tpu.wait_dma2 semaphore(%run_scoped3A : memref<!tpu.dma_semaphore, #tpu.memory_space<semaphore_mem>>) src(%arg14 : memref<384x64xf32, #tpu.memory_space<vmem>>) dst(%dma_wait3A_193 : memref<384x64xf32, #tpu.memory_space<hbm>>)
          tpu.yield
        }) : () -> ()
        %lt3A = arith.constant 6 : i32
        %lt3A_182 = arith.cmpi slt, %scan3A_139, %lt3A : i32
        %convert_element_type3A_183 = arith.extui %lt3A_182 : i1 to i32
        %cond3A_184 = arith.constant 0 : i32
        %cond3A_185 = arith.cmpi ne, %convert_element_type3A_183, %cond3A_184 : i32
        scf.if %cond3A_185 {
          %add3A_186 = arith.constant 2 : i32
          %add3A_187 = arith.addi %scan3A_139, %add3A_186 : i32
          %mul3A_188 = arith.constant 3 : i32
          %mul3A_189 = arith.muli %add3A_187, %mul3A_188 : i32
          %add3A_190 = arith.constant 0 : i32
          %add3A_191 = arith.addi %mul3A_189, %add3A_190 : i32
          %dma_start3A_192 = arith.constant 0 : i32
          %dma_start3A_193 = arith.constant 0 : i32
          %dma_start3A_194 = tpu.memref_slice %arg14[%dma_start3A_192, %dma_start3A_193] : memref<384x64xf32, #tpu.memory_space<vmem>> -> memref<128x64xf32, #tpu.memory_space<vmem>>
          %dma_start3A_195 = arith.constant 0 : i32
          %dma_start3A_196 = tpu.memref_slice %arg11[%add3A_191, %dma_start3A_195] : memref<24x128xi32, #tpu.memory_space<vmem>> -> memref<1x128xi32, #tpu.memory_space<vmem>>
          %dma_start3A_197 = tpu.memref_squeeze %dma_start3A_196 : memref<1x128xi32, #tpu.memory_space<vmem>> -> memref<128xi32, #tpu.memory_space<vmem>>
          %dma_start3A_198 = arith.constant 0 : i32
          %dma_start3A_199 = arith.constant 0 : i32
          %dma_start3A_200 = tpu.memref_slice %arg2[%dma_start3A_198, %dma_start3A_199] : memref<1000000x64xf32, #tpu.memory_space<hbm>> -> memref<1000000x64xf32, #tpu.memory_space<hbm>>
          tpu.enqueue_indirect_dma source(%dma_start3A_200 : memref<1000000x64xf32, #tpu.memory_space<hbm>>) target(%dma_start3A_194 : memref<128x64xf32, #tpu.memory_space<vmem>>) offsets(%dma_start3A_197 : memref<128xi32, #tpu.memory_space<vmem>>) semaphore(%arg16 : memref<!tpu.dma_semaphore, #tpu.memory_space<semaphore_mem>>)
          %mul3A_201 = arith.constant 3 : i32
          %mul3A_202 = arith.muli %add3A_187, %mul3A_201 : i32
          %add3A_203 = arith.constant 1 : i32
          %add3A_204 = arith.addi %mul3A_202, %add3A_203 : i32
          %dma_start3A_205 = arith.constant 128 : i32
          %dma_start3A_206 = arith.constant 0 : i32
          %dma_start3A_207 = tpu.memref_slice %arg14[%dma_start3A_205, %dma_start3A_206] : memref<384x64xf32, #tpu.memory_space<vmem>> -> memref<128x64xf32, #tpu.memory_space<vmem>>
          %dma_start3A_208 = arith.constant 0 : i32
          %dma_start3A_209 = tpu.memref_slice %arg11[%add3A_204, %dma_start3A_208] : memref<24x128xi32, #tpu.memory_space<vmem>> -> memref<1x128xi32, #tpu.memory_space<vmem>>
          %dma_start3A_210 = tpu.memref_squeeze %dma_start3A_209 : memref<1x128xi32, #tpu.memory_space<vmem>> -> memref<128xi32, #tpu.memory_space<vmem>>
          %dma_start3A_211 = arith.constant 0 : i32
          %dma_start3A_212 = arith.constant 0 : i32
          %dma_start3A_213 = tpu.memref_slice %arg2[%dma_start3A_211, %dma_start3A_212] : memref<1000000x64xf32, #tpu.memory_space<hbm>> -> memref<1000000x64xf32, #tpu.memory_space<hbm>>
          tpu.enqueue_indirect_dma source(%dma_start3A_213 : memref<1000000x64xf32, #tpu.memory_space<hbm>>) target(%dma_start3A_207 : memref<128x64xf32, #tpu.memory_space<vmem>>) offsets(%dma_start3A_210 : memref<128xi32, #tpu.memory_space<vmem>>) semaphore(%arg16 : memref<!tpu.dma_semaphore, #tpu.memory_space<semaphore_mem>>)
          %mul3A_214 = arith.constant 3 : i32
          %mul3A_215 = arith.muli %add3A_187, %mul3A_214 : i32
          %add3A_216 = arith.constant 2 : i32
          %add3A_217 = arith.addi %mul3A_215, %add3A_216 : i32
          %dma_start3A_218 = arith.constant 256 : i32
          %dma_start3A_219 = arith.constant 0 : i32
          %dma_start3A_220 = tpu.memref_slice %arg14[%dma_start3A_218, %dma_start3A_219] : memref<384x64xf32, #tpu.memory_space<vmem>> -> memref<128x64xf32, #tpu.memory_space<vmem>>
          %dma_start3A_221 = arith.constant 0 : i32
          %dma_start3A_222 = tpu.memref_slice %arg11[%add3A_217, %dma_start3A_221] : memref<24x128xi32, #tpu.memory_space<vmem>> -> memref<1x128xi32, #tpu.memory_space<vmem>>
          %dma_start3A_223 = tpu.memref_squeeze %dma_start3A_222 : memref<1x128xi32, #tpu.memory_space<vmem>> -> memref<128xi32, #tpu.memory_space<vmem>>
          %dma_start3A_224 = arith.constant 0 : i32
          %dma_start3A_225 = arith.constant 0 : i32
          %dma_start3A_226 = tpu.memref_slice %arg2[%dma_start3A_224, %dma_start3A_225] : memref<1000000x64xf32, #tpu.memory_space<hbm>> -> memref<1000000x64xf32, #tpu.memory_space<hbm>>
          tpu.enqueue_indirect_dma source(%dma_start3A_226 : memref<1000000x64xf32, #tpu.memory_space<hbm>>) target(%dma_start3A_220 : memref<128x64xf32, #tpu.memory_space<vmem>>) offsets(%dma_start3A_223 : memref<128xi32, #tpu.memory_space<vmem>>) semaphore(%arg16 : memref<!tpu.dma_semaphore, #tpu.memory_space<semaphore_mem>>)
        } else {
        }
      } else {
      }
    }
    %scan3A_72 = arith.constant 8 : i32
    %dma_start3A_73 = arith.constant 0 : i32
    %dma_start3A_74 = arith.constant 0 : i32
    %dma_start3A_75 = arith.constant 0 : i32
    %dma_start3A_76 = tpu.memref_slice %arg13[%dma_start3A_74, %dma_start3A_75] : memref<384x64xf32, #tpu.memory_space<vmem>> -> memref<128x64xf32, #tpu.memory_space<vmem>>
    %dma_start3A_77 = arith.constant 0 : i32
    %dma_start3A_78 = tpu.memref_slice %arg12[%dma_start3A_73, %dma_start3A_77] : memref<24x128xi32, #tpu.memory_space<vmem>> -> memref<1x128xi32, #tpu.memory_space<vmem>>
    %dma_start3A_79 = tpu.memref_squeeze %dma_start3A_78 : memref<1x128xi32, #tpu.memory_space<vmem>> -> memref<128xi32, #tpu.memory_space<vmem>>
    %dma_start3A_80 = arith.constant 0 : i32
    %dma_start3A_81 = arith.constant 0 : i32
    %dma_start3A_82 = tpu.memref_slice %arg2[%dma_start3A_80, %dma_start3A_81] : memref<1000000x64xf32, #tpu.memory_space<hbm>> -> memref<1000000x64xf32, #tpu.memory_space<hbm>>
    tpu.enqueue_indirect_dma source(%dma_start3A_82 : memref<1000000x64xf32, #tpu.memory_space<hbm>>) target(%dma_start3A_76 : memref<128x64xf32, #tpu.memory_space<vmem>>) offsets(%dma_start3A_79 : memref<128xi32, #tpu.memory_space<vmem>>) semaphore(%arg15 : memref<!tpu.dma_semaphore, #tpu.memory_space<semaphore_mem>>)
    %dma_start3A_83 = arith.constant 1 : i32
    %dma_start3A_84 = arith.constant 128 : i32
    %dma_start3A_85 = arith.constant 0 : i32
    %dma_start3A_86 = tpu.memref_slice %arg13[%dma_start3A_84, %dma_start3A_85] : memref<384x64xf32, #tpu.memory_space<vmem>> -> memref<128x64xf32, #tpu.memory_space<vmem>>
    %dma_start3A_87 = arith.constant 0 : i32
    %dma_start3A_88 = tpu.memref_slice %arg12[%dma_start3A_83, %dma_start3A_87] : memref<24x128xi32, #tpu.memory_space<vmem>> -> memref<1x128xi32, #tpu.memory_space<vmem>>
    %dma_start3A_89 = tpu.memref_squeeze %dma_start3A_88 : memref<1x128xi32, #tpu.memory_space<vmem>> -> memref<128xi32, #tpu.memory_space<vmem>>
    %dma_start3A_90 = arith.constant 0 : i32
    %dma_start3A_91 = arith.constant 0 : i32
    %dma_start3A_92 = tpu.memref_slice %arg2[%dma_start3A_90, %dma_start3A_91] : memref<1000000x64xf32, #tpu.memory_space<hbm>> -> memref<1000000x64xf32, #tpu.memory_space<hbm>>
    tpu.enqueue_indirect_dma source(%dma_start3A_92 : memref<1000000x64xf32, #tpu.memory_space<hbm>>) target(%dma_start3A_86 : memref<128x64xf32, #tpu.memory_space<vmem>>) offsets(%dma_start3A_89 : memref<128xi32, #tpu.memory_space<vmem>>) semaphore(%arg15 : memref<!tpu.dma_semaphore, #tpu.memory_space<semaphore_mem>>)
    %dma_start3A_93 = arith.constant 2 : i32
    %dma_start3A_94 = arith.constant 256 : i32
    %dma_start3A_95 = arith.constant 0 : i32
    %dma_start3A_96 = tpu.memref_slice %arg13[%dma_start3A_94, %dma_start3A_95] : memref<384x64xf32, #tpu.memory_space<vmem>> -> memref<128x64xf32, #tpu.memory_space<vmem>>
    %dma_start3A_97 = arith.constant 0 : i32
    %dma_start3A_98 = tpu.memref_slice %arg12[%dma_start3A_93, %dma_start3A_97] : memref<24x128xi32, #tpu.memory_space<vmem>> -> memref<1x128xi32, #tpu.memory_space<vmem>>
    %dma_start3A_99 = tpu.memref_squeeze %dma_start3A_98 : memref<1x128xi32, #tpu.memory_space<vmem>> -> memref<128xi32, #tpu.memory_space<vmem>>
    %dma_start3A_100 = arith.constant 0 : i32
    %dma_start3A_101 = arith.constant 0 : i32
    %dma_start3A_102 = tpu.memref_slice %arg2[%dma_start3A_100, %dma_start3A_101] : memref<1000000x64xf32, #tpu.memory_space<hbm>> -> memref<1000000x64xf32, #tpu.memory_space<hbm>>
    tpu.enqueue_indirect_dma source(%dma_start3A_102 : memref<1000000x64xf32, #tpu.memory_space<hbm>>) target(%dma_start3A_96 : memref<128x64xf32, #tpu.memory_space<vmem>>) offsets(%dma_start3A_99 : memref<128xi32, #tpu.memory_space<vmem>>) semaphore(%arg15 : memref<!tpu.dma_semaphore, #tpu.memory_space<semaphore_mem>>)
    %dma_start3A_103 = arith.constant 3 : i32
    %dma_start3A_104 = arith.constant 0 : i32
    %dma_start3A_105 = arith.constant 0 : i32
    %dma_start3A_106 = tpu.memref_slice %arg14[%dma_start3A_104, %dma_start3A_105] : memref<384x64xf32, #tpu.memory_space<vmem>> -> memref<128x64xf32, #tpu.memory_space<vmem>>
    %dma_start3A_107 = arith.constant 0 : i32
    %dma_start3A_108 = tpu.memref_slice %arg12[%dma_start3A_103, %dma_start3A_107] : memref<24x128xi32, #tpu.memory_space<vmem>> -> memref<1x128xi32, #tpu.memory_space<vmem>>
    %dma_start3A_109 = tpu.memref_squeeze %dma_start3A_108 : memref<1x128xi32, #tpu.memory_space<vmem>> -> memref<128xi32, #tpu.memory_space<vmem>>
    %dma_start3A_110 = arith.constant 0 : i32
    %dma_start3A_111 = arith.constant 0 : i32
    %dma_start3A_112 = tpu.memref_slice %arg2[%dma_start3A_110, %dma_start3A_111] : memref<1000000x64xf32, #tpu.memory_space<hbm>> -> memref<1000000x64xf32, #tpu.memory_space<hbm>>
    tpu.enqueue_indirect_dma source(%dma_start3A_112 : memref<1000000x64xf32, #tpu.memory_space<hbm>>) target(%dma_start3A_106 : memref<128x64xf32, #tpu.memory_space<vmem>>) offsets(%dma_start3A_109 : memref<128xi32, #tpu.memory_space<vmem>>) semaphore(%arg16 : memref<!tpu.dma_semaphore, #tpu.memory_space<semaphore_mem>>)
    %dma_start3A_113 = arith.constant 4 : i32
    %dma_start3A_114 = arith.constant 128 : i32
    %dma_start3A_115 = arith.constant 0 : i32
    %dma_start3A_116 = tpu.memref_slice %arg14[%dma_start3A_114, %dma_start3A_115] : memref<384x64xf32, #tpu.memory_space<vmem>> -> memref<128x64xf32, #tpu.memory_space<vmem>>
    %dma_start3A_117 = arith.constant 0 : i32
    %dma_start3A_118 = tpu.memref_slice %arg12[%dma_start3A_113, %dma_start3A_117] : memref<24x128xi32, #tpu.memory_space<vmem>> -> memref<1x128xi32, #tpu.memory_space<vmem>>
    %dma_start3A_119 = tpu.memref_squeeze %dma_start3A_118 : memref<1x128xi32, #tpu.memory_space<vmem>> -> memref<128xi32, #tpu.memory_space<vmem>>
    %dma_start3A_120 = arith.constant 0 : i32
    %dma_start3A_121 = arith.constant 0 : i32
    %dma_start3A_122 = tpu.memref_slice %arg2[%dma_start3A_120, %dma_start3A_121] : memref<1000000x64xf32, #tpu.memory_space<hbm>> -> memref<1000000x64xf32, #tpu.memory_space<hbm>>
    tpu.enqueue_indirect_dma source(%dma_start3A_122 : memref<1000000x64xf32, #tpu.memory_space<hbm>>) target(%dma_start3A_116 : memref<128x64xf32, #tpu.memory_space<vmem>>) offsets(%dma_start3A_119 : memref<128xi32, #tpu.memory_space<vmem>>) semaphore(%arg16 : memref<!tpu.dma_semaphore, #tpu.memory_space<semaphore_mem>>)
    %dma_start3A_123 = arith.constant 5 : i32
    %dma_start3A_124 = arith.constant 256 : i32
    %dma_start3A_125 = arith.constant 0 : i32
    %dma_start3A_126 = tpu.memref_slice %arg14[%dma_start3A_124, %dma_start3A_125] : memref<384x64xf32, #tpu.memory_space<vmem>> -> memref<128x64xf32, #tpu.memory_space<vmem>>
    %dma_start3A_127 = arith.constant 0 : i32
    %dma_start3A_128 = tpu.memref_slice %arg12[%dma_start3A_123, %dma_start3A_127] : memref<24x128xi32, #tpu.memory_space<vmem>> -> memref<1x128xi32, #tpu.memory_space<vmem>>
    %dma_start3A_129 = tpu.memref_squeeze %dma_start3A_128 : memref<1x128xi32, #tpu.memory_space<vmem>> -> memref<128xi32, #tpu.memory_space<vmem>>
    %dma_start3A_130 = arith.constant 0 : i32
    %dma_start3A_131 = arith.constant 0 : i32
    %dma_start3A_132 = tpu.memref_slice %arg2[%dma_start3A_130, %dma_start3A_131] : memref<1000000x64xf32, #tpu.memory_space<hbm>> -> memref<1000000x64xf32, #tpu.memory_space<hbm>>
    tpu.enqueue_indirect_dma source(%dma_start3A_132 : memref<1000000x64xf32, #tpu.memory_space<hbm>>) target(%dma_start3A_126 : memref<128x64xf32, #tpu.memory_space<vmem>>) offsets(%dma_start3A_129 : memref<128xi32, #tpu.memory_space<vmem>>) semaphore(%arg16 : memref<!tpu.dma_semaphore, #tpu.memory_space<semaphore_mem>>)
    %scan3A_133 = arith.constant 0 : i32
    %scan3A_134 = arith.constant 0 : i32
    %scan3A_135 = arith.constant 8 : i32
    %scan3A_136 = arith.addi %scan3A_134, %scan3A_135 : i32
    %scan3A_137 = arith.constant 1 : i32
    scf.for %scan3A_139 = %scan3A_134 to %scan3A_136 step %scan3A_137  : i32 {
      %rem3A = arith.constant 2 : i32
      %rem3A_140 = arith.remsi %scan3A_139, %rem3A : i32
      %eq3A = arith.constant 0 : i32
      %eq3A_141 = arith.cmpi eq, %rem3A_140, %eq3A : i32
      %convert_element_type3A = arith.extui %eq3A_141 : i1 to i32
      %cond3A = arith.constant 0 : i32
      %cond3A_142 = arith.cmpi ne, %convert_element_type3A, %cond3A : i32
      scf.if %cond3A_142 {
        %dma_wait3A = arith.constant 0 : i32
        %dma_wait3A_150 = arith.constant 0 : i32
        %dma_wait3A_151 = arith.constant 0 : i32
        %dma_wait3A_152 = tpu.memref_slice %arg13[%dma_wait3A_150, %dma_wait3A_151] : memref<384x64xf32, #tpu.memory_space<vmem>> -> memref<128x64xf32, #tpu.memory_space<vmem>>
        %dma_wait3A_153 = arith.constant 0 : i32
        %dma_wait3A_154 = tpu.memref_slice %arg12[%dma_wait3A, %dma_wait3A_153] : memref<24x128xi32, #tpu.memory_space<vmem>> -> memref<1x128xi32, #tpu.memory_space<vmem>>
        %dma_wait3A_155 = tpu.memref_squeeze %dma_wait3A_154 : memref<1x128xi32, #tpu.memory_space<vmem>> -> memref<128xi32, #tpu.memory_space<vmem>>
        %dma_wait3A_156 = arith.constant 0 : i32
        %dma_wait3A_157 = arith.constant 0 : i32
        %dma_wait3A_158 = tpu.memref_slice %arg2[%dma_wait3A_156, %dma_wait3A_157] : memref<1000000x64xf32, #tpu.memory_space<hbm>> -> memref<1000000x64xf32, #tpu.memory_space<hbm>>
        tpu.wait_indirect_dma semaphore(%arg15 : memref<!tpu.dma_semaphore, #tpu.memory_space<semaphore_mem>>) src(%dma_wait3A_158 : memref<1000000x64xf32, #tpu.memory_space<hbm>>) dst(%dma_wait3A_152 : memref<128x64xf32, #tpu.memory_space<vmem>>)
        %dma_wait3A_159 = arith.constant 1 : i32
        %dma_wait3A_160 = arith.constant 128 : i32
        %dma_wait3A_161 = arith.constant 0 : i32
        %dma_wait3A_162 = tpu.memref_slice %arg13[%dma_wait3A_160, %dma_wait3A_161] : memref<384x64xf32, #tpu.memory_space<vmem>> -> memref<128x64xf32, #tpu.memory_space<vmem>>
        %dma_wait3A_163 = arith.constant 0 : i32
        %dma_wait3A_164 = tpu.memref_slice %arg12[%dma_wait3A_159, %dma_wait3A_163] : memref<24x128xi32, #tpu.memory_space<vmem>> -> memref<1x128xi32, #tpu.memory_space<vmem>>
        %dma_wait3A_165 = tpu.memref_squeeze %dma_wait3A_164 : memref<1x128xi32, #tpu.memory_space<vmem>> -> memref<128xi32, #tpu.memory_space<vmem>>
        %dma_wait3A_166 = arith.constant 0 : i32
        %dma_wait3A_167 = arith.constant 0 : i32
        %dma_wait3A_168 = tpu.memref_slice %arg2[%dma_wait3A_166, %dma_wait3A_167] : memref<1000000x64xf32, #tpu.memory_space<hbm>> -> memref<1000000x64xf32, #tpu.memory_space<hbm>>
        tpu.wait_indirect_dma semaphore(%arg15 : memref<!tpu.dma_semaphore, #tpu.memory_space<semaphore_mem>>) src(%dma_wait3A_168 : memref<1000000x64xf32, #tpu.memory_space<hbm>>) dst(%dma_wait3A_162 : memref<128x64xf32, #tpu.memory_space<vmem>>)
        %dma_wait3A_169 = arith.constant 2 : i32
        %dma_wait3A_170 = arith.constant 256 : i32
        %dma_wait3A_171 = arith.constant 0 : i32
        %dma_wait3A_172 = tpu.memref_slice %arg13[%dma_wait3A_170, %dma_wait3A_171] : memref<384x64xf32, #tpu.memory_space<vmem>> -> memref<128x64xf32, #tpu.memory_space<vmem>>
        %dma_wait3A_173 = arith.constant 0 : i32
        %dma_wait3A_174 = tpu.memref_slice %arg12[%dma_wait3A_169, %dma_wait3A_173] : memref<24x128xi32, #tpu.memory_space<vmem>> -> memref<1x128xi32, #tpu.memory_space<vmem>>
        %dma_wait3A_175 = tpu.memref_squeeze %dma_wait3A_174 : memref<1x128xi32, #tpu.memory_space<vmem>> -> memref<128xi32, #tpu.memory_space<vmem>>
        %dma_wait3A_176 = arith.constant 0 : i32
        %dma_wait3A_177 = arith.constant 0 : i32
        %dma_wait3A_178 = tpu.memref_slice %arg2[%dma_wait3A_176, %dma_wait3A_177] : memref<1000000x64xf32, #tpu.memory_space<hbm>> -> memref<1000000x64xf32, #tpu.memory_space<hbm>>
        tpu.wait_indirect_dma semaphore(%arg15 : memref<!tpu.dma_semaphore, #tpu.memory_space<semaphore_mem>>) src(%dma_wait3A_178 : memref<1000000x64xf32, #tpu.memory_space<hbm>>) dst(%dma_wait3A_172 : memref<128x64xf32, #tpu.memory_space<vmem>>)
        %mul3A_179 = arith.constant 384 : i32
        %mul3A_180 = arith.muli %scan3A_139, %mul3A_179 : i32
        %add3A_181 = arith.addi %mul3A_2, %mul3A_180 : i32
        "tpu.region"() ({
          %run_scoped3A = tpu.sem_alloc : memref<!tpu.dma_semaphore, #tpu.memory_space<semaphore_mem>>
          %dma_start3A_186 = arith.constant 0 : i32
          %dma_start3A_187 = tpu.memref_slice %arg7[%add3A_181, %dma_start3A_186] : memref<98304x64xf32, #tpu.memory_space<hbm>> -> memref<384x64xf32, #tpu.memory_space<hbm>>
          %dma_start3A_188 = arith.constant 0 : i32
          %dma_start3A_189 = tpu.memref_slice %arg7[%add3A_181, %dma_start3A_188] : memref<98304x64xf32, #tpu.memory_space<hbm>> -> memref<384x64xf32, #tpu.memory_space<hbm>>
          tpu.enqueue_dma source(%arg13 : memref<384x64xf32, #tpu.memory_space<vmem>>) target(%dma_start3A_189 : memref<384x64xf32, #tpu.memory_space<hbm>>) target_semaphore(%run_scoped3A : memref<!tpu.dma_semaphore, #tpu.memory_space<semaphore_mem>>)
          %dma_wait3A_190 = arith.constant 0 : i32
          %dma_wait3A_191 = tpu.memref_slice %arg7[%add3A_181, %dma_wait3A_190] : memref<98304x64xf32, #tpu.memory_space<hbm>> -> memref<384x64xf32, #tpu.memory_space<hbm>>
          %dma_wait3A_192 = arith.constant 0 : i32
          %dma_wait3A_193 = tpu.memref_slice %arg7[%add3A_181, %dma_wait3A_192] : memref<98304x64xf32, #tpu.memory_space<hbm>> -> memref<384x64xf32, #tpu.memory_space<hbm>>
          tpu.wait_dma2 semaphore(%run_scoped3A : memref<!tpu.dma_semaphore, #tpu.memory_space<semaphore_mem>>) src(%arg13 : memref<384x64xf32, #tpu.memory_space<vmem>>) dst(%dma_wait3A_193 : memref<384x64xf32, #tpu.memory_space<hbm>>)
          tpu.yield
        }) : () -> ()
        %lt3A = arith.constant 6 : i32
        %lt3A_182 = arith.cmpi slt, %scan3A_139, %lt3A : i32
        %convert_element_type3A_183 = arith.extui %lt3A_182 : i1 to i32
        %cond3A_184 = arith.constant 0 : i32
        %cond3A_185 = arith.cmpi ne, %convert_element_type3A_183, %cond3A_184 : i32
        scf.if %cond3A_185 {
          %add3A_186 = arith.constant 2 : i32
          %add3A_187 = arith.addi %scan3A_139, %add3A_186 : i32
          %mul3A_188 = arith.constant 3 : i32
          %mul3A_189 = arith.muli %add3A_187, %mul3A_188 : i32
          %add3A_190 = arith.constant 0 : i32
          %add3A_191 = arith.addi %mul3A_189, %add3A_190 : i32
          %dma_start3A_192 = arith.constant 0 : i32
          %dma_start3A_193 = arith.constant 0 : i32
          %dma_start3A_194 = tpu.memref_slice %arg13[%dma_start3A_192, %dma_start3A_193] : memref<384x64xf32, #tpu.memory_space<vmem>> -> memref<128x64xf32, #tpu.memory_space<vmem>>
          %dma_start3A_195 = arith.constant 0 : i32
          %dma_start3A_196 = tpu.memref_slice %arg12[%add3A_191, %dma_start3A_195] : memref<24x128xi32, #tpu.memory_space<vmem>> -> memref<1x128xi32, #tpu.memory_space<vmem>>
          %dma_start3A_197 = tpu.memref_squeeze %dma_start3A_196 : memref<1x128xi32, #tpu.memory_space<vmem>> -> memref<128xi32, #tpu.memory_space<vmem>>
          %dma_start3A_198 = arith.constant 0 : i32
          %dma_start3A_199 = arith.constant 0 : i32
          %dma_start3A_200 = tpu.memref_slice %arg2[%dma_start3A_198, %dma_start3A_199] : memref<1000000x64xf32, #tpu.memory_space<hbm>> -> memref<1000000x64xf32, #tpu.memory_space<hbm>>
          tpu.enqueue_indirect_dma source(%dma_start3A_200 : memref<1000000x64xf32, #tpu.memory_space<hbm>>) target(%dma_start3A_194 : memref<128x64xf32, #tpu.memory_space<vmem>>) offsets(%dma_start3A_197 : memref<128xi32, #tpu.memory_space<vmem>>) semaphore(%arg15 : memref<!tpu.dma_semaphore, #tpu.memory_space<semaphore_mem>>)
          %mul3A_201 = arith.constant 3 : i32
          %mul3A_202 = arith.muli %add3A_187, %mul3A_201 : i32
          %add3A_203 = arith.constant 1 : i32
          %add3A_204 = arith.addi %mul3A_202, %add3A_203 : i32
          %dma_start3A_205 = arith.constant 128 : i32
          %dma_start3A_206 = arith.constant 0 : i32
          %dma_start3A_207 = tpu.memref_slice %arg13[%dma_start3A_205, %dma_start3A_206] : memref<384x64xf32, #tpu.memory_space<vmem>> -> memref<128x64xf32, #tpu.memory_space<vmem>>
          %dma_start3A_208 = arith.constant 0 : i32
          %dma_start3A_209 = tpu.memref_slice %arg12[%add3A_204, %dma_start3A_208] : memref<24x128xi32, #tpu.memory_space<vmem>> -> memref<1x128xi32, #tpu.memory_space<vmem>>
          %dma_start3A_210 = tpu.memref_squeeze %dma_start3A_209 : memref<1x128xi32, #tpu.memory_space<vmem>> -> memref<128xi32, #tpu.memory_space<vmem>>
          %dma_start3A_211 = arith.constant 0 : i32
          %dma_start3A_212 = arith.constant 0 : i32
          %dma_start3A_213 = tpu.memref_slice %arg2[%dma_start3A_211, %dma_start3A_212] : memref<1000000x64xf32, #tpu.memory_space<hbm>> -> memref<1000000x64xf32, #tpu.memory_space<hbm>>
          tpu.enqueue_indirect_dma source(%dma_start3A_213 : memref<1000000x64xf32, #tpu.memory_space<hbm>>) target(%dma_start3A_207 : memref<128x64xf32, #tpu.memory_space<vmem>>) offsets(%dma_start3A_210 : memref<128xi32, #tpu.memory_space<vmem>>) semaphore(%arg15 : memref<!tpu.dma_semaphore, #tpu.memory_space<semaphore_mem>>)
          %mul3A_214 = arith.constant 3 : i32
          %mul3A_215 = arith.muli %add3A_187, %mul3A_214 : i32
          %add3A_216 = arith.constant 2 : i32
          %add3A_217 = arith.addi %mul3A_215, %add3A_216 : i32
          %dma_start3A_218 = arith.constant 256 : i32
          %dma_start3A_219 = arith.constant 0 : i32
          %dma_start3A_220 = tpu.memref_slice %arg13[%dma_start3A_218, %dma_start3A_219] : memref<384x64xf32, #tpu.memory_space<vmem>> -> memref<128x64xf32, #tpu.memory_space<vmem>>
          %dma_start3A_221 = arith.constant 0 : i32
          %dma_start3A_222 = tpu.memref_slice %arg12[%add3A_217, %dma_start3A_221] : memref<24x128xi32, #tpu.memory_space<vmem>> -> memref<1x128xi32, #tpu.memory_space<vmem>>
          %dma_start3A_223 = tpu.memref_squeeze %dma_start3A_222 : memref<1x128xi32, #tpu.memory_space<vmem>> -> memref<128xi32, #tpu.memory_space<vmem>>
          %dma_start3A_224 = arith.constant 0 : i32
          %dma_start3A_225 = arith.constant 0 : i32
          %dma_start3A_226 = tpu.memref_slice %arg2[%dma_start3A_224, %dma_start3A_225] : memref<1000000x64xf32, #tpu.memory_space<hbm>> -> memref<1000000x64xf32, #tpu.memory_space<hbm>>
          tpu.enqueue_indirect_dma source(%dma_start3A_226 : memref<1000000x64xf32, #tpu.memory_space<hbm>>) target(%dma_start3A_220 : memref<128x64xf32, #tpu.memory_space<vmem>>) offsets(%dma_start3A_223 : memref<128xi32, #tpu.memory_space<vmem>>) semaphore(%arg15 : memref<!tpu.dma_semaphore, #tpu.memory_space<semaphore_mem>>)
        } else {
        }
      } else {
      }
      %rem3A_143 = arith.constant 2 : i32
      %rem3A_144 = arith.remsi %scan3A_139, %rem3A_143 : i32
      %eq3A_145 = arith.constant 1 : i32
      %eq3A_146 = arith.cmpi eq, %rem3A_144, %eq3A_145 : i32
      %convert_element_type3A_147 = arith.extui %eq3A_146 : i1 to i32
      %cond3A_148 = arith.constant 0 : i32
      %cond3A_149 = arith.cmpi ne, %convert_element_type3A_147, %cond3A_148 : i32
      scf.if %cond3A_149 {
        %dma_wait3A = arith.constant 0 : i32
        %dma_wait3A_150 = arith.constant 0 : i32
        %dma_wait3A_151 = arith.constant 0 : i32
        %dma_wait3A_152 = tpu.memref_slice %arg14[%dma_wait3A_150, %dma_wait3A_151] : memref<384x64xf32, #tpu.memory_space<vmem>> -> memref<128x64xf32, #tpu.memory_space<vmem>>
        %dma_wait3A_153 = arith.constant 0 : i32
        %dma_wait3A_154 = tpu.memref_slice %arg12[%dma_wait3A, %dma_wait3A_153] : memref<24x128xi32, #tpu.memory_space<vmem>> -> memref<1x128xi32, #tpu.memory_space<vmem>>
        %dma_wait3A_155 = tpu.memref_squeeze %dma_wait3A_154 : memref<1x128xi32, #tpu.memory_space<vmem>> -> memref<128xi32, #tpu.memory_space<vmem>>
        %dma_wait3A_156 = arith.constant 0 : i32
        %dma_wait3A_157 = arith.constant 0 : i32
        %dma_wait3A_158 = tpu.memref_slice %arg2[%dma_wait3A_156, %dma_wait3A_157] : memref<1000000x64xf32, #tpu.memory_space<hbm>> -> memref<1000000x64xf32, #tpu.memory_space<hbm>>
        tpu.wait_indirect_dma semaphore(%arg16 : memref<!tpu.dma_semaphore, #tpu.memory_space<semaphore_mem>>) src(%dma_wait3A_158 : memref<1000000x64xf32, #tpu.memory_space<hbm>>) dst(%dma_wait3A_152 : memref<128x64xf32, #tpu.memory_space<vmem>>)
        %dma_wait3A_159 = arith.constant 1 : i32
        %dma_wait3A_160 = arith.constant 128 : i32
        %dma_wait3A_161 = arith.constant 0 : i32
        %dma_wait3A_162 = tpu.memref_slice %arg14[%dma_wait3A_160, %dma_wait3A_161] : memref<384x64xf32, #tpu.memory_space<vmem>> -> memref<128x64xf32, #tpu.memory_space<vmem>>
        %dma_wait3A_163 = arith.constant 0 : i32
        %dma_wait3A_164 = tpu.memref_slice %arg12[%dma_wait3A_159, %dma_wait3A_163] : memref<24x128xi32, #tpu.memory_space<vmem>> -> memref<1x128xi32, #tpu.memory_space<vmem>>
        %dma_wait3A_165 = tpu.memref_squeeze %dma_wait3A_164 : memref<1x128xi32, #tpu.memory_space<vmem>> -> memref<128xi32, #tpu.memory_space<vmem>>
        %dma_wait3A_166 = arith.constant 0 : i32
        %dma_wait3A_167 = arith.constant 0 : i32
        %dma_wait3A_168 = tpu.memref_slice %arg2[%dma_wait3A_166, %dma_wait3A_167] : memref<1000000x64xf32, #tpu.memory_space<hbm>> -> memref<1000000x64xf32, #tpu.memory_space<hbm>>
        tpu.wait_indirect_dma semaphore(%arg16 : memref<!tpu.dma_semaphore, #tpu.memory_space<semaphore_mem>>) src(%dma_wait3A_168 : memref<1000000x64xf32, #tpu.memory_space<hbm>>) dst(%dma_wait3A_162 : memref<128x64xf32, #tpu.memory_space<vmem>>)
        %dma_wait3A_169 = arith.constant 2 : i32
        %dma_wait3A_170 = arith.constant 256 : i32
        %dma_wait3A_171 = arith.constant 0 : i32
        %dma_wait3A_172 = tpu.memref_slice %arg14[%dma_wait3A_170, %dma_wait3A_171] : memref<384x64xf32, #tpu.memory_space<vmem>> -> memref<128x64xf32, #tpu.memory_space<vmem>>
        %dma_wait3A_173 = arith.constant 0 : i32
        %dma_wait3A_174 = tpu.memref_slice %arg12[%dma_wait3A_169, %dma_wait3A_173] : memref<24x128xi32, #tpu.memory_space<vmem>> -> memref<1x128xi32, #tpu.memory_space<vmem>>
        %dma_wait3A_175 = tpu.memref_squeeze %dma_wait3A_174 : memref<1x128xi32, #tpu.memory_space<vmem>> -> memref<128xi32, #tpu.memory_space<vmem>>
        %dma_wait3A_176 = arith.constant 0 : i32
        %dma_wait3A_177 = arith.constant 0 : i32
        %dma_wait3A_178 = tpu.memref_slice %arg2[%dma_wait3A_176, %dma_wait3A_177] : memref<1000000x64xf32, #tpu.memory_space<hbm>> -> memref<1000000x64xf32, #tpu.memory_space<hbm>>
        tpu.wait_indirect_dma semaphore(%arg16 : memref<!tpu.dma_semaphore, #tpu.memory_space<semaphore_mem>>) src(%dma_wait3A_178 : memref<1000000x64xf32, #tpu.memory_space<hbm>>) dst(%dma_wait3A_172 : memref<128x64xf32, #tpu.memory_space<vmem>>)
        %mul3A_179 = arith.constant 384 : i32
        %mul3A_180 = arith.muli %scan3A_139, %mul3A_179 : i32
        %add3A_181 = arith.addi %mul3A_2, %mul3A_180 : i32
        "tpu.region"() ({
          %run_scoped3A = tpu.sem_alloc : memref<!tpu.dma_semaphore, #tpu.memory_space<semaphore_mem>>
          %dma_start3A_186 = arith.constant 0 : i32
          %dma_start3A_187 = tpu.memref_slice %arg7[%add3A_181, %dma_start3A_186] : memref<98304x64xf32, #tpu.memory_space<hbm>> -> memref<384x64xf32, #tpu.memory_space<hbm>>
          %dma_start3A_188 = arith.constant 0 : i32
          %dma_start3A_189 = tpu.memref_slice %arg7[%add3A_181, %dma_start3A_188] : memref<98304x64xf32, #tpu.memory_space<hbm>> -> memref<384x64xf32, #tpu.memory_space<hbm>>
          tpu.enqueue_dma source(%arg14 : memref<384x64xf32, #tpu.memory_space<vmem>>) target(%dma_start3A_189 : memref<384x64xf32, #tpu.memory_space<hbm>>) target_semaphore(%run_scoped3A : memref<!tpu.dma_semaphore, #tpu.memory_space<semaphore_mem>>)
          %dma_wait3A_190 = arith.constant 0 : i32
          %dma_wait3A_191 = tpu.memref_slice %arg7[%add3A_181, %dma_wait3A_190] : memref<98304x64xf32, #tpu.memory_space<hbm>> -> memref<384x64xf32, #tpu.memory_space<hbm>>
          %dma_wait3A_192 = arith.constant 0 : i32
          %dma_wait3A_193 = tpu.memref_slice %arg7[%add3A_181, %dma_wait3A_192] : memref<98304x64xf32, #tpu.memory_space<hbm>> -> memref<384x64xf32, #tpu.memory_space<hbm>>
          tpu.wait_dma2 semaphore(%run_scoped3A : memref<!tpu.dma_semaphore, #tpu.memory_space<semaphore_mem>>) src(%arg14 : memref<384x64xf32, #tpu.memory_space<vmem>>) dst(%dma_wait3A_193 : memref<384x64xf32, #tpu.memory_space<hbm>>)
          tpu.yield
        }) : () -> ()
        %lt3A = arith.constant 6 : i32
        %lt3A_182 = arith.cmpi slt, %scan3A_139, %lt3A : i32
        %convert_element_type3A_183 = arith.extui %lt3A_182 : i1 to i32
        %cond3A_184 = arith.constant 0 : i32
        %cond3A_185 = arith.cmpi ne, %convert_element_type3A_183, %cond3A_184 : i32
        scf.if %cond3A_185 {
          %add3A_186 = arith.constant 2 : i32
          %add3A_187 = arith.addi %scan3A_139, %add3A_186 : i32
          %mul3A_188 = arith.constant 3 : i32
          %mul3A_189 = arith.muli %add3A_187, %mul3A_188 : i32
          %add3A_190 = arith.constant 0 : i32
          %add3A_191 = arith.addi %mul3A_189, %add3A_190 : i32
          %dma_start3A_192 = arith.constant 0 : i32
          %dma_start3A_193 = arith.constant 0 : i32
          %dma_start3A_194 = tpu.memref_slice %arg14[%dma_start3A_192, %dma_start3A_193] : memref<384x64xf32, #tpu.memory_space<vmem>> -> memref<128x64xf32, #tpu.memory_space<vmem>>
          %dma_start3A_195 = arith.constant 0 : i32
          %dma_start3A_196 = tpu.memref_slice %arg12[%add3A_191, %dma_start3A_195] : memref<24x128xi32, #tpu.memory_space<vmem>> -> memref<1x128xi32, #tpu.memory_space<vmem>>
          %dma_start3A_197 = tpu.memref_squeeze %dma_start3A_196 : memref<1x128xi32, #tpu.memory_space<vmem>> -> memref<128xi32, #tpu.memory_space<vmem>>
          %dma_start3A_198 = arith.constant 0 : i32
          %dma_start3A_199 = arith.constant 0 : i32
          %dma_start3A_200 = tpu.memref_slice %arg2[%dma_start3A_198, %dma_start3A_199] : memref<1000000x64xf32, #tpu.memory_space<hbm>> -> memref<1000000x64xf32, #tpu.memory_space<hbm>>
          tpu.enqueue_indirect_dma source(%dma_start3A_200 : memref<1000000x64xf32, #tpu.memory_space<hbm>>) target(%dma_start3A_194 : memref<128x64xf32, #tpu.memory_space<vmem>>) offsets(%dma_start3A_197 : memref<128xi32, #tpu.memory_space<vmem>>) semaphore(%arg16 : memref<!tpu.dma_semaphore, #tpu.memory_space<semaphore_mem>>)
          %mul3A_201 = arith.constant 3 : i32
          %mul3A_202 = arith.muli %add3A_187, %mul3A_201 : i32
          %add3A_203 = arith.constant 1 : i32
          %add3A_204 = arith.addi %mul3A_202, %add3A_203 : i32
          %dma_start3A_205 = arith.constant 128 : i32
          %dma_start3A_206 = arith.constant 0 : i32
          %dma_start3A_207 = tpu.memref_slice %arg14[%dma_start3A_205, %dma_start3A_206] : memref<384x64xf32, #tpu.memory_space<vmem>> -> memref<128x64xf32, #tpu.memory_space<vmem>>
          %dma_start3A_208 = arith.constant 0 : i32
          %dma_start3A_209 = tpu.memref_slice %arg12[%add3A_204, %dma_start3A_208] : memref<24x128xi32, #tpu.memory_space<vmem>> -> memref<1x128xi32, #tpu.memory_space<vmem>>
          %dma_start3A_210 = tpu.memref_squeeze %dma_start3A_209 : memref<1x128xi32, #tpu.memory_space<vmem>> -> memref<128xi32, #tpu.memory_space<vmem>>
          %dma_start3A_211 = arith.constant 0 : i32
          %dma_start3A_212 = arith.constant 0 : i32
          %dma_start3A_213 = tpu.memref_slice %arg2[%dma_start3A_211, %dma_start3A_212] : memref<1000000x64xf32, #tpu.memory_space<hbm>> -> memref<1000000x64xf32, #tpu.memory_space<hbm>>
          tpu.enqueue_indirect_dma source(%dma_start3A_213 : memref<1000000x64xf32, #tpu.memory_space<hbm>>) target(%dma_start3A_207 : memref<128x64xf32, #tpu.memory_space<vmem>>) offsets(%dma_start3A_210 : memref<128xi32, #tpu.memory_space<vmem>>) semaphore(%arg16 : memref<!tpu.dma_semaphore, #tpu.memory_space<semaphore_mem>>)
          %mul3A_214 = arith.constant 3 : i32
          %mul3A_215 = arith.muli %add3A_187, %mul3A_214 : i32
          %add3A_216 = arith.constant 2 : i32
          %add3A_217 = arith.addi %mul3A_215, %add3A_216 : i32
          %dma_start3A_218 = arith.constant 256 : i32
          %dma_start3A_219 = arith.constant 0 : i32
          %dma_start3A_220 = tpu.memref_slice %arg14[%dma_start3A_218, %dma_start3A_219] : memref<384x64xf32, #tpu.memory_space<vmem>> -> memref<128x64xf32, #tpu.memory_space<vmem>>
          %dma_start3A_221 = arith.constant 0 : i32
          %dma_start3A_222 = tpu.memref_slice %arg12[%add3A_217, %dma_start3A_221] : memref<24x128xi32, #tpu.memory_space<vmem>> -> memref<1x128xi32, #tpu.memory_space<vmem>>
          %dma_start3A_223 = tpu.memref_squeeze %dma_start3A_222 : memref<1x128xi32, #tpu.memory_space<vmem>> -> memref<128xi32, #tpu.memory_space<vmem>>
          %dma_start3A_224 = arith.constant 0 : i32
          %dma_start3A_225 = arith.constant 0 : i32
          %dma_start3A_226 = tpu.memref_slice %arg2[%dma_start3A_224, %dma_start3A_225] : memref<1000000x64xf32, #tpu.memory_space<hbm>> -> memref<1000000x64xf32, #tpu.memory_space<hbm>>
          tpu.enqueue_indirect_dma source(%dma_start3A_226 : memref<1000000x64xf32, #tpu.memory_space<hbm>>) target(%dma_start3A_220 : memref<128x64xf32, #tpu.memory_space<vmem>>) offsets(%dma_start3A_223 : memref<128xi32, #tpu.memory_space<vmem>>) semaphore(%arg16 : memref<!tpu.dma_semaphore, #tpu.memory_space<semaphore_mem>>)
        } else {
        }
      } else {
      }
    }
    %scan3A_138 = arith.constant 8 : i32
    return
  }
}

#map = affine_map<(d0, d1) -> (0)>
#map1 = affine_map<(d0, d1) -> (0, 0)>
module attributes {stable_mosaic.version = 14 : i64} {
  func.func @_sc_loss(%arg0: i32, %arg1: i32, %arg2: memref<98304xf32, #tpu.memory_space<hbm>>, %arg3: memref<32x1024xi32, #tpu.memory_space<hbm>>, %arg4: memref<32x16xf32, #tpu.memory_space<hbm>>, %arg5: memref<98304xf32, #tpu.memory_space<vmem>>, %arg6: memref<1024xi32, #tpu.memory_space<vmem>>, %arg7: memref<16xf32, #tpu.memory_space<vmem>>) attributes {dimension_semantics = [#tpu.dimension_semantics<core_parallel>, #tpu.dimension_semantics<subcore_parallel>], iteration_bounds = array<i64: 2, 16>, scalar_prefetch = 0 : i64, scratch_operands = 3 : i64, tpu.core_type = #tpu.core_type<sc_vector_subcore>, window_params = [{transform_indices = #map}, {transform_indices = #map1}, {transform_indices = #map1}]} {
    %mul3A = arith.constant 2 : i32
    %mul3A_0 = arith.muli %arg1, %mul3A : i32
    %add3A = arith.addi %mul3A_0, %arg0 : i32
    "tpu.region"() ({
      %run_scoped3A = tpu.sem_alloc : memref<!tpu.dma_semaphore, #tpu.memory_space<semaphore_mem>>
      tpu.enqueue_dma source(%arg2 : memref<98304xf32, #tpu.memory_space<hbm>>) target(%arg5 : memref<98304xf32, #tpu.memory_space<vmem>>) target_semaphore(%run_scoped3A : memref<!tpu.dma_semaphore, #tpu.memory_space<semaphore_mem>>)
      tpu.wait_dma2 semaphore(%run_scoped3A : memref<!tpu.dma_semaphore, #tpu.memory_space<semaphore_mem>>) src(%arg2 : memref<98304xf32, #tpu.memory_space<hbm>>) dst(%arg5 : memref<98304xf32, #tpu.memory_space<vmem>>)
      tpu.yield
    }) : () -> ()
    "tpu.region"() ({
      %run_scoped3A = tpu.sem_alloc : memref<!tpu.dma_semaphore, #tpu.memory_space<semaphore_mem>>
      %dma_start3A = arith.constant 0 : i32
      %dma_start3A_8 = tpu.memref_slice %arg3[%add3A, %dma_start3A] : memref<32x1024xi32, #tpu.memory_space<hbm>> -> memref<1x1024xi32, #tpu.memory_space<hbm>>
      %dma_start3A_9 = tpu.memref_squeeze %dma_start3A_8 : memref<1x1024xi32, #tpu.memory_space<hbm>> -> memref<1024xi32, #tpu.memory_space<hbm>>
      %dma_start3A_10 = arith.constant 0 : i32
      %dma_start3A_11 = tpu.memref_slice %arg3[%add3A, %dma_start3A_10] : memref<32x1024xi32, #tpu.memory_space<hbm>> -> memref<1x1024xi32, #tpu.memory_space<hbm>>
      %dma_start3A_12 = tpu.memref_squeeze %dma_start3A_11 : memref<1x1024xi32, #tpu.memory_space<hbm>> -> memref<1024xi32, #tpu.memory_space<hbm>>
      tpu.enqueue_dma source(%dma_start3A_12 : memref<1024xi32, #tpu.memory_space<hbm>>) target(%arg6 : memref<1024xi32, #tpu.memory_space<vmem>>) target_semaphore(%run_scoped3A : memref<!tpu.dma_semaphore, #tpu.memory_space<semaphore_mem>>)
      %dma_wait3A = arith.constant 0 : i32
      %dma_wait3A_13 = tpu.memref_slice %arg3[%add3A, %dma_wait3A] : memref<32x1024xi32, #tpu.memory_space<hbm>> -> memref<1x1024xi32, #tpu.memory_space<hbm>>
      %dma_wait3A_14 = tpu.memref_squeeze %dma_wait3A_13 : memref<1x1024xi32, #tpu.memory_space<hbm>> -> memref<1024xi32, #tpu.memory_space<hbm>>
      %dma_wait3A_15 = arith.constant 0 : i32
      %dma_wait3A_16 = tpu.memref_slice %arg3[%add3A, %dma_wait3A_15] : memref<32x1024xi32, #tpu.memory_space<hbm>> -> memref<1x1024xi32, #tpu.memory_space<hbm>>
      %dma_wait3A_17 = tpu.memref_squeeze %dma_wait3A_16 : memref<1x1024xi32, #tpu.memory_space<hbm>> -> memref<1024xi32, #tpu.memory_space<hbm>>
      tpu.wait_dma2 semaphore(%run_scoped3A : memref<!tpu.dma_semaphore, #tpu.memory_space<semaphore_mem>>) src(%dma_wait3A_17 : memref<1024xi32, #tpu.memory_space<hbm>>) dst(%arg6 : memref<1024xi32, #tpu.memory_space<vmem>>)
      tpu.yield
    }) : () -> ()
    %broadcast_in_dim3A = arith.constant 0.000000e+00 : f32
    %broadcast_in_dim3A_1 = vector.broadcast %broadcast_in_dim3A : f32 to vector<16xf32>
    %scan3A = arith.constant 0 : i32
    %scan3A_2 = arith.constant 32 : i32
    %scan3A_3 = arith.addi %scan3A, %scan3A_2 : i32
    %scan3A_4 = arith.constant 1 : i32
    %scan3A_5 = scf.for %scan3A_8 = %scan3A to %scan3A_3 step %scan3A_4 iter_args(%scan3A_9 = %broadcast_in_dim3A_1) -> (vector<16xf32>)  : i32 {
      %mul3A_10 = arith.constant 16 : i32
      %mul3A_11 = arith.muli %scan3A_8, %mul3A_10 : i32
      %get3A = arith.index_cast %mul3A_11 : i32 to index
      %get3A_12 = tpu.vector_load %arg6[%get3A] {strides = array<i32>} : memref<1024xi32, #tpu.memory_space<vmem>>, vector<16xi32>,
      %mul3A_13 = arith.constant 16 : i32
      %mul3A_14 = arith.muli %scan3A_8, %mul3A_13 : i32
      %add3A_15 = arith.constant 512 : i32
      %add3A_16 = arith.addi %add3A_15, %mul3A_14 : i32
      %get3A_17 = arith.index_cast %add3A_16 : i32 to index
      %get3A_18 = tpu.vector_load %arg6[%get3A_17] {strides = array<i32>} : memref<1024xi32, #tpu.memory_space<vmem>>, vector<16xi32>,
      %gather3A = tpu.vector_load_idx %arg5[%get3A_12] : memref<98304xf32, #tpu.memory_space<vmem>>[vector<16xi32>], vector<16xf32>,
      %gather3A_19 = tpu.vector_load_idx %arg5[%get3A_18] : memref<98304xf32, #tpu.memory_space<vmem>>[vector<16xi32>], vector<16xf32>,
      %sub3A = arith.subf %gather3A_19, %gather3A : vector<16xf32>
      %add3A_20 = arith.constant 1.000000e+00 : f32
      %add3A_21 = vector.broadcast %add3A_20 : f32 to vector<16xf32>
      %add3A_22 = arith.addf %sub3A, %add3A_21 : vector<16xf32>
      %max3A = arith.constant 0.000000e+00 : f32
      %max3A_23 = vector.broadcast %max3A : f32 to vector<16xf32>
      %max3A_24 = arith.maximumf %max3A_23, %add3A_22 : vector<16xf32>
      %add3A_25 = arith.addf %scan3A_9, %max3A_24 : vector<16xf32>
      scf.yield %add3A_25 : vector<16xf32>
    }
    %scan3A_6 = arith.constant 32 : i32
    %swap3A = arith.constant 0 : index
    %swap3A_7 = tpu.vector_load %arg7[%swap3A] {strides = array<i32>} : memref<16xf32, #tpu.memory_space<vmem>>, vector<16xf32>,
    tpu.vector_store %arg7[%swap3A], %scan3A_5 {strides = array<i32>} : memref<16xf32, #tpu.memory_space<vmem>>, vector<16xf32>,
    "tpu.region"() ({
      %run_scoped3A = tpu.sem_alloc : memref<!tpu.dma_semaphore, #tpu.memory_space<semaphore_mem>>
      %dma_start3A = arith.constant 0 : i32
      %dma_start3A_8 = tpu.memref_slice %arg4[%add3A, %dma_start3A] : memref<32x16xf32, #tpu.memory_space<hbm>> -> memref<1x16xf32, #tpu.memory_space<hbm>>
      %dma_start3A_9 = tpu.memref_squeeze %dma_start3A_8 : memref<1x16xf32, #tpu.memory_space<hbm>> -> memref<16xf32, #tpu.memory_space<hbm>>
      %dma_start3A_10 = arith.constant 0 : i32
      %dma_start3A_11 = tpu.memref_slice %arg4[%add3A, %dma_start3A_10] : memref<32x16xf32, #tpu.memory_space<hbm>> -> memref<1x16xf32, #tpu.memory_space<hbm>>
      %dma_start3A_12 = tpu.memref_squeeze %dma_start3A_11 : memref<1x16xf32, #tpu.memory_space<hbm>> -> memref<16xf32, #tpu.memory_space<hbm>>
      tpu.enqueue_dma source(%arg7 : memref<16xf32, #tpu.memory_space<vmem>>) target(%dma_start3A_12 : memref<16xf32, #tpu.memory_space<hbm>>) target_semaphore(%run_scoped3A : memref<!tpu.dma_semaphore, #tpu.memory_space<semaphore_mem>>)
      %dma_wait3A = arith.constant 0 : i32
      %dma_wait3A_13 = tpu.memref_slice %arg4[%add3A, %dma_wait3A] : memref<32x16xf32, #tpu.memory_space<hbm>> -> memref<1x16xf32, #tpu.memory_space<hbm>>
      %dma_wait3A_14 = tpu.memref_squeeze %dma_wait3A_13 : memref<1x16xf32, #tpu.memory_space<hbm>> -> memref<16xf32, #tpu.memory_space<hbm>>
      %dma_wait3A_15 = arith.constant 0 : i32
      %dma_wait3A_16 = tpu.memref_slice %arg4[%add3A, %dma_wait3A_15] : memref<32x16xf32, #tpu.memory_space<hbm>> -> memref<1x16xf32, #tpu.memory_space<hbm>>
      %dma_wait3A_17 = tpu.memref_squeeze %dma_wait3A_16 : memref<1x16xf32, #tpu.memory_space<hbm>> -> memref<16xf32, #tpu.memory_space<hbm>>
      tpu.wait_dma2 semaphore(%run_scoped3A : memref<!tpu.dma_semaphore, #tpu.memory_space<semaphore_mem>>) src(%arg7 : memref<16xf32, #tpu.memory_space<vmem>>) dst(%dma_wait3A_17 : memref<16xf32, #tpu.memory_space<hbm>>)
      tpu.yield
    }) : () -> ()
    return
  }
}

module attributes {stable_mosaic.version = 14 : i64} {
  func.func @_tc_body(%arg0: i32, %arg1: memref<1536xi32, #tpu.memory_space<smem>>, %arg2: memref<32x64x64xf32, #tpu.memory_space<vmem>>, %arg3: memref<32x64x64xf32, #tpu.memory_space<vmem>>, %arg4: memref<1000x64x64xf32, #tpu.memory_space<vmem>>, %arg5: memref<32x64x1xf32, #tpu.memory_space<vmem>>) attributes {dimension_semantics = [#tpu.dimension_semantics<arbitrary>], iteration_bounds = array<i64: 48>, scalar_prefetch = 1 : i64, scratch_operands = 0 : i64, tpu.core_type = #tpu.core_type<tc>, window_params = [{transform_indices = @transform_0, window_bounds = array<i64: 32, 64, 64>}, {transform_indices = @transform_1, window_bounds = array<i64: 32, 64, 64>}, {pipeline_mode = #tpu.pipeline_mode<synchronous>, transform_indices = @transform_2, window_bounds = array<i64: 1000, 64, 64>}, {transform_indices = @transform_3, window_bounds = array<i64: 32, 64, 1>}]} {
    %get3A = arith.constant 0 : index
    %get3A_0 = arith.constant 0 : index
    %get3A_1 = arith.constant 0 : index
    %get3A_2 = vector.load %arg2[%get3A, %get3A_0, %get3A_1] : memref<32x64x64xf32, #tpu.memory_space<vmem>>, vector<1x64x64xf32>
    %get3A_3 = vector.shape_cast %get3A_2 : vector<1x64x64xf32> to vector<64x64xf32>
    %convert_element_type3A = arith.truncf %get3A_3 : vector<64x64xf32> to vector<64x64xbf16>
    %get3A_4 = arith.constant 0 : index
    %get3A_5 = arith.constant 0 : index
    %get3A_6 = arith.constant 0 : index
    %get3A_7 = vector.load %arg3[%get3A_4, %get3A_5, %get3A_6] : memref<32x64x64xf32, #tpu.memory_space<vmem>>, vector<1x64x64xf32>
    %get3A_8 = vector.shape_cast %get3A_7 : vector<1x64x64xf32> to vector<64x64xf32>
    %mul3A = arith.constant 32 : i32
    %mul3A_9 = arith.muli %mul3A, %arg0 : i32
    %add3A = arith.constant 0 : i32
    %add3A_10 = arith.addi %mul3A_9, %add3A : i32
    %get3A_11 = arith.index_cast %add3A_10 : i32 to index
    %get3A_12 = memref.load %arg1[%get3A_11] : memref<1536xi32, #tpu.memory_space<smem>>
    %get3A_13 = arith.index_cast %get3A_12 : i32 to index
    %get3A_14 = arith.constant 0 : index
    %get3A_15 = arith.constant 0 : index
    %get3A_16 = vector.load %arg4[%get3A_13, %get3A_14, %get3A_15] : memref<1000x64x64xf32, #tpu.memory_space<vmem>>, vector<1x64x64xf32>
    %get3A_17 = vector.shape_cast %get3A_16 : vector<1x64x64xf32> to vector<64x64xf32>
    %convert_element_type3A_18 = arith.truncf %get3A_17 : vector<64x64xf32> to vector<64x64xbf16>
    %dot_general3A = arith.constant dense<0.000000e+00> : vector<64x64xf32>
    %dot_general3A_19 = tpu.matmul %convert_element_type3A, %convert_element_type3A_18, %dot_general3A {dimension_numbers = #tpu.dot_dimension_numbers<[1], [0], [0], [1], [0, 0, 1, 1], [], []>, transpose_lhs_hint = false} : vector<64x64xbf16>, vector<64x64xbf16>, vector<64x64xf32> -> vector<64x64xf32>
    %mul3A_20 = arith.mulf %dot_general3A_19, %get3A_8 : vector<64x64xf32>
    %reduce_sum3A = arith.constant dense<0.000000e+00> : vector<64xf32>
    %reduce_sum3A_21 = vector.multi_reduction <add>, %mul3A_20, %reduce_sum3A [1] : vector<64x64xf32> to vector<64xf32>
    %broadcast_in_dim3A = vector.shape_cast %reduce_sum3A_21 : vector<64xf32> to vector<64x1xf32>
    %mul3A_22 = arith.constant 1.562500e-02 : f32
    %mul3A_23 = vector.broadcast %mul3A_22 : f32 to vector<64x1xf32>
    %mul3A_24 = arith.mulf %broadcast_in_dim3A, %mul3A_23 : vector<64x1xf32>
    %swap3A = arith.constant 0 : index
    %swap3A_25 = arith.constant 0 : index
    %swap3A_26 = arith.constant 0 : index
    %swap3A_27 = vector.load %arg5[%swap3A, %swap3A_25, %swap3A_26] : memref<32x64x1xf32, #tpu.memory_space<vmem>>, vector<1x64x1xf32>
    %swap3A_28 = vector.shape_cast %swap3A_27 : vector<1x64x1xf32> to vector<64x1xf32>
    %swap3A_29 = vector.shape_cast %mul3A_24 : vector<64x1xf32> to vector<1x64x1xf32>
    tpu.vector_store %arg5[%swap3A, %swap3A_25, %swap3A_26], %swap3A_29 {strides = array<i32>} : memref<32x64x1xf32, #tpu.memory_space<vmem>>, vector<1x64x1xf32>,
    %get3A_30 = arith.constant 1 : index
    %get3A_31 = arith.constant 0 : index
    %get3A_32 = arith.constant 0 : index
    %get3A_33 = vector.load %arg2[%get3A_30, %get3A_31, %get3A_32] : memref<32x64x64xf32, #tpu.memory_space<vmem>>, vector<1x64x64xf32>
    %get3A_34 = vector.shape_cast %get3A_33 : vector<1x64x64xf32> to vector<64x64xf32>
    %convert_element_type3A_35 = arith.truncf %get3A_34 : vector<64x64xf32> to vector<64x64xbf16>
    %get3A_36 = arith.constant 1 : index
    %get3A_37 = arith.constant 0 : index
    %get3A_38 = arith.constant 0 : index
    %get3A_39 = vector.load %arg3[%get3A_36, %get3A_37, %get3A_38] : memref<32x64x64xf32, #tpu.memory_space<vmem>>, vector<1x64x64xf32>
    %get3A_40 = vector.shape_cast %get3A_39 : vector<1x64x64xf32> to vector<64x64xf32>
    %mul3A_41 = arith.constant 32 : i32
    %mul3A_42 = arith.muli %mul3A_41, %arg0 : i32
    %add3A_43 = arith.constant 1 : i32
    %add3A_44 = arith.addi %mul3A_42, %add3A_43 : i32
    %get3A_45 = arith.index_cast %add3A_44 : i32 to index
    %get3A_46 = memref.load %arg1[%get3A_45] : memref<1536xi32, #tpu.memory_space<smem>>
    %get3A_47 = arith.index_cast %get3A_46 : i32 to index
    %get3A_48 = arith.constant 0 : index
    %get3A_49 = arith.constant 0 : index
    %get3A_50 = vector.load %arg4[%get3A_47, %get3A_48, %get3A_49] : memref<1000x64x64xf32, #tpu.memory_space<vmem>>, vector<1x64x64xf32>
    %get3A_51 = vector.shape_cast %get3A_50 : vector<1x64x64xf32> to vector<64x64xf32>
    %convert_element_type3A_52 = arith.truncf %get3A_51 : vector<64x64xf32> to vector<64x64xbf16>
    %dot_general3A_53 = arith.constant dense<0.000000e+00> : vector<64x64xf32>
    %dot_general3A_54 = tpu.matmul %convert_element_type3A_35, %convert_element_type3A_52, %dot_general3A_53 {dimension_numbers = #tpu.dot_dimension_numbers<[1], [0], [0], [1], [0, 0, 1, 1], [], []>, transpose_lhs_hint = false} : vector<64x64xbf16>, vector<64x64xbf16>, vector<64x64xf32> -> vector<64x64xf32>
    %mul3A_55 = arith.mulf %dot_general3A_54, %get3A_40 : vector<64x64xf32>
    %reduce_sum3A_56 = arith.constant dense<0.000000e+00> : vector<64xf32>
    %reduce_sum3A_57 = vector.multi_reduction <add>, %mul3A_55, %reduce_sum3A_56 [1] : vector<64x64xf32> to vector<64xf32>
    %broadcast_in_dim3A_58 = vector.shape_cast %reduce_sum3A_57 : vector<64xf32> to vector<64x1xf32>
    %mul3A_59 = arith.constant 1.562500e-02 : f32
    %mul3A_60 = vector.broadcast %mul3A_59 : f32 to vector<64x1xf32>
    %mul3A_61 = arith.mulf %broadcast_in_dim3A_58, %mul3A_60 : vector<64x1xf32>
    %swap3A_62 = arith.constant 1 : index
    %swap3A_63 = arith.constant 0 : index
    %swap3A_64 = arith.constant 0 : index
    %swap3A_65 = vector.load %arg5[%swap3A_62, %swap3A_63, %swap3A_64] : memref<32x64x1xf32, #tpu.memory_space<vmem>>, vector<1x64x1xf32>
    %swap3A_66 = vector.shape_cast %swap3A_65 : vector<1x64x1xf32> to vector<64x1xf32>
    %swap3A_67 = vector.shape_cast %mul3A_61 : vector<64x1xf32> to vector<1x64x1xf32>
    tpu.vector_store %arg5[%swap3A_62, %swap3A_63, %swap3A_64], %swap3A_67 {strides = array<i32>} : memref<32x64x1xf32, #tpu.memory_space<vmem>>, vector<1x64x1xf32>,
    %get3A_68 = arith.constant 2 : index
    %get3A_69 = arith.constant 0 : index
    %get3A_70 = arith.constant 0 : index
    %get3A_71 = vector.load %arg2[%get3A_68, %get3A_69, %get3A_70] : memref<32x64x64xf32, #tpu.memory_space<vmem>>, vector<1x64x64xf32>
    %get3A_72 = vector.shape_cast %get3A_71 : vector<1x64x64xf32> to vector<64x64xf32>
    %convert_element_type3A_73 = arith.truncf %get3A_72 : vector<64x64xf32> to vector<64x64xbf16>
    %get3A_74 = arith.constant 2 : index
    %get3A_75 = arith.constant 0 : index
    %get3A_76 = arith.constant 0 : index
    %get3A_77 = vector.load %arg3[%get3A_74, %get3A_75, %get3A_76] : memref<32x64x64xf32, #tpu.memory_space<vmem>>, vector<1x64x64xf32>
    %get3A_78 = vector.shape_cast %get3A_77 : vector<1x64x64xf32> to vector<64x64xf32>
    %mul3A_79 = arith.constant 32 : i32
    %mul3A_80 = arith.muli %mul3A_79, %arg0 : i32
    %add3A_81 = arith.constant 2 : i32
    %add3A_82 = arith.addi %mul3A_80, %add3A_81 : i32
    %get3A_83 = arith.index_cast %add3A_82 : i32 to index
    %get3A_84 = memref.load %arg1[%get3A_83] : memref<1536xi32, #tpu.memory_space<smem>>
    %get3A_85 = arith.index_cast %get3A_84 : i32 to index
    %get3A_86 = arith.constant 0 : index
    %get3A_87 = arith.constant 0 : index
    %get3A_88 = vector.load %arg4[%get3A_85, %get3A_86, %get3A_87] : memref<1000x64x64xf32, #tpu.memory_space<vmem>>, vector<1x64x64xf32>
    %get3A_89 = vector.shape_cast %get3A_88 : vector<1x64x64xf32> to vector<64x64xf32>
    %convert_element_type3A_90 = arith.truncf %get3A_89 : vector<64x64xf32> to vector<64x64xbf16>
    %dot_general3A_91 = arith.constant dense<0.000000e+00> : vector<64x64xf32>
    %dot_general3A_92 = tpu.matmul %convert_element_type3A_73, %convert_element_type3A_90, %dot_general3A_91 {dimension_numbers = #tpu.dot_dimension_numbers<[1], [0], [0], [1], [0, 0, 1, 1], [], []>, transpose_lhs_hint = false} : vector<64x64xbf16>, vector<64x64xbf16>, vector<64x64xf32> -> vector<64x64xf32>
    %mul3A_93 = arith.mulf %dot_general3A_92, %get3A_78 : vector<64x64xf32>
    %reduce_sum3A_94 = arith.constant dense<0.000000e+00> : vector<64xf32>
    %reduce_sum3A_95 = vector.multi_reduction <add>, %mul3A_93, %reduce_sum3A_94 [1] : vector<64x64xf32> to vector<64xf32>
    %broadcast_in_dim3A_96 = vector.shape_cast %reduce_sum3A_95 : vector<64xf32> to vector<64x1xf32>
    %mul3A_97 = arith.constant 1.562500e-02 : f32
    %mul3A_98 = vector.broadcast %mul3A_97 : f32 to vector<64x1xf32>
    %mul3A_99 = arith.mulf %broadcast_in_dim3A_96, %mul3A_98 : vector<64x1xf32>
    %swap3A_100 = arith.constant 2 : index
    %swap3A_101 = arith.constant 0 : index
    %swap3A_102 = arith.constant 0 : index
    %swap3A_103 = vector.load %arg5[%swap3A_100, %swap3A_101, %swap3A_102] : memref<32x64x1xf32, #tpu.memory_space<vmem>>, vector<1x64x1xf32>
    %swap3A_104 = vector.shape_cast %swap3A_103 : vector<1x64x1xf32> to vector<64x1xf32>
    %swap3A_105 = vector.shape_cast %mul3A_99 : vector<64x1xf32> to vector<1x64x1xf32>
    tpu.vector_store %arg5[%swap3A_100, %swap3A_101, %swap3A_102], %swap3A_105 {strides = array<i32>} : memref<32x64x1xf32, #tpu.memory_space<vmem>>, vector<1x64x1xf32>,
    %get3A_106 = arith.constant 3 : index
    %get3A_107 = arith.constant 0 : index
    %get3A_108 = arith.constant 0 : index
    %get3A_109 = vector.load %arg2[%get3A_106, %get3A_107, %get3A_108] : memref<32x64x64xf32, #tpu.memory_space<vmem>>, vector<1x64x64xf32>
    %get3A_110 = vector.shape_cast %get3A_109 : vector<1x64x64xf32> to vector<64x64xf32>
    %convert_element_type3A_111 = arith.truncf %get3A_110 : vector<64x64xf32> to vector<64x64xbf16>
    %get3A_112 = arith.constant 3 : index
    %get3A_113 = arith.constant 0 : index
    %get3A_114 = arith.constant 0 : index
    %get3A_115 = vector.load %arg3[%get3A_112, %get3A_113, %get3A_114] : memref<32x64x64xf32, #tpu.memory_space<vmem>>, vector<1x64x64xf32>
    %get3A_116 = vector.shape_cast %get3A_115 : vector<1x64x64xf32> to vector<64x64xf32>
    %mul3A_117 = arith.constant 32 : i32
    %mul3A_118 = arith.muli %mul3A_117, %arg0 : i32
    %add3A_119 = arith.constant 3 : i32
    %add3A_120 = arith.addi %mul3A_118, %add3A_119 : i32
    %get3A_121 = arith.index_cast %add3A_120 : i32 to index
    %get3A_122 = memref.load %arg1[%get3A_121] : memref<1536xi32, #tpu.memory_space<smem>>
    %get3A_123 = arith.index_cast %get3A_122 : i32 to index
    %get3A_124 = arith.constant 0 : index
    %get3A_125 = arith.constant 0 : index
    %get3A_126 = vector.load %arg4[%get3A_123, %get3A_124, %get3A_125] : memref<1000x64x64xf32, #tpu.memory_space<vmem>>, vector<1x64x64xf32>
    %get3A_127 = vector.shape_cast %get3A_126 : vector<1x64x64xf32> to vector<64x64xf32>
    %convert_element_type3A_128 = arith.truncf %get3A_127 : vector<64x64xf32> to vector<64x64xbf16>
    %dot_general3A_129 = arith.constant dense<0.000000e+00> : vector<64x64xf32>
    %dot_general3A_130 = tpu.matmul %convert_element_type3A_111, %convert_element_type3A_128, %dot_general3A_129 {dimension_numbers = #tpu.dot_dimension_numbers<[1], [0], [0], [1], [0, 0, 1, 1], [], []>, transpose_lhs_hint = false} : vector<64x64xbf16>, vector<64x64xbf16>, vector<64x64xf32> -> vector<64x64xf32>
    %mul3A_131 = arith.mulf %dot_general3A_130, %get3A_116 : vector<64x64xf32>
    %reduce_sum3A_132 = arith.constant dense<0.000000e+00> : vector<64xf32>
    %reduce_sum3A_133 = vector.multi_reduction <add>, %mul3A_131, %reduce_sum3A_132 [1] : vector<64x64xf32> to vector<64xf32>
    %broadcast_in_dim3A_134 = vector.shape_cast %reduce_sum3A_133 : vector<64xf32> to vector<64x1xf32>
    %mul3A_135 = arith.constant 1.562500e-02 : f32
    %mul3A_136 = vector.broadcast %mul3A_135 : f32 to vector<64x1xf32>
    %mul3A_137 = arith.mulf %broadcast_in_dim3A_134, %mul3A_136 : vector<64x1xf32>
    %swap3A_138 = arith.constant 3 : index
    %swap3A_139 = arith.constant 0 : index
    %swap3A_140 = arith.constant 0 : index
    %swap3A_141 = vector.load %arg5[%swap3A_138, %swap3A_139, %swap3A_140] : memref<32x64x1xf32, #tpu.memory_space<vmem>>, vector<1x64x1xf32>
    %swap3A_142 = vector.shape_cast %swap3A_141 : vector<1x64x1xf32> to vector<64x1xf32>
    %swap3A_143 = vector.shape_cast %mul3A_137 : vector<64x1xf32> to vector<1x64x1xf32>
    tpu.vector_store %arg5[%swap3A_138, %swap3A_139, %swap3A_140], %swap3A_143 {strides = array<i32>} : memref<32x64x1xf32, #tpu.memory_space<vmem>>, vector<1x64x1xf32>,
    %get3A_144 = arith.constant 4 : index
    %get3A_145 = arith.constant 0 : index
    %get3A_146 = arith.constant 0 : index
    %get3A_147 = vector.load %arg2[%get3A_144, %get3A_145, %get3A_146] : memref<32x64x64xf32, #tpu.memory_space<vmem>>, vector<1x64x64xf32>
    %get3A_148 = vector.shape_cast %get3A_147 : vector<1x64x64xf32> to vector<64x64xf32>
    %convert_element_type3A_149 = arith.truncf %get3A_148 : vector<64x64xf32> to vector<64x64xbf16>
    %get3A_150 = arith.constant 4 : index
    %get3A_151 = arith.constant 0 : index
    %get3A_152 = arith.constant 0 : index
    %get3A_153 = vector.load %arg3[%get3A_150, %get3A_151, %get3A_152] : memref<32x64x64xf32, #tpu.memory_space<vmem>>, vector<1x64x64xf32>
    %get3A_154 = vector.shape_cast %get3A_153 : vector<1x64x64xf32> to vector<64x64xf32>
    %mul3A_155 = arith.constant 32 : i32
    %mul3A_156 = arith.muli %mul3A_155, %arg0 : i32
    %add3A_157 = arith.constant 4 : i32
    %add3A_158 = arith.addi %mul3A_156, %add3A_157 : i32
    %get3A_159 = arith.index_cast %add3A_158 : i32 to index
    %get3A_160 = memref.load %arg1[%get3A_159] : memref<1536xi32, #tpu.memory_space<smem>>
    %get3A_161 = arith.index_cast %get3A_160 : i32 to index
    %get3A_162 = arith.constant 0 : index
    %get3A_163 = arith.constant 0 : index
    %get3A_164 = vector.load %arg4[%get3A_161, %get3A_162, %get3A_163] : memref<1000x64x64xf32, #tpu.memory_space<vmem>>, vector<1x64x64xf32>
    %get3A_165 = vector.shape_cast %get3A_164 : vector<1x64x64xf32> to vector<64x64xf32>
    %convert_element_type3A_166 = arith.truncf %get3A_165 : vector<64x64xf32> to vector<64x64xbf16>
    %dot_general3A_167 = arith.constant dense<0.000000e+00> : vector<64x64xf32>
    %dot_general3A_168 = tpu.matmul %convert_element_type3A_149, %convert_element_type3A_166, %dot_general3A_167 {dimension_numbers = #tpu.dot_dimension_numbers<[1], [0], [0], [1], [0, 0, 1, 1], [], []>, transpose_lhs_hint = false} : vector<64x64xbf16>, vector<64x64xbf16>, vector<64x64xf32> -> vector<64x64xf32>
    %mul3A_169 = arith.mulf %dot_general3A_168, %get3A_154 : vector<64x64xf32>
    %reduce_sum3A_170 = arith.constant dense<0.000000e+00> : vector<64xf32>
    %reduce_sum3A_171 = vector.multi_reduction <add>, %mul3A_169, %reduce_sum3A_170 [1] : vector<64x64xf32> to vector<64xf32>
    %broadcast_in_dim3A_172 = vector.shape_cast %reduce_sum3A_171 : vector<64xf32> to vector<64x1xf32>
    %mul3A_173 = arith.constant 1.562500e-02 : f32
    %mul3A_174 = vector.broadcast %mul3A_173 : f32 to vector<64x1xf32>
    %mul3A_175 = arith.mulf %broadcast_in_dim3A_172, %mul3A_174 : vector<64x1xf32>
    %swap3A_176 = arith.constant 4 : index
    %swap3A_177 = arith.constant 0 : index
    %swap3A_178 = arith.constant 0 : index
    %swap3A_179 = vector.load %arg5[%swap3A_176, %swap3A_177, %swap3A_178] : memref<32x64x1xf32, #tpu.memory_space<vmem>>, vector<1x64x1xf32>
    %swap3A_180 = vector.shape_cast %swap3A_179 : vector<1x64x1xf32> to vector<64x1xf32>
    %swap3A_181 = vector.shape_cast %mul3A_175 : vector<64x1xf32> to vector<1x64x1xf32>
    tpu.vector_store %arg5[%swap3A_176, %swap3A_177, %swap3A_178], %swap3A_181 {strides = array<i32>} : memref<32x64x1xf32, #tpu.memory_space<vmem>>, vector<1x64x1xf32>,
    %get3A_182 = arith.constant 5 : index
    %get3A_183 = arith.constant 0 : index
    %get3A_184 = arith.constant 0 : index
    %get3A_185 = vector.load %arg2[%get3A_182, %get3A_183, %get3A_184] : memref<32x64x64xf32, #tpu.memory_space<vmem>>, vector<1x64x64xf32>
    %get3A_186 = vector.shape_cast %get3A_185 : vector<1x64x64xf32> to vector<64x64xf32>
    %convert_element_type3A_187 = arith.truncf %get3A_186 : vector<64x64xf32> to vector<64x64xbf16>
    %get3A_188 = arith.constant 5 : index
    %get3A_189 = arith.constant 0 : index
    %get3A_190 = arith.constant 0 : index
    %get3A_191 = vector.load %arg3[%get3A_188, %get3A_189, %get3A_190] : memref<32x64x64xf32, #tpu.memory_space<vmem>>, vector<1x64x64xf32>
    %get3A_192 = vector.shape_cast %get3A_191 : vector<1x64x64xf32> to vector<64x64xf32>
    %mul3A_193 = arith.constant 32 : i32
    %mul3A_194 = arith.muli %mul3A_193, %arg0 : i32
    %add3A_195 = arith.constant 5 : i32
    %add3A_196 = arith.addi %mul3A_194, %add3A_195 : i32
    %get3A_197 = arith.index_cast %add3A_196 : i32 to index
    %get3A_198 = memref.load %arg1[%get3A_197] : memref<1536xi32, #tpu.memory_space<smem>>
    %get3A_199 = arith.index_cast %get3A_198 : i32 to index
    %get3A_200 = arith.constant 0 : index
    %get3A_201 = arith.constant 0 : index
    %get3A_202 = vector.load %arg4[%get3A_199, %get3A_200, %get3A_201] : memref<1000x64x64xf32, #tpu.memory_space<vmem>>, vector<1x64x64xf32>
    %get3A_203 = vector.shape_cast %get3A_202 : vector<1x64x64xf32> to vector<64x64xf32>
    %convert_element_type3A_204 = arith.truncf %get3A_203 : vector<64x64xf32> to vector<64x64xbf16>
    %dot_general3A_205 = arith.constant dense<0.000000e+00> : vector<64x64xf32>
    %dot_general3A_206 = tpu.matmul %convert_element_type3A_187, %convert_element_type3A_204, %dot_general3A_205 {dimension_numbers = #tpu.dot_dimension_numbers<[1], [0], [0], [1], [0, 0, 1, 1], [], []>, transpose_lhs_hint = false} : vector<64x64xbf16>, vector<64x64xbf16>, vector<64x64xf32> -> vector<64x64xf32>
    %mul3A_207 = arith.mulf %dot_general3A_206, %get3A_192 : vector<64x64xf32>
    %reduce_sum3A_208 = arith.constant dense<0.000000e+00> : vector<64xf32>
    %reduce_sum3A_209 = vector.multi_reduction <add>, %mul3A_207, %reduce_sum3A_208 [1] : vector<64x64xf32> to vector<64xf32>
    %broadcast_in_dim3A_210 = vector.shape_cast %reduce_sum3A_209 : vector<64xf32> to vector<64x1xf32>
    %mul3A_211 = arith.constant 1.562500e-02 : f32
    %mul3A_212 = vector.broadcast %mul3A_211 : f32 to vector<64x1xf32>
    %mul3A_213 = arith.mulf %broadcast_in_dim3A_210, %mul3A_212 : vector<64x1xf32>
    %swap3A_214 = arith.constant 5 : index
    %swap3A_215 = arith.constant 0 : index
    %swap3A_216 = arith.constant 0 : index
    %swap3A_217 = vector.load %arg5[%swap3A_214, %swap3A_215, %swap3A_216] : memref<32x64x1xf32, #tpu.memory_space<vmem>>, vector<1x64x1xf32>
    %swap3A_218 = vector.shape_cast %swap3A_217 : vector<1x64x1xf32> to vector<64x1xf32>
    %swap3A_219 = vector.shape_cast %mul3A_213 : vector<64x1xf32> to vector<1x64x1xf32>
    tpu.vector_store %arg5[%swap3A_214, %swap3A_215, %swap3A_216], %swap3A_219 {strides = array<i32>} : memref<32x64x1xf32, #tpu.memory_space<vmem>>, vector<1x64x1xf32>,
    %get3A_220 = arith.constant 6 : index
    %get3A_221 = arith.constant 0 : index
    %get3A_222 = arith.constant 0 : index
    %get3A_223 = vector.load %arg2[%get3A_220, %get3A_221, %get3A_222] : memref<32x64x64xf32, #tpu.memory_space<vmem>>, vector<1x64x64xf32>
    %get3A_224 = vector.shape_cast %get3A_223 : vector<1x64x64xf32> to vector<64x64xf32>
    %convert_element_type3A_225 = arith.truncf %get3A_224 : vector<64x64xf32> to vector<64x64xbf16>
    %get3A_226 = arith.constant 6 : index
    %get3A_227 = arith.constant 0 : index
    %get3A_228 = arith.constant 0 : index
    %get3A_229 = vector.load %arg3[%get3A_226, %get3A_227, %get3A_228] : memref<32x64x64xf32, #tpu.memory_space<vmem>>, vector<1x64x64xf32>
    %get3A_230 = vector.shape_cast %get3A_229 : vector<1x64x64xf32> to vector<64x64xf32>
    %mul3A_231 = arith.constant 32 : i32
    %mul3A_232 = arith.muli %mul3A_231, %arg0 : i32
    %add3A_233 = arith.constant 6 : i32
    %add3A_234 = arith.addi %mul3A_232, %add3A_233 : i32
    %get3A_235 = arith.index_cast %add3A_234 : i32 to index
    %get3A_236 = memref.load %arg1[%get3A_235] : memref<1536xi32, #tpu.memory_space<smem>>
    %get3A_237 = arith.index_cast %get3A_236 : i32 to index
    %get3A_238 = arith.constant 0 : index
    %get3A_239 = arith.constant 0 : index
    %get3A_240 = vector.load %arg4[%get3A_237, %get3A_238, %get3A_239] : memref<1000x64x64xf32, #tpu.memory_space<vmem>>, vector<1x64x64xf32>
    %get3A_241 = vector.shape_cast %get3A_240 : vector<1x64x64xf32> to vector<64x64xf32>
    %convert_element_type3A_242 = arith.truncf %get3A_241 : vector<64x64xf32> to vector<64x64xbf16>
    %dot_general3A_243 = arith.constant dense<0.000000e+00> : vector<64x64xf32>
    %dot_general3A_244 = tpu.matmul %convert_element_type3A_225, %convert_element_type3A_242, %dot_general3A_243 {dimension_numbers = #tpu.dot_dimension_numbers<[1], [0], [0], [1], [0, 0, 1, 1], [], []>, transpose_lhs_hint = false} : vector<64x64xbf16>, vector<64x64xbf16>, vector<64x64xf32> -> vector<64x64xf32>
    %mul3A_245 = arith.mulf %dot_general3A_244, %get3A_230 : vector<64x64xf32>
    %reduce_sum3A_246 = arith.constant dense<0.000000e+00> : vector<64xf32>
    %reduce_sum3A_247 = vector.multi_reduction <add>, %mul3A_245, %reduce_sum3A_246 [1] : vector<64x64xf32> to vector<64xf32>
    %broadcast_in_dim3A_248 = vector.shape_cast %reduce_sum3A_247 : vector<64xf32> to vector<64x1xf32>
    %mul3A_249 = arith.constant 1.562500e-02 : f32
    %mul3A_250 = vector.broadcast %mul3A_249 : f32 to vector<64x1xf32>
    %mul3A_251 = arith.mulf %broadcast_in_dim3A_248, %mul3A_250 : vector<64x1xf32>
    %swap3A_252 = arith.constant 6 : index
    %swap3A_253 = arith.constant 0 : index
    %swap3A_254 = arith.constant 0 : index
    %swap3A_255 = vector.load %arg5[%swap3A_252, %swap3A_253, %swap3A_254] : memref<32x64x1xf32, #tpu.memory_space<vmem>>, vector<1x64x1xf32>
    %swap3A_256 = vector.shape_cast %swap3A_255 : vector<1x64x1xf32> to vector<64x1xf32>
    %swap3A_257 = vector.shape_cast %mul3A_251 : vector<64x1xf32> to vector<1x64x1xf32>
    tpu.vector_store %arg5[%swap3A_252, %swap3A_253, %swap3A_254], %swap3A_257 {strides = array<i32>} : memref<32x64x1xf32, #tpu.memory_space<vmem>>, vector<1x64x1xf32>,
    %get3A_258 = arith.constant 7 : index
    %get3A_259 = arith.constant 0 : index
    %get3A_260 = arith.constant 0 : index
    %get3A_261 = vector.load %arg2[%get3A_258, %get3A_259, %get3A_260] : memref<32x64x64xf32, #tpu.memory_space<vmem>>, vector<1x64x64xf32>
    %get3A_262 = vector.shape_cast %get3A_261 : vector<1x64x64xf32> to vector<64x64xf32>
    %convert_element_type3A_263 = arith.truncf %get3A_262 : vector<64x64xf32> to vector<64x64xbf16>
    %get3A_264 = arith.constant 7 : index
    %get3A_265 = arith.constant 0 : index
    %get3A_266 = arith.constant 0 : index
    %get3A_267 = vector.load %arg3[%get3A_264, %get3A_265, %get3A_266] : memref<32x64x64xf32, #tpu.memory_space<vmem>>, vector<1x64x64xf32>
    %get3A_268 = vector.shape_cast %get3A_267 : vector<1x64x64xf32> to vector<64x64xf32>
    %mul3A_269 = arith.constant 32 : i32
    %mul3A_270 = arith.muli %mul3A_269, %arg0 : i32
    %add3A_271 = arith.constant 7 : i32
    %add3A_272 = arith.addi %mul3A_270, %add3A_271 : i32
    %get3A_273 = arith.index_cast %add3A_272 : i32 to index
    %get3A_274 = memref.load %arg1[%get3A_273] : memref<1536xi32, #tpu.memory_space<smem>>
    %get3A_275 = arith.index_cast %get3A_274 : i32 to index
    %get3A_276 = arith.constant 0 : index
    %get3A_277 = arith.constant 0 : index
    %get3A_278 = vector.load %arg4[%get3A_275, %get3A_276, %get3A_277] : memref<1000x64x64xf32, #tpu.memory_space<vmem>>, vector<1x64x64xf32>
    %get3A_279 = vector.shape_cast %get3A_278 : vector<1x64x64xf32> to vector<64x64xf32>
    %convert_element_type3A_280 = arith.truncf %get3A_279 : vector<64x64xf32> to vector<64x64xbf16>
    %dot_general3A_281 = arith.constant dense<0.000000e+00> : vector<64x64xf32>
    %dot_general3A_282 = tpu.matmul %convert_element_type3A_263, %convert_element_type3A_280, %dot_general3A_281 {dimension_numbers = #tpu.dot_dimension_numbers<[1], [0], [0], [1], [0, 0, 1, 1], [], []>, transpose_lhs_hint = false} : vector<64x64xbf16>, vector<64x64xbf16>, vector<64x64xf32> -> vector<64x64xf32>
    %mul3A_283 = arith.mulf %dot_general3A_282, %get3A_268 : vector<64x64xf32>
    %reduce_sum3A_284 = arith.constant dense<0.000000e+00> : vector<64xf32>
    %reduce_sum3A_285 = vector.multi_reduction <add>, %mul3A_283, %reduce_sum3A_284 [1] : vector<64x64xf32> to vector<64xf32>
    %broadcast_in_dim3A_286 = vector.shape_cast %reduce_sum3A_285 : vector<64xf32> to vector<64x1xf32>
    %mul3A_287 = arith.constant 1.562500e-02 : f32
    %mul3A_288 = vector.broadcast %mul3A_287 : f32 to vector<64x1xf32>
    %mul3A_289 = arith.mulf %broadcast_in_dim3A_286, %mul3A_288 : vector<64x1xf32>
    %swap3A_290 = arith.constant 7 : index
    %swap3A_291 = arith.constant 0 : index
    %swap3A_292 = arith.constant 0 : index
    %swap3A_293 = vector.load %arg5[%swap3A_290, %swap3A_291, %swap3A_292] : memref<32x64x1xf32, #tpu.memory_space<vmem>>, vector<1x64x1xf32>
    %swap3A_294 = vector.shape_cast %swap3A_293 : vector<1x64x1xf32> to vector<64x1xf32>
    %swap3A_295 = vector.shape_cast %mul3A_289 : vector<64x1xf32> to vector<1x64x1xf32>
    tpu.vector_store %arg5[%swap3A_290, %swap3A_291, %swap3A_292], %swap3A_295 {strides = array<i32>} : memref<32x64x1xf32, #tpu.memory_space<vmem>>, vector<1x64x1xf32>,
    %get3A_296 = arith.constant 8 : index
    %get3A_297 = arith.constant 0 : index
    %get3A_298 = arith.constant 0 : index
    %get3A_299 = vector.load %arg2[%get3A_296, %get3A_297, %get3A_298] : memref<32x64x64xf32, #tpu.memory_space<vmem>>, vector<1x64x64xf32>
    %get3A_300 = vector.shape_cast %get3A_299 : vector<1x64x64xf32> to vector<64x64xf32>
    %convert_element_type3A_301 = arith.truncf %get3A_300 : vector<64x64xf32> to vector<64x64xbf16>
    %get3A_302 = arith.constant 8 : index
    %get3A_303 = arith.constant 0 : index
    %get3A_304 = arith.constant 0 : index
    %get3A_305 = vector.load %arg3[%get3A_302, %get3A_303, %get3A_304] : memref<32x64x64xf32, #tpu.memory_space<vmem>>, vector<1x64x64xf32>
    %get3A_306 = vector.shape_cast %get3A_305 : vector<1x64x64xf32> to vector<64x64xf32>
    %mul3A_307 = arith.constant 32 : i32
    %mul3A_308 = arith.muli %mul3A_307, %arg0 : i32
    %add3A_309 = arith.constant 8 : i32
    %add3A_310 = arith.addi %mul3A_308, %add3A_309 : i32
    %get3A_311 = arith.index_cast %add3A_310 : i32 to index
    %get3A_312 = memref.load %arg1[%get3A_311] : memref<1536xi32, #tpu.memory_space<smem>>
    %get3A_313 = arith.index_cast %get3A_312 : i32 to index
    %get3A_314 = arith.constant 0 : index
    %get3A_315 = arith.constant 0 : index
    %get3A_316 = vector.load %arg4[%get3A_313, %get3A_314, %get3A_315] : memref<1000x64x64xf32, #tpu.memory_space<vmem>>, vector<1x64x64xf32>
    %get3A_317 = vector.shape_cast %get3A_316 : vector<1x64x64xf32> to vector<64x64xf32>
    %convert_element_type3A_318 = arith.truncf %get3A_317 : vector<64x64xf32> to vector<64x64xbf16>
    %dot_general3A_319 = arith.constant dense<0.000000e+00> : vector<64x64xf32>
    %dot_general3A_320 = tpu.matmul %convert_element_type3A_301, %convert_element_type3A_318, %dot_general3A_319 {dimension_numbers = #tpu.dot_dimension_numbers<[1], [0], [0], [1], [0, 0, 1, 1], [], []>, transpose_lhs_hint = false} : vector<64x64xbf16>, vector<64x64xbf16>, vector<64x64xf32> -> vector<64x64xf32>
    %mul3A_321 = arith.mulf %dot_general3A_320, %get3A_306 : vector<64x64xf32>
    %reduce_sum3A_322 = arith.constant dense<0.000000e+00> : vector<64xf32>
    %reduce_sum3A_323 = vector.multi_reduction <add>, %mul3A_321, %reduce_sum3A_322 [1] : vector<64x64xf32> to vector<64xf32>
    %broadcast_in_dim3A_324 = vector.shape_cast %reduce_sum3A_323 : vector<64xf32> to vector<64x1xf32>
    %mul3A_325 = arith.constant 1.562500e-02 : f32
    %mul3A_326 = vector.broadcast %mul3A_325 : f32 to vector<64x1xf32>
    %mul3A_327 = arith.mulf %broadcast_in_dim3A_324, %mul3A_326 : vector<64x1xf32>
    %swap3A_328 = arith.constant 8 : index
    %swap3A_329 = arith.constant 0 : index
    %swap3A_330 = arith.constant 0 : index
    %swap3A_331 = vector.load %arg5[%swap3A_328, %swap3A_329, %swap3A_330] : memref<32x64x1xf32, #tpu.memory_space<vmem>>, vector<1x64x1xf32>
    %swap3A_332 = vector.shape_cast %swap3A_331 : vector<1x64x1xf32> to vector<64x1xf32>
    %swap3A_333 = vector.shape_cast %mul3A_327 : vector<64x1xf32> to vector<1x64x1xf32>
    tpu.vector_store %arg5[%swap3A_328, %swap3A_329, %swap3A_330], %swap3A_333 {strides = array<i32>} : memref<32x64x1xf32, #tpu.memory_space<vmem>>, vector<1x64x1xf32>,
    %get3A_334 = arith.constant 9 : index
    %get3A_335 = arith.constant 0 : index
    %get3A_336 = arith.constant 0 : index
    %get3A_337 = vector.load %arg2[%get3A_334, %get3A_335, %get3A_336] : memref<32x64x64xf32, #tpu.memory_space<vmem>>, vector<1x64x64xf32>
    %get3A_338 = vector.shape_cast %get3A_337 : vector<1x64x64xf32> to vector<64x64xf32>
    %convert_element_type3A_339 = arith.truncf %get3A_338 : vector<64x64xf32> to vector<64x64xbf16>
    %get3A_340 = arith.constant 9 : index
    %get3A_341 = arith.constant 0 : index
    %get3A_342 = arith.constant 0 : index
    %get3A_343 = vector.load %arg3[%get3A_340, %get3A_341, %get3A_342] : memref<32x64x64xf32, #tpu.memory_space<vmem>>, vector<1x64x64xf32>
    %get3A_344 = vector.shape_cast %get3A_343 : vector<1x64x64xf32> to vector<64x64xf32>
    %mul3A_345 = arith.constant 32 : i32
    %mul3A_346 = arith.muli %mul3A_345, %arg0 : i32
    %add3A_347 = arith.constant 9 : i32
    %add3A_348 = arith.addi %mul3A_346, %add3A_347 : i32
    %get3A_349 = arith.index_cast %add3A_348 : i32 to index
    %get3A_350 = memref.load %arg1[%get3A_349] : memref<1536xi32, #tpu.memory_space<smem>>
    %get3A_351 = arith.index_cast %get3A_350 : i32 to index
    %get3A_352 = arith.constant 0 : index
    %get3A_353 = arith.constant 0 : index
    %get3A_354 = vector.load %arg4[%get3A_351, %get3A_352, %get3A_353] : memref<1000x64x64xf32, #tpu.memory_space<vmem>>, vector<1x64x64xf32>
    %get3A_355 = vector.shape_cast %get3A_354 : vector<1x64x64xf32> to vector<64x64xf32>
    %convert_element_type3A_356 = arith.truncf %get3A_355 : vector<64x64xf32> to vector<64x64xbf16>
    %dot_general3A_357 = arith.constant dense<0.000000e+00> : vector<64x64xf32>
    %dot_general3A_358 = tpu.matmul %convert_element_type3A_339, %convert_element_type3A_356, %dot_general3A_357 {dimension_numbers = #tpu.dot_dimension_numbers<[1], [0], [0], [1], [0, 0, 1, 1], [], []>, transpose_lhs_hint = false} : vector<64x64xbf16>, vector<64x64xbf16>, vector<64x64xf32> -> vector<64x64xf32>
    %mul3A_359 = arith.mulf %dot_general3A_358, %get3A_344 : vector<64x64xf32>
    %reduce_sum3A_360 = arith.constant dense<0.000000e+00> : vector<64xf32>
    %reduce_sum3A_361 = vector.multi_reduction <add>, %mul3A_359, %reduce_sum3A_360 [1] : vector<64x64xf32> to vector<64xf32>
    %broadcast_in_dim3A_362 = vector.shape_cast %reduce_sum3A_361 : vector<64xf32> to vector<64x1xf32>
    %mul3A_363 = arith.constant 1.562500e-02 : f32
    %mul3A_364 = vector.broadcast %mul3A_363 : f32 to vector<64x1xf32>
    %mul3A_365 = arith.mulf %broadcast_in_dim3A_362, %mul3A_364 : vector<64x1xf32>
    %swap3A_366 = arith.constant 9 : index
    %swap3A_367 = arith.constant 0 : index
    %swap3A_368 = arith.constant 0 : index
    %swap3A_369 = vector.load %arg5[%swap3A_366, %swap3A_367, %swap3A_368] : memref<32x64x1xf32, #tpu.memory_space<vmem>>, vector<1x64x1xf32>
    %swap3A_370 = vector.shape_cast %swap3A_369 : vector<1x64x1xf32> to vector<64x1xf32>
    %swap3A_371 = vector.shape_cast %mul3A_365 : vector<64x1xf32> to vector<1x64x1xf32>
    tpu.vector_store %arg5[%swap3A_366, %swap3A_367, %swap3A_368], %swap3A_371 {strides = array<i32>} : memref<32x64x1xf32, #tpu.memory_space<vmem>>, vector<1x64x1xf32>,
    %get3A_372 = arith.constant 10 : index
    %get3A_373 = arith.constant 0 : index
    %get3A_374 = arith.constant 0 : index
    %get3A_375 = vector.load %arg2[%get3A_372, %get3A_373, %get3A_374] : memref<32x64x64xf32, #tpu.memory_space<vmem>>, vector<1x64x64xf32>
    %get3A_376 = vector.shape_cast %get3A_375 : vector<1x64x64xf32> to vector<64x64xf32>
    %convert_element_type3A_377 = arith.truncf %get3A_376 : vector<64x64xf32> to vector<64x64xbf16>
    %get3A_378 = arith.constant 10 : index
    %get3A_379 = arith.constant 0 : index
    %get3A_380 = arith.constant 0 : index
    %get3A_381 = vector.load %arg3[%get3A_378, %get3A_379, %get3A_380] : memref<32x64x64xf32, #tpu.memory_space<vmem>>, vector<1x64x64xf32>
    %get3A_382 = vector.shape_cast %get3A_381 : vector<1x64x64xf32> to vector<64x64xf32>
    %mul3A_383 = arith.constant 32 : i32
    %mul3A_384 = arith.muli %mul3A_383, %arg0 : i32
    %add3A_385 = arith.constant 10 : i32
    %add3A_386 = arith.addi %mul3A_384, %add3A_385 : i32
    %get3A_387 = arith.index_cast %add3A_386 : i32 to index
    %get3A_388 = memref.load %arg1[%get3A_387] : memref<1536xi32, #tpu.memory_space<smem>>
    %get3A_389 = arith.index_cast %get3A_388 : i32 to index
    %get3A_390 = arith.constant 0 : index
    %get3A_391 = arith.constant 0 : index
    %get3A_392 = vector.load %arg4[%get3A_389, %get3A_390, %get3A_391] : memref<1000x64x64xf32, #tpu.memory_space<vmem>>, vector<1x64x64xf32>
    %get3A_393 = vector.shape_cast %get3A_392 : vector<1x64x64xf32> to vector<64x64xf32>
    %convert_element_type3A_394 = arith.truncf %get3A_393 : vector<64x64xf32> to vector<64x64xbf16>
    %dot_general3A_395 = arith.constant dense<0.000000e+00> : vector<64x64xf32>
    %dot_general3A_396 = tpu.matmul %convert_element_type3A_377, %convert_element_type3A_394, %dot_general3A_395 {dimension_numbers = #tpu.dot_dimension_numbers<[1], [0], [0], [1], [0, 0, 1, 1], [], []>, transpose_lhs_hint = false} : vector<64x64xbf16>, vector<64x64xbf16>, vector<64x64xf32> -> vector<64x64xf32>
    %mul3A_397 = arith.mulf %dot_general3A_396, %get3A_382 : vector<64x64xf32>
    %reduce_sum3A_398 = arith.constant dense<0.000000e+00> : vector<64xf32>
    %reduce_sum3A_399 = vector.multi_reduction <add>, %mul3A_397, %reduce_sum3A_398 [1] : vector<64x64xf32> to vector<64xf32>
    %broadcast_in_dim3A_400 = vector.shape_cast %reduce_sum3A_399 : vector<64xf32> to vector<64x1xf32>
    %mul3A_401 = arith.constant 1.562500e-02 : f32
    %mul3A_402 = vector.broadcast %mul3A_401 : f32 to vector<64x1xf32>
    %mul3A_403 = arith.mulf %broadcast_in_dim3A_400, %mul3A_402 : vector<64x1xf32>
    %swap3A_404 = arith.constant 10 : index
    %swap3A_405 = arith.constant 0 : index
    %swap3A_406 = arith.constant 0 : index
    %swap3A_407 = vector.load %arg5[%swap3A_404, %swap3A_405, %swap3A_406] : memref<32x64x1xf32, #tpu.memory_space<vmem>>, vector<1x64x1xf32>
    %swap3A_408 = vector.shape_cast %swap3A_407 : vector<1x64x1xf32> to vector<64x1xf32>
    %swap3A_409 = vector.shape_cast %mul3A_403 : vector<64x1xf32> to vector<1x64x1xf32>
    tpu.vector_store %arg5[%swap3A_404, %swap3A_405, %swap3A_406], %swap3A_409 {strides = array<i32>} : memref<32x64x1xf32, #tpu.memory_space<vmem>>, vector<1x64x1xf32>,
    %get3A_410 = arith.constant 11 : index
    %get3A_411 = arith.constant 0 : index
    %get3A_412 = arith.constant 0 : index
    %get3A_413 = vector.load %arg2[%get3A_410, %get3A_411, %get3A_412] : memref<32x64x64xf32, #tpu.memory_space<vmem>>, vector<1x64x64xf32>
    %get3A_414 = vector.shape_cast %get3A_413 : vector<1x64x64xf32> to vector<64x64xf32>
    %convert_element_type3A_415 = arith.truncf %get3A_414 : vector<64x64xf32> to vector<64x64xbf16>
    %get3A_416 = arith.constant 11 : index
    %get3A_417 = arith.constant 0 : index
    %get3A_418 = arith.constant 0 : index
    %get3A_419 = vector.load %arg3[%get3A_416, %get3A_417, %get3A_418] : memref<32x64x64xf32, #tpu.memory_space<vmem>>, vector<1x64x64xf32>
    %get3A_420 = vector.shape_cast %get3A_419 : vector<1x64x64xf32> to vector<64x64xf32>
    %mul3A_421 = arith.constant 32 : i32
    %mul3A_422 = arith.muli %mul3A_421, %arg0 : i32
    %add3A_423 = arith.constant 11 : i32
    %add3A_424 = arith.addi %mul3A_422, %add3A_423 : i32
    %get3A_425 = arith.index_cast %add3A_424 : i32 to index
    %get3A_426 = memref.load %arg1[%get3A_425] : memref<1536xi32, #tpu.memory_space<smem>>
    %get3A_427 = arith.index_cast %get3A_426 : i32 to index
    %get3A_428 = arith.constant 0 : index
    %get3A_429 = arith.constant 0 : index
    %get3A_430 = vector.load %arg4[%get3A_427, %get3A_428, %get3A_429] : memref<1000x64x64xf32, #tpu.memory_space<vmem>>, vector<1x64x64xf32>
    %get3A_431 = vector.shape_cast %get3A_430 : vector<1x64x64xf32> to vector<64x64xf32>
    %convert_element_type3A_432 = arith.truncf %get3A_431 : vector<64x64xf32> to vector<64x64xbf16>
    %dot_general3A_433 = arith.constant dense<0.000000e+00> : vector<64x64xf32>
    %dot_general3A_434 = tpu.matmul %convert_element_type3A_415, %convert_element_type3A_432, %dot_general3A_433 {dimension_numbers = #tpu.dot_dimension_numbers<[1], [0], [0], [1], [0, 0, 1, 1], [], []>, transpose_lhs_hint = false} : vector<64x64xbf16>, vector<64x64xbf16>, vector<64x64xf32> -> vector<64x64xf32>
    %mul3A_435 = arith.mulf %dot_general3A_434, %get3A_420 : vector<64x64xf32>
    %reduce_sum3A_436 = arith.constant dense<0.000000e+00> : vector<64xf32>
    %reduce_sum3A_437 = vector.multi_reduction <add>, %mul3A_435, %reduce_sum3A_436 [1] : vector<64x64xf32> to vector<64xf32>
    %broadcast_in_dim3A_438 = vector.shape_cast %reduce_sum3A_437 : vector<64xf32> to vector<64x1xf32>
    %mul3A_439 = arith.constant 1.562500e-02 : f32
    %mul3A_440 = vector.broadcast %mul3A_439 : f32 to vector<64x1xf32>
    %mul3A_441 = arith.mulf %broadcast_in_dim3A_438, %mul3A_440 : vector<64x1xf32>
    %swap3A_442 = arith.constant 11 : index
    %swap3A_443 = arith.constant 0 : index
    %swap3A_444 = arith.constant 0 : index
    %swap3A_445 = vector.load %arg5[%swap3A_442, %swap3A_443, %swap3A_444] : memref<32x64x1xf32, #tpu.memory_space<vmem>>, vector<1x64x1xf32>
    %swap3A_446 = vector.shape_cast %swap3A_445 : vector<1x64x1xf32> to vector<64x1xf32>
    %swap3A_447 = vector.shape_cast %mul3A_441 : vector<64x1xf32> to vector<1x64x1xf32>
    tpu.vector_store %arg5[%swap3A_442, %swap3A_443, %swap3A_444], %swap3A_447 {strides = array<i32>} : memref<32x64x1xf32, #tpu.memory_space<vmem>>, vector<1x64x1xf32>,
    %get3A_448 = arith.constant 12 : index
    %get3A_449 = arith.constant 0 : index
    %get3A_450 = arith.constant 0 : index
    %get3A_451 = vector.load %arg2[%get3A_448, %get3A_449, %get3A_450] : memref<32x64x64xf32, #tpu.memory_space<vmem>>, vector<1x64x64xf32>
    %get3A_452 = vector.shape_cast %get3A_451 : vector<1x64x64xf32> to vector<64x64xf32>
    %convert_element_type3A_453 = arith.truncf %get3A_452 : vector<64x64xf32> to vector<64x64xbf16>
    %get3A_454 = arith.constant 12 : index
    %get3A_455 = arith.constant 0 : index
    %get3A_456 = arith.constant 0 : index
    %get3A_457 = vector.load %arg3[%get3A_454, %get3A_455, %get3A_456] : memref<32x64x64xf32, #tpu.memory_space<vmem>>, vector<1x64x64xf32>
    %get3A_458 = vector.shape_cast %get3A_457 : vector<1x64x64xf32> to vector<64x64xf32>
    %mul3A_459 = arith.constant 32 : i32
    %mul3A_460 = arith.muli %mul3A_459, %arg0 : i32
    %add3A_461 = arith.constant 12 : i32
    %add3A_462 = arith.addi %mul3A_460, %add3A_461 : i32
    %get3A_463 = arith.index_cast %add3A_462 : i32 to index
    %get3A_464 = memref.load %arg1[%get3A_463] : memref<1536xi32, #tpu.memory_space<smem>>
    %get3A_465 = arith.index_cast %get3A_464 : i32 to index
    %get3A_466 = arith.constant 0 : index
    %get3A_467 = arith.constant 0 : index
    %get3A_468 = vector.load %arg4[%get3A_465, %get3A_466, %get3A_467] : memref<1000x64x64xf32, #tpu.memory_space<vmem>>, vector<1x64x64xf32>
    %get3A_469 = vector.shape_cast %get3A_468 : vector<1x64x64xf32> to vector<64x64xf32>
    %convert_element_type3A_470 = arith.truncf %get3A_469 : vector<64x64xf32> to vector<64x64xbf16>
    %dot_general3A_471 = arith.constant dense<0.000000e+00> : vector<64x64xf32>
    %dot_general3A_472 = tpu.matmul %convert_element_type3A_453, %convert_element_type3A_470, %dot_general3A_471 {dimension_numbers = #tpu.dot_dimension_numbers<[1], [0], [0], [1], [0, 0, 1, 1], [], []>, transpose_lhs_hint = false} : vector<64x64xbf16>, vector<64x64xbf16>, vector<64x64xf32> -> vector<64x64xf32>
    %mul3A_473 = arith.mulf %dot_general3A_472, %get3A_458 : vector<64x64xf32>
    %reduce_sum3A_474 = arith.constant dense<0.000000e+00> : vector<64xf32>
    %reduce_sum3A_475 = vector.multi_reduction <add>, %mul3A_473, %reduce_sum3A_474 [1] : vector<64x64xf32> to vector<64xf32>
    %broadcast_in_dim3A_476 = vector.shape_cast %reduce_sum3A_475 : vector<64xf32> to vector<64x1xf32>
    %mul3A_477 = arith.constant 1.562500e-02 : f32
    %mul3A_478 = vector.broadcast %mul3A_477 : f32 to vector<64x1xf32>
    %mul3A_479 = arith.mulf %broadcast_in_dim3A_476, %mul3A_478 : vector<64x1xf32>
    %swap3A_480 = arith.constant 12 : index
    %swap3A_481 = arith.constant 0 : index
    %swap3A_482 = arith.constant 0 : index
    %swap3A_483 = vector.load %arg5[%swap3A_480, %swap3A_481, %swap3A_482] : memref<32x64x1xf32, #tpu.memory_space<vmem>>, vector<1x64x1xf32>
    %swap3A_484 = vector.shape_cast %swap3A_483 : vector<1x64x1xf32> to vector<64x1xf32>
    %swap3A_485 = vector.shape_cast %mul3A_479 : vector<64x1xf32> to vector<1x64x1xf32>
    tpu.vector_store %arg5[%swap3A_480, %swap3A_481, %swap3A_482], %swap3A_485 {strides = array<i32>} : memref<32x64x1xf32, #tpu.memory_space<vmem>>, vector<1x64x1xf32>,
    %get3A_486 = arith.constant 13 : index
    %get3A_487 = arith.constant 0 : index
    %get3A_488 = arith.constant 0 : index
    %get3A_489 = vector.load %arg2[%get3A_486, %get3A_487, %get3A_488] : memref<32x64x64xf32, #tpu.memory_space<vmem>>, vector<1x64x64xf32>
    %get3A_490 = vector.shape_cast %get3A_489 : vector<1x64x64xf32> to vector<64x64xf32>
    %convert_element_type3A_491 = arith.truncf %get3A_490 : vector<64x64xf32> to vector<64x64xbf16>
    %get3A_492 = arith.constant 13 : index
    %get3A_493 = arith.constant 0 : index
    %get3A_494 = arith.constant 0 : index
    %get3A_495 = vector.load %arg3[%get3A_492, %get3A_493, %get3A_494] : memref<32x64x64xf32, #tpu.memory_space<vmem>>, vector<1x64x64xf32>
    %get3A_496 = vector.shape_cast %get3A_495 : vector<1x64x64xf32> to vector<64x64xf32>
    %mul3A_497 = arith.constant 32 : i32
    %mul3A_498 = arith.muli %mul3A_497, %arg0 : i32
    %add3A_499 = arith.constant 13 : i32
    %add3A_500 = arith.addi %mul3A_498, %add3A_499 : i32
    %get3A_501 = arith.index_cast %add3A_500 : i32 to index
    %get3A_502 = memref.load %arg1[%get3A_501] : memref<1536xi32, #tpu.memory_space<smem>>
    %get3A_503 = arith.index_cast %get3A_502 : i32 to index
    %get3A_504 = arith.constant 0 : index
    %get3A_505 = arith.constant 0 : index
    %get3A_506 = vector.load %arg4[%get3A_503, %get3A_504, %get3A_505] : memref<1000x64x64xf32, #tpu.memory_space<vmem>>, vector<1x64x64xf32>
    %get3A_507 = vector.shape_cast %get3A_506 : vector<1x64x64xf32> to vector<64x64xf32>
    %convert_element_type3A_508 = arith.truncf %get3A_507 : vector<64x64xf32> to vector<64x64xbf16>
    %dot_general3A_509 = arith.constant dense<0.000000e+00> : vector<64x64xf32>
    %dot_general3A_510 = tpu.matmul %convert_element_type3A_491, %convert_element_type3A_508, %dot_general3A_509 {dimension_numbers = #tpu.dot_dimension_numbers<[1], [0], [0], [1], [0, 0, 1, 1], [], []>, transpose_lhs_hint = false} : vector<64x64xbf16>, vector<64x64xbf16>, vector<64x64xf32> -> vector<64x64xf32>
    %mul3A_511 = arith.mulf %dot_general3A_510, %get3A_496 : vector<64x64xf32>
    %reduce_sum3A_512 = arith.constant dense<0.000000e+00> : vector<64xf32>
    %reduce_sum3A_513 = vector.multi_reduction <add>, %mul3A_511, %reduce_sum3A_512 [1] : vector<64x64xf32> to vector<64xf32>
    %broadcast_in_dim3A_514 = vector.shape_cast %reduce_sum3A_513 : vector<64xf32> to vector<64x1xf32>
    %mul3A_515 = arith.constant 1.562500e-02 : f32
    %mul3A_516 = vector.broadcast %mul3A_515 : f32 to vector<64x1xf32>
    %mul3A_517 = arith.mulf %broadcast_in_dim3A_514, %mul3A_516 : vector<64x1xf32>
    %swap3A_518 = arith.constant 13 : index
    %swap3A_519 = arith.constant 0 : index
    %swap3A_520 = arith.constant 0 : index
    %swap3A_521 = vector.load %arg5[%swap3A_518, %swap3A_519, %swap3A_520] : memref<32x64x1xf32, #tpu.memory_space<vmem>>, vector<1x64x1xf32>
    %swap3A_522 = vector.shape_cast %swap3A_521 : vector<1x64x1xf32> to vector<64x1xf32>
    %swap3A_523 = vector.shape_cast %mul3A_517 : vector<64x1xf32> to vector<1x64x1xf32>
    tpu.vector_store %arg5[%swap3A_518, %swap3A_519, %swap3A_520], %swap3A_523 {strides = array<i32>} : memref<32x64x1xf32, #tpu.memory_space<vmem>>, vector<1x64x1xf32>,
    %get3A_524 = arith.constant 14 : index
    %get3A_525 = arith.constant 0 : index
    %get3A_526 = arith.constant 0 : index
    %get3A_527 = vector.load %arg2[%get3A_524, %get3A_525, %get3A_526] : memref<32x64x64xf32, #tpu.memory_space<vmem>>, vector<1x64x64xf32>
    %get3A_528 = vector.shape_cast %get3A_527 : vector<1x64x64xf32> to vector<64x64xf32>
    %convert_element_type3A_529 = arith.truncf %get3A_528 : vector<64x64xf32> to vector<64x64xbf16>
    %get3A_530 = arith.constant 14 : index
    %get3A_531 = arith.constant 0 : index
    %get3A_532 = arith.constant 0 : index
    %get3A_533 = vector.load %arg3[%get3A_530, %get3A_531, %get3A_532] : memref<32x64x64xf32, #tpu.memory_space<vmem>>, vector<1x64x64xf32>
    %get3A_534 = vector.shape_cast %get3A_533 : vector<1x64x64xf32> to vector<64x64xf32>
    %mul3A_535 = arith.constant 32 : i32
    %mul3A_536 = arith.muli %mul3A_535, %arg0 : i32
    %add3A_537 = arith.constant 14 : i32
    %add3A_538 = arith.addi %mul3A_536, %add3A_537 : i32
    %get3A_539 = arith.index_cast %add3A_538 : i32 to index
    %get3A_540 = memref.load %arg1[%get3A_539] : memref<1536xi32, #tpu.memory_space<smem>>
    %get3A_541 = arith.index_cast %get3A_540 : i32 to index
    %get3A_542 = arith.constant 0 : index
    %get3A_543 = arith.constant 0 : index
    %get3A_544 = vector.load %arg4[%get3A_541, %get3A_542, %get3A_543] : memref<1000x64x64xf32, #tpu.memory_space<vmem>>, vector<1x64x64xf32>
    %get3A_545 = vector.shape_cast %get3A_544 : vector<1x64x64xf32> to vector<64x64xf32>
    %convert_element_type3A_546 = arith.truncf %get3A_545 : vector<64x64xf32> to vector<64x64xbf16>
    %dot_general3A_547 = arith.constant dense<0.000000e+00> : vector<64x64xf32>
    %dot_general3A_548 = tpu.matmul %convert_element_type3A_529, %convert_element_type3A_546, %dot_general3A_547 {dimension_numbers = #tpu.dot_dimension_numbers<[1], [0], [0], [1], [0, 0, 1, 1], [], []>, transpose_lhs_hint = false} : vector<64x64xbf16>, vector<64x64xbf16>, vector<64x64xf32> -> vector<64x64xf32>
    %mul3A_549 = arith.mulf %dot_general3A_548, %get3A_534 : vector<64x64xf32>
    %reduce_sum3A_550 = arith.constant dense<0.000000e+00> : vector<64xf32>
    %reduce_sum3A_551 = vector.multi_reduction <add>, %mul3A_549, %reduce_sum3A_550 [1] : vector<64x64xf32> to vector<64xf32>
    %broadcast_in_dim3A_552 = vector.shape_cast %reduce_sum3A_551 : vector<64xf32> to vector<64x1xf32>
    %mul3A_553 = arith.constant 1.562500e-02 : f32
    %mul3A_554 = vector.broadcast %mul3A_553 : f32 to vector<64x1xf32>
    %mul3A_555 = arith.mulf %broadcast_in_dim3A_552, %mul3A_554 : vector<64x1xf32>
    %swap3A_556 = arith.constant 14 : index
    %swap3A_557 = arith.constant 0 : index
    %swap3A_558 = arith.constant 0 : index
    %swap3A_559 = vector.load %arg5[%swap3A_556, %swap3A_557, %swap3A_558] : memref<32x64x1xf32, #tpu.memory_space<vmem>>, vector<1x64x1xf32>
    %swap3A_560 = vector.shape_cast %swap3A_559 : vector<1x64x1xf32> to vector<64x1xf32>
    %swap3A_561 = vector.shape_cast %mul3A_555 : vector<64x1xf32> to vector<1x64x1xf32>
    tpu.vector_store %arg5[%swap3A_556, %swap3A_557, %swap3A_558], %swap3A_561 {strides = array<i32>} : memref<32x64x1xf32, #tpu.memory_space<vmem>>, vector<1x64x1xf32>,
    %get3A_562 = arith.constant 15 : index
    %get3A_563 = arith.constant 0 : index
    %get3A_564 = arith.constant 0 : index
    %get3A_565 = vector.load %arg2[%get3A_562, %get3A_563, %get3A_564] : memref<32x64x64xf32, #tpu.memory_space<vmem>>, vector<1x64x64xf32>
    %get3A_566 = vector.shape_cast %get3A_565 : vector<1x64x64xf32> to vector<64x64xf32>
    %convert_element_type3A_567 = arith.truncf %get3A_566 : vector<64x64xf32> to vector<64x64xbf16>
    %get3A_568 = arith.constant 15 : index
    %get3A_569 = arith.constant 0 : index
    %get3A_570 = arith.constant 0 : index
    %get3A_571 = vector.load %arg3[%get3A_568, %get3A_569, %get3A_570] : memref<32x64x64xf32, #tpu.memory_space<vmem>>, vector<1x64x64xf32>
    %get3A_572 = vector.shape_cast %get3A_571 : vector<1x64x64xf32> to vector<64x64xf32>
    %mul3A_573 = arith.constant 32 : i32
    %mul3A_574 = arith.muli %mul3A_573, %arg0 : i32
    %add3A_575 = arith.constant 15 : i32
    %add3A_576 = arith.addi %mul3A_574, %add3A_575 : i32
    %get3A_577 = arith.index_cast %add3A_576 : i32 to index
    %get3A_578 = memref.load %arg1[%get3A_577] : memref<1536xi32, #tpu.memory_space<smem>>
    %get3A_579 = arith.index_cast %get3A_578 : i32 to index
    %get3A_580 = arith.constant 0 : index
    %get3A_581 = arith.constant 0 : index
    %get3A_582 = vector.load %arg4[%get3A_579, %get3A_580, %get3A_581] : memref<1000x64x64xf32, #tpu.memory_space<vmem>>, vector<1x64x64xf32>
    %get3A_583 = vector.shape_cast %get3A_582 : vector<1x64x64xf32> to vector<64x64xf32>
    %convert_element_type3A_584 = arith.truncf %get3A_583 : vector<64x64xf32> to vector<64x64xbf16>
    %dot_general3A_585 = arith.constant dense<0.000000e+00> : vector<64x64xf32>
    %dot_general3A_586 = tpu.matmul %convert_element_type3A_567, %convert_element_type3A_584, %dot_general3A_585 {dimension_numbers = #tpu.dot_dimension_numbers<[1], [0], [0], [1], [0, 0, 1, 1], [], []>, transpose_lhs_hint = false} : vector<64x64xbf16>, vector<64x64xbf16>, vector<64x64xf32> -> vector<64x64xf32>
    %mul3A_587 = arith.mulf %dot_general3A_586, %get3A_572 : vector<64x64xf32>
    %reduce_sum3A_588 = arith.constant dense<0.000000e+00> : vector<64xf32>
    %reduce_sum3A_589 = vector.multi_reduction <add>, %mul3A_587, %reduce_sum3A_588 [1] : vector<64x64xf32> to vector<64xf32>
    %broadcast_in_dim3A_590 = vector.shape_cast %reduce_sum3A_589 : vector<64xf32> to vector<64x1xf32>
    %mul3A_591 = arith.constant 1.562500e-02 : f32
    %mul3A_592 = vector.broadcast %mul3A_591 : f32 to vector<64x1xf32>
    %mul3A_593 = arith.mulf %broadcast_in_dim3A_590, %mul3A_592 : vector<64x1xf32>
    %swap3A_594 = arith.constant 15 : index
    %swap3A_595 = arith.constant 0 : index
    %swap3A_596 = arith.constant 0 : index
    %swap3A_597 = vector.load %arg5[%swap3A_594, %swap3A_595, %swap3A_596] : memref<32x64x1xf32, #tpu.memory_space<vmem>>, vector<1x64x1xf32>
    %swap3A_598 = vector.shape_cast %swap3A_597 : vector<1x64x1xf32> to vector<64x1xf32>
    %swap3A_599 = vector.shape_cast %mul3A_593 : vector<64x1xf32> to vector<1x64x1xf32>
    tpu.vector_store %arg5[%swap3A_594, %swap3A_595, %swap3A_596], %swap3A_599 {strides = array<i32>} : memref<32x64x1xf32, #tpu.memory_space<vmem>>, vector<1x64x1xf32>,
    %get3A_600 = arith.constant 16 : index
    %get3A_601 = arith.constant 0 : index
    %get3A_602 = arith.constant 0 : index
    %get3A_603 = vector.load %arg2[%get3A_600, %get3A_601, %get3A_602] : memref<32x64x64xf32, #tpu.memory_space<vmem>>, vector<1x64x64xf32>
    %get3A_604 = vector.shape_cast %get3A_603 : vector<1x64x64xf32> to vector<64x64xf32>
    %convert_element_type3A_605 = arith.truncf %get3A_604 : vector<64x64xf32> to vector<64x64xbf16>
    %get3A_606 = arith.constant 16 : index
    %get3A_607 = arith.constant 0 : index
    %get3A_608 = arith.constant 0 : index
    %get3A_609 = vector.load %arg3[%get3A_606, %get3A_607, %get3A_608] : memref<32x64x64xf32, #tpu.memory_space<vmem>>, vector<1x64x64xf32>
    %get3A_610 = vector.shape_cast %get3A_609 : vector<1x64x64xf32> to vector<64x64xf32>
    %mul3A_611 = arith.constant 32 : i32
    %mul3A_612 = arith.muli %mul3A_611, %arg0 : i32
    %add3A_613 = arith.constant 16 : i32
    %add3A_614 = arith.addi %mul3A_612, %add3A_613 : i32
    %get3A_615 = arith.index_cast %add3A_614 : i32 to index
    %get3A_616 = memref.load %arg1[%get3A_615] : memref<1536xi32, #tpu.memory_space<smem>>
    %get3A_617 = arith.index_cast %get3A_616 : i32 to index
    %get3A_618 = arith.constant 0 : index
    %get3A_619 = arith.constant 0 : index
    %get3A_620 = vector.load %arg4[%get3A_617, %get3A_618, %get3A_619] : memref<1000x64x64xf32, #tpu.memory_space<vmem>>, vector<1x64x64xf32>
    %get3A_621 = vector.shape_cast %get3A_620 : vector<1x64x64xf32> to vector<64x64xf32>
    %convert_element_type3A_622 = arith.truncf %get3A_621 : vector<64x64xf32> to vector<64x64xbf16>
    %dot_general3A_623 = arith.constant dense<0.000000e+00> : vector<64x64xf32>
    %dot_general3A_624 = tpu.matmul %convert_element_type3A_605, %convert_element_type3A_622, %dot_general3A_623 {dimension_numbers = #tpu.dot_dimension_numbers<[1], [0], [0], [1], [0, 0, 1, 1], [], []>, transpose_lhs_hint = false} : vector<64x64xbf16>, vector<64x64xbf16>, vector<64x64xf32> -> vector<64x64xf32>
    %mul3A_625 = arith.mulf %dot_general3A_624, %get3A_610 : vector<64x64xf32>
    %reduce_sum3A_626 = arith.constant dense<0.000000e+00> : vector<64xf32>
    %reduce_sum3A_627 = vector.multi_reduction <add>, %mul3A_625, %reduce_sum3A_626 [1] : vector<64x64xf32> to vector<64xf32>
    %broadcast_in_dim3A_628 = vector.shape_cast %reduce_sum3A_627 : vector<64xf32> to vector<64x1xf32>
    %mul3A_629 = arith.constant 1.562500e-02 : f32
    %mul3A_630 = vector.broadcast %mul3A_629 : f32 to vector<64x1xf32>
    %mul3A_631 = arith.mulf %broadcast_in_dim3A_628, %mul3A_630 : vector<64x1xf32>
    %swap3A_632 = arith.constant 16 : index
    %swap3A_633 = arith.constant 0 : index
    %swap3A_634 = arith.constant 0 : index
    %swap3A_635 = vector.load %arg5[%swap3A_632, %swap3A_633, %swap3A_634] : memref<32x64x1xf32, #tpu.memory_space<vmem>>, vector<1x64x1xf32>
    %swap3A_636 = vector.shape_cast %swap3A_635 : vector<1x64x1xf32> to vector<64x1xf32>
    %swap3A_637 = vector.shape_cast %mul3A_631 : vector<64x1xf32> to vector<1x64x1xf32>
    tpu.vector_store %arg5[%swap3A_632, %swap3A_633, %swap3A_634], %swap3A_637 {strides = array<i32>} : memref<32x64x1xf32, #tpu.memory_space<vmem>>, vector<1x64x1xf32>,
    %get3A_638 = arith.constant 17 : index
    %get3A_639 = arith.constant 0 : index
    %get3A_640 = arith.constant 0 : index
    %get3A_641 = vector.load %arg2[%get3A_638, %get3A_639, %get3A_640] : memref<32x64x64xf32, #tpu.memory_space<vmem>>, vector<1x64x64xf32>
    %get3A_642 = vector.shape_cast %get3A_641 : vector<1x64x64xf32> to vector<64x64xf32>
    %convert_element_type3A_643 = arith.truncf %get3A_642 : vector<64x64xf32> to vector<64x64xbf16>
    %get3A_644 = arith.constant 17 : index
    %get3A_645 = arith.constant 0 : index
    %get3A_646 = arith.constant 0 : index
    %get3A_647 = vector.load %arg3[%get3A_644, %get3A_645, %get3A_646] : memref<32x64x64xf32, #tpu.memory_space<vmem>>, vector<1x64x64xf32>
    %get3A_648 = vector.shape_cast %get3A_647 : vector<1x64x64xf32> to vector<64x64xf32>
    %mul3A_649 = arith.constant 32 : i32
    %mul3A_650 = arith.muli %mul3A_649, %arg0 : i32
    %add3A_651 = arith.constant 17 : i32
    %add3A_652 = arith.addi %mul3A_650, %add3A_651 : i32
    %get3A_653 = arith.index_cast %add3A_652 : i32 to index
    %get3A_654 = memref.load %arg1[%get3A_653] : memref<1536xi32, #tpu.memory_space<smem>>
    %get3A_655 = arith.index_cast %get3A_654 : i32 to index
    %get3A_656 = arith.constant 0 : index
    %get3A_657 = arith.constant 0 : index
    %get3A_658 = vector.load %arg4[%get3A_655, %get3A_656, %get3A_657] : memref<1000x64x64xf32, #tpu.memory_space<vmem>>, vector<1x64x64xf32>
    %get3A_659 = vector.shape_cast %get3A_658 : vector<1x64x64xf32> to vector<64x64xf32>
    %convert_element_type3A_660 = arith.truncf %get3A_659 : vector<64x64xf32> to vector<64x64xbf16>
    %dot_general3A_661 = arith.constant dense<0.000000e+00> : vector<64x64xf32>
    %dot_general3A_662 = tpu.matmul %convert_element_type3A_643, %convert_element_type3A_660, %dot_general3A_661 {dimension_numbers = #tpu.dot_dimension_numbers<[1], [0], [0], [1], [0, 0, 1, 1], [], []>, transpose_lhs_hint = false} : vector<64x64xbf16>, vector<64x64xbf16>, vector<64x64xf32> -> vector<64x64xf32>
    %mul3A_663 = arith.mulf %dot_general3A_662, %get3A_648 : vector<64x64xf32>
    %reduce_sum3A_664 = arith.constant dense<0.000000e+00> : vector<64xf32>
    %reduce_sum3A_665 = vector.multi_reduction <add>, %mul3A_663, %reduce_sum3A_664 [1] : vector<64x64xf32> to vector<64xf32>
    %broadcast_in_dim3A_666 = vector.shape_cast %reduce_sum3A_665 : vector<64xf32> to vector<64x1xf32>
    %mul3A_667 = arith.constant 1.562500e-02 : f32
    %mul3A_668 = vector.broadcast %mul3A_667 : f32 to vector<64x1xf32>
    %mul3A_669 = arith.mulf %broadcast_in_dim3A_666, %mul3A_668 : vector<64x1xf32>
    %swap3A_670 = arith.constant 17 : index
    %swap3A_671 = arith.constant 0 : index
    %swap3A_672 = arith.constant 0 : index
    %swap3A_673 = vector.load %arg5[%swap3A_670, %swap3A_671, %swap3A_672] : memref<32x64x1xf32, #tpu.memory_space<vmem>>, vector<1x64x1xf32>
    %swap3A_674 = vector.shape_cast %swap3A_673 : vector<1x64x1xf32> to vector<64x1xf32>
    %swap3A_675 = vector.shape_cast %mul3A_669 : vector<64x1xf32> to vector<1x64x1xf32>
    tpu.vector_store %arg5[%swap3A_670, %swap3A_671, %swap3A_672], %swap3A_675 {strides = array<i32>} : memref<32x64x1xf32, #tpu.memory_space<vmem>>, vector<1x64x1xf32>,
    %get3A_676 = arith.constant 18 : index
    %get3A_677 = arith.constant 0 : index
    %get3A_678 = arith.constant 0 : index
    %get3A_679 = vector.load %arg2[%get3A_676, %get3A_677, %get3A_678] : memref<32x64x64xf32, #tpu.memory_space<vmem>>, vector<1x64x64xf32>
    %get3A_680 = vector.shape_cast %get3A_679 : vector<1x64x64xf32> to vector<64x64xf32>
    %convert_element_type3A_681 = arith.truncf %get3A_680 : vector<64x64xf32> to vector<64x64xbf16>
    %get3A_682 = arith.constant 18 : index
    %get3A_683 = arith.constant 0 : index
    %get3A_684 = arith.constant 0 : index
    %get3A_685 = vector.load %arg3[%get3A_682, %get3A_683, %get3A_684] : memref<32x64x64xf32, #tpu.memory_space<vmem>>, vector<1x64x64xf32>
    %get3A_686 = vector.shape_cast %get3A_685 : vector<1x64x64xf32> to vector<64x64xf32>
    %mul3A_687 = arith.constant 32 : i32
    %mul3A_688 = arith.muli %mul3A_687, %arg0 : i32
    %add3A_689 = arith.constant 18 : i32
    %add3A_690 = arith.addi %mul3A_688, %add3A_689 : i32
    %get3A_691 = arith.index_cast %add3A_690 : i32 to index
    %get3A_692 = memref.load %arg1[%get3A_691] : memref<1536xi32, #tpu.memory_space<smem>>
    %get3A_693 = arith.index_cast %get3A_692 : i32 to index
    %get3A_694 = arith.constant 0 : index
    %get3A_695 = arith.constant 0 : index
    %get3A_696 = vector.load %arg4[%get3A_693, %get3A_694, %get3A_695] : memref<1000x64x64xf32, #tpu.memory_space<vmem>>, vector<1x64x64xf32>
    %get3A_697 = vector.shape_cast %get3A_696 : vector<1x64x64xf32> to vector<64x64xf32>
    %convert_element_type3A_698 = arith.truncf %get3A_697 : vector<64x64xf32> to vector<64x64xbf16>
    %dot_general3A_699 = arith.constant dense<0.000000e+00> : vector<64x64xf32>
    %dot_general3A_700 = tpu.matmul %convert_element_type3A_681, %convert_element_type3A_698, %dot_general3A_699 {dimension_numbers = #tpu.dot_dimension_numbers<[1], [0], [0], [1], [0, 0, 1, 1], [], []>, transpose_lhs_hint = false} : vector<64x64xbf16>, vector<64x64xbf16>, vector<64x64xf32> -> vector<64x64xf32>
    %mul3A_701 = arith.mulf %dot_general3A_700, %get3A_686 : vector<64x64xf32>
    %reduce_sum3A_702 = arith.constant dense<0.000000e+00> : vector<64xf32>
    %reduce_sum3A_703 = vector.multi_reduction <add>, %mul3A_701, %reduce_sum3A_702 [1] : vector<64x64xf32> to vector<64xf32>
    %broadcast_in_dim3A_704 = vector.shape_cast %reduce_sum3A_703 : vector<64xf32> to vector<64x1xf32>
    %mul3A_705 = arith.constant 1.562500e-02 : f32
    %mul3A_706 = vector.broadcast %mul3A_705 : f32 to vector<64x1xf32>
    %mul3A_707 = arith.mulf %broadcast_in_dim3A_704, %mul3A_706 : vector<64x1xf32>
    %swap3A_708 = arith.constant 18 : index
    %swap3A_709 = arith.constant 0 : index
    %swap3A_710 = arith.constant 0 : index
    %swap3A_711 = vector.load %arg5[%swap3A_708, %swap3A_709, %swap3A_710] : memref<32x64x1xf32, #tpu.memory_space<vmem>>, vector<1x64x1xf32>
    %swap3A_712 = vector.shape_cast %swap3A_711 : vector<1x64x1xf32> to vector<64x1xf32>
    %swap3A_713 = vector.shape_cast %mul3A_707 : vector<64x1xf32> to vector<1x64x1xf32>
    tpu.vector_store %arg5[%swap3A_708, %swap3A_709, %swap3A_710], %swap3A_713 {strides = array<i32>} : memref<32x64x1xf32, #tpu.memory_space<vmem>>, vector<1x64x1xf32>,
    %get3A_714 = arith.constant 19 : index
    %get3A_715 = arith.constant 0 : index
    %get3A_716 = arith.constant 0 : index
    %get3A_717 = vector.load %arg2[%get3A_714, %get3A_715, %get3A_716] : memref<32x64x64xf32, #tpu.memory_space<vmem>>, vector<1x64x64xf32>
    %get3A_718 = vector.shape_cast %get3A_717 : vector<1x64x64xf32> to vector<64x64xf32>
    %convert_element_type3A_719 = arith.truncf %get3A_718 : vector<64x64xf32> to vector<64x64xbf16>
    %get3A_720 = arith.constant 19 : index
    %get3A_721 = arith.constant 0 : index
    %get3A_722 = arith.constant 0 : index
    %get3A_723 = vector.load %arg3[%get3A_720, %get3A_721, %get3A_722] : memref<32x64x64xf32, #tpu.memory_space<vmem>>, vector<1x64x64xf32>
    %get3A_724 = vector.shape_cast %get3A_723 : vector<1x64x64xf32> to vector<64x64xf32>
    %mul3A_725 = arith.constant 32 : i32
    %mul3A_726 = arith.muli %mul3A_725, %arg0 : i32
    %add3A_727 = arith.constant 19 : i32
    %add3A_728 = arith.addi %mul3A_726, %add3A_727 : i32
    %get3A_729 = arith.index_cast %add3A_728 : i32 to index
    %get3A_730 = memref.load %arg1[%get3A_729] : memref<1536xi32, #tpu.memory_space<smem>>
    %get3A_731 = arith.index_cast %get3A_730 : i32 to index
    %get3A_732 = arith.constant 0 : index
    %get3A_733 = arith.constant 0 : index
    %get3A_734 = vector.load %arg4[%get3A_731, %get3A_732, %get3A_733] : memref<1000x64x64xf32, #tpu.memory_space<vmem>>, vector<1x64x64xf32>
    %get3A_735 = vector.shape_cast %get3A_734 : vector<1x64x64xf32> to vector<64x64xf32>
    %convert_element_type3A_736 = arith.truncf %get3A_735 : vector<64x64xf32> to vector<64x64xbf16>
    %dot_general3A_737 = arith.constant dense<0.000000e+00> : vector<64x64xf32>
    %dot_general3A_738 = tpu.matmul %convert_element_type3A_719, %convert_element_type3A_736, %dot_general3A_737 {dimension_numbers = #tpu.dot_dimension_numbers<[1], [0], [0], [1], [0, 0, 1, 1], [], []>, transpose_lhs_hint = false} : vector<64x64xbf16>, vector<64x64xbf16>, vector<64x64xf32> -> vector<64x64xf32>
    %mul3A_739 = arith.mulf %dot_general3A_738, %get3A_724 : vector<64x64xf32>
    %reduce_sum3A_740 = arith.constant dense<0.000000e+00> : vector<64xf32>
    %reduce_sum3A_741 = vector.multi_reduction <add>, %mul3A_739, %reduce_sum3A_740 [1] : vector<64x64xf32> to vector<64xf32>
    %broadcast_in_dim3A_742 = vector.shape_cast %reduce_sum3A_741 : vector<64xf32> to vector<64x1xf32>
    %mul3A_743 = arith.constant 1.562500e-02 : f32
    %mul3A_744 = vector.broadcast %mul3A_743 : f32 to vector<64x1xf32>
    %mul3A_745 = arith.mulf %broadcast_in_dim3A_742, %mul3A_744 : vector<64x1xf32>
    %swap3A_746 = arith.constant 19 : index
    %swap3A_747 = arith.constant 0 : index
    %swap3A_748 = arith.constant 0 : index
    %swap3A_749 = vector.load %arg5[%swap3A_746, %swap3A_747, %swap3A_748] : memref<32x64x1xf32, #tpu.memory_space<vmem>>, vector<1x64x1xf32>
    %swap3A_750 = vector.shape_cast %swap3A_749 : vector<1x64x1xf32> to vector<64x1xf32>
    %swap3A_751 = vector.shape_cast %mul3A_745 : vector<64x1xf32> to vector<1x64x1xf32>
    tpu.vector_store %arg5[%swap3A_746, %swap3A_747, %swap3A_748], %swap3A_751 {strides = array<i32>} : memref<32x64x1xf32, #tpu.memory_space<vmem>>, vector<1x64x1xf32>,
    %get3A_752 = arith.constant 20 : index
    %get3A_753 = arith.constant 0 : index
    %get3A_754 = arith.constant 0 : index
    %get3A_755 = vector.load %arg2[%get3A_752, %get3A_753, %get3A_754] : memref<32x64x64xf32, #tpu.memory_space<vmem>>, vector<1x64x64xf32>
    %get3A_756 = vector.shape_cast %get3A_755 : vector<1x64x64xf32> to vector<64x64xf32>
    %convert_element_type3A_757 = arith.truncf %get3A_756 : vector<64x64xf32> to vector<64x64xbf16>
    %get3A_758 = arith.constant 20 : index
    %get3A_759 = arith.constant 0 : index
    %get3A_760 = arith.constant 0 : index
    %get3A_761 = vector.load %arg3[%get3A_758, %get3A_759, %get3A_760] : memref<32x64x64xf32, #tpu.memory_space<vmem>>, vector<1x64x64xf32>
    %get3A_762 = vector.shape_cast %get3A_761 : vector<1x64x64xf32> to vector<64x64xf32>
    %mul3A_763 = arith.constant 32 : i32
    %mul3A_764 = arith.muli %mul3A_763, %arg0 : i32
    %add3A_765 = arith.constant 20 : i32
    %add3A_766 = arith.addi %mul3A_764, %add3A_765 : i32
    %get3A_767 = arith.index_cast %add3A_766 : i32 to index
    %get3A_768 = memref.load %arg1[%get3A_767] : memref<1536xi32, #tpu.memory_space<smem>>
    %get3A_769 = arith.index_cast %get3A_768 : i32 to index
    %get3A_770 = arith.constant 0 : index
    %get3A_771 = arith.constant 0 : index
    %get3A_772 = vector.load %arg4[%get3A_769, %get3A_770, %get3A_771] : memref<1000x64x64xf32, #tpu.memory_space<vmem>>, vector<1x64x64xf32>
    %get3A_773 = vector.shape_cast %get3A_772 : vector<1x64x64xf32> to vector<64x64xf32>
    %convert_element_type3A_774 = arith.truncf %get3A_773 : vector<64x64xf32> to vector<64x64xbf16>
    %dot_general3A_775 = arith.constant dense<0.000000e+00> : vector<64x64xf32>
    %dot_general3A_776 = tpu.matmul %convert_element_type3A_757, %convert_element_type3A_774, %dot_general3A_775 {dimension_numbers = #tpu.dot_dimension_numbers<[1], [0], [0], [1], [0, 0, 1, 1], [], []>, transpose_lhs_hint = false} : vector<64x64xbf16>, vector<64x64xbf16>, vector<64x64xf32> -> vector<64x64xf32>
    %mul3A_777 = arith.mulf %dot_general3A_776, %get3A_762 : vector<64x64xf32>
    %reduce_sum3A_778 = arith.constant dense<0.000000e+00> : vector<64xf32>
    %reduce_sum3A_779 = vector.multi_reduction <add>, %mul3A_777, %reduce_sum3A_778 [1] : vector<64x64xf32> to vector<64xf32>
    %broadcast_in_dim3A_780 = vector.shape_cast %reduce_sum3A_779 : vector<64xf32> to vector<64x1xf32>
    %mul3A_781 = arith.constant 1.562500e-02 : f32
    %mul3A_782 = vector.broadcast %mul3A_781 : f32 to vector<64x1xf32>
    %mul3A_783 = arith.mulf %broadcast_in_dim3A_780, %mul3A_782 : vector<64x1xf32>
    %swap3A_784 = arith.constant 20 : index
    %swap3A_785 = arith.constant 0 : index
    %swap3A_786 = arith.constant 0 : index
    %swap3A_787 = vector.load %arg5[%swap3A_784, %swap3A_785, %swap3A_786] : memref<32x64x1xf32, #tpu.memory_space<vmem>>, vector<1x64x1xf32>
    %swap3A_788 = vector.shape_cast %swap3A_787 : vector<1x64x1xf32> to vector<64x1xf32>
    %swap3A_789 = vector.shape_cast %mul3A_783 : vector<64x1xf32> to vector<1x64x1xf32>
    tpu.vector_store %arg5[%swap3A_784, %swap3A_785, %swap3A_786], %swap3A_789 {strides = array<i32>} : memref<32x64x1xf32, #tpu.memory_space<vmem>>, vector<1x64x1xf32>,
    %get3A_790 = arith.constant 21 : index
    %get3A_791 = arith.constant 0 : index
    %get3A_792 = arith.constant 0 : index
    %get3A_793 = vector.load %arg2[%get3A_790, %get3A_791, %get3A_792] : memref<32x64x64xf32, #tpu.memory_space<vmem>>, vector<1x64x64xf32>
    %get3A_794 = vector.shape_cast %get3A_793 : vector<1x64x64xf32> to vector<64x64xf32>
    %convert_element_type3A_795 = arith.truncf %get3A_794 : vector<64x64xf32> to vector<64x64xbf16>
    %get3A_796 = arith.constant 21 : index
    %get3A_797 = arith.constant 0 : index
    %get3A_798 = arith.constant 0 : index
    %get3A_799 = vector.load %arg3[%get3A_796, %get3A_797, %get3A_798] : memref<32x64x64xf32, #tpu.memory_space<vmem>>, vector<1x64x64xf32>
    %get3A_800 = vector.shape_cast %get3A_799 : vector<1x64x64xf32> to vector<64x64xf32>
    %mul3A_801 = arith.constant 32 : i32
    %mul3A_802 = arith.muli %mul3A_801, %arg0 : i32
    %add3A_803 = arith.constant 21 : i32
    %add3A_804 = arith.addi %mul3A_802, %add3A_803 : i32
    %get3A_805 = arith.index_cast %add3A_804 : i32 to index
    %get3A_806 = memref.load %arg1[%get3A_805] : memref<1536xi32, #tpu.memory_space<smem>>
    %get3A_807 = arith.index_cast %get3A_806 : i32 to index
    %get3A_808 = arith.constant 0 : index
    %get3A_809 = arith.constant 0 : index
    %get3A_810 = vector.load %arg4[%get3A_807, %get3A_808, %get3A_809] : memref<1000x64x64xf32, #tpu.memory_space<vmem>>, vector<1x64x64xf32>
    %get3A_811 = vector.shape_cast %get3A_810 : vector<1x64x64xf32> to vector<64x64xf32>
    %convert_element_type3A_812 = arith.truncf %get3A_811 : vector<64x64xf32> to vector<64x64xbf16>
    %dot_general3A_813 = arith.constant dense<0.000000e+00> : vector<64x64xf32>
    %dot_general3A_814 = tpu.matmul %convert_element_type3A_795, %convert_element_type3A_812, %dot_general3A_813 {dimension_numbers = #tpu.dot_dimension_numbers<[1], [0], [0], [1], [0, 0, 1, 1], [], []>, transpose_lhs_hint = false} : vector<64x64xbf16>, vector<64x64xbf16>, vector<64x64xf32> -> vector<64x64xf32>
    %mul3A_815 = arith.mulf %dot_general3A_814, %get3A_800 : vector<64x64xf32>
    %reduce_sum3A_816 = arith.constant dense<0.000000e+00> : vector<64xf32>
    %reduce_sum3A_817 = vector.multi_reduction <add>, %mul3A_815, %reduce_sum3A_816 [1] : vector<64x64xf32> to vector<64xf32>
    %broadcast_in_dim3A_818 = vector.shape_cast %reduce_sum3A_817 : vector<64xf32> to vector<64x1xf32>
    %mul3A_819 = arith.constant 1.562500e-02 : f32
    %mul3A_820 = vector.broadcast %mul3A_819 : f32 to vector<64x1xf32>
    %mul3A_821 = arith.mulf %broadcast_in_dim3A_818, %mul3A_820 : vector<64x1xf32>
    %swap3A_822 = arith.constant 21 : index
    %swap3A_823 = arith.constant 0 : index
    %swap3A_824 = arith.constant 0 : index
    %swap3A_825 = vector.load %arg5[%swap3A_822, %swap3A_823, %swap3A_824] : memref<32x64x1xf32, #tpu.memory_space<vmem>>, vector<1x64x1xf32>
    %swap3A_826 = vector.shape_cast %swap3A_825 : vector<1x64x1xf32> to vector<64x1xf32>
    %swap3A_827 = vector.shape_cast %mul3A_821 : vector<64x1xf32> to vector<1x64x1xf32>
    tpu.vector_store %arg5[%swap3A_822, %swap3A_823, %swap3A_824], %swap3A_827 {strides = array<i32>} : memref<32x64x1xf32, #tpu.memory_space<vmem>>, vector<1x64x1xf32>,
    %get3A_828 = arith.constant 22 : index
    %get3A_829 = arith.constant 0 : index
    %get3A_830 = arith.constant 0 : index
    %get3A_831 = vector.load %arg2[%get3A_828, %get3A_829, %get3A_830] : memref<32x64x64xf32, #tpu.memory_space<vmem>>, vector<1x64x64xf32>
    %get3A_832 = vector.shape_cast %get3A_831 : vector<1x64x64xf32> to vector<64x64xf32>
    %convert_element_type3A_833 = arith.truncf %get3A_832 : vector<64x64xf32> to vector<64x64xbf16>
    %get3A_834 = arith.constant 22 : index
    %get3A_835 = arith.constant 0 : index
    %get3A_836 = arith.constant 0 : index
    %get3A_837 = vector.load %arg3[%get3A_834, %get3A_835, %get3A_836] : memref<32x64x64xf32, #tpu.memory_space<vmem>>, vector<1x64x64xf32>
    %get3A_838 = vector.shape_cast %get3A_837 : vector<1x64x64xf32> to vector<64x64xf32>
    %mul3A_839 = arith.constant 32 : i32
    %mul3A_840 = arith.muli %mul3A_839, %arg0 : i32
    %add3A_841 = arith.constant 22 : i32
    %add3A_842 = arith.addi %mul3A_840, %add3A_841 : i32
    %get3A_843 = arith.index_cast %add3A_842 : i32 to index
    %get3A_844 = memref.load %arg1[%get3A_843] : memref<1536xi32, #tpu.memory_space<smem>>
    %get3A_845 = arith.index_cast %get3A_844 : i32 to index
    %get3A_846 = arith.constant 0 : index
    %get3A_847 = arith.constant 0 : index
    %get3A_848 = vector.load %arg4[%get3A_845, %get3A_846, %get3A_847] : memref<1000x64x64xf32, #tpu.memory_space<vmem>>, vector<1x64x64xf32>
    %get3A_849 = vector.shape_cast %get3A_848 : vector<1x64x64xf32> to vector<64x64xf32>
    %convert_element_type3A_850 = arith.truncf %get3A_849 : vector<64x64xf32> to vector<64x64xbf16>
    %dot_general3A_851 = arith.constant dense<0.000000e+00> : vector<64x64xf32>
    %dot_general3A_852 = tpu.matmul %convert_element_type3A_833, %convert_element_type3A_850, %dot_general3A_851 {dimension_numbers = #tpu.dot_dimension_numbers<[1], [0], [0], [1], [0, 0, 1, 1], [], []>, transpose_lhs_hint = false} : vector<64x64xbf16>, vector<64x64xbf16>, vector<64x64xf32> -> vector<64x64xf32>
    %mul3A_853 = arith.mulf %dot_general3A_852, %get3A_838 : vector<64x64xf32>
    %reduce_sum3A_854 = arith.constant dense<0.000000e+00> : vector<64xf32>
    %reduce_sum3A_855 = vector.multi_reduction <add>, %mul3A_853, %reduce_sum3A_854 [1] : vector<64x64xf32> to vector<64xf32>
    %broadcast_in_dim3A_856 = vector.shape_cast %reduce_sum3A_855 : vector<64xf32> to vector<64x1xf32>
    %mul3A_857 = arith.constant 1.562500e-02 : f32
    %mul3A_858 = vector.broadcast %mul3A_857 : f32 to vector<64x1xf32>
    %mul3A_859 = arith.mulf %broadcast_in_dim3A_856, %mul3A_858 : vector<64x1xf32>
    %swap3A_860 = arith.constant 22 : index
    %swap3A_861 = arith.constant 0 : index
    %swap3A_862 = arith.constant 0 : index
    %swap3A_863 = vector.load %arg5[%swap3A_860, %swap3A_861, %swap3A_862] : memref<32x64x1xf32, #tpu.memory_space<vmem>>, vector<1x64x1xf32>
    %swap3A_864 = vector.shape_cast %swap3A_863 : vector<1x64x1xf32> to vector<64x1xf32>
    %swap3A_865 = vector.shape_cast %mul3A_859 : vector<64x1xf32> to vector<1x64x1xf32>
    tpu.vector_store %arg5[%swap3A_860, %swap3A_861, %swap3A_862], %swap3A_865 {strides = array<i32>} : memref<32x64x1xf32, #tpu.memory_space<vmem>>, vector<1x64x1xf32>,
    %get3A_866 = arith.constant 23 : index
    %get3A_867 = arith.constant 0 : index
    %get3A_868 = arith.constant 0 : index
    %get3A_869 = vector.load %arg2[%get3A_866, %get3A_867, %get3A_868] : memref<32x64x64xf32, #tpu.memory_space<vmem>>, vector<1x64x64xf32>
    %get3A_870 = vector.shape_cast %get3A_869 : vector<1x64x64xf32> to vector<64x64xf32>
    %convert_element_type3A_871 = arith.truncf %get3A_870 : vector<64x64xf32> to vector<64x64xbf16>
    %get3A_872 = arith.constant 23 : index
    %get3A_873 = arith.constant 0 : index
    %get3A_874 = arith.constant 0 : index
    %get3A_875 = vector.load %arg3[%get3A_872, %get3A_873, %get3A_874] : memref<32x64x64xf32, #tpu.memory_space<vmem>>, vector<1x64x64xf32>
    %get3A_876 = vector.shape_cast %get3A_875 : vector<1x64x64xf32> to vector<64x64xf32>
    %mul3A_877 = arith.constant 32 : i32
    %mul3A_878 = arith.muli %mul3A_877, %arg0 : i32
    %add3A_879 = arith.constant 23 : i32
    %add3A_880 = arith.addi %mul3A_878, %add3A_879 : i32
    %get3A_881 = arith.index_cast %add3A_880 : i32 to index
    %get3A_882 = memref.load %arg1[%get3A_881] : memref<1536xi32, #tpu.memory_space<smem>>
    %get3A_883 = arith.index_cast %get3A_882 : i32 to index
    %get3A_884 = arith.constant 0 : index
    %get3A_885 = arith.constant 0 : index
    %get3A_886 = vector.load %arg4[%get3A_883, %get3A_884, %get3A_885] : memref<1000x64x64xf32, #tpu.memory_space<vmem>>, vector<1x64x64xf32>
    %get3A_887 = vector.shape_cast %get3A_886 : vector<1x64x64xf32> to vector<64x64xf32>
    %convert_element_type3A_888 = arith.truncf %get3A_887 : vector<64x64xf32> to vector<64x64xbf16>
    %dot_general3A_889 = arith.constant dense<0.000000e+00> : vector<64x64xf32>
    %dot_general3A_890 = tpu.matmul %convert_element_type3A_871, %convert_element_type3A_888, %dot_general3A_889 {dimension_numbers = #tpu.dot_dimension_numbers<[1], [0], [0], [1], [0, 0, 1, 1], [], []>, transpose_lhs_hint = false} : vector<64x64xbf16>, vector<64x64xbf16>, vector<64x64xf32> -> vector<64x64xf32>
    %mul3A_891 = arith.mulf %dot_general3A_890, %get3A_876 : vector<64x64xf32>
    %reduce_sum3A_892 = arith.constant dense<0.000000e+00> : vector<64xf32>
    %reduce_sum3A_893 = vector.multi_reduction <add>, %mul3A_891, %reduce_sum3A_892 [1] : vector<64x64xf32> to vector<64xf32>
    %broadcast_in_dim3A_894 = vector.shape_cast %reduce_sum3A_893 : vector<64xf32> to vector<64x1xf32>
    %mul3A_895 = arith.constant 1.562500e-02 : f32
    %mul3A_896 = vector.broadcast %mul3A_895 : f32 to vector<64x1xf32>
    %mul3A_897 = arith.mulf %broadcast_in_dim3A_894, %mul3A_896 : vector<64x1xf32>
    %swap3A_898 = arith.constant 23 : index
    %swap3A_899 = arith.constant 0 : index
    %swap3A_900 = arith.constant 0 : index
    %swap3A_901 = vector.load %arg5[%swap3A_898, %swap3A_899, %swap3A_900] : memref<32x64x1xf32, #tpu.memory_space<vmem>>, vector<1x64x1xf32>
    %swap3A_902 = vector.shape_cast %swap3A_901 : vector<1x64x1xf32> to vector<64x1xf32>
    %swap3A_903 = vector.shape_cast %mul3A_897 : vector<64x1xf32> to vector<1x64x1xf32>
    tpu.vector_store %arg5[%swap3A_898, %swap3A_899, %swap3A_900], %swap3A_903 {strides = array<i32>} : memref<32x64x1xf32, #tpu.memory_space<vmem>>, vector<1x64x1xf32>,
    %get3A_904 = arith.constant 24 : index
    %get3A_905 = arith.constant 0 : index
    %get3A_906 = arith.constant 0 : index
    %get3A_907 = vector.load %arg2[%get3A_904, %get3A_905, %get3A_906] : memref<32x64x64xf32, #tpu.memory_space<vmem>>, vector<1x64x64xf32>
    %get3A_908 = vector.shape_cast %get3A_907 : vector<1x64x64xf32> to vector<64x64xf32>
    %convert_element_type3A_909 = arith.truncf %get3A_908 : vector<64x64xf32> to vector<64x64xbf16>
    %get3A_910 = arith.constant 24 : index
    %get3A_911 = arith.constant 0 : index
    %get3A_912 = arith.constant 0 : index
    %get3A_913 = vector.load %arg3[%get3A_910, %get3A_911, %get3A_912] : memref<32x64x64xf32, #tpu.memory_space<vmem>>, vector<1x64x64xf32>
    %get3A_914 = vector.shape_cast %get3A_913 : vector<1x64x64xf32> to vector<64x64xf32>
    %mul3A_915 = arith.constant 32 : i32
    %mul3A_916 = arith.muli %mul3A_915, %arg0 : i32
    %add3A_917 = arith.constant 24 : i32
    %add3A_918 = arith.addi %mul3A_916, %add3A_917 : i32
    %get3A_919 = arith.index_cast %add3A_918 : i32 to index
    %get3A_920 = memref.load %arg1[%get3A_919] : memref<1536xi32, #tpu.memory_space<smem>>
    %get3A_921 = arith.index_cast %get3A_920 : i32 to index
    %get3A_922 = arith.constant 0 : index
    %get3A_923 = arith.constant 0 : index
    %get3A_924 = vector.load %arg4[%get3A_921, %get3A_922, %get3A_923] : memref<1000x64x64xf32, #tpu.memory_space<vmem>>, vector<1x64x64xf32>
    %get3A_925 = vector.shape_cast %get3A_924 : vector<1x64x64xf32> to vector<64x64xf32>
    %convert_element_type3A_926 = arith.truncf %get3A_925 : vector<64x64xf32> to vector<64x64xbf16>
    %dot_general3A_927 = arith.constant dense<0.000000e+00> : vector<64x64xf32>
    %dot_general3A_928 = tpu.matmul %convert_element_type3A_909, %convert_element_type3A_926, %dot_general3A_927 {dimension_numbers = #tpu.dot_dimension_numbers<[1], [0], [0], [1], [0, 0, 1, 1], [], []>, transpose_lhs_hint = false} : vector<64x64xbf16>, vector<64x64xbf16>, vector<64x64xf32> -> vector<64x64xf32>
    %mul3A_929 = arith.mulf %dot_general3A_928, %get3A_914 : vector<64x64xf32>
    %reduce_sum3A_930 = arith.constant dense<0.000000e+00> : vector<64xf32>
    %reduce_sum3A_931 = vector.multi_reduction <add>, %mul3A_929, %reduce_sum3A_930 [1] : vector<64x64xf32> to vector<64xf32>
    %broadcast_in_dim3A_932 = vector.shape_cast %reduce_sum3A_931 : vector<64xf32> to vector<64x1xf32>
    %mul3A_933 = arith.constant 1.562500e-02 : f32
    %mul3A_934 = vector.broadcast %mul3A_933 : f32 to vector<64x1xf32>
    %mul3A_935 = arith.mulf %broadcast_in_dim3A_932, %mul3A_934 : vector<64x1xf32>
    %swap3A_936 = arith.constant 24 : index
    %swap3A_937 = arith.constant 0 : index
    %swap3A_938 = arith.constant 0 : index
    %swap3A_939 = vector.load %arg5[%swap3A_936, %swap3A_937, %swap3A_938] : memref<32x64x1xf32, #tpu.memory_space<vmem>>, vector<1x64x1xf32>
    %swap3A_940 = vector.shape_cast %swap3A_939 : vector<1x64x1xf32> to vector<64x1xf32>
    %swap3A_941 = vector.shape_cast %mul3A_935 : vector<64x1xf32> to vector<1x64x1xf32>
    tpu.vector_store %arg5[%swap3A_936, %swap3A_937, %swap3A_938], %swap3A_941 {strides = array<i32>} : memref<32x64x1xf32, #tpu.memory_space<vmem>>, vector<1x64x1xf32>,
    %get3A_942 = arith.constant 25 : index
    %get3A_943 = arith.constant 0 : index
    %get3A_944 = arith.constant 0 : index
    %get3A_945 = vector.load %arg2[%get3A_942, %get3A_943, %get3A_944] : memref<32x64x64xf32, #tpu.memory_space<vmem>>, vector<1x64x64xf32>
    %get3A_946 = vector.shape_cast %get3A_945 : vector<1x64x64xf32> to vector<64x64xf32>
    %convert_element_type3A_947 = arith.truncf %get3A_946 : vector<64x64xf32> to vector<64x64xbf16>
    %get3A_948 = arith.constant 25 : index
    %get3A_949 = arith.constant 0 : index
    %get3A_950 = arith.constant 0 : index
    %get3A_951 = vector.load %arg3[%get3A_948, %get3A_949, %get3A_950] : memref<32x64x64xf32, #tpu.memory_space<vmem>>, vector<1x64x64xf32>
    %get3A_952 = vector.shape_cast %get3A_951 : vector<1x64x64xf32> to vector<64x64xf32>
    %mul3A_953 = arith.constant 32 : i32
    %mul3A_954 = arith.muli %mul3A_953, %arg0 : i32
    %add3A_955 = arith.constant 25 : i32
    %add3A_956 = arith.addi %mul3A_954, %add3A_955 : i32
    %get3A_957 = arith.index_cast %add3A_956 : i32 to index
    %get3A_958 = memref.load %arg1[%get3A_957] : memref<1536xi32, #tpu.memory_space<smem>>
    %get3A_959 = arith.index_cast %get3A_958 : i32 to index
    %get3A_960 = arith.constant 0 : index
    %get3A_961 = arith.constant 0 : index
    %get3A_962 = vector.load %arg4[%get3A_959, %get3A_960, %get3A_961] : memref<1000x64x64xf32, #tpu.memory_space<vmem>>, vector<1x64x64xf32>
    %get3A_963 = vector.shape_cast %get3A_962 : vector<1x64x64xf32> to vector<64x64xf32>
    %convert_element_type3A_964 = arith.truncf %get3A_963 : vector<64x64xf32> to vector<64x64xbf16>
    %dot_general3A_965 = arith.constant dense<0.000000e+00> : vector<64x64xf32>
    %dot_general3A_966 = tpu.matmul %convert_element_type3A_947, %convert_element_type3A_964, %dot_general3A_965 {dimension_numbers = #tpu.dot_dimension_numbers<[1], [0], [0], [1], [0, 0, 1, 1], [], []>, transpose_lhs_hint = false} : vector<64x64xbf16>, vector<64x64xbf16>, vector<64x64xf32> -> vector<64x64xf32>
    %mul3A_967 = arith.mulf %dot_general3A_966, %get3A_952 : vector<64x64xf32>
    %reduce_sum3A_968 = arith.constant dense<0.000000e+00> : vector<64xf32>
    %reduce_sum3A_969 = vector.multi_reduction <add>, %mul3A_967, %reduce_sum3A_968 [1] : vector<64x64xf32> to vector<64xf32>
    %broadcast_in_dim3A_970 = vector.shape_cast %reduce_sum3A_969 : vector<64xf32> to vector<64x1xf32>
    %mul3A_971 = arith.constant 1.562500e-02 : f32
    %mul3A_972 = vector.broadcast %mul3A_971 : f32 to vector<64x1xf32>
    %mul3A_973 = arith.mulf %broadcast_in_dim3A_970, %mul3A_972 : vector<64x1xf32>
    %swap3A_974 = arith.constant 25 : index
    %swap3A_975 = arith.constant 0 : index
    %swap3A_976 = arith.constant 0 : index
    %swap3A_977 = vector.load %arg5[%swap3A_974, %swap3A_975, %swap3A_976] : memref<32x64x1xf32, #tpu.memory_space<vmem>>, vector<1x64x1xf32>
    %swap3A_978 = vector.shape_cast %swap3A_977 : vector<1x64x1xf32> to vector<64x1xf32>
    %swap3A_979 = vector.shape_cast %mul3A_973 : vector<64x1xf32> to vector<1x64x1xf32>
    tpu.vector_store %arg5[%swap3A_974, %swap3A_975, %swap3A_976], %swap3A_979 {strides = array<i32>} : memref<32x64x1xf32, #tpu.memory_space<vmem>>, vector<1x64x1xf32>,
    %get3A_980 = arith.constant 26 : index
    %get3A_981 = arith.constant 0 : index
    %get3A_982 = arith.constant 0 : index
    %get3A_983 = vector.load %arg2[%get3A_980, %get3A_981, %get3A_982] : memref<32x64x64xf32, #tpu.memory_space<vmem>>, vector<1x64x64xf32>
    %get3A_984 = vector.shape_cast %get3A_983 : vector<1x64x64xf32> to vector<64x64xf32>
    %convert_element_type3A_985 = arith.truncf %get3A_984 : vector<64x64xf32> to vector<64x64xbf16>
    %get3A_986 = arith.constant 26 : index
    %get3A_987 = arith.constant 0 : index
    %get3A_988 = arith.constant 0 : index
    %get3A_989 = vector.load %arg3[%get3A_986, %get3A_987, %get3A_988] : memref<32x64x64xf32, #tpu.memory_space<vmem>>, vector<1x64x64xf32>
    %get3A_990 = vector.shape_cast %get3A_989 : vector<1x64x64xf32> to vector<64x64xf32>
    %mul3A_991 = arith.constant 32 : i32
    %mul3A_992 = arith.muli %mul3A_991, %arg0 : i32
    %add3A_993 = arith.constant 26 : i32
    %add3A_994 = arith.addi %mul3A_992, %add3A_993 : i32
    %get3A_995 = arith.index_cast %add3A_994 : i32 to index
    %get3A_996 = memref.load %arg1[%get3A_995] : memref<1536xi32, #tpu.memory_space<smem>>
    %get3A_997 = arith.index_cast %get3A_996 : i32 to index
    %get3A_998 = arith.constant 0 : index
    %get3A_999 = arith.constant 0 : index
    %get3A_1000 = vector.load %arg4[%get3A_997, %get3A_998, %get3A_999] : memref<1000x64x64xf32, #tpu.memory_space<vmem>>, vector<1x64x64xf32>
    %get3A_1001 = vector.shape_cast %get3A_1000 : vector<1x64x64xf32> to vector<64x64xf32>
    %convert_element_type3A_1002 = arith.truncf %get3A_1001 : vector<64x64xf32> to vector<64x64xbf16>
    %dot_general3A_1003 = arith.constant dense<0.000000e+00> : vector<64x64xf32>
    %dot_general3A_1004 = tpu.matmul %convert_element_type3A_985, %convert_element_type3A_1002, %dot_general3A_1003 {dimension_numbers = #tpu.dot_dimension_numbers<[1], [0], [0], [1], [0, 0, 1, 1], [], []>, transpose_lhs_hint = false} : vector<64x64xbf16>, vector<64x64xbf16>, vector<64x64xf32> -> vector<64x64xf32>
    %mul3A_1005 = arith.mulf %dot_general3A_1004, %get3A_990 : vector<64x64xf32>
    %reduce_sum3A_1006 = arith.constant dense<0.000000e+00> : vector<64xf32>
    %reduce_sum3A_1007 = vector.multi_reduction <add>, %mul3A_1005, %reduce_sum3A_1006 [1] : vector<64x64xf32> to vector<64xf32>
    %broadcast_in_dim3A_1008 = vector.shape_cast %reduce_sum3A_1007 : vector<64xf32> to vector<64x1xf32>
    %mul3A_1009 = arith.constant 1.562500e-02 : f32
    %mul3A_1010 = vector.broadcast %mul3A_1009 : f32 to vector<64x1xf32>
    %mul3A_1011 = arith.mulf %broadcast_in_dim3A_1008, %mul3A_1010 : vector<64x1xf32>
    %swap3A_1012 = arith.constant 26 : index
    %swap3A_1013 = arith.constant 0 : index
    %swap3A_1014 = arith.constant 0 : index
    %swap3A_1015 = vector.load %arg5[%swap3A_1012, %swap3A_1013, %swap3A_1014] : memref<32x64x1xf32, #tpu.memory_space<vmem>>, vector<1x64x1xf32>
    %swap3A_1016 = vector.shape_cast %swap3A_1015 : vector<1x64x1xf32> to vector<64x1xf32>
    %swap3A_1017 = vector.shape_cast %mul3A_1011 : vector<64x1xf32> to vector<1x64x1xf32>
    tpu.vector_store %arg5[%swap3A_1012, %swap3A_1013, %swap3A_1014], %swap3A_1017 {strides = array<i32>} : memref<32x64x1xf32, #tpu.memory_space<vmem>>, vector<1x64x1xf32>,
    %get3A_1018 = arith.constant 27 : index
    %get3A_1019 = arith.constant 0 : index
    %get3A_1020 = arith.constant 0 : index
    %get3A_1021 = vector.load %arg2[%get3A_1018, %get3A_1019, %get3A_1020] : memref<32x64x64xf32, #tpu.memory_space<vmem>>, vector<1x64x64xf32>
    %get3A_1022 = vector.shape_cast %get3A_1021 : vector<1x64x64xf32> to vector<64x64xf32>
    %convert_element_type3A_1023 = arith.truncf %get3A_1022 : vector<64x64xf32> to vector<64x64xbf16>
    %get3A_1024 = arith.constant 27 : index
    %get3A_1025 = arith.constant 0 : index
    %get3A_1026 = arith.constant 0 : index
    %get3A_1027 = vector.load %arg3[%get3A_1024, %get3A_1025, %get3A_1026] : memref<32x64x64xf32, #tpu.memory_space<vmem>>, vector<1x64x64xf32>
    %get3A_1028 = vector.shape_cast %get3A_1027 : vector<1x64x64xf32> to vector<64x64xf32>
    %mul3A_1029 = arith.constant 32 : i32
    %mul3A_1030 = arith.muli %mul3A_1029, %arg0 : i32
    %add3A_1031 = arith.constant 27 : i32
    %add3A_1032 = arith.addi %mul3A_1030, %add3A_1031 : i32
    %get3A_1033 = arith.index_cast %add3A_1032 : i32 to index
    %get3A_1034 = memref.load %arg1[%get3A_1033] : memref<1536xi32, #tpu.memory_space<smem>>
    %get3A_1035 = arith.index_cast %get3A_1034 : i32 to index
    %get3A_1036 = arith.constant 0 : index
    %get3A_1037 = arith.constant 0 : index
    %get3A_1038 = vector.load %arg4[%get3A_1035, %get3A_1036, %get3A_1037] : memref<1000x64x64xf32, #tpu.memory_space<vmem>>, vector<1x64x64xf32>
    %get3A_1039 = vector.shape_cast %get3A_1038 : vector<1x64x64xf32> to vector<64x64xf32>
    %convert_element_type3A_1040 = arith.truncf %get3A_1039 : vector<64x64xf32> to vector<64x64xbf16>
    %dot_general3A_1041 = arith.constant dense<0.000000e+00> : vector<64x64xf32>
    %dot_general3A_1042 = tpu.matmul %convert_element_type3A_1023, %convert_element_type3A_1040, %dot_general3A_1041 {dimension_numbers = #tpu.dot_dimension_numbers<[1], [0], [0], [1], [0, 0, 1, 1], [], []>, transpose_lhs_hint = false} : vector<64x64xbf16>, vector<64x64xbf16>, vector<64x64xf32> -> vector<64x64xf32>
    %mul3A_1043 = arith.mulf %dot_general3A_1042, %get3A_1028 : vector<64x64xf32>
    %reduce_sum3A_1044 = arith.constant dense<0.000000e+00> : vector<64xf32>
    %reduce_sum3A_1045 = vector.multi_reduction <add>, %mul3A_1043, %reduce_sum3A_1044 [1] : vector<64x64xf32> to vector<64xf32>
    %broadcast_in_dim3A_1046 = vector.shape_cast %reduce_sum3A_1045 : vector<64xf32> to vector<64x1xf32>
    %mul3A_1047 = arith.constant 1.562500e-02 : f32
    %mul3A_1048 = vector.broadcast %mul3A_1047 : f32 to vector<64x1xf32>
    %mul3A_1049 = arith.mulf %broadcast_in_dim3A_1046, %mul3A_1048 : vector<64x1xf32>
    %swap3A_1050 = arith.constant 27 : index
    %swap3A_1051 = arith.constant 0 : index
    %swap3A_1052 = arith.constant 0 : index
    %swap3A_1053 = vector.load %arg5[%swap3A_1050, %swap3A_1051, %swap3A_1052] : memref<32x64x1xf32, #tpu.memory_space<vmem>>, vector<1x64x1xf32>
    %swap3A_1054 = vector.shape_cast %swap3A_1053 : vector<1x64x1xf32> to vector<64x1xf32>
    %swap3A_1055 = vector.shape_cast %mul3A_1049 : vector<64x1xf32> to vector<1x64x1xf32>
    tpu.vector_store %arg5[%swap3A_1050, %swap3A_1051, %swap3A_1052], %swap3A_1055 {strides = array<i32>} : memref<32x64x1xf32, #tpu.memory_space<vmem>>, vector<1x64x1xf32>,
    %get3A_1056 = arith.constant 28 : index
    %get3A_1057 = arith.constant 0 : index
    %get3A_1058 = arith.constant 0 : index
    %get3A_1059 = vector.load %arg2[%get3A_1056, %get3A_1057, %get3A_1058] : memref<32x64x64xf32, #tpu.memory_space<vmem>>, vector<1x64x64xf32>
    %get3A_1060 = vector.shape_cast %get3A_1059 : vector<1x64x64xf32> to vector<64x64xf32>
    %convert_element_type3A_1061 = arith.truncf %get3A_1060 : vector<64x64xf32> to vector<64x64xbf16>
    %get3A_1062 = arith.constant 28 : index
    %get3A_1063 = arith.constant 0 : index
    %get3A_1064 = arith.constant 0 : index
    %get3A_1065 = vector.load %arg3[%get3A_1062, %get3A_1063, %get3A_1064] : memref<32x64x64xf32, #tpu.memory_space<vmem>>, vector<1x64x64xf32>
    %get3A_1066 = vector.shape_cast %get3A_1065 : vector<1x64x64xf32> to vector<64x64xf32>
    %mul3A_1067 = arith.constant 32 : i32
    %mul3A_1068 = arith.muli %mul3A_1067, %arg0 : i32
    %add3A_1069 = arith.constant 28 : i32
    %add3A_1070 = arith.addi %mul3A_1068, %add3A_1069 : i32
    %get3A_1071 = arith.index_cast %add3A_1070 : i32 to index
    %get3A_1072 = memref.load %arg1[%get3A_1071] : memref<1536xi32, #tpu.memory_space<smem>>
    %get3A_1073 = arith.index_cast %get3A_1072 : i32 to index
    %get3A_1074 = arith.constant 0 : index
    %get3A_1075 = arith.constant 0 : index
    %get3A_1076 = vector.load %arg4[%get3A_1073, %get3A_1074, %get3A_1075] : memref<1000x64x64xf32, #tpu.memory_space<vmem>>, vector<1x64x64xf32>
    %get3A_1077 = vector.shape_cast %get3A_1076 : vector<1x64x64xf32> to vector<64x64xf32>
    %convert_element_type3A_1078 = arith.truncf %get3A_1077 : vector<64x64xf32> to vector<64x64xbf16>
    %dot_general3A_1079 = arith.constant dense<0.000000e+00> : vector<64x64xf32>
    %dot_general3A_1080 = tpu.matmul %convert_element_type3A_1061, %convert_element_type3A_1078, %dot_general3A_1079 {dimension_numbers = #tpu.dot_dimension_numbers<[1], [0], [0], [1], [0, 0, 1, 1], [], []>, transpose_lhs_hint = false} : vector<64x64xbf16>, vector<64x64xbf16>, vector<64x64xf32> -> vector<64x64xf32>
    %mul3A_1081 = arith.mulf %dot_general3A_1080, %get3A_1066 : vector<64x64xf32>
    %reduce_sum3A_1082 = arith.constant dense<0.000000e+00> : vector<64xf32>
    %reduce_sum3A_1083 = vector.multi_reduction <add>, %mul3A_1081, %reduce_sum3A_1082 [1] : vector<64x64xf32> to vector<64xf32>
    %broadcast_in_dim3A_1084 = vector.shape_cast %reduce_sum3A_1083 : vector<64xf32> to vector<64x1xf32>
    %mul3A_1085 = arith.constant 1.562500e-02 : f32
    %mul3A_1086 = vector.broadcast %mul3A_1085 : f32 to vector<64x1xf32>
    %mul3A_1087 = arith.mulf %broadcast_in_dim3A_1084, %mul3A_1086 : vector<64x1xf32>
    %swap3A_1088 = arith.constant 28 : index
    %swap3A_1089 = arith.constant 0 : index
    %swap3A_1090 = arith.constant 0 : index
    %swap3A_1091 = vector.load %arg5[%swap3A_1088, %swap3A_1089, %swap3A_1090] : memref<32x64x1xf32, #tpu.memory_space<vmem>>, vector<1x64x1xf32>
    %swap3A_1092 = vector.shape_cast %swap3A_1091 : vector<1x64x1xf32> to vector<64x1xf32>
    %swap3A_1093 = vector.shape_cast %mul3A_1087 : vector<64x1xf32> to vector<1x64x1xf32>
    tpu.vector_store %arg5[%swap3A_1088, %swap3A_1089, %swap3A_1090], %swap3A_1093 {strides = array<i32>} : memref<32x64x1xf32, #tpu.memory_space<vmem>>, vector<1x64x1xf32>,
    %get3A_1094 = arith.constant 29 : index
    %get3A_1095 = arith.constant 0 : index
    %get3A_1096 = arith.constant 0 : index
    %get3A_1097 = vector.load %arg2[%get3A_1094, %get3A_1095, %get3A_1096] : memref<32x64x64xf32, #tpu.memory_space<vmem>>, vector<1x64x64xf32>
    %get3A_1098 = vector.shape_cast %get3A_1097 : vector<1x64x64xf32> to vector<64x64xf32>
    %convert_element_type3A_1099 = arith.truncf %get3A_1098 : vector<64x64xf32> to vector<64x64xbf16>
    %get3A_1100 = arith.constant 29 : index
    %get3A_1101 = arith.constant 0 : index
    %get3A_1102 = arith.constant 0 : index
    %get3A_1103 = vector.load %arg3[%get3A_1100, %get3A_1101, %get3A_1102] : memref<32x64x64xf32, #tpu.memory_space<vmem>>, vector<1x64x64xf32>
    %get3A_1104 = vector.shape_cast %get3A_1103 : vector<1x64x64xf32> to vector<64x64xf32>
    %mul3A_1105 = arith.constant 32 : i32
    %mul3A_1106 = arith.muli %mul3A_1105, %arg0 : i32
    %add3A_1107 = arith.constant 29 : i32
    %add3A_1108 = arith.addi %mul3A_1106, %add3A_1107 : i32
    %get3A_1109 = arith.index_cast %add3A_1108 : i32 to index
    %get3A_1110 = memref.load %arg1[%get3A_1109] : memref<1536xi32, #tpu.memory_space<smem>>
    %get3A_1111 = arith.index_cast %get3A_1110 : i32 to index
    %get3A_1112 = arith.constant 0 : index
    %get3A_1113 = arith.constant 0 : index
    %get3A_1114 = vector.load %arg4[%get3A_1111, %get3A_1112, %get3A_1113] : memref<1000x64x64xf32, #tpu.memory_space<vmem>>, vector<1x64x64xf32>
    %get3A_1115 = vector.shape_cast %get3A_1114 : vector<1x64x64xf32> to vector<64x64xf32>
    %convert_element_type3A_1116 = arith.truncf %get3A_1115 : vector<64x64xf32> to vector<64x64xbf16>
    %dot_general3A_1117 = arith.constant dense<0.000000e+00> : vector<64x64xf32>
    %dot_general3A_1118 = tpu.matmul %convert_element_type3A_1099, %convert_element_type3A_1116, %dot_general3A_1117 {dimension_numbers = #tpu.dot_dimension_numbers<[1], [0], [0], [1], [0, 0, 1, 1], [], []>, transpose_lhs_hint = false} : vector<64x64xbf16>, vector<64x64xbf16>, vector<64x64xf32> -> vector<64x64xf32>
    %mul3A_1119 = arith.mulf %dot_general3A_1118, %get3A_1104 : vector<64x64xf32>
    %reduce_sum3A_1120 = arith.constant dense<0.000000e+00> : vector<64xf32>
    %reduce_sum3A_1121 = vector.multi_reduction <add>, %mul3A_1119, %reduce_sum3A_1120 [1] : vector<64x64xf32> to vector<64xf32>
    %broadcast_in_dim3A_1122 = vector.shape_cast %reduce_sum3A_1121 : vector<64xf32> to vector<64x1xf32>
    %mul3A_1123 = arith.constant 1.562500e-02 : f32
    %mul3A_1124 = vector.broadcast %mul3A_1123 : f32 to vector<64x1xf32>
    %mul3A_1125 = arith.mulf %broadcast_in_dim3A_1122, %mul3A_1124 : vector<64x1xf32>
    %swap3A_1126 = arith.constant 29 : index
    %swap3A_1127 = arith.constant 0 : index
    %swap3A_1128 = arith.constant 0 : index
    %swap3A_1129 = vector.load %arg5[%swap3A_1126, %swap3A_1127, %swap3A_1128] : memref<32x64x1xf32, #tpu.memory_space<vmem>>, vector<1x64x1xf32>
    %swap3A_1130 = vector.shape_cast %swap3A_1129 : vector<1x64x1xf32> to vector<64x1xf32>
    %swap3A_1131 = vector.shape_cast %mul3A_1125 : vector<64x1xf32> to vector<1x64x1xf32>
    tpu.vector_store %arg5[%swap3A_1126, %swap3A_1127, %swap3A_1128], %swap3A_1131 {strides = array<i32>} : memref<32x64x1xf32, #tpu.memory_space<vmem>>, vector<1x64x1xf32>,
    %get3A_1132 = arith.constant 30 : index
    %get3A_1133 = arith.constant 0 : index
    %get3A_1134 = arith.constant 0 : index
    %get3A_1135 = vector.load %arg2[%get3A_1132, %get3A_1133, %get3A_1134] : memref<32x64x64xf32, #tpu.memory_space<vmem>>, vector<1x64x64xf32>
    %get3A_1136 = vector.shape_cast %get3A_1135 : vector<1x64x64xf32> to vector<64x64xf32>
    %convert_element_type3A_1137 = arith.truncf %get3A_1136 : vector<64x64xf32> to vector<64x64xbf16>
    %get3A_1138 = arith.constant 30 : index
    %get3A_1139 = arith.constant 0 : index
    %get3A_1140 = arith.constant 0 : index
    %get3A_1141 = vector.load %arg3[%get3A_1138, %get3A_1139, %get3A_1140] : memref<32x64x64xf32, #tpu.memory_space<vmem>>, vector<1x64x64xf32>
    %get3A_1142 = vector.shape_cast %get3A_1141 : vector<1x64x64xf32> to vector<64x64xf32>
    %mul3A_1143 = arith.constant 32 : i32
    %mul3A_1144 = arith.muli %mul3A_1143, %arg0 : i32
    %add3A_1145 = arith.constant 30 : i32
    %add3A_1146 = arith.addi %mul3A_1144, %add3A_1145 : i32
    %get3A_1147 = arith.index_cast %add3A_1146 : i32 to index
    %get3A_1148 = memref.load %arg1[%get3A_1147] : memref<1536xi32, #tpu.memory_space<smem>>
    %get3A_1149 = arith.index_cast %get3A_1148 : i32 to index
    %get3A_1150 = arith.constant 0 : index
    %get3A_1151 = arith.constant 0 : index
    %get3A_1152 = vector.load %arg4[%get3A_1149, %get3A_1150, %get3A_1151] : memref<1000x64x64xf32, #tpu.memory_space<vmem>>, vector<1x64x64xf32>
    %get3A_1153 = vector.shape_cast %get3A_1152 : vector<1x64x64xf32> to vector<64x64xf32>
    %convert_element_type3A_1154 = arith.truncf %get3A_1153 : vector<64x64xf32> to vector<64x64xbf16>
    %dot_general3A_1155 = arith.constant dense<0.000000e+00> : vector<64x64xf32>
    %dot_general3A_1156 = tpu.matmul %convert_element_type3A_1137, %convert_element_type3A_1154, %dot_general3A_1155 {dimension_numbers = #tpu.dot_dimension_numbers<[1], [0], [0], [1], [0, 0, 1, 1], [], []>, transpose_lhs_hint = false} : vector<64x64xbf16>, vector<64x64xbf16>, vector<64x64xf32> -> vector<64x64xf32>
    %mul3A_1157 = arith.mulf %dot_general3A_1156, %get3A_1142 : vector<64x64xf32>
    %reduce_sum3A_1158 = arith.constant dense<0.000000e+00> : vector<64xf32>
    %reduce_sum3A_1159 = vector.multi_reduction <add>, %mul3A_1157, %reduce_sum3A_1158 [1] : vector<64x64xf32> to vector<64xf32>
    %broadcast_in_dim3A_1160 = vector.shape_cast %reduce_sum3A_1159 : vector<64xf32> to vector<64x1xf32>
    %mul3A_1161 = arith.constant 1.562500e-02 : f32
    %mul3A_1162 = vector.broadcast %mul3A_1161 : f32 to vector<64x1xf32>
    %mul3A_1163 = arith.mulf %broadcast_in_dim3A_1160, %mul3A_1162 : vector<64x1xf32>
    %swap3A_1164 = arith.constant 30 : index
    %swap3A_1165 = arith.constant 0 : index
    %swap3A_1166 = arith.constant 0 : index
    %swap3A_1167 = vector.load %arg5[%swap3A_1164, %swap3A_1165, %swap3A_1166] : memref<32x64x1xf32, #tpu.memory_space<vmem>>, vector<1x64x1xf32>
    %swap3A_1168 = vector.shape_cast %swap3A_1167 : vector<1x64x1xf32> to vector<64x1xf32>
    %swap3A_1169 = vector.shape_cast %mul3A_1163 : vector<64x1xf32> to vector<1x64x1xf32>
    tpu.vector_store %arg5[%swap3A_1164, %swap3A_1165, %swap3A_1166], %swap3A_1169 {strides = array<i32>} : memref<32x64x1xf32, #tpu.memory_space<vmem>>, vector<1x64x1xf32>,
    %get3A_1170 = arith.constant 31 : index
    %get3A_1171 = arith.constant 0 : index
    %get3A_1172 = arith.constant 0 : index
    %get3A_1173 = vector.load %arg2[%get3A_1170, %get3A_1171, %get3A_1172] : memref<32x64x64xf32, #tpu.memory_space<vmem>>, vector<1x64x64xf32>
    %get3A_1174 = vector.shape_cast %get3A_1173 : vector<1x64x64xf32> to vector<64x64xf32>
    %convert_element_type3A_1175 = arith.truncf %get3A_1174 : vector<64x64xf32> to vector<64x64xbf16>
    %get3A_1176 = arith.constant 31 : index
    %get3A_1177 = arith.constant 0 : index
    %get3A_1178 = arith.constant 0 : index
    %get3A_1179 = vector.load %arg3[%get3A_1176, %get3A_1177, %get3A_1178] : memref<32x64x64xf32, #tpu.memory_space<vmem>>, vector<1x64x64xf32>
    %get3A_1180 = vector.shape_cast %get3A_1179 : vector<1x64x64xf32> to vector<64x64xf32>
    %mul3A_1181 = arith.constant 32 : i32
    %mul3A_1182 = arith.muli %mul3A_1181, %arg0 : i32
    %add3A_1183 = arith.constant 31 : i32
    %add3A_1184 = arith.addi %mul3A_1182, %add3A_1183 : i32
    %get3A_1185 = arith.index_cast %add3A_1184 : i32 to index
    %get3A_1186 = memref.load %arg1[%get3A_1185] : memref<1536xi32, #tpu.memory_space<smem>>
    %get3A_1187 = arith.index_cast %get3A_1186 : i32 to index
    %get3A_1188 = arith.constant 0 : index
    %get3A_1189 = arith.constant 0 : index
    %get3A_1190 = vector.load %arg4[%get3A_1187, %get3A_1188, %get3A_1189] : memref<1000x64x64xf32, #tpu.memory_space<vmem>>, vector<1x64x64xf32>
    %get3A_1191 = vector.shape_cast %get3A_1190 : vector<1x64x64xf32> to vector<64x64xf32>
    %convert_element_type3A_1192 = arith.truncf %get3A_1191 : vector<64x64xf32> to vector<64x64xbf16>
    %dot_general3A_1193 = arith.constant dense<0.000000e+00> : vector<64x64xf32>
    %dot_general3A_1194 = tpu.matmul %convert_element_type3A_1175, %convert_element_type3A_1192, %dot_general3A_1193 {dimension_numbers = #tpu.dot_dimension_numbers<[1], [0], [0], [1], [0, 0, 1, 1], [], []>, transpose_lhs_hint = false} : vector<64x64xbf16>, vector<64x64xbf16>, vector<64x64xf32> -> vector<64x64xf32>
    %mul3A_1195 = arith.mulf %dot_general3A_1194, %get3A_1180 : vector<64x64xf32>
    %reduce_sum3A_1196 = arith.constant dense<0.000000e+00> : vector<64xf32>
    %reduce_sum3A_1197 = vector.multi_reduction <add>, %mul3A_1195, %reduce_sum3A_1196 [1] : vector<64x64xf32> to vector<64xf32>
    %broadcast_in_dim3A_1198 = vector.shape_cast %reduce_sum3A_1197 : vector<64xf32> to vector<64x1xf32>
    %mul3A_1199 = arith.constant 1.562500e-02 : f32
    %mul3A_1200 = vector.broadcast %mul3A_1199 : f32 to vector<64x1xf32>
    %mul3A_1201 = arith.mulf %broadcast_in_dim3A_1198, %mul3A_1200 : vector<64x1xf32>
    %swap3A_1202 = arith.constant 31 : index
    %swap3A_1203 = arith.constant 0 : index
    %swap3A_1204 = arith.constant 0 : index
    %swap3A_1205 = vector.load %arg5[%swap3A_1202, %swap3A_1203, %swap3A_1204] : memref<32x64x1xf32, #tpu.memory_space<vmem>>, vector<1x64x1xf32>
    %swap3A_1206 = vector.shape_cast %swap3A_1205 : vector<1x64x1xf32> to vector<64x1xf32>
    %swap3A_1207 = vector.shape_cast %mul3A_1201 : vector<64x1xf32> to vector<1x64x1xf32>
    tpu.vector_store %arg5[%swap3A_1202, %swap3A_1203, %swap3A_1204], %swap3A_1207 {strides = array<i32>} : memref<32x64x1xf32, #tpu.memory_space<vmem>>, vector<1x64x1xf32>,
    return
  }
  func.func @transform_0(%arg0: i32, %arg1: memref<1536xi32, #tpu.memory_space<smem>>) -> (i32, i32, i32) {
    %c0_i32 = arith.constant 0 : i32
    %c0_i32_0 = arith.constant 0 : i32
    %c0_i32_1 = arith.constant 0 : i32
    return %arg0, %c0_i32, %c0_i32_0 : i32, i32, i32
  }
  func.func @transform_1(%arg0: i32, %arg1: memref<1536xi32, #tpu.memory_space<smem>>) -> (i32, i32, i32) {
    %c0_i32 = arith.constant 0 : i32
    %c0_i32_0 = arith.constant 0 : i32
    %c0_i32_1 = arith.constant 0 : i32
    return %arg0, %c0_i32, %c0_i32_0 : i32, i32, i32
  }
  func.func @transform_2(%arg0: i32, %arg1: memref<1536xi32, #tpu.memory_space<smem>>) -> (i32, i32, i32) {
    %c0_i32 = arith.constant 0 : i32
    %c0_i32_0 = arith.constant 0 : i32
    %c0_i32_1 = arith.constant 0 : i32
    %c0_i32_2 = arith.constant 0 : i32
    return %c0_i32, %c0_i32_0, %c0_i32_1 : i32, i32, i32
  }
  func.func @transform_3(%arg0: i32, %arg1: memref<1536xi32, #tpu.memory_space<smem>>) -> (i32, i32, i32) {
    %c0_i32 = arith.constant 0 : i32
    %c0_i32_0 = arith.constant 0 : i32
    %c0_i32_1 = arith.constant 0 : i32
    return %arg0, %c0_i32, %c0_i32_0 : i32, i32, i32
  }
}

</mosaic_0001>

<sc_bundles>
// kernel: gather_offload_async_start
scs
__scs_entry_jumppad:
0x0: {  	(pc) =	sbr.rel $0x88, $3  }
0x1: {  	(tag) =	ssettag $0x0;
	lr =	simm.s32 $0x1  }
0x2: {  	[smem:$0x3F99] =	sst lr;
	_ =	strace $0xD0000000  }
0x3: {  	_ = 	snop  }
0x4: {  	_ = 	snop  }
0x5: {  	_ = 	snop  }
0x6: {  	_ = 	snop  }
0x7: {  	_ = 	snop  }
__scs_overlays_trampoline_lowered:
0x8: {  	[smem:$0x3FA8] =	sst s0  }
0x9: {  	[smem:$0x3FA9] =	sst s1  }
0xa: {  	[smem:$0x3FAA] =	sst s2  }
0xb: {  	[smem:$0x3FAB] =	sst s3  }
0xc: {  	[smem:$0x3FAC] =	sst s4  }
0xd: {  	[smem:$0x3FAD] =	sst s5  }
0xe: {  	[smem:$0x3FAE] =	sst s6  }
0xf: {  	[smem:$0x3FAF] =	sst s7  }
0x10: {  	[smem:$0x3FB0] =	sst s8  }
0x11: {  	[smem:$0x3FB1] =	sst s9;
	s0 =	simm.s32 @!p0 $0x0  }
0x12: {  	s1 =	sld [smem:$0x3F97];
	s0 =	simm.s32 @p0 $0x1  }
0x13: {  	[smem:$0x3FB2] =	sst s0;
	s0 =	simm.s32 @!p1 $0x0  }
0x14: {  	s2 =	sld [smem:$0x3F96];
	s0 =	simm.s32 @p1 $0x1  }
0x15: {  	[smem:$0x3FB3] =	sst s0;
	s0 =	simm.s32 @!p2 $0x0  }
0x16: {  	s3 =	sld [smem:$0x3FDB];
	s0 =	simm.s32 @p2 $0x1  }
0x17: {  	s4 =	simm.s32 $0x1BF5;
	[smem:$0x3FB5] =	sst s0  }
0x18: {  	s0 =	sld [smem:$0x3F98];
	_ =	swait.ge [sflag:s4], $0x0  }
0x19: {  	s7 =	sld [smem:$0x3F99]  }
0x1a: {  	s8 =	sadd.s32 $0xFFFFE003, lr  }
0x1b: {  	s9 =	sadd.s32 $0xFFFFFEF7, lr;
	s5 =	simm.s32 $0xFFFFFFFF;
	p2 =	slt.u32 s8, $0xFFFFF086  }
0x1c: {  	p1 =	slt.u32 s9, $0xF7A;
	s5 =	simm.s32 @!p2 $0x0  }
0x1d: {  	s5 =	simm.s32 @p1 $0x1;
	p0 =	seq.s32 s7, s2  }
0x1e: {  	s7 =	smul.u32 @!p0 $0xF7A, s2;
	p2 =	seq.s32 @!p0 s5, $0x0  }
0x1f: {  	s9 =	smul.u32 $0xF7A, s1;
	s8 =	simm.s32 @!p0 $0x1BF5;
	p2 =	por !p2, p0  }
0x20: {  	[sflag:s8] =	ssyncset.s32 @!p0 $0xFFFFF086;
	s6 =	sadd.s32 @!p0 s3, s7;
	s7 =	simm.s32 @!p0 $0x108  }
0x21: {  	s3 =	sadd.s32 s3, s9;
	s6 =	sadd.s32 @!p0 $0x88, s6;
	s7 =	simm.s32 @p2 $0x1082  }
0x22: {  	[simem:s7], [sflag:s8] =	dma.local @!p0 [hbm:s6], $0xF7A  }
0x23: {  	s9 =	sor.u32 $0xD0000000, s2;
	s6 =	simm.s32 $0x108;
	_ =	swait.ge @!p0 [sflag:s8], $0x0  }
0x24: {  	s3 =	sadd.s32 $0x88, s3;
	s6 =	simm.s32 @!p1 $0x1082;
	[sflag:s4] =	ssyncset.s32 $0xFFFFF086  }
0x25: {  	[simem:s6], [sflag:s4] =	dma.local [hbm:s3], $0xF7A  }
0x26: {  	[smem:$0x3F99] =	sst s1;
	(tag) =	ssettag s2;
	_ =	strace s9  }
0x27: {  	s1 =	sld [smem:$0x3FA9]  }
0x28: {  	s2 =	sld [smem:$0x3FAA]  }
0x29: {  	s4 =	sld [smem:$0x3FAC]  }
0x2a: {  	p0 =	seq.s32 s5, $0x0;
	s5 =	sld [smem:$0x3FAD]  }
0x2b: {  	s6 =	sld [smem:$0x3FAE]  }
0x2c: {  	s7 =	sld [smem:$0x3FAF]  }
0x2d: {  	s3 =	simm.s32 $0x108;
	s8 =	sld [smem:$0x3FB0]  }
0x2e: {  	s3 =	simm.s32 @!p0 $0x1082;
	s9 =	sld [smem:$0x3FB1]  }
0x2f: {  	lr =	sadd.s32 s0, s3;
	s0 =	sld [smem:$0x3FA8]  }
0x30: {  	s3 =	sld [smem:$0x3FAB]  }
0x31: {  	[smem:$0x3FB4] =	sst s10  }
0x32: {  	s10 =	sld [smem:$0x3FB2];
	_ =	sdelay $0x3  }
0x33: {  	p0 =	seq.s32 s10, $0x1;
	s10 =	sld [smem:$0x3FB4];
	_ =	sdelay $0x3  }
0x34: {  	[smem:$0x3FB4] =	sst s10  }
0x35: {  	s10 =	sld [smem:$0x3FB3];
	_ =	sdelay $0x3  }
0x36: {  	p1 =	seq.s32 s10, $0x1;
	s10 =	sld [smem:$0x3FB4];
	_ =	sdelay $0x3  }
0x37: {  	[smem:$0x3FB4] =	sst s10  }
0x38: {  	s10 =	sld [smem:$0x3FB5]  }
0x39: {  	_ = 	snop;
	(pc) =	sbr.ind lr, $3  }
0x3a: {  	_ = 	snop  }
0x3b: {  	_ = 	snop  }
0x3c: {  	p2 =	seq.s32 s10, $0x1;
	s10 =	sld [smem:$0x3FB4]  }
0x3d: {  	_ =	shalt  }
0x3e: {  	_ =	shalt  }
0x3f: {  	_ =	shalt  }
0x40: {  	_ =	shalt  }
0x41: {  	_ =	shalt  }
0x42: {  	_ =	shalt  }
0x43: {  	_ =	shalt  }
0x44: {  	_ =	shalt  }
0x45: {  	_ =	shalt  }
0x46: {  	_ =	shalt  }
0x47: {  	_ =	shalt  }
0x48: {  	_ =	shalt  }
0x49: {  	_ =	shalt  }
0x4a: {  	_ =	shalt  }
0x4b: {  	_ =	shalt  }
0x4c: {  	_ =	shalt  }
0x4d: {  	_ =	shalt  }
0x4e: {  	_ =	shalt  }
0x4f: {  	_ =	shalt  }
0x50: {  	_ =	shalt  }
0x51: {  	_ =	shalt  }
0x52: {  	_ =	shalt  }
0x53: {  	_ =	shalt  }
0x54: {  	_ =	shalt  }
0x55: {  	_ =	shalt  }
0x56: {  	_ =	shalt  }
0x57: {  	_ =	shalt  }
0x58: {  	_ =	shalt  }
0x59: {  	_ =	shalt  }
0x5a: {  	_ =	shalt  }
0x5b: {  	_ =	shalt  }
0x5c: {  	_ =	shalt  }
0x5d: {  	_ =	shalt  }
0x5e: {  	_ =	shalt  }
0x5f: {  	_ =	shalt  }
0x60: {  	_ =	shalt  }
0x61: {  	_ =	shalt  }
0x62: {  	_ =	shalt  }
0x63: {  	_ =	shalt  }
0x64: {  	_ =	shalt  }
0x65: {  	_ =	shalt  }
0x66: {  	_ =	shalt  }
0x67: {  	_ =	shalt  }
0x68: {  	_ =	shalt  }
0x69: {  	_ =	shalt  }
0x6a: {  	_ =	shalt  }
0x6b: {  	_ =	shalt  }
0x6c: {  	_ =	shalt  }
0x6d: {  	_ =	shalt  }
0x6e: {  	_ =	shalt  }
0x6f: {  	_ =	shalt  }
0x70: {  	_ =	shalt  }
0x71: {  	_ =	shalt  }
0x72: {  	_ =	shalt  }
0x73: {  	_ =	shalt  }
0x74: {  	_ =	shalt  }
0x75: {  	_ =	shalt  }
0x76: {  	_ =	shalt  }
0x77: {  	_ =	shalt  }
0x78: {  	_ =	shalt  }
0x79: {  	_ =	shalt  }
0x7a: {  	_ =	shalt  }
0x7b: {  	_ =	shalt  }
0x7c: {  	_ =	shalt  }
0x7d: {  	_ =	shalt  }
0x7e: {  	_ =	shalt  }
0x7f: {  	_ =	shalt  }
0x80: {  	_ =	shalt  }
0x81: {  	_ =	shalt  }
0x82: {  	_ =	shalt  }
0x83: {  	_ =	shalt  }
0x84: {  	_ =	shalt  }
0x85: {  	_ =	shalt  }
0x86: {  	_ =	shalt  }
0x87: {  	_ =	shalt  }
.Lfunc_end0:
.L_simem_size_0:
called_computation.3_lowered:
.L_overlay_start_0:
0x88: {  	s2 =	sld [smem:$0x3FD9]  }
0x89: {  	s3 =	sld [smem:$0x3FFE];
	_ =	sdelay $0x1  }
0x8a: {  	s1 =	srdreg.scid  }
0x8b: {  	s0 =	sand.u32 $0x1, s1  }
0x8c: {  	s16 =	sshll.u32 s0, $0xA;
	s2 =	sadd.s32 s3, s2  }
0x8d: {  	s2 =	sadd.s32 s2, s16  }
0x8e: {  	[smem:$0x3FC0] =	sst s2  }
0x8f: {  	_ = 	snop  }
0x90: {  	(tm) =	ssettm $0x1  }
0x91: {  	s17 =	sld [smem:$0x3FFB];
	_ =	sdelay $0x3  }
0x92: {  	_ =	strace s17  }
0x93: {  	s2 =	sld [smem:$0x3FFC];
	_ =	sdelay $0x3  }
0x94: {  	_ =	strace s2  }
0x95: {  	s2 =	sld [smem:$0x3FFD];
	_ =	sdelay $0x3  }
0x96: {  	_ =	strace s2  }
0x97: {  	_ =	strace $0x8FFFFFFF  }
0x98: {  	s18 =	sld [smem:$0x3FDB];
	_ =	sdelay $0x1  }
0x99: {  	s19 =	simm.s32 $_scs_section_size  }
0x9a: {  	s4 =	simm.s32 $_size__tile_overlayer_lowered;
	s5 =	simm.s32 $_tile_overlayer_lowered  }
0x9b: {  	s22 =	simm.s32 $0x1BFF;
	s21 =	sshll.u32 s5, $0x1;
	s2 =	sadd.s32 s19, s18  }
0x9c: {  	s6 =	simm.s32 $0x0;
	s20 =	sshll.u32 s4, $0x1;
	s4 =	sadd.s32 s21, s2  }
0x9d: {  	[timem:s6], [sflag:s22] =	dma.local [hbm:s4], s20  }
0x9e: {  	_ =	swait.ge [sflag:s22], s20  }
0x9f: {  	s3 =	ssub.s32 $0x0, s20;
	[sflag:s22] =	ssyncset.done $0x0  }
0xa0: {  	[sflag:s22] =	ssyncadd.s32 s3;
	_ =	sdelay $0x1  }
0xa1: {  	s23 =	simm.s32 $0x1B8B  }
0xa2: {  	_ =	swait.ge [sflag:s23], $0x1  }
0xa3: {  	[sflag:s23] =	ssyncset.done $0x0  }
0xa4: {  	s25 =	simm.s32 $0x1B8E;
	s24 =	sld [smem:$0x3FFE];
	[sflag:s23] =	ssyncadd.s32 $0xFFFFFFFF  }
0xa5: {  	s26 =	simm.s32 $execute0_lowered;
	[smem:$0x3FD2] =	sst s25  }
0xa6: {  	s4 =	sshll.u32 s26, $0x1;
	_ =	strace $0x80000046;
	[dreg:$0x1] =	wrdreg $0xFFFFFFFF  }
0xa7: {  	s28 =	simm.s32 $_size_execute0_lowered;
	s2 =	sadd.s32 s2, s4;
	[dreg:$0x0] =	wrdreg $0x0  }
0xa8: {  	s4 =	sshll.u32 s28, $0x1;
	[dreg:$0x2] =	wrdreg s2  }
0xa9: {  	[dreg:$0x3] =	wrdreg s4  }
0xaa: {  	[dreg:$0x4] =	wrdreg $0xC0  }
0xab: {  	_ =	task [dreg:s6], $0x5FFFF  }
0xac: {  	[dreg:$0x1] =	wrdreg $0xFFFFFFFF  }
0xad: {  	[dreg:$0x0] =	wrdreg $0x60  }
0xae: {  	[dreg:$0x2] =	wrdreg s24  }
0xaf: {  	[dreg:$0x3] =	wrdreg $0x9  }
0xb0: {  	_ =	task.clear_ibuf [dreg:s6], $0x4FFFF;
	_ =	strace $0x90000046  }
0xb1: {  	s29 =	simm.s32 $0x9;
	_ =	strace $0x80000048  }
0xb2: {  	_ =	swait.ge [sflag:s29], $0x1  }
0xb3: {  	[sflag:s29] =	ssyncadd.s32 $0xFFFFFFFF  }
0xb4: {  	_ =	strace $0x90000048  }
0xb5: {  	_ =	sfence  }
0xb6: {  	s30 =	sld [smem:$0x0];
	_ =	sdelay $0x2  }
0xb7: {  	s31 =	sshll.u32 s1, $0xD;
	s1 =	sshrl.u32 s1, $0x2  }
0xb8: {  	s3 =	sand.u32 $0x4000, s31;
	s1 =	sadd.s32 s1, s30  }
0xb9: {  	s0 =	sor.u32 s3, s0;
	s1 =	sshll.u32 s1, $0x11  }
0xba: {  	s0 =	sor.u32 s1, s0  }
0xbb: {  	s0 =	sadd.s32 $0x8F2B, s0  }
0xbc: {  	[sflag:s0] =	ssyncadd.remote.s32 $0x1  }
0xbd: {  	_ =	sfence.sel $0xFFFF  }
0xbe: {  	[dreg:$0x0] =	wrdreg $0xFFFFFFFF;
	(pc) =	sbr.abs _section_cstart, $3  }
0xbf: {  	[dreg:$0x1] =	wrdreg $0xFFFFFFFF  }
0xc0: {  	_ =	task.clear_ibuf [dreg:s6], $0x2FFFF;
	_ =	strace $0x9FFFFFFF  }
0xc1: {  	(tm) =	ssettm $0x7FFFFFFF  }
tec
execute0_lowered:
.L_overlay_start_1:
0x0: {  	(tag) =	ssettag $0x1  }
0x1: {  	s0 =	srdreg.scid;
	s5 =	rddreg [dreg:$0x0]  }
0x2: {  	s1 =	stileid.u32;
	s6 =	simm.s32 $0x1;
	s9 =	simm.s32 $0x1  }
0x3: {  	s10 =	simm.s32 $0x3;
	s13 =	simm.s32 $0x0;
	s2 =	sshll.u32 s0, $0x9  }
0x4: {  	s12 =	simm.s32 $0x0;
	s3 =	sshll.u32 s1, $0xA;
	s2 =	sand.u32 $0x200, s2  }
0x5: {  	s0 =	rddreg [dreg:$0x1];
	_ =	strace $0x80000047;
	s2 =	sor.u32 s3, s2  }
0x6: {  	s4 =	sadd.s32 $0x5000, s5;
	[sflag:s6] =	ssyncpa.u1 $0x0;
	s8 =	ssub.s32 $0x8000, s2  }
.Ltmp0:
0x7: {  	s3 =	sadd.s32 $0x3000, s5;
	s7 =	sand.u32 $0x3E00, s8;
	(pc) =	sbr.rel .LBB2_1-.Ltmp0, $4  }
0x8: {  	s5 =	sadd.s32 $0x8000, s5;
	s11 =	smov.u32 s2;
	p0 =	sne.s32 s7, $0x0  }
0x9: {  	s8 =	sshrl.u32 s8, $0xE;
	s7 =	simm.s32 $0x2;
	s9 =	simm.s32 @!p0 $0x0  }
0xa: {  	[sflag:s7] =	ssyncpa.u1 $0x0;
	p0 =	por $0x0, $0x0;
	s8 =	sadd.s32 s9, s8  }
0xb: {  	vm0 =	vmmov $0xffff;
	[sflag:s10] =	ssyncpa.u1 $0x0;
	s10 =	simm.s32 $0x0;
	s9 =	sadd.s32 $0x1, s8  }
.LBB2_4:
0xc: {  	v2 =	vnsel vm1, $0x0, v2  }
0xd: {  	vm1 =	vgt.s32 v0, $0x0;
	v2 =	vmin.u32 v2, $0x7FFF  }
0xe: {  	v0 =	vnsel vm1, $0x0, v0  }
0xf: {  	v0 =	vmin.u32 v0, $0x7FFF  }
0x10: {  	[tilespmem:s15], [sflag:$0x1] =	stream.indirect_vreg.gather [hbm4b:s3+s10], $0x1, v1, vm0, $0x4038;
	[tilespmem:$0x800] =	vst v63  }
0x11: {  	(ifvalue) =	ssetifvalue $0x7FFFFFFF  }
0x12: {  	[tilespmem:s16], [sflag:$0x1] =	stream.indirect_vreg.gather [hbm4b:s3+s10], $0x1, v2, vm0, $0x4038;
	[tilespmem:$0x800] =	vst v63  }
0x13: {  	s29 =	sadd.s32 $0x10, s16;
	(ifvalue) =	ssetifvalue $0x7FFFFFFF  }
0x14: {  	[tilespmem:s29], [sflag:$0x1] =	stream.indirect_vreg.gather [hbm4b:s3+s10], $0x1, v0, vm0, $0x4038;
	[tilespmem:$0x800] =	vst v63  }
0x15: {  	_ =	swait.ge [sflag:s6], $0x200  }
0x16: {  	s30 =	sshrl.u32 s13, $0x3;
	[sflag:s6] =	ssyncset.done $0x0  }
0x17: {  	s31 =	sand.u32 $0x7, s13;
	s15 =	sadd.s32 s5, s30;
	[sflag:s6] =	ssyncadd.s32 $0xFFFFFE00  }
0x18: {  	[hbm4b:s15+s31] =	stream.linear.scatter [tilespmem:s14], [sflag:$0x3], $0x200, $0x38;
	[tilespmem:$0x800] =	vst v63  }
.LBB2_5:
0x19: {  	s15 =	sadd.s32 $0x4000, s11  }
0x1a: {  	p2 =	sgt.s32 s15, $0x7FFF  }
0x1b: {  	s15 =	smov.u32 @p2 s2;
	p2 =	sne.s32 s12, s9  }
.Ltmp1:
0x1c: {  	p1 =	slt.u32 s12, $0x2;
	(pc) =	sbr.rel @!p2 .LBB2_6-.Ltmp1, $4  }
0x1d: {  	s14 =	simm.s32 @!p1 $0x3  }
0x1e: {  	s16 =	sadd.s32 $0x1, s12;
	_ =	swait.ge @!p1 [sflag:s14], $0x200  }
0x1f: {  	s13 =	smov.u32 s11;
	p0 =	por !p0, !p0;
	[sflag:s14] =	ssyncset.done @!p1 $0x0  }
0x20: {  	s12 =	smov.u32 s16;
	s11 =	smov.u32 s15;
	[sflag:s14] =	ssyncadd.s32 @!p1 $0xFFFFFE00  }
.LBB2_1:
0x21: {  	p1 =	sge.u32 s12, s8  }
0x22: {  	s14 =	sxor.u32 @!p1 $0xFFFFFFFF, s12  }
0x23: {  	s31 =	sadd.s32 $0xFFFFFFFF, s12;
	s15 =	sshrl.u32 @!p1 s11, $0x3;
	s14 =	sshll.u32 @!p1 s14, $0x9  }
0x24: {  	s16 =	sand.u32 @!p1 $0x7, s11;
	s15 =	sadd.s32 @!p1 s4, s15;
	s14 =	sand.u32 @!p1 $0x200, s14  }
0x25: {  	[tilespmem:s14], [sflag:$0x2] =	stream.linear.gather @!p1 [hbm4b:s15+s16], $0x200, $0x38;
	[tilespmem:$0x800] =	vst v63  }
0x26: {  	p1 =	sge.u32 s31, s8  }
.Ltmp2:
0x27: {  	_ = 	snop;
	(pc) =	sbr.rel @p1 .LBB2_5-.Ltmp2, $1  }
0x28: {  	_ =	sdelay $0x3  }
0x29: {  	s14 =	simm.s32 $0x1  }
0x2a: {  	_ =	swait.ge [sflag:s7], $0x200;
	s14 =	simm.s32 @!p0 $0x0  }
0x2b: {  	[sflag:s7] =	ssyncset.done $0x0;
	s14 =	sshll.u32 s14, $0x9  }
0x2c: {  	[sflag:s7] =	ssyncadd.s32 $0xFFFFFE00;
	(ifvalue) =	ssetifvalue $0x7FFFFFFF;
	v0 =	vld.msk [tilespmem:s14+$0x0 ss:$0x1], $0xffff;
	_ =	sdelay $0x4  }
0x2d: {  	s15 =	sadd.s32 $0x10, s14;
	vm1 =	vgt.s32 v0, $0x0  }
0x2e: {  	v2 =	vld.msk [tilespmem:s15+$0x0 ss:$0x1], $0xffff;
	v1 =	vnsel vm1, $0x0, v0  }
0x2f: {  	v1 =	vmin.u32 v1, $0x7FFF;
	_ =	sdelay $0x1  }
0x30: {  	s16 =	sshll.u32 s12, $0x9;
	s18 =	simm.s32 $0x20  }
0x31: {  	s16 =	sand.u32 $0x200, s16;
	s17 =	sadd.s32 $0x10, s15;
	s15 =	sor.u32 $0x400, s14  }
0x32: {  	s14 =	sor.u32 $0x400, s16;
	s16 =	sadd.s32 $0x10, s15;
	v0 =	vld.msk [tilespmem:s17+$0x0 ss:$0x1], $0xffff;
	vm1 =	vgt.s32 v2, $0x0;
	(ifvalue) =	ssetifvalue $0x7FFFFFFF  }
.LBB2_3:
0x33: {  	[tilespmem:s15], [sflag:$0x1] =	stream.indirect_vreg.gather [hbm4b:s3+s10], $0x1, v1, vm0, $0x4038;
	[tilespmem:$0x800] =	vst v63  }
0x34: {  	s18 =	sadd.s32 $0x10, s18  }
0x35: {  	v2 =	vnsel vm1, $0x0, v2;
	p1 =	slt.u32 s18, $0x1F0  }
.Ltmp3:
0x36: {  	s15 =	smov.u32 s16;
	v1 =	vmin.u32 v2, $0x7FFF;
	(pc) =	sbr.rel @p1 .LBB2_3-.Ltmp3, $3  }
0x37: {  	_ =	sdelay $0x1  }
0x38: {  	s17 =	sadd.s32 $0x10, s17  }
0x39: {  	vm1 =	vgt.s32 v0, $0x0;
	s16 =	sadd.s32 $0x10, s16;
	v2 =	vmov v0;
	(ifvalue) =	ssetifvalue $0x7FFFFFFF;
	v0 =	vld.msk [tilespmem:s17+$0x0 ss:$0x1], $0xffff  }
.Ltmp4:
0x3a: {  	_ = 	snop;
	(pc) =	sbr.rel .LBB2_4-.Ltmp4, $1  }
0x3b: {  	_ =	sdelay $0x3  }
.LBB2_6:
0x3c: {  	_ =	sfence.sel $0x180000  }
0x3d: {  	s2 =	simm.s32 $0x2;
	[bflag:$0x0] =	sbarrier.arrive $0xFFFF  }
0x3e: {  	s30 =	simm.s32 $0x3;
	[sflag:s2] =	ssyncpa.u1 $0x1  }
0x3f: {  	s31 =	simm.s32 $0x1;
	[sflag:s30] =	ssyncpa.u1 $0x1  }
0x40: {  	[sflag:s31] =	ssyncpa.u1 $0x1  }
0x41: {  	p0 =	sne.s32 s1, $0x0;
	_ =	strace $0x90000047  }
0x42: {  	s0 =	sadd.s32 @!p0 $0x100000, s0;
	[bflag:$0x2] =	sbarrier.arrive $0xFFFF  }
0x43: {  	[sflag:s0] =	ssyncadd.tile.s32 @!p0 $0x1;
	_ =	shalt  }
.Lfunc_end2:
_tile_overlayer_lowered:
.L_overlay_start_2:
0x44: {  	(tag) =	ssettag $0x2  }
0x45: {  	s0 =	rddreg [dreg:$0x0];
	s2 =	stileid.u32  }
0x46: {  	s1 =	rddreg [dreg:$0x1];
	p0 =	sne.s32 s2, $0x0  }
0x47: {  	s3 =	rddreg [dreg:$0x2];
	[bflag:$0x3] =	sbarrier.arrive $0xFFFF;
	s2 =	simm.s32 @!p0 $0x1C01  }
0x48: {  	[timem:s3], [sflag:s2] =	dma.local @!p0 [hbm:s0], s1  }
0x49: {  	s0 =	simm.s32 @!p0 $0x1  }
0x4a: {  	_ =	swait.ge @!p0 [sflag:s0], s1  }
0x4b: {  	s1 =	ssub.s32 @!p0 $0x0, s1;
	[sflag:s0] =	ssyncset.done @!p0 $0x0  }
0x4c: {  	[sflag:s0] =	ssyncadd.s32 @!p0 s1  }
0x4d: {  	[bflag:$0x3] =	sbarrier.arrive $0xFFFF  }
0x4e: {  	_ =	shalt  }

// kernel: kernel.5.cloned.1.call-start
scs
__scs_entry_jumppad:
0x0: {  	(pc) =	sbr.rel $0x88, $3  }
0x1: {  	(tag) =	ssettag $0x0;
	lr =	simm.s32 $0x1  }
0x2: {  	[smem:$0x3F99] =	sst lr;
	_ =	strace $0xD0000000  }
0x3: {  	_ = 	snop  }
0x4: {  	_ = 	snop  }
0x5: {  	_ = 	snop  }
0x6: {  	_ = 	snop  }
0x7: {  	_ = 	snop  }
__scs_overlays_trampoline_lowered:
0x8: {  	[smem:$0x3FA8] =	sst s0  }
0x9: {  	[smem:$0x3FA9] =	sst s1  }
0xa: {  	[smem:$0x3FAA] =	sst s2  }
0xb: {  	[smem:$0x3FAB] =	sst s3  }
0xc: {  	[smem:$0x3FAC] =	sst s4  }
0xd: {  	[smem:$0x3FAD] =	sst s5  }
0xe: {  	[smem:$0x3FAE] =	sst s6  }
0xf: {  	[smem:$0x3FAF] =	sst s7  }
0x10: {  	[smem:$0x3FB0] =	sst s8  }
0x11: {  	[smem:$0x3FB1] =	sst s9;
	s0 =	simm.s32 @!p0 $0x0  }
0x12: {  	s1 =	sld [smem:$0x3F97];
	s0 =	simm.s32 @p0 $0x1  }
0x13: {  	[smem:$0x3FB2] =	sst s0;
	s0 =	simm.s32 @!p1 $0x0  }
0x14: {  	s2 =	sld [smem:$0x3F96];
	s0 =	simm.s32 @p1 $0x1  }
0x15: {  	[smem:$0x3FB3] =	sst s0;
	s0 =	simm.s32 @!p2 $0x0  }
0x16: {  	s3 =	sld [smem:$0x3FDB];
	s0 =	simm.s32 @p2 $0x1  }
0x17: {  	s4 =	simm.s32 $0x1BF5;
	[smem:$0x3FB5] =	sst s0  }
0x18: {  	s0 =	sld [smem:$0x3F98];
	_ =	swait.ge [sflag:s4], $0x0  }
0x19: {  	s7 =	sld [smem:$0x3F99]  }
0x1a: {  	s8 =	sadd.s32 $0xFFFFE003, lr  }
0x1b: {  	s9 =	sadd.s32 $0xFFFFFEF7, lr;
	s5 =	simm.s32 $0xFFFFFFFF;
	p2 =	slt.u32 s8, $0xFFFFF086  }
0x1c: {  	p1 =	slt.u32 s9, $0xF7A;
	s5 =	simm.s32 @!p2 $0x0  }
0x1d: {  	s5 =	simm.s32 @p1 $0x1;
	p0 =	seq.s32 s7, s2  }
0x1e: {  	s7 =	smul.u32 @!p0 $0xF7A, s2;
	p2 =	seq.s32 @!p0 s5, $0x0  }
0x1f: {  	s9 =	smul.u32 $0xF7A, s1;
	s8 =	simm.s32 @!p0 $0x1BF5;
	p2 =	por !p2, p0  }
0x20: {  	[sflag:s8] =	ssyncset.s32 @!p0 $0xFFFFF086;
	s6 =	sadd.s32 @!p0 s3, s7;
	s7 =	simm.s32 @!p0 $0x108  }
0x21: {  	s3 =	sadd.s32 s3, s9;
	s6 =	sadd.s32 @!p0 $0x88, s6;
	s7 =	simm.s32 @p2 $0x1082  }
0x22: {  	[simem:s7], [sflag:s8] =	dma.local @!p0 [hbm:s6], $0xF7A  }
0x23: {  	s9 =	sor.u32 $0xD0000000, s2;
	s6 =	simm.s32 $0x108;
	_ =	swait.ge @!p0 [sflag:s8], $0x0  }
0x24: {  	s3 =	sadd.s32 $0x88, s3;
	s6 =	simm.s32 @!p1 $0x1082;
	[sflag:s4] =	ssyncset.s32 $0xFFFFF086  }
0x25: {  	[simem:s6], [sflag:s4] =	dma.local [hbm:s3], $0xF7A  }
0x26: {  	[smem:$0x3F99] =	sst s1;
	(tag) =	ssettag s2;
	_ =	strace s9  }
0x27: {  	s1 =	sld [smem:$0x3FA9]  }
0x28: {  	s2 =	sld [smem:$0x3FAA]  }
0x29: {  	s4 =	sld [smem:$0x3FAC]  }
0x2a: {  	p0 =	seq.s32 s5, $0x0;
	s5 =	sld [smem:$0x3FAD]  }
0x2b: {  	s6 =	sld [smem:$0x3FAE]  }
0x2c: {  	s7 =	sld [smem:$0x3FAF]  }
0x2d: {  	s3 =	simm.s32 $0x108;
	s8 =	sld [smem:$0x3FB0]  }
0x2e: {  	s3 =	simm.s32 @!p0 $0x1082;
	s9 =	sld [smem:$0x3FB1]  }
0x2f: {  	lr =	sadd.s32 s0, s3;
	s0 =	sld [smem:$0x3FA8]  }
0x30: {  	s3 =	sld [smem:$0x3FAB]  }
0x31: {  	[smem:$0x3FB4] =	sst s10  }
0x32: {  	s10 =	sld [smem:$0x3FB2];
	_ =	sdelay $0x3  }
0x33: {  	p0 =	seq.s32 s10, $0x1;
	s10 =	sld [smem:$0x3FB4];
	_ =	sdelay $0x3  }
0x34: {  	[smem:$0x3FB4] =	sst s10  }
0x35: {  	s10 =	sld [smem:$0x3FB3];
	_ =	sdelay $0x3  }
0x36: {  	p1 =	seq.s32 s10, $0x1;
	s10 =	sld [smem:$0x3FB4];
	_ =	sdelay $0x3  }
0x37: {  	[smem:$0x3FB4] =	sst s10  }
0x38: {  	s10 =	sld [smem:$0x3FB5]  }
0x39: {  	_ = 	snop;
	(pc) =	sbr.ind lr, $3  }
0x3a: {  	_ = 	snop  }
0x3b: {  	_ = 	snop  }
0x3c: {  	p2 =	seq.s32 s10, $0x1;
	s10 =	sld [smem:$0x3FB4]  }
0x3d: {  	_ =	shalt  }
0x3e: {  	_ =	shalt  }
0x3f: {  	_ =	shalt  }
0x40: {  	_ =	shalt  }
0x41: {  	_ =	shalt  }
0x42: {  	_ =	shalt  }
0x43: {  	_ =	shalt  }
0x44: {  	_ =	shalt  }
0x45: {  	_ =	shalt  }
0x46: {  	_ =	shalt  }
0x47: {  	_ =	shalt  }
0x48: {  	_ =	shalt  }
0x49: {  	_ =	shalt  }
0x4a: {  	_ =	shalt  }
0x4b: {  	_ =	shalt  }
0x4c: {  	_ =	shalt  }
0x4d: {  	_ =	shalt  }
0x4e: {  	_ =	shalt  }
0x4f: {  	_ =	shalt  }
0x50: {  	_ =	shalt  }
0x51: {  	_ =	shalt  }
0x52: {  	_ =	shalt  }
0x53: {  	_ =	shalt  }
0x54: {  	_ =	shalt  }
0x55: {  	_ =	shalt  }
0x56: {  	_ =	shalt  }
0x57: {  	_ =	shalt  }
0x58: {  	_ =	shalt  }
0x59: {  	_ =	shalt  }
0x5a: {  	_ =	shalt  }
0x5b: {  	_ =	shalt  }
0x5c: {  	_ =	shalt  }
0x5d: {  	_ =	shalt  }
0x5e: {  	_ =	shalt  }
0x5f: {  	_ =	shalt  }
0x60: {  	_ =	shalt  }
0x61: {  	_ =	shalt  }
0x62: {  	_ =	shalt  }
0x63: {  	_ =	shalt  }
0x64: {  	_ =	shalt  }
0x65: {  	_ =	shalt  }
0x66: {  	_ =	shalt  }
0x67: {  	_ =	shalt  }
0x68: {  	_ =	shalt  }
0x69: {  	_ =	shalt  }
0x6a: {  	_ =	shalt  }
0x6b: {  	_ =	shalt  }
0x6c: {  	_ =	shalt  }
0x6d: {  	_ =	shalt  }
0x6e: {  	_ =	shalt  }
0x6f: {  	_ =	shalt  }
0x70: {  	_ =	shalt  }
0x71: {  	_ =	shalt  }
0x72: {  	_ =	shalt  }
0x73: {  	_ =	shalt  }
0x74: {  	_ =	shalt  }
0x75: {  	_ =	shalt  }
0x76: {  	_ =	shalt  }
0x77: {  	_ =	shalt  }
0x78: {  	_ =	shalt  }
0x79: {  	_ =	shalt  }
0x7a: {  	_ =	shalt  }
0x7b: {  	_ =	shalt  }
0x7c: {  	_ =	shalt  }
0x7d: {  	_ =	shalt  }
0x7e: {  	_ =	shalt  }
0x7f: {  	_ =	shalt  }
0x80: {  	_ =	shalt  }
0x81: {  	_ =	shalt  }
0x82: {  	_ =	shalt  }
0x83: {  	_ =	shalt  }
0x84: {  	_ =	shalt  }
0x85: {  	_ =	shalt  }
0x86: {  	_ =	shalt  }
0x87: {  	_ =	shalt  }
.Lfunc_end0:
.L_simem_size_0:
called_computation.4_lowered:
.L_overlay_start_0:
0x88: {  	s2 =	sld [smem:$0x3FD9]  }
0x89: {  	s3 =	sld [smem:$0x3FFE];
	_ =	sdelay $0x1  }
0x8a: {  	s1 =	srdreg.scid  }
0x8b: {  	s0 =	sand.u32 $0x1, s1  }
0x8c: {  	s17 =	sshll.u32 s0, $0xA;
	s2 =	sadd.s32 s3, s2  }
0x8d: {  	s2 =	sadd.s32 s2, s17  }
0x8e: {  	[smem:$0x3FC0] =	sst s2  }
0x8f: {  	_ = 	snop  }
0x90: {  	(tm) =	ssettm $0x1  }
0x91: {  	s18 =	sld [smem:$0x3FFB];
	_ =	sdelay $0x3  }
0x92: {  	_ =	strace s18  }
0x93: {  	s2 =	sld [smem:$0x3FFC];
	_ =	sdelay $0x3  }
0x94: {  	_ =	strace s2  }
0x95: {  	s2 =	sld [smem:$0x3FFD];
	_ =	sdelay $0x3  }
0x96: {  	_ =	strace s2  }
0x97: {  	_ =	strace $0x8FFFFFFF  }
0x98: {  	s19 =	sld [smem:$0x3FDB];
	_ =	sdelay $0x1  }
0x99: {  	s20 =	simm.s32 $_scs_section_size  }
0x9a: {  	s4 =	simm.s32 $_size__tile_overlayer_lowered;
	s5 =	simm.s32 $_tile_overlayer_lowered  }
0x9b: {  	s6 =	simm.s32 $0x1BFF;
	s21 =	sshll.u32 s5, $0x1;
	s3 =	sadd.s32 s20, s19  }
0x9c: {  	s22 =	simm.s32 $0x0;
	s4 =	sshll.u32 s4, $0x1;
	s5 =	sadd.s32 s21, s3  }
0x9d: {  	[timem:s22], [sflag:s6] =	dma.local [hbm:s5], s4  }
0x9e: {  	_ =	swait.ge [sflag:s6], s4  }
0x9f: {  	s4 =	ssub.s32 $0x0, s4;
	[sflag:s6] =	ssyncset.done $0x0  }
0xa0: {  	[sflag:s6] =	ssyncadd.s32 s4;
	_ =	sdelay $0x1  }
0xa1: {  	s23 =	simm.s32 $0x1B8B  }
0xa2: {  	_ =	swait.ge [sflag:s23], $0x1  }
0xa3: {  	[sflag:s23] =	ssyncset.done $0x0  }
0xa4: {  	[sflag:s23] =	ssyncadd.s32 $0xFFFFFFFF  }
0xa5: {  	s4 =	sld [smem:$0x0]  }
0xa6: {  	s5 =	sand.u32 $0xFFFFFFFE, s1  }
0xa7: {  	p0 =	sne.s32 s1, s5  }
0xa8: {  	s5 =	sshll.u32 @p0 s5, $0xE  }
0xa9: {  	s5 =	sadd.s32 @p0 $0x11B8D, s5;
	s6 =	sshll.u32 @p0 s4, $0x11  }
0xaa: {  	s5 =	sor.u32 @p0 s6, s5  }
0xab: {  	[sflag:s5] =	ssyncadd.remote.s32 @p0 $0x1;
	_ =	sdelay $0x1  }
0xac: {  	s5 =	simm.s32 @p0 $0x1B8D  }
0xad: {  	_ =	swait.eq @p0 [sflag:s5], $0x1  }
0xae: {  	[sflag:s5] =	ssyncadd.s32 @p0 $0xFFFFFFFF  }
0xaf: {  	s6 =	sshll.u32 @!p0 s1, $0xE  }
0xb0: {  	s6 =	sor.u32 @!p0 $0x4000, s6;
	s5 =	simm.s32 @!p0 $0x1B8D  }
0xb1: {  	s4 =	sshll.u32 @!p0 s4, $0x11;
	s6 =	sadd.s32 @!p0 $0x11B8D, s6;
	_ =	swait.eq @!p0 [sflag:s5], $0x1  }
0xb2: {  	s4 =	sor.u32 @!p0 s4, s6;
	[sflag:s5] =	ssyncadd.s32 @!p0 $0xFFFFFFFF  }
0xb3: {  	s25 =	simm.s32 $0x1B8E;
	s24 =	sld [smem:$0x3FFE];
	[sflag:s4] =	ssyncadd.remote.s32 @!p0 $0x1  }
0xb4: {  	s26 =	simm.s32 $execute0_lowered;
	[smem:$0x3FD2] =	sst s25  }
0xb5: {  	s5 =	sshll.u32 s26, $0x1;
	_ =	strace $0x8000004F;
	[dreg:$0x1] =	wrdreg $0xFFFFFFFF  }
0xb6: {  	s28 =	simm.s32 $_size_execute0_lowered;
	s3 =	sadd.s32 s3, s5;
	[dreg:$0x0] =	wrdreg $0x0  }
0xb7: {  	s5 =	sshll.u32 s28, $0x1;
	[dreg:$0x2] =	wrdreg s3  }
0xb8: {  	[dreg:$0x3] =	wrdreg s5  }
0xb9: {  	[dreg:$0x4] =	wrdreg $0xC0  }
0xba: {  	_ =	task [dreg:s22], $0x5FFFF  }
0xbb: {  	[dreg:$0x1] =	wrdreg $0xFFFFFFFF  }
0xbc: {  	[dreg:$0x0] =	wrdreg $0x60  }
0xbd: {  	[dreg:$0x2] =	wrdreg s24  }
0xbe: {  	[dreg:$0x3] =	wrdreg $0xA  }
0xbf: {  	_ =	task.clear_ibuf [dreg:s22], $0x4FFFF;
	_ =	strace $0x9000004F  }
0xc0: {  	s29 =	simm.s32 $0xA;
	_ =	strace $0x80000051  }
0xc1: {  	_ =	swait.ge [sflag:s29], $0x1  }
0xc2: {  	[sflag:s29] =	ssyncadd.s32 $0xFFFFFFFF  }
0xc3: {  	_ =	strace $0x90000051  }
0xc4: {  	_ =	sfence  }
0xc5: {  	s30 =	sld [smem:$0x0];
	_ =	sdelay $0x2  }
0xc6: {  	s31 =	sshll.u32 s1, $0xD;
	s1 =	sshrl.u32 s1, $0x2  }
0xc7: {  	s4 =	sand.u32 $0x4000, s31;
	s1 =	sadd.s32 s1, s30  }
0xc8: {  	s0 =	sor.u32 s4, s0;
	s1 =	sshll.u32 s1, $0x11  }
0xc9: {  	s0 =	sor.u32 s1, s0  }
0xca: {  	s0 =	sadd.s32 $0x8F2B, s0  }
0xcb: {  	[sflag:s0] =	ssyncadd.remote.s32 $0x1  }
0xcc: {  	_ =	sfence.sel $0xFFFF  }
0xcd: {  	[dreg:$0x0] =	wrdreg $0xFFFFFFFF;
	(pc) =	sbr.abs _section_cstart, $3  }
0xce: {  	[dreg:$0x1] =	wrdreg $0xFFFFFFFF  }
0xcf: {  	_ =	task.clear_ibuf [dreg:s22], $0x2FFFF;
	_ =	strace $0x9FFFFFFF  }
0xd0: {  	(tm) =	ssettm $0x7FFFFFFF  }
0xd1: {  	_ =	shalt  }
tec
execute0_lowered:
.L_overlay_start_1:
0x0: {  	(tag) =	ssettag $0x1  }
0x1: {  	s0 =	rddreg [dreg:$0x0]  }
0x2: {  	s2 =	simm.s32 $0x0;
	s1 =	srdreg.scid;
	s3 =	stileid.u32  }
0x3: {  	s28 =	simm.s32 $0x80;
	s30 =	simm.s32 $0x12400;
	s29 =	simm.s32 $0x16400  }
0x4: {  	s31 =	simm.s32 $0x1A400;
	[smem:$0x7FF] =	sst s2;
	s1 =	sand.u32 $0x1, s1  }
0x5: {  	s3 =	sshll.u32 s3, $0x1;
	s5 =	sadd.s32 $0x7000, s0;
	s6 =	sadd.s32 $0x9000, s0  }
0x6: {  	s18 =	sadd.s32 $0xC000, s0;
	s7 =	sadd.s32 $0xCC000, s0;
	_ =	strace $0x80000050  }
0x7: {  	s4 =	sor.u32 s1, s3;
	s3 =	sadd.s32 $0xF49400, s0;
	[dreg:$0x2] =	wrdreg s5  }
0x8: {  	[dreg:$0x3] =	wrdreg s6;
	s1 =	ssub.s32 $0x2, s1;
	s17 =	smul.u32 $0x180, s4  }
0x9: {  	s5 =	simm.s32 $0x1;
	s4 =	smul.u32 $0x6000, s4;
	s8 =	sshrl.u32 s1, $0x1  }
0xa: {  	s6 =	simm.s32 $0x2;
	s1 =	ssub.s32 s1, s8;
	s0 =	sadd.s32 s0, s17  }
0xb: {  	s19 =	sor.u32 $0xC00, s4;
	s1 =	smax.u32 s1, $0x1;
	s20 =	sadd.s32 s18, s4  }
0xc: {  	s22 =	sor.u32 $0x1800, s4;
	s24 =	sadd.s32 $0x2400, s4;
	s25 =	sadd.s32 $0x3000, s4  }
0xd: {  	s26 =	sadd.s32 $0x3C00, s4;
	s10 =	sadd.s32 $0x4800, s4;
	[dreg:$0x4] =	wrdreg s0  }
0xe: {  	s23 =	sadd.s32 $0x5400, s4;
	s16 =	sadd.s32 s7, s4;
	[dreg:$0x5] =	wrdreg s1  }
0xf: {  	s4 =	simm.s32 $0x1C400;
	[dreg:$0x6] =	wrdreg s20;
	s21 =	sadd.s32 s18, s19  }
0x10: {  	s9 =	sadd.s32 s18, s22;
	s11 =	sadd.s32 s18, s24;
	s12 =	sadd.s32 s18, s25  }
0x11: {  	s13 =	sadd.s32 s18, s26;
	s14 =	sadd.s32 s18, s10;
	s15 =	sadd.s32 s18, s23  }
0x12: {  	s17 =	sadd.s32 s7, s19;
	s18 =	sadd.s32 s7, s22;
	s19 =	sadd.s32 s7, s24  }
0x13: {  	s20 =	sadd.s32 s7, s25;
	s22 =	sadd.s32 s7, s10;
	s23 =	sadd.s32 s7, s23  }
0x14: {  	s24 =	simm.s32 $0x3;
	s25 =	simm.s32 $0xC00;
	[dreg:$0x7] =	wrdreg s21  }
0x15: {  	s0 =	simm.s32 $0x14400;
	s1 =	simm.s32 $0x18400;
	[dreg:$0x8] =	wrdreg s9  }
0x16: {  	s21 =	sadd.s32 s7, s26;
	s26 =	simm.s32 $0x8C00;
	s7 =	simm.s32 $0x0  }
.LBB2_1:
0x17: {  	s8 =	rddreg [dreg:$0x4]  }
0x18: {  	[tilespmem:s2], [sflag:$0x3] =	stream.linear.gather [hbm4b:s8+s2], $0xC00, $0x38;
	[tilespmem:$0x1E400] =	vst v63  }
0x19: {  	_ =	swait.ge [sflag:s24], $0xC00  }
0x1a: {  	[sflag:s24] =	ssyncset.done $0x0  }
0x1b: {  	s9 =	rddreg [dreg:$0x2];
	[sflag:s24] =	ssyncadd.s32 $0xFFFFF400  }
0x1c: {  	[tilespmem:s25], [sflag:$0x3] =	stream.linear.gather [hbm4b:s9+s2], $0x8000, $0x38;
	[tilespmem:$0x1E400] =	vst v63  }
0x1d: {  	_ =	swait.ge [sflag:s24], $0x8000  }
0x1e: {  	[sflag:s24] =	ssyncset.done $0x0  }
0x1f: {  	s10 =	rddreg [dreg:$0x3];
	[sflag:s24] =	ssyncadd.s32 $0xFFFF8000  }
0x20: {  	[tilespmem:s26], [sflag:$0x3] =	stream.linear.gather [hbm4b:s10+s2], $0x8000, $0x38;
	[tilespmem:$0x1E400] =	vst v63  }
0x21: {  	_ =	swait.ge [sflag:s24], $0x8000  }
0x22: {  	[sflag:s24] =	ssyncset.done $0x0  }
0x23: {  	s8 =	simm.s32 $0x0;
	[sflag:s24] =	ssyncadd.s32 $0xFFFF8000  }
0x24: {  	v0 =	vld [tilespmem:s8+$0x0];
	_ =	sdelay $0x7  }
0x25: {  	v1 =	vld.idx.msk [tilespmem:v0+s25+$0x0], $0xffff;
	_ =	sdelay $0x4  }
0x26: {  	[tilespmem:s8+$0x10C00] =	vst v1;
	v1 =	vld [tilespmem:s8+$0x10];
	_ =	sdelay $0x1  }
0x27: {  	v0 =	vld.idx.msk [tilespmem:v0+s26+$0x0], $0xffff;
	_ =	sdelay $0x4  }
0x28: {  	[tilespmem:s8+$0x11800] =	vst v0  }
0x29: {  	v0 =	vld.idx.msk [tilespmem:v1+s25+$0x0], $0xffff;
	_ =	sdelay $0x4  }
0x2a: {  	[tilespmem:s8+$0x10C10] =	vst v0;
	v0 =	vld [tilespmem:s8+$0x20];
	_ =	sdelay $0x1  }
0x2b: {  	v1 =	vld.idx.msk [tilespmem:v1+s26+$0x0], $0xffff;
	_ =	sdelay $0x4  }
0x2c: {  	[tilespmem:s8+$0x11810] =	vst v1  }
0x2d: {  	v1 =	vld.idx.msk [tilespmem:v0+s25+$0x0], $0xffff;
	_ =	sdelay $0x4  }
0x2e: {  	[tilespmem:s8+$0x10C20] =	vst v1;
	v1 =	vld [tilespmem:s8+$0x30];
	_ =	sdelay $0x1  }
0x2f: {  	v0 =	vld.idx.msk [tilespmem:v0+s26+$0x0], $0xffff;
	_ =	sdelay $0x4  }
0x30: {  	[tilespmem:s8+$0x11820] =	vst v0  }
0x31: {  	v0 =	vld.idx.msk [tilespmem:v1+s25+$0x0], $0xffff;
	_ =	sdelay $0x4  }
0x32: {  	[tilespmem:s8+$0x10C30] =	vst v0;
	v0 =	vld [tilespmem:s8+$0x40];
	_ =	sdelay $0x1  }
0x33: {  	v1 =	vld.idx.msk [tilespmem:v1+s26+$0x0], $0xffff;
	_ =	sdelay $0x4  }
0x34: {  	[tilespmem:s8+$0x11830] =	vst v1  }
0x35: {  	v1 =	vld.idx.msk [tilespmem:v0+s25+$0x0], $0xffff;
	_ =	sdelay $0x4  }
0x36: {  	[tilespmem:s8+$0x10C40] =	vst v1;
	v1 =	vld [tilespmem:s8+$0x50];
	_ =	sdelay $0x1  }
0x37: {  	v0 =	vld.idx.msk [tilespmem:v0+s26+$0x0], $0xffff;
	_ =	sdelay $0x4  }
0x38: {  	[tilespmem:s8+$0x11840] =	vst v0  }
0x39: {  	v0 =	vld.idx.msk [tilespmem:v1+s25+$0x0], $0xffff;
	_ =	sdelay $0x3  }
0x3a: {  	v2 =	vld [tilespmem:s8+$0x60]  }
0x3b: {  	[tilespmem:s8+$0x10C50] =	vst v0  }
0x3c: {  	v0 =	vld.idx.msk [tilespmem:v1+s26+$0x0], $0xffff;
	_ =	sdelay $0x4  }
0x3d: {  	[tilespmem:s8+$0x11850] =	vst v0  }
0x3e: {  	v0 =	vld.idx.msk [tilespmem:v2+s25+$0x0], $0xffff;
	_ =	sdelay $0x4  }
0x3f: {  	[tilespmem:s8+$0x10C60] =	vst v0;
	v0 =	vld [tilespmem:s8+$0x70];
	_ =	sdelay $0x1  }
0x40: {  	v1 =	vld.idx.msk [tilespmem:v2+s26+$0x0], $0xffff;
	_ =	sdelay $0x4  }
0x41: {  	[tilespmem:s8+$0x11860] =	vst v1  }
0x42: {  	v1 =	vld.idx.msk [tilespmem:v0+s25+$0x0], $0xffff;
	_ =	sdelay $0x3  }
0x43: {  	s9 =	simm.s32 $0x400;
	s10 =	simm.s32 $0x80  }
.LBB2_2:
0x44: {  	p0 =	sne.s32 s9, $0x2E00;
	v2 =	vld [tilespmem:s10+$0x0];
	[tilespmem:s8+$0x10C70] =	vst v1  }
0x45: {  	v0 =	vld.idx.msk [tilespmem:v0+s26+$0x0], $0xffff;
	_ =	sdelay $0x5  }
0x46: {  	[tilespmem:s8+$0x11870] =	vst v0;
	s8 =	smov.u32 s10  }
0x47: {  	v0 =	vld.idx.msk [tilespmem:v2+s25+$0x0], $0xffff;
	_ =	sdelay $0x5  }
0x48: {  	[tilespmem:s8+$0x10C00] =	vst v0;
	v0 =	vld [tilespmem:s8+$0x10]  }
0x49: {  	v1 =	vld.idx.msk [tilespmem:v2+s26+$0x0], $0xffff;
	_ =	sdelay $0x5  }
0x4a: {  	[tilespmem:s8+$0x11800] =	vst v1  }
0x4b: {  	v1 =	vld.idx.msk [tilespmem:v0+s25+$0x0], $0xffff;
	_ =	sdelay $0x5  }
0x4c: {  	[tilespmem:s8+$0x10C10] =	vst v1;
	v1 =	vld [tilespmem:s8+$0x20]  }
0x4d: {  	v0 =	vld.idx.msk [tilespmem:v0+s26+$0x0], $0xffff;
	_ =	sdelay $0x5  }
0x4e: {  	[tilespmem:s8+$0x11810] =	vst v0  }
0x4f: {  	v0 =	vld.idx.msk [tilespmem:v1+s25+$0x0], $0xffff;
	_ =	sdelay $0x5  }
0x50: {  	[tilespmem:s8+$0x10C20] =	vst v0;
	v0 =	vld [tilespmem:s8+$0x30]  }
0x51: {  	v1 =	vld.idx.msk [tilespmem:v1+s26+$0x0], $0xffff;
	_ =	sdelay $0x5  }
0x52: {  	[tilespmem:s8+$0x11820] =	vst v1  }
0x53: {  	v1 =	vld.idx.msk [tilespmem:v0+s25+$0x0], $0xffff;
	_ =	sdelay $0x5  }
0x54: {  	[tilespmem:s8+$0x10C30] =	vst v1;
	v1 =	vld [tilespmem:s8+$0x40]  }
0x55: {  	v0 =	vld.idx.msk [tilespmem:v0+s26+$0x0], $0xffff;
	_ =	sdelay $0x5  }
0x56: {  	[tilespmem:s8+$0x11830] =	vst v0  }
0x57: {  	v0 =	vld.idx.msk [tilespmem:v1+s25+$0x0], $0xffff;
	_ =	sdelay $0x5  }
0x58: {  	[tilespmem:s8+$0x10C40] =	vst v0;
	v0 =	vld [tilespmem:s8+$0x50]  }
0x59: {  	v1 =	vld.idx.msk [tilespmem:v1+s26+$0x0], $0xffff;
	_ =	sdelay $0x5  }
0x5a: {  	[tilespmem:s8+$0x11840] =	vst v1  }
0x5b: {  	v1 =	vld.idx.msk [tilespmem:v0+s25+$0x0], $0xffff;
	_ =	sdelay $0x5  }
0x5c: {  	[tilespmem:s8+$0x10C50] =	vst v1;
	v1 =	vld [tilespmem:s8+$0x60]  }
0x5d: {  	v0 =	vld.idx.msk [tilespmem:v0+s26+$0x0], $0xffff;
	_ =	sdelay $0x5  }
0x5e: {  	[tilespmem:s8+$0x11850] =	vst v0  }
0x5f: {  	v0 =	vld.idx.msk [tilespmem:v1+s25+$0x0], $0xffff;
	_ =	sdelay $0x5  }
0x60: {  	[tilespmem:s8+$0x10C60] =	vst v0;
	v0 =	vld [tilespmem:s8+$0x70]  }
0x61: {  	v1 =	vld.idx.msk [tilespmem:v1+s26+$0x0], $0xffff;
	_ =	sdelay $0x5  }
0x62: {  	[tilespmem:s8+$0x11860] =	vst v1  }
0x63: {  	v1 =	vld.idx.msk [tilespmem:v0+s25+$0x0], $0xffff  }
.Ltmp0:
0x64: {  	(pc) =	sbr.rel @p0 .LBB2_2-.Ltmp0, $2  }
0x65: {  	_ =	sdelay $0x2  }
0x66: {  	s10 =	sshra.s32 s9, $0x2;
	s9 =	sadd.s32 $0x200, s9  }
0x67: {  	_ =	sdelay $0x1  }
0x68: {  	v2 =	vld [tilespmem:s10+$0x0]  }
0x69: {  	[tilespmem:s8+$0x10C70] =	vst v1  }
0x6a: {  	v0 =	vld.idx.msk [tilespmem:v0+s26+$0x0], $0xffff;
	_ =	sdelay $0x4  }
0x6b: {  	[tilespmem:s8+$0x11870] =	vst v0  }
0x6c: {  	v0 =	vld.idx.msk [tilespmem:v2+s25+$0x0], $0xffff;
	_ =	sdelay $0x3  }
0x6d: {  	v57 =	vld [tilespmem:s10+$0x10]  }
0x6e: {  	[tilespmem:s10+$0x10C00] =	vst v0  }
0x6f: {  	v1 =	vld.idx.msk [tilespmem:v2+s26+$0x0], $0xffff;
	_ =	sdelay $0x4  }
0x70: {  	[tilespmem:s10+$0x11800] =	vst v1  }
0x71: {  	v1 =	vld.idx.msk [tilespmem:v57+s25+$0x0], $0xffff;
	_ =	sdelay $0x3  }
0x72: {  	v58 =	vld [tilespmem:s10+$0x20]  }
0x73: {  	[tilespmem:s10+$0x10C10] =	vst v1  }
0x74: {  	v0 =	vld.idx.msk [tilespmem:v57+s26+$0x0], $0xffff;
	_ =	sdelay $0x4  }
0x75: {  	[tilespmem:s10+$0x11810] =	vst v0  }
0x76: {  	v0 =	vld.idx.msk [tilespmem:v58+s25+$0x0], $0xffff;
	_ =	sdelay $0x3  }
0x77: {  	v59 =	vld [tilespmem:s10+$0x30]  }
0x78: {  	[tilespmem:s10+$0x10C20] =	vst v0  }
0x79: {  	v1 =	vld.idx.msk [tilespmem:v58+s26+$0x0], $0xffff;
	_ =	sdelay $0x4  }
0x7a: {  	[tilespmem:s10+$0x11820] =	vst v1  }
0x7b: {  	v1 =	vld.idx.msk [tilespmem:v59+s25+$0x0], $0xffff;
	_ =	sdelay $0x3  }
0x7c: {  	v60 =	vld [tilespmem:s10+$0x40]  }
0x7d: {  	[tilespmem:s10+$0x10C30] =	vst v1  }
0x7e: {  	v0 =	vld.idx.msk [tilespmem:v59+s26+$0x0], $0xffff;
	_ =	sdelay $0x4  }
0x7f: {  	[tilespmem:s10+$0x11830] =	vst v0  }
0x80: {  	v0 =	vld.idx.msk [tilespmem:v60+s25+$0x0], $0xffff;
	_ =	sdelay $0x3  }
0x81: {  	v61 =	vld [tilespmem:s10+$0x50]  }
0x82: {  	[tilespmem:s10+$0x10C40] =	vst v0  }
0x83: {  	v1 =	vld.idx.msk [tilespmem:v60+s26+$0x0], $0xffff;
	_ =	sdelay $0x4  }
0x84: {  	[tilespmem:s10+$0x11840] =	vst v1  }
0x85: {  	v1 =	vld.idx.msk [tilespmem:v61+s25+$0x0], $0xffff;
	_ =	sdelay $0x3  }
0x86: {  	v62 =	vld [tilespmem:s10+$0x60]  }
0x87: {  	[tilespmem:s10+$0x10C50] =	vst v1  }
0x88: {  	v0 =	vld.idx.msk [tilespmem:v61+s26+$0x0], $0xffff;
	_ =	sdelay $0x4  }
0x89: {  	[tilespmem:s10+$0x11850] =	vst v0  }
0x8a: {  	v0 =	vld.idx.msk [tilespmem:v62+s25+$0x0], $0xffff;
	_ =	sdelay $0x3  }
0x8b: {  	v63 =	vld [tilespmem:s10+$0x70]  }
0x8c: {  	[tilespmem:s10+$0x10C60] =	vst v0  }
0x8d: {  	v1 =	vld.idx.msk [tilespmem:v62+s26+$0x0], $0xffff;
	_ =	sdelay $0x4  }
0x8e: {  	[tilespmem:s10+$0x11860] =	vst v1  }
0x8f: {  	v1 =	vld.idx.msk [tilespmem:v63+s25+$0x0], $0xffff;
	_ =	sdelay $0x4  }
0x90: {  	[tilespmem:s10+$0x10C70] =	vst v1  }
0x91: {  	v0 =	vld.idx.msk [tilespmem:v63+s26+$0x0], $0xffff;
	_ =	sdelay $0x4  }
0x92: {  	s9 =	simm.s32 $0x10C00;
	[tilespmem:s10+$0x11870] =	vst v0  }
0x93: {  	[tilespmem:s30], [sflag:$0x1] =	stream.indirect.gather [hbm4b:s3+s28], $0x40, s9, s28, $0xb8;
	[tilespmem:$0x1E400] =	vst v63  }
0x94: {  	s10 =	simm.s32 $0x10C80  }
0x95: {  	[tilespmem:s0], [sflag:$0x1] =	stream.indirect.gather [hbm4b:s3+s28], $0x40, s10, s28, $0xb8;
	[tilespmem:$0x1E400] =	vst v63  }
0x96: {  	s9 =	simm.s32 $0x10D00  }
0x97: {  	[tilespmem:s29], [sflag:$0x1] =	stream.indirect.gather [hbm4b:s3+s28], $0x40, s9, s28, $0xb8;
	[tilespmem:$0x1E400] =	vst v63  }
0x98: {  	s10 =	simm.s32 $0x10D80  }
0x99: {  	[tilespmem:s1], [sflag:$0x2] =	stream.indirect.gather [hbm4b:s3+s28], $0x40, s10, s28, $0xb8;
	[tilespmem:$0x1E400] =	vst v63  }
0x9a: {  	s9 =	simm.s32 $0x10E00  }
0x9b: {  	[tilespmem:s31], [sflag:$0x2] =	stream.indirect.gather [hbm4b:s3+s28], $0x40, s9, s28, $0xb8;
	[tilespmem:$0x1E400] =	vst v63  }
0x9c: {  	s10 =	simm.s32 $0x10E80  }
0x9d: {  	[tilespmem:s4], [sflag:$0x2] =	stream.indirect.gather [hbm4b:s3+s28], $0x40, s10, s28, $0xb8;
	[tilespmem:$0x1E400] =	vst v63  }
0x9e: {  	_ =	swait.ge [sflag:s5], $0x2000  }
0x9f: {  	[sflag:s5] =	ssyncset.done $0x0  }
0xa0: {  	[sflag:s5] =	ssyncadd.s32 $0xFFFFE000  }
0xa1: {  	_ =	swait.ge [sflag:s5], $0x2000  }
0xa2: {  	[sflag:s5] =	ssyncset.done $0x0  }
0xa3: {  	[sflag:s5] =	ssyncadd.s32 $0xFFFFE000  }
0xa4: {  	_ =	swait.ge [sflag:s5], $0x2000  }
0xa5: {  	[sflag:s5] =	ssyncset.done $0x0  }
0xa6: {  	s9 =	rddreg [dreg:$0x6];
	[sflag:s5] =	ssyncadd.s32 $0xFFFFE000  }
0xa7: {  	[hbm4b:s9+s2] =	stream.linear.scatter [tilespmem:s30], [sflag:$0x3], $0x6000, $0x38;
	[tilespmem:$0x1E400] =	vst v63  }
0xa8: {  	_ =	swait.ge [sflag:s24], $0x6000  }
0xa9: {  	[sflag:s24] =	ssyncset.done $0x0  }
0xaa: {  	s10 =	simm.s32 $0x10F00;
	[sflag:s24] =	ssyncadd.s32 $0xFFFFA000  }
0xab: {  	[tilespmem:s30], [sflag:$0x1] =	stream.indirect.gather [hbm4b:s3+s28], $0x40, s10, s28, $0xb8;
	[tilespmem:$0x1E400] =	vst v63  }
0xac: {  	s9 =	simm.s32 $0x10F80  }
0xad: {  	[tilespmem:s0], [sflag:$0x1] =	stream.indirect.gather [hbm4b:s3+s28], $0x40, s9, s28, $0xb8;
	[tilespmem:$0x1E400] =	vst v63  }
0xae: {  	s10 =	simm.s32 $0x11000  }
0xaf: {  	[tilespmem:s29], [sflag:$0x1] =	stream.indirect.gather [hbm4b:s3+s28], $0x40, s10, s28, $0xb8;
	[tilespmem:$0x1E400] =	vst v63  }
0xb0: {  	_ =	swait.ge [sflag:s6], $0x2000  }
0xb1: {  	[sflag:s6] =	ssyncset.done $0x0  }
0xb2: {  	[sflag:s6] =	ssyncadd.s32 $0xFFFFE000  }
0xb3: {  	_ =	swait.ge [sflag:s6], $0x2000  }
0xb4: {  	[sflag:s6] =	ssyncset.done $0x0  }
0xb5: {  	[sflag:s6] =	ssyncadd.s32 $0xFFFFE000  }
0xb6: {  	_ =	swait.ge [sflag:s6], $0x2000  }
0xb7: {  	[sflag:s6] =	ssyncset.done $0x0  }
0xb8: {  	s9 =	rddreg [dreg:$0x7];
	[sflag:s6] =	ssyncadd.s32 $0xFFFFE000  }
0xb9: {  	[hbm4b:s9+s2] =	stream.linear.scatter [tilespmem:s1], [sflag:$0x3], $0x6000, $0x38;
	[tilespmem:$0x1E400] =	vst v63  }
0xba: {  	_ =	swait.ge [sflag:s24], $0x6000  }
0xbb: {  	[sflag:s24] =	ssyncset.done $0x0  }
0xbc: {  	s10 =	simm.s32 $0x11080;
	[sflag:s24] =	ssyncadd.s32 $0xFFFFA000  }
0xbd: {  	[tilespmem:s1], [sflag:$0x2] =	stream.indirect.gather [hbm4b:s3+s28], $0x40, s10, s28, $0xb8;
	[tilespmem:$0x1E400] =	vst v63  }
0xbe: {  	s9 =	simm.s32 $0x11100  }
0xbf: {  	[tilespmem:s31], [sflag:$0x2] =	stream.indirect.gather [hbm4b:s3+s28], $0x40, s9, s28, $0xb8;
	[tilespmem:$0x1E400] =	vst v63  }
0xc0: {  	s10 =	simm.s32 $0x11180  }
0xc1: {  	[tilespmem:s4], [sflag:$0x2] =	stream.indirect.gather [hbm4b:s3+s28], $0x40, s10, s28, $0xb8;
	[tilespmem:$0x1E400] =	vst v63  }
0xc2: {  	_ =	swait.ge [sflag:s5], $0x2000  }
0xc3: {  	[sflag:s5] =	ssyncset.done $0x0  }
0xc4: {  	[sflag:s5] =	ssyncadd.s32 $0xFFFFE000  }
0xc5: {  	_ =	swait.ge [sflag:s5], $0x2000  }
0xc6: {  	[sflag:s5] =	ssyncset.done $0x0  }
0xc7: {  	[sflag:s5] =	ssyncadd.s32 $0xFFFFE000  }
0xc8: {  	_ =	swait.ge [sflag:s5], $0x2000  }
0xc9: {  	[sflag:s5] =	ssyncset.done $0x0  }
0xca: {  	s9 =	rddreg [dreg:$0x8];
	[sflag:s5] =	ssyncadd.s32 $0xFFFFE000  }
0xcb: {  	[hbm4b:s9+s2] =	stream.linear.scatter [tilespmem:s30], [sflag:$0x3], $0x6000, $0x38;
	[tilespmem:$0x1E400] =	vst v63  }
0xcc: {  	_ =	swait.ge [sflag:s24], $0x6000  }
0xcd: {  	[sflag:s24] =	ssyncset.done $0x0  }
0xce: {  	s10 =	simm.s32 $0x11200;
	[sflag:s24] =	ssyncadd.s32 $0xFFFFA000  }
0xcf: {  	[tilespmem:s30], [sflag:$0x1] =	stream.indirect.gather [hbm4b:s3+s28], $0x40, s10, s28, $0xb8;
	[tilespmem:$0x1E400] =	vst v63  }
0xd0: {  	s9 =	simm.s32 $0x11280  }
0xd1: {  	[tilespmem:s0], [sflag:$0x1] =	stream.indirect.gather [hbm4b:s3+s28], $0x40, s9, s28, $0xb8;
	[tilespmem:$0x1E400] =	vst v63  }
0xd2: {  	s10 =	simm.s32 $0x11300  }
0xd3: {  	[tilespmem:s29], [sflag:$0x1] =	stream.indirect.gather [hbm4b:s3+s28], $0x40, s10, s28, $0xb8;
	[tilespmem:$0x1E400] =	vst v63  }
0xd4: {  	_ =	swait.ge [sflag:s6], $0x2000  }
0xd5: {  	[sflag:s6] =	ssyncset.done $0x0  }
0xd6: {  	[sflag:s6] =	ssyncadd.s32 $0xFFFFE000  }
0xd7: {  	_ =	swait.ge [sflag:s6], $0x2000  }
0xd8: {  	[sflag:s6] =	ssyncset.done $0x0  }
0xd9: {  	[sflag:s6] =	ssyncadd.s32 $0xFFFFE000  }
0xda: {  	_ =	swait.ge [sflag:s6], $0x2000  }
0xdb: {  	[sflag:s6] =	ssyncset.done $0x0  }
0xdc: {  	[sflag:s6] =	ssyncadd.s32 $0xFFFFE000  }
0xdd: {  	[hbm4b:s11+s2] =	stream.linear.scatter [tilespmem:s1], [sflag:$0x3], $0x6000, $0x38;
	[tilespmem:$0x1E400] =	vst v63  }
0xde: {  	_ =	swait.ge [sflag:s24], $0x6000  }
0xdf: {  	[sflag:s24] =	ssyncset.done $0x0  }
0xe0: {  	s9 =	simm.s32 $0x11380;
	[sflag:s24] =	ssyncadd.s32 $0xFFFFA000  }
0xe1: {  	[tilespmem:s1], [sflag:$0x2] =	stream.indirect.gather [hbm4b:s3+s28], $0x40, s9, s28, $0xb8;
	[tilespmem:$0x1E400] =	vst v63  }
0xe2: {  	s10 =	simm.s32 $0x11400  }
0xe3: {  	[tilespmem:s31], [sflag:$0x2] =	stream.indirect.gather [hbm4b:s3+s28], $0x40, s10, s28, $0xb8;
	[tilespmem:$0x1E400] =	vst v63  }
0xe4: {  	s9 =	simm.s32 $0x11480  }
0xe5: {  	[tilespmem:s4], [sflag:$0x2] =	stream.indirect.gather [hbm4b:s3+s28], $0x40, s9, s28, $0xb8;
	[tilespmem:$0x1E400] =	vst v63  }
0xe6: {  	_ =	swait.ge [sflag:s5], $0x2000  }
0xe7: {  	[sflag:s5] =	ssyncset.done $0x0  }
0xe8: {  	[sflag:s5] =	ssyncadd.s32 $0xFFFFE000  }
0xe9: {  	_ =	swait.ge [sflag:s5], $0x2000  }
0xea: {  	[sflag:s5] =	ssyncset.done $0x0  }
0xeb: {  	[sflag:s5] =	ssyncadd.s32 $0xFFFFE000  }
0xec: {  	_ =	swait.ge [sflag:s5], $0x2000  }
0xed: {  	[sflag:s5] =	ssyncset.done $0x0  }
0xee: {  	[sflag:s5] =	ssyncadd.s32 $0xFFFFE000  }
0xef: {  	[hbm4b:s12+s2] =	stream.linear.scatter [tilespmem:s30], [sflag:$0x3], $0x6000, $0x38;
	[tilespmem:$0x1E400] =	vst v63  }
0xf0: {  	_ =	swait.ge [sflag:s24], $0x6000  }
0xf1: {  	[sflag:s24] =	ssyncset.done $0x0  }
0xf2: {  	s10 =	simm.s32 $0x11500;
	[sflag:s24] =	ssyncadd.s32 $0xFFFFA000  }
0xf3: {  	[tilespmem:s30], [sflag:$0x1] =	stream.indirect.gather [hbm4b:s3+s28], $0x40, s10, s28, $0xb8;
	[tilespmem:$0x1E400] =	vst v63  }
0xf4: {  	s9 =	simm.s32 $0x11580  }
0xf5: {  	[tilespmem:s0], [sflag:$0x1] =	stream.indirect.gather [hbm4b:s3+s28], $0x40, s9, s28, $0xb8;
	[tilespmem:$0x1E400] =	vst v63  }
0xf6: {  	s10 =	simm.s32 $0x11600  }
0xf7: {  	[tilespmem:s29], [sflag:$0x1] =	stream.indirect.gather [hbm4b:s3+s28], $0x40, s10, s28, $0xb8;
	[tilespmem:$0x1E400] =	vst v63  }
0xf8: {  	_ =	swait.ge [sflag:s6], $0x2000  }
0xf9: {  	[sflag:s6] =	ssyncset.done $0x0  }
0xfa: {  	[sflag:s6] =	ssyncadd.s32 $0xFFFFE000  }
0xfb: {  	_ =	swait.ge [sflag:s6], $0x2000  }
0xfc: {  	[sflag:s6] =	ssyncset.done $0x0  }
0xfd: {  	[sflag:s6] =	ssyncadd.s32 $0xFFFFE000  }
0xfe: {  	_ =	swait.ge [sflag:s6], $0x2000  }
0xff: {  	[sflag:s6] =	ssyncset.done $0x0  }
0x100: {  	[sflag:s6] =	ssyncadd.s32 $0xFFFFE000  }
0x101: {  	[hbm4b:s13+s2] =	stream.linear.scatter [tilespmem:s1], [sflag:$0x3], $0x6000, $0x38;
	[tilespmem:$0x1E400] =	vst v63  }
0x102: {  	_ =	swait.ge [sflag:s24], $0x6000  }
0x103: {  	[sflag:s24] =	ssyncset.done $0x0  }
0x104: {  	s9 =	simm.s32 $0x11680;
	[sflag:s24] =	ssyncadd.s32 $0xFFFFA000  }
0x105: {  	[tilespmem:s1], [sflag:$0x2] =	stream.indirect.gather [hbm4b:s3+s28], $0x40, s9, s28, $0xb8;
	[tilespmem:$0x1E400] =	vst v63  }
0x106: {  	s10 =	simm.s32 $0x11700  }
0x107: {  	[tilespmem:s31], [sflag:$0x2] =	stream.indirect.gather [hbm4b:s3+s28], $0x40, s10, s28, $0xb8;
	[tilespmem:$0x1E400] =	vst v63  }
0x108: {  	s9 =	simm.s32 $0x11780  }
0x109: {  	[tilespmem:s4], [sflag:$0x2] =	stream.indirect.gather [hbm4b:s3+s28], $0x40, s9, s28, $0xb8;
	[tilespmem:$0x1E400] =	vst v63  }
0x10a: {  	_ =	swait.ge [sflag:s5], $0x2000  }
0x10b: {  	[sflag:s5] =	ssyncset.done $0x0  }
0x10c: {  	[sflag:s5] =	ssyncadd.s32 $0xFFFFE000  }
0x10d: {  	_ =	swait.ge [sflag:s5], $0x2000  }
0x10e: {  	[sflag:s5] =	ssyncset.done $0x0  }
0x10f: {  	[sflag:s5] =	ssyncadd.s32 $0xFFFFE000  }
0x110: {  	_ =	swait.ge [sflag:s5], $0x2000  }
0x111: {  	[sflag:s5] =	ssyncset.done $0x0  }
0x112: {  	[sflag:s5] =	ssyncadd.s32 $0xFFFFE000  }
0x113: {  	[hbm4b:s14+s2] =	stream.linear.scatter [tilespmem:s30], [sflag:$0x3], $0x6000, $0x38;
	[tilespmem:$0x1E400] =	vst v63  }
0x114: {  	_ =	swait.ge [sflag:s24], $0x6000  }
0x115: {  	[sflag:s24] =	ssyncset.done $0x0  }
0x116: {  	[sflag:s24] =	ssyncadd.s32 $0xFFFFA000  }
0x117: {  	_ =	swait.ge [sflag:s6], $0x2000  }
0x118: {  	[sflag:s6] =	ssyncset.done $0x0  }
0x119: {  	[sflag:s6] =	ssyncadd.s32 $0xFFFFE000  }
0x11a: {  	_ =	swait.ge [sflag:s6], $0x2000  }
0x11b: {  	[sflag:s6] =	ssyncset.done $0x0  }
0x11c: {  	[sflag:s6] =	ssyncadd.s32 $0xFFFFE000  }
0x11d: {  	_ =	swait.ge [sflag:s6], $0x2000  }
0x11e: {  	[sflag:s6] =	ssyncset.done $0x0  }
0x11f: {  	[sflag:s6] =	ssyncadd.s32 $0xFFFFE000  }
0x120: {  	[hbm4b:s15+s2] =	stream.linear.scatter [tilespmem:s1], [sflag:$0x3], $0x6000, $0x38;
	[tilespmem:$0x1E400] =	vst v63  }
0x121: {  	_ =	swait.ge [sflag:s24], $0x6000  }
0x122: {  	[sflag:s24] =	ssyncset.done $0x0  }
0x123: {  	s10 =	simm.s32 $0x11800;
	[sflag:s24] =	ssyncadd.s32 $0xFFFFA000  }
0x124: {  	[tilespmem:s30], [sflag:$0x1] =	stream.indirect.gather [hbm4b:s3+s28], $0x40, s10, s28, $0xb8;
	[tilespmem:$0x1E400] =	vst v63  }
0x125: {  	s9 =	simm.s32 $0x11880  }
0x126: {  	[tilespmem:s0], [sflag:$0x1] =	stream.indirect.gather [hbm4b:s3+s28], $0x40, s9, s28, $0xb8;
	[tilespmem:$0x1E400] =	vst v63  }
0x127: {  	s10 =	simm.s32 $0x11900  }
0x128: {  	[tilespmem:s29], [sflag:$0x1] =	stream.indirect.gather [hbm4b:s3+s28], $0x40, s10, s28, $0xb8;
	[tilespmem:$0x1E400] =	vst v63  }
0x129: {  	s9 =	simm.s32 $0x11980  }
0x12a: {  	[tilespmem:s1], [sflag:$0x2] =	stream.indirect.gather [hbm4b:s3+s28], $0x40, s9, s28, $0xb8;
	[tilespmem:$0x1E400] =	vst v63  }
0x12b: {  	s10 =	simm.s32 $0x11A00  }
0x12c: {  	[tilespmem:s31], [sflag:$0x2] =	stream.indirect.gather [hbm4b:s3+s28], $0x40, s10, s28, $0xb8;
	[tilespmem:$0x1E400] =	vst v63  }
0x12d: {  	s9 =	simm.s32 $0x11A80  }
0x12e: {  	[tilespmem:s4], [sflag:$0x2] =	stream.indirect.gather [hbm4b:s3+s28], $0x40, s9, s28, $0xb8;
	[tilespmem:$0x1E400] =	vst v63  }
0x12f: {  	_ =	swait.ge [sflag:s5], $0x2000  }
0x130: {  	[sflag:s5] =	ssyncset.done $0x0  }
0x131: {  	[sflag:s5] =	ssyncadd.s32 $0xFFFFE000  }
0x132: {  	_ =	swait.ge [sflag:s5], $0x2000  }
0x133: {  	[sflag:s5] =	ssyncset.done $0x0  }
0x134: {  	[sflag:s5] =	ssyncadd.s32 $0xFFFFE000  }
0x135: {  	_ =	swait.ge [sflag:s5], $0x2000  }
0x136: {  	[sflag:s5] =	ssyncset.done $0x0  }
0x137: {  	[sflag:s5] =	ssyncadd.s32 $0xFFFFE000  }
0x138: {  	[hbm4b:s16+s2] =	stream.linear.scatter [tilespmem:s30], [sflag:$0x3], $0x6000, $0x38;
	[tilespmem:$0x1E400] =	vst v63  }
0x139: {  	_ =	swait.ge [sflag:s24], $0x6000  }
0x13a: {  	[sflag:s24] =	ssyncset.done $0x0  }
0x13b: {  	s10 =	simm.s32 $0x11B00;
	[sflag:s24] =	ssyncadd.s32 $0xFFFFA000  }
0x13c: {  	[tilespmem:s30], [sflag:$0x1] =	stream.indirect.gather [hbm4b:s3+s28], $0x40, s10, s28, $0xb8;
	[tilespmem:$0x1E400] =	vst v63  }
0x13d: {  	s9 =	simm.s32 $0x11B80  }
0x13e: {  	[tilespmem:s0], [sflag:$0x1] =	stream.indirect.gather [hbm4b:s3+s28], $0x40, s9, s28, $0xb8;
	[tilespmem:$0x1E400] =	vst v63  }
0x13f: {  	s10 =	simm.s32 $0x11C00  }
0x140: {  	[tilespmem:s29], [sflag:$0x1] =	stream.indirect.gather [hbm4b:s3+s28], $0x40, s10, s28, $0xb8;
	[tilespmem:$0x1E400] =	vst v63  }
0x141: {  	_ =	swait.ge [sflag:s6], $0x2000  }
0x142: {  	[sflag:s6] =	ssyncset.done $0x0  }
0x143: {  	[sflag:s6] =	ssyncadd.s32 $0xFFFFE000  }
0x144: {  	_ =	swait.ge [sflag:s6], $0x2000  }
0x145: {  	[sflag:s6] =	ssyncset.done $0x0  }
0x146: {  	[sflag:s6] =	ssyncadd.s32 $0xFFFFE000  }
0x147: {  	_ =	swait.ge [sflag:s6], $0x2000  }
0x148: {  	[sflag:s6] =	ssyncset.done $0x0  }
0x149: {  	[sflag:s6] =	ssyncadd.s32 $0xFFFFE000  }
0x14a: {  	[hbm4b:s17+s2] =	stream.linear.scatter [tilespmem:s1], [sflag:$0x3], $0x6000, $0x38;
	[tilespmem:$0x1E400] =	vst v63  }
0x14b: {  	_ =	swait.ge [sflag:s24], $0x6000  }
0x14c: {  	[sflag:s24] =	ssyncset.done $0x0  }
0x14d: {  	s9 =	simm.s32 $0x11C80;
	[sflag:s24] =	ssyncadd.s32 $0xFFFFA000  }
0x14e: {  	[tilespmem:s1], [sflag:$0x2] =	stream.indirect.gather [hbm4b:s3+s28], $0x40, s9, s28, $0xb8;
	[tilespmem:$0x1E400] =	vst v63  }
0x14f: {  	s10 =	simm.s32 $0x11D00  }
0x150: {  	[tilespmem:s31], [sflag:$0x2] =	stream.indirect.gather [hbm4b:s3+s28], $0x40, s10, s28, $0xb8;
	[tilespmem:$0x1E400] =	vst v63  }
0x151: {  	s9 =	simm.s32 $0x11D80  }
0x152: {  	[tilespmem:s4], [sflag:$0x2] =	stream.indirect.gather [hbm4b:s3+s28], $0x40, s9, s28, $0xb8;
	[tilespmem:$0x1E400] =	vst v63  }
0x153: {  	_ =	swait.ge [sflag:s5], $0x2000  }
0x154: {  	[sflag:s5] =	ssyncset.done $0x0  }
0x155: {  	[sflag:s5] =	ssyncadd.s32 $0xFFFFE000  }
0x156: {  	_ =	swait.ge [sflag:s5], $0x2000  }
0x157: {  	[sflag:s5] =	ssyncset.done $0x0  }
0x158: {  	[sflag:s5] =	ssyncadd.s32 $0xFFFFE000  }
0x159: {  	_ =	swait.ge [sflag:s5], $0x2000  }
0x15a: {  	[sflag:s5] =	ssyncset.done $0x0  }
0x15b: {  	[sflag:s5] =	ssyncadd.s32 $0xFFFFE000  }
0x15c: {  	[hbm4b:s18+s2] =	stream.linear.scatter [tilespmem:s30], [sflag:$0x3], $0x6000, $0x38;
	[tilespmem:$0x1E400] =	vst v63  }
0x15d: {  	_ =	swait.ge [sflag:s24], $0x6000  }
0x15e: {  	[sflag:s24] =	ssyncset.done $0x0  }
0x15f: {  	s10 =	simm.s32 $0x11E00;
	[sflag:s24] =	ssyncadd.s32 $0xFFFFA000  }
0x160: {  	[tilespmem:s30], [sflag:$0x1] =	stream.indirect.gather [hbm4b:s3+s28], $0x40, s10, s28, $0xb8;
	[tilespmem:$0x1E400] =	vst v63  }
0x161: {  	s9 =	simm.s32 $0x11E80  }
0x162: {  	[tilespmem:s0], [sflag:$0x1] =	stream.indirect.gather [hbm4b:s3+s28], $0x40, s9, s28, $0xb8;
	[tilespmem:$0x1E400] =	vst v63  }
0x163: {  	s10 =	simm.s32 $0x11F00  }
0x164: {  	[tilespmem:s29], [sflag:$0x1] =	stream.indirect.gather [hbm4b:s3+s28], $0x40, s10, s28, $0xb8;
	[tilespmem:$0x1E400] =	vst v63  }
0x165: {  	_ =	swait.ge [sflag:s6], $0x2000  }
0x166: {  	[sflag:s6] =	ssyncset.done $0x0  }
0x167: {  	[sflag:s6] =	ssyncadd.s32 $0xFFFFE000  }
0x168: {  	_ =	swait.ge [sflag:s6], $0x2000  }
0x169: {  	[sflag:s6] =	ssyncset.done $0x0  }
0x16a: {  	[sflag:s6] =	ssyncadd.s32 $0xFFFFE000  }
0x16b: {  	_ =	swait.ge [sflag:s6], $0x2000  }
0x16c: {  	[sflag:s6] =	ssyncset.done $0x0  }
0x16d: {  	[sflag:s6] =	ssyncadd.s32 $0xFFFFE000  }
0x16e: {  	[hbm4b:s19+s2] =	stream.linear.scatter [tilespmem:s1], [sflag:$0x3], $0x6000, $0x38;
	[tilespmem:$0x1E400] =	vst v63  }
0x16f: {  	_ =	swait.ge [sflag:s24], $0x6000  }
0x170: {  	[sflag:s24] =	ssyncset.done $0x0  }
0x171: {  	s9 =	simm.s32 $0x11F80;
	[sflag:s24] =	ssyncadd.s32 $0xFFFFA000  }
0x172: {  	[tilespmem:s1], [sflag:$0x2] =	stream.indirect.gather [hbm4b:s3+s28], $0x40, s9, s28, $0xb8;
	[tilespmem:$0x1E400] =	vst v63  }
0x173: {  	s10 =	simm.s32 $0x12000  }
0x174: {  	[tilespmem:s31], [sflag:$0x2] =	stream.indirect.gather [hbm4b:s3+s28], $0x40, s10, s28, $0xb8;
	[tilespmem:$0x1E400] =	vst v63  }
0x175: {  	s9 =	simm.s32 $0x12080  }
0x176: {  	[tilespmem:s4], [sflag:$0x2] =	stream.indirect.gather [hbm4b:s3+s28], $0x40, s9, s28, $0xb8;
	[tilespmem:$0x1E400] =	vst v63  }
0x177: {  	_ =	swait.ge [sflag:s5], $0x2000  }
0x178: {  	[sflag:s5] =	ssyncset.done $0x0  }
0x179: {  	[sflag:s5] =	ssyncadd.s32 $0xFFFFE000  }
0x17a: {  	_ =	swait.ge [sflag:s5], $0x2000  }
0x17b: {  	[sflag:s5] =	ssyncset.done $0x0  }
0x17c: {  	[sflag:s5] =	ssyncadd.s32 $0xFFFFE000  }
0x17d: {  	_ =	swait.ge [sflag:s5], $0x2000  }
0x17e: {  	[sflag:s5] =	ssyncset.done $0x0  }
0x17f: {  	[sflag:s5] =	ssyncadd.s32 $0xFFFFE000  }
0x180: {  	[hbm4b:s20+s2] =	stream.linear.scatter [tilespmem:s30], [sflag:$0x3], $0x6000, $0x38;
	[tilespmem:$0x1E400] =	vst v63  }
0x181: {  	_ =	swait.ge [sflag:s24], $0x6000  }
0x182: {  	[sflag:s24] =	ssyncset.done $0x0  }
0x183: {  	s10 =	simm.s32 $0x12100;
	[sflag:s24] =	ssyncadd.s32 $0xFFFFA000  }
0x184: {  	[tilespmem:s30], [sflag:$0x1] =	stream.indirect.gather [hbm4b:s3+s28], $0x40, s10, s28, $0xb8;
	[tilespmem:$0x1E400] =	vst v63  }
0x185: {  	s9 =	simm.s32 $0x12180  }
0x186: {  	[tilespmem:s0], [sflag:$0x1] =	stream.indirect.gather [hbm4b:s3+s28], $0x40, s9, s28, $0xb8;
	[tilespmem:$0x1E400] =	vst v63  }
0x187: {  	s10 =	simm.s32 $0x12200  }
0x188: {  	[tilespmem:s29], [sflag:$0x1] =	stream.indirect.gather [hbm4b:s3+s28], $0x40, s10, s28, $0xb8;
	[tilespmem:$0x1E400] =	vst v63  }
0x189: {  	_ =	swait.ge [sflag:s6], $0x2000  }
0x18a: {  	[sflag:s6] =	ssyncset.done $0x0  }
0x18b: {  	[sflag:s6] =	ssyncadd.s32 $0xFFFFE000  }
0x18c: {  	_ =	swait.ge [sflag:s6], $0x2000  }
0x18d: {  	[sflag:s6] =	ssyncset.done $0x0  }
0x18e: {  	[sflag:s6] =	ssyncadd.s32 $0xFFFFE000  }
0x18f: {  	_ =	swait.ge [sflag:s6], $0x2000  }
0x190: {  	[sflag:s6] =	ssyncset.done $0x0  }
0x191: {  	[sflag:s6] =	ssyncadd.s32 $0xFFFFE000  }
0x192: {  	[hbm4b:s21+s2] =	stream.linear.scatter [tilespmem:s1], [sflag:$0x3], $0x6000, $0x38;
	[tilespmem:$0x1E400] =	vst v63  }
0x193: {  	_ =	swait.ge [sflag:s24], $0x6000  }
0x194: {  	[sflag:s24] =	ssyncset.done $0x0  }
0x195: {  	s9 =	simm.s32 $0x12280;
	[sflag:s24] =	ssyncadd.s32 $0xFFFFA000  }
0x196: {  	[tilespmem:s1], [sflag:$0x2] =	stream.indirect.gather [hbm4b:s3+s28], $0x40, s9, s28, $0xb8;
	[tilespmem:$0x1E400] =	vst v63  }
0x197: {  	s10 =	simm.s32 $0x12300  }
0x198: {  	[tilespmem:s31], [sflag:$0x2] =	stream.indirect.gather [hbm4b:s3+s28], $0x40, s10, s28, $0xb8;
	[tilespmem:$0x1E400] =	vst v63  }
0x199: {  	s9 =	simm.s32 $0x12380  }
0x19a: {  	[tilespmem:s4], [sflag:$0x2] =	stream.indirect.gather [hbm4b:s3+s28], $0x40, s9, s28, $0xb8;
	[tilespmem:$0x1E400] =	vst v63  }
0x19b: {  	_ =	swait.ge [sflag:s5], $0x2000  }
0x19c: {  	[sflag:s5] =	ssyncset.done $0x0  }
0x19d: {  	[sflag:s5] =	ssyncadd.s32 $0xFFFFE000  }
0x19e: {  	_ =	swait.ge [sflag:s5], $0x2000  }
0x19f: {  	[sflag:s5] =	ssyncset.done $0x0  }
0x1a0: {  	[sflag:s5] =	ssyncadd.s32 $0xFFFFE000  }
0x1a1: {  	_ =	swait.ge [sflag:s5], $0x2000  }
0x1a2: {  	[sflag:s5] =	ssyncset.done $0x0  }
0x1a3: {  	[sflag:s5] =	ssyncadd.s32 $0xFFFFE000  }
0x1a4: {  	[hbm4b:s22+s2] =	stream.linear.scatter [tilespmem:s30], [sflag:$0x3], $0x6000, $0x38;
	[tilespmem:$0x1E400] =	vst v63  }
0x1a5: {  	_ =	swait.ge [sflag:s24], $0x6000  }
0x1a6: {  	[sflag:s24] =	ssyncset.done $0x0  }
0x1a7: {  	[sflag:s24] =	ssyncadd.s32 $0xFFFFA000  }
0x1a8: {  	_ =	swait.ge [sflag:s6], $0x2000  }
0x1a9: {  	[sflag:s6] =	ssyncset.done $0x0  }
0x1aa: {  	[sflag:s6] =	ssyncadd.s32 $0xFFFFE000  }
0x1ab: {  	_ =	swait.ge [sflag:s6], $0x2000  }
0x1ac: {  	[sflag:s6] =	ssyncset.done $0x0  }
0x1ad: {  	[sflag:s6] =	ssyncadd.s32 $0xFFFFE000  }
0x1ae: {  	_ =	swait.ge [sflag:s6], $0x2000  }
0x1af: {  	[sflag:s6] =	ssyncset.done $0x0  }
0x1b0: {  	[sflag:s6] =	ssyncadd.s32 $0xFFFFE000  }
0x1b1: {  	[hbm4b:s23+s2] =	stream.linear.scatter [tilespmem:s1], [sflag:$0x3], $0x6000, $0x38;
	[tilespmem:$0x1E400] =	vst v63  }
0x1b2: {  	_ =	swait.ge [sflag:s24], $0x6000  }
0x1b3: {  	s7 =	sadd.s32 $0x1, s7;
	s10 =	rddreg [dreg:$0x5]  }
0x1b4: {  	p0 =	sne.s32 s7, s10  }
.Ltmp1:
0x1b5: {  	_ = 	snop;
	(pc) =	sbr.rel @p0 .LBB2_1-.Ltmp1, $3  }
0x1b6: {  	_ =	sdelay $0x1  }
0x1b7: {  	[sflag:s24] =	ssyncset.done $0x0  }
0x1b8: {  	[sflag:s24] =	ssyncadd.s32 $0xFFFFA000  }
0x1b9: {  	_ =	sfence.sel $0x180000  }
0x1ba: {  	[bflag:$0x0] =	sbarrier.arrive $0xFFFF  }
0x1bb: {  	_ =	strace $0x90000050  }
0x1bc: {  	s0 =	stileid.u32;
	[bflag:$0x2] =	sbarrier.arrive $0xFFFF  }
0x1bd: {  	p0 =	sne.s32 s0, $0x0;
	s0 =	rddreg [dreg:$0x1]  }
0x1be: {  	s0 =	sadd.s32 @!p0 $0x100000, s0  }
0x1bf: {  	[sflag:s0] =	ssyncadd.tile.s32 @!p0 $0x1;
	_ =	shalt  }
.Lfunc_end2:
_tile_overlayer_lowered:
.L_overlay_start_2:
0x1c0: {  	(tag) =	ssettag $0x2  }
0x1c1: {  	s0 =	rddreg [dreg:$0x0];
	s2 =	stileid.u32  }
0x1c2: {  	s1 =	rddreg [dreg:$0x1];
	p0 =	sne.s32 s2, $0x0  }
0x1c3: {  	s3 =	rddreg [dreg:$0x2];
	[bflag:$0x3] =	sbarrier.arrive $0xFFFF;
	s2 =	simm.s32 @!p0 $0x1C03  }
0x1c4: {  	[timem:s3], [sflag:s2] =	dma.local @!p0 [hbm:s0], s1  }
0x1c5: {  	s0 =	simm.s32 @!p0 $0x3  }
0x1c6: {  	_ =	swait.ge @!p0 [sflag:s0], s1  }
0x1c7: {  	s1 =	ssub.s32 @!p0 $0x0, s1;
	[sflag:s0] =	ssyncset.done @!p0 $0x0  }
0x1c8: {  	[sflag:s0] =	ssyncadd.s32 @!p0 s1  }
0x1c9: {  	[bflag:$0x3] =	sbarrier.arrive $0xFFFF  }
0x1ca: {  	_ =	shalt  }

// kernel: kernel.8.cloned.1.call-start
scs
__scs_entry_jumppad:
0x0: {  	(pc) =	sbr.rel $0x88, $3  }
0x1: {  	(tag) =	ssettag $0x0;
	lr =	simm.s32 $0x1  }
0x2: {  	[smem:$0x3F99] =	sst lr;
	_ =	strace $0xD0000000  }
0x3: {  	_ = 	snop  }
0x4: {  	_ = 	snop  }
0x5: {  	_ = 	snop  }
0x6: {  	_ = 	snop  }
0x7: {  	_ = 	snop  }
__scs_overlays_trampoline_lowered:
0x8: {  	[smem:$0x3FA8] =	sst s0  }
0x9: {  	[smem:$0x3FA9] =	sst s1  }
0xa: {  	[smem:$0x3FAA] =	sst s2  }
0xb: {  	[smem:$0x3FAB] =	sst s3  }
0xc: {  	[smem:$0x3FAC] =	sst s4  }
0xd: {  	[smem:$0x3FAD] =	sst s5  }
0xe: {  	[smem:$0x3FAE] =	sst s6  }
0xf: {  	[smem:$0x3FAF] =	sst s7  }
0x10: {  	[smem:$0x3FB0] =	sst s8  }
0x11: {  	[smem:$0x3FB1] =	sst s9;
	s0 =	simm.s32 @!p0 $0x0  }
0x12: {  	s1 =	sld [smem:$0x3F97];
	s0 =	simm.s32 @p0 $0x1  }
0x13: {  	[smem:$0x3FB2] =	sst s0;
	s0 =	simm.s32 @!p1 $0x0  }
0x14: {  	s2 =	sld [smem:$0x3F96];
	s0 =	simm.s32 @p1 $0x1  }
0x15: {  	[smem:$0x3FB3] =	sst s0;
	s0 =	simm.s32 @!p2 $0x0  }
0x16: {  	s3 =	sld [smem:$0x3FDB];
	s0 =	simm.s32 @p2 $0x1  }
0x17: {  	s4 =	simm.s32 $0x1BF5;
	[smem:$0x3FB5] =	sst s0  }
0x18: {  	s0 =	sld [smem:$0x3F98];
	_ =	swait.ge [sflag:s4], $0x0  }
0x19: {  	s7 =	sld [smem:$0x3F99]  }
0x1a: {  	s8 =	sadd.s32 $0xFFFFE003, lr  }
0x1b: {  	s9 =	sadd.s32 $0xFFFFFEF7, lr;
	s5 =	simm.s32 $0xFFFFFFFF;
	p2 =	slt.u32 s8, $0xFFFFF086  }
0x1c: {  	p1 =	slt.u32 s9, $0xF7A;
	s5 =	simm.s32 @!p2 $0x0  }
0x1d: {  	s5 =	simm.s32 @p1 $0x1;
	p0 =	seq.s32 s7, s2  }
0x1e: {  	s7 =	smul.u32 @!p0 $0xF7A, s2;
	p2 =	seq.s32 @!p0 s5, $0x0  }
0x1f: {  	s9 =	smul.u32 $0xF7A, s1;
	s8 =	simm.s32 @!p0 $0x1BF5;
	p2 =	por !p2, p0  }
0x20: {  	[sflag:s8] =	ssyncset.s32 @!p0 $0xFFFFF086;
	s6 =	sadd.s32 @!p0 s3, s7;
	s7 =	simm.s32 @!p0 $0x108  }
0x21: {  	s3 =	sadd.s32 s3, s9;
	s6 =	sadd.s32 @!p0 $0x88, s6;
	s7 =	simm.s32 @p2 $0x1082  }
0x22: {  	[simem:s7], [sflag:s8] =	dma.local @!p0 [hbm:s6], $0xF7A  }
0x23: {  	s9 =	sor.u32 $0xD0000000, s2;
	s6 =	simm.s32 $0x108;
	_ =	swait.ge @!p0 [sflag:s8], $0x0  }
0x24: {  	s3 =	sadd.s32 $0x88, s3;
	s6 =	simm.s32 @!p1 $0x1082;
	[sflag:s4] =	ssyncset.s32 $0xFFFFF086  }
0x25: {  	[simem:s6], [sflag:s4] =	dma.local [hbm:s3], $0xF7A  }
0x26: {  	[smem:$0x3F99] =	sst s1;
	(tag) =	ssettag s2;
	_ =	strace s9  }
0x27: {  	s1 =	sld [smem:$0x3FA9]  }
0x28: {  	s2 =	sld [smem:$0x3FAA]  }
0x29: {  	s4 =	sld [smem:$0x3FAC]  }
0x2a: {  	p0 =	seq.s32 s5, $0x0;
	s5 =	sld [smem:$0x3FAD]  }
0x2b: {  	s6 =	sld [smem:$0x3FAE]  }
0x2c: {  	s7 =	sld [smem:$0x3FAF]  }
0x2d: {  	s3 =	simm.s32 $0x108;
	s8 =	sld [smem:$0x3FB0]  }
0x2e: {  	s3 =	simm.s32 @!p0 $0x1082;
	s9 =	sld [smem:$0x3FB1]  }
0x2f: {  	lr =	sadd.s32 s0, s3;
	s0 =	sld [smem:$0x3FA8]  }
0x30: {  	s3 =	sld [smem:$0x3FAB]  }
0x31: {  	[smem:$0x3FB4] =	sst s10  }
0x32: {  	s10 =	sld [smem:$0x3FB2];
	_ =	sdelay $0x3  }
0x33: {  	p0 =	seq.s32 s10, $0x1;
	s10 =	sld [smem:$0x3FB4];
	_ =	sdelay $0x3  }
0x34: {  	[smem:$0x3FB4] =	sst s10  }
0x35: {  	s10 =	sld [smem:$0x3FB3];
	_ =	sdelay $0x3  }
0x36: {  	p1 =	seq.s32 s10, $0x1;
	s10 =	sld [smem:$0x3FB4];
	_ =	sdelay $0x3  }
0x37: {  	[smem:$0x3FB4] =	sst s10  }
0x38: {  	s10 =	sld [smem:$0x3FB5]  }
0x39: {  	_ = 	snop;
	(pc) =	sbr.ind lr, $3  }
0x3a: {  	_ = 	snop  }
0x3b: {  	_ = 	snop  }
0x3c: {  	p2 =	seq.s32 s10, $0x1;
	s10 =	sld [smem:$0x3FB4]  }
0x3d: {  	_ =	shalt  }
0x3e: {  	_ =	shalt  }
0x3f: {  	_ =	shalt  }
0x40: {  	_ =	shalt  }
0x41: {  	_ =	shalt  }
0x42: {  	_ =	shalt  }
0x43: {  	_ =	shalt  }
0x44: {  	_ =	shalt  }
0x45: {  	_ =	shalt  }
0x46: {  	_ =	shalt  }
0x47: {  	_ =	shalt  }
0x48: {  	_ =	shalt  }
0x49: {  	_ =	shalt  }
0x4a: {  	_ =	shalt  }
0x4b: {  	_ =	shalt  }
0x4c: {  	_ =	shalt  }
0x4d: {  	_ =	shalt  }
0x4e: {  	_ =	shalt  }
0x4f: {  	_ =	shalt  }
0x50: {  	_ =	shalt  }
0x51: {  	_ =	shalt  }
0x52: {  	_ =	shalt  }
0x53: {  	_ =	shalt  }
0x54: {  	_ =	shalt  }
0x55: {  	_ =	shalt  }
0x56: {  	_ =	shalt  }
0x57: {  	_ =	shalt  }
0x58: {  	_ =	shalt  }
0x59: {  	_ =	shalt  }
0x5a: {  	_ =	shalt  }
0x5b: {  	_ =	shalt  }
0x5c: {  	_ =	shalt  }
0x5d: {  	_ =	shalt  }
0x5e: {  	_ =	shalt  }
0x5f: {  	_ =	shalt  }
0x60: {  	_ =	shalt  }
0x61: {  	_ =	shalt  }
0x62: {  	_ =	shalt  }
0x63: {  	_ =	shalt  }
0x64: {  	_ =	shalt  }
0x65: {  	_ =	shalt  }
0x66: {  	_ =	shalt  }
0x67: {  	_ =	shalt  }
0x68: {  	_ =	shalt  }
0x69: {  	_ =	shalt  }
0x6a: {  	_ =	shalt  }
0x6b: {  	_ =	shalt  }
0x6c: {  	_ =	shalt  }
0x6d: {  	_ =	shalt  }
0x6e: {  	_ =	shalt  }
0x6f: {  	_ =	shalt  }
0x70: {  	_ =	shalt  }
0x71: {  	_ =	shalt  }
0x72: {  	_ =	shalt  }
0x73: {  	_ =	shalt  }
0x74: {  	_ =	shalt  }
0x75: {  	_ =	shalt  }
0x76: {  	_ =	shalt  }
0x77: {  	_ =	shalt  }
0x78: {  	_ =	shalt  }
0x79: {  	_ =	shalt  }
0x7a: {  	_ =	shalt  }
0x7b: {  	_ =	shalt  }
0x7c: {  	_ =	shalt  }
0x7d: {  	_ =	shalt  }
0x7e: {  	_ =	shalt  }
0x7f: {  	_ =	shalt  }
0x80: {  	_ =	shalt  }
0x81: {  	_ =	shalt  }
0x82: {  	_ =	shalt  }
0x83: {  	_ =	shalt  }
0x84: {  	_ =	shalt  }
0x85: {  	_ =	shalt  }
0x86: {  	_ =	shalt  }
0x87: {  	_ =	shalt  }
.Lfunc_end0:
.L_simem_size_0:
called_computation.5_lowered:
.L_overlay_start_0:
0x88: {  	s2 =	sld [smem:$0x3FD9]  }
0x89: {  	s3 =	sld [smem:$0x3FFE];
	_ =	sdelay $0x1  }
0x8a: {  	s1 =	srdreg.scid  }
0x8b: {  	s0 =	sand.u32 $0x1, s1  }
0x8c: {  	s16 =	sshll.u32 s0, $0xA;
	s2 =	sadd.s32 s3, s2  }
0x8d: {  	s2 =	sadd.s32 s2, s16  }
0x8e: {  	[smem:$0x3FC0] =	sst s2  }
0x8f: {  	_ = 	snop  }
0x90: {  	(tm) =	ssettm $0x1  }
0x91: {  	s17 =	sld [smem:$0x3FFB];
	_ =	sdelay $0x3  }
0x92: {  	_ =	strace s17  }
0x93: {  	s2 =	sld [smem:$0x3FFC];
	_ =	sdelay $0x3  }
0x94: {  	_ =	strace s2  }
0x95: {  	s2 =	sld [smem:$0x3FFD];
	_ =	sdelay $0x3  }
0x96: {  	_ =	strace s2  }
0x97: {  	_ =	strace $0x8FFFFFFF  }
0x98: {  	s18 =	sld [smem:$0x3FDB];
	_ =	sdelay $0x1  }
0x99: {  	s19 =	simm.s32 $_scs_section_size  }
0x9a: {  	s4 =	simm.s32 $_size__tile_overlayer_lowered;
	s5 =	simm.s32 $_tile_overlayer_lowered  }
0x9b: {  	s22 =	simm.s32 $0x1BFF;
	s21 =	sshll.u32 s5, $0x1;
	s2 =	sadd.s32 s19, s18  }
0x9c: {  	s6 =	simm.s32 $0x0;
	s20 =	sshll.u32 s4, $0x1;
	s4 =	sadd.s32 s21, s2  }
0x9d: {  	[timem:s6], [sflag:s22] =	dma.local [hbm:s4], s20  }
0x9e: {  	_ =	swait.ge [sflag:s22], s20  }
0x9f: {  	s3 =	ssub.s32 $0x0, s20;
	[sflag:s22] =	ssyncset.done $0x0  }
0xa0: {  	[sflag:s22] =	ssyncadd.s32 s3;
	_ =	sdelay $0x1  }
0xa1: {  	s23 =	simm.s32 $0x1B8B  }
0xa2: {  	_ =	swait.ge [sflag:s23], $0x1  }
0xa3: {  	[sflag:s23] =	ssyncset.done $0x0  }
0xa4: {  	s25 =	simm.s32 $0x1B8E;
	s24 =	sld [smem:$0x3FFE];
	[sflag:s23] =	ssyncadd.s32 $0xFFFFFFFF  }
0xa5: {  	s26 =	simm.s32 $execute0_lowered;
	[smem:$0x3FD2] =	sst s25  }
0xa6: {  	s4 =	sshll.u32 s26, $0x1;
	_ =	strace $0x80000055;
	[dreg:$0x1] =	wrdreg $0xFFFFFFFF  }
0xa7: {  	s28 =	simm.s32 $_size_execute0_lowered;
	s2 =	sadd.s32 s2, s4;
	[dreg:$0x0] =	wrdreg $0x0  }
0xa8: {  	s4 =	sshll.u32 s28, $0x1;
	[dreg:$0x2] =	wrdreg s2  }
0xa9: {  	[dreg:$0x3] =	wrdreg s4  }
0xaa: {  	[dreg:$0x4] =	wrdreg $0xC0  }
0xab: {  	_ =	task [dreg:s6], $0x5FFFF  }
0xac: {  	[dreg:$0x1] =	wrdreg $0xFFFFFFFF  }
0xad: {  	[dreg:$0x0] =	wrdreg $0x60  }
0xae: {  	[dreg:$0x2] =	wrdreg s24  }
0xaf: {  	[dreg:$0x3] =	wrdreg $0x9  }
0xb0: {  	_ =	task.clear_ibuf [dreg:s6], $0x4FFFF;
	_ =	strace $0x90000055  }
0xb1: {  	s29 =	simm.s32 $0x9;
	_ =	strace $0x80000057  }
0xb2: {  	_ =	swait.ge [sflag:s29], $0x1  }
0xb3: {  	[sflag:s29] =	ssyncadd.s32 $0xFFFFFFFF  }
0xb4: {  	_ =	strace $0x90000057  }
0xb5: {  	_ =	sfence  }
0xb6: {  	s30 =	sld [smem:$0x0];
	_ =	sdelay $0x2  }
0xb7: {  	s31 =	sshll.u32 s1, $0xD;
	s1 =	sshrl.u32 s1, $0x2  }
0xb8: {  	s3 =	sand.u32 $0x4000, s31;
	s1 =	sadd.s32 s1, s30  }
0xb9: {  	s0 =	sor.u32 s3, s0;
	s1 =	sshll.u32 s1, $0x11  }
0xba: {  	s0 =	sor.u32 s1, s0  }
0xbb: {  	s0 =	sadd.s32 $0x8F2B, s0  }
0xbc: {  	[sflag:s0] =	ssyncadd.remote.s32 $0x1  }
0xbd: {  	_ =	sfence.sel $0xFFFF  }
0xbe: {  	[dreg:$0x0] =	wrdreg $0xFFFFFFFF;
	(pc) =	sbr.abs _section_cstart, $3  }
0xbf: {  	[dreg:$0x1] =	wrdreg $0xFFFFFFFF  }
0xc0: {  	_ =	task.clear_ibuf [dreg:s6], $0x2FFFF;
	_ =	strace $0x9FFFFFFF  }
0xc1: {  	(tm) =	ssettm $0x7FFFFFFF  }
tec
execute0_lowered:
.L_overlay_start_1:
0x0: {  	(tag) =	ssettag $0x1  }
0x1: {  	s2 =	rddreg [dreg:$0x0]  }
0x2: {  	s0 =	rddreg [dreg:$0x1];
	s4 =	srdreg.scid  }
0x3: {  	s1 =	stileid.u32;
	s3 =	simm.s32 $0x0;
	s8 =	simm.s32 $0x18000  }
0x4: {  	s9 =	simm.s32 $0x18400;
	s4 =	sand.u32 $0x1, s4;
	s5 =	sshll.u32 s1, $0x1  }
0x5: {  	s10 =	simm.s32 $0x0;
	[smem:$0x7FF] =	sst s3;
	s5 =	sor.u32 s4, s5  }
0x6: {  	_ =	strace $0x80000056;
	s4 =	ssub.s32 $0x2, s4;
	s6 =	sshll.u32 s5, $0x7  }
0x7: {  	s5 =	sshll.u32 s5, $0x1;
	s7 =	sshrl.u32 s4, $0x1;
	s6 =	sadd.s32 s6, s2  }
0x8: {  	s5 =	sadd.s32 s5, s2;
	s7 =	ssub.s32 s4, s7;
	s4 =	sadd.s32 $0x4000, s6  }
0x9: {  	s5 =	sadd.s32 $0x3000, s5;
	s6 =	smax.u32 s7, $0x1;
	s7 =	simm.s32 $0x1  }
.LBB2_1:
0xa: {  	[tilespmem:s3], [sflag:$0x1] =	stream.linear.gather [hbm4b:s2+s3], $0x18000, $0x38;
	[tilespmem:$0x18410] =	vst v63  }
0xb: {  	_ =	swait.ge [sflag:s7], $0x18000  }
0xc: {  	[sflag:s7] =	ssyncset.done $0x0  }
0xd: {  	[sflag:s7] =	ssyncadd.s32 $0xFFFE8000  }
0xe: {  	[tilespmem:s8], [sflag:$0x1] =	stream.linear.gather [hbm4b:s4+s3], $0x400, $0x38;
	[tilespmem:$0x18410] =	vst v63  }
0xf: {  	_ =	swait.ge [sflag:s7], $0x400  }
0x10: {  	[sflag:s7] =	ssyncset.done $0x0  }
0x11: {  	s11 =	simm.s32 $0x0;
	[sflag:s7] =	ssyncadd.s32 $0xFFFFFC00  }
0x12: {  	v0 =	vld [tilespmem:s11+$0x18000]  }
0x13: {  	v1 =	vld [tilespmem:s11+$0x18200];
	_ =	sdelay $0x3  }
0x14: {  	s30 =	simm.s32 $0x10  }
0x15: {  	v6 =	vld [tilespmem:s30+$0x18000]  }
0x16: {  	v3 =	vld [tilespmem:s30+$0x18200]  }
0x17: {  	v5 =	vld.idx.msk [tilespmem:v0+s3+$0x0], $0xffff  }
0x18: {  	v1 =	vld.idx.msk [tilespmem:v1+s3+$0x0], $0xffff;
	_ =	sdelay $0x2  }
0x19: {  	s31 =	simm.s32 $0x20  }
0x1a: {  	v4 =	vld [tilespmem:s31+$0x18000]  }
0x1b: {  	v2 =	vld [tilespmem:s31+$0x18200];
	v5 =	vsub.f32 v1, v5  }
0x1c: {  	s11 =	simm.s32 $0xC0;
	v0 =	vimm.f32 $0.0e+00;
	v1 =	vld.idx.msk [tilespmem:v6+s3+$0x0], $0xffff  }
.LBB2_2:
0x1d: {  	p0 =	sne.s32 s11, $0x7C0;
	v6 =	vld.idx.msk [tilespmem:v3+s3+$0x0], $0xffff;
	v8 =	vadd.f32 $1.000000000e+00, v5;
	_ =	sdelay $0x1  }
0x1e: {  	v5 =	vmax.f32 v8, $0.0e+00;
	v7 =	vmov v4  }
.Ltmp0:
0x1f: {  	v0 =	vadd.f32 v5, v0;
	v3 =	vmov v2;
	(pc) =	sbr.rel @p0 .LBB2_2-.Ltmp0, $4  }
0x20: {  	s12 =	sshra.s32 s11, $0x2  }
0x21: {  	v4 =	vld [tilespmem:s12+$0x18000]  }
0x22: {  	v5 =	vsub.f32 v6, v1;
	v2 =	vld [tilespmem:s12+$0x18200]  }
0x23: {  	s11 =	sadd.s32 $0x40, s11;
	v1 =	vld.idx.msk [tilespmem:v7+s3+$0x0], $0xffff  }
0x24: {  	_ =	sdelay $0x4  }
0x25: {  	v3 =	vld.idx.msk [tilespmem:v3+s3+$0x0], $0xffff  }
0x26: {  	v4 =	vld.idx.msk [tilespmem:v4+s3+$0x0], $0xffff  }
0x27: {  	v2 =	vld.idx.msk [tilespmem:v2+s3+$0x0], $0xffff;
	_ =	sdelay $0x2  }
0x28: {  	v5 =	vadd.f32 $1.000000000e+00, v5;
	v1 =	vsub.f32 v3, v1;
	_ =	sdelay $0x1  }
0x29: {  	v62 =	vmax.f32 v5, $0.0e+00;
	v1 =	vadd.f32 $1.000000000e+00, v1;
	v2 =	vsub.f32 v2, v4  }
0x2a: {  	v0 =	vadd.f32 v62, v0  }
0x2b: {  	v1 =	vmax.f32 v1, $0.0e+00;
	v2 =	vadd.f32 $1.000000000e+00, v2  }
0x2c: {  	v0 =	vadd.f32 v1, v0  }
0x2d: {  	v63 =	vmax.f32 v2, $0.0e+00  }
0x2e: {  	s10 =	sadd.s32 $0x1, s10;
	v0 =	vadd.f32 v63, v0  }
0x2f: {  	p0 =	sne.s32 s10, s6  }
.Ltmp1:
0x30: {  	[tilespmem:$0x18400] =	vst v0;
	(pc) =	sbr.rel @p0 .LBB2_1-.Ltmp1, $4  }
0x31: {  	[hbm4b:s5+s3] =	stream.linear.scatter [tilespmem:s9], [sflag:$0x1], $0x10, $0x38;
	[tilespmem:$0x18410] =	vst v63  }
0x32: {  	_ =	swait.ge [sflag:s7], $0x10  }
0x33: {  	[sflag:s7] =	ssyncset.done $0x0  }
0x34: {  	[sflag:s7] =	ssyncadd.s32 $0xFFFFFFF0  }
0x35: {  	_ =	sfence.sel $0x180000  }
0x36: {  	[bflag:$0x0] =	sbarrier.arrive $0xFFFF  }
0x37: {  	p0 =	sne.s32 s1, $0x0;
	_ =	strace $0x90000056  }
0x38: {  	s0 =	sadd.s32 @!p0 $0x100000, s0;
	[bflag:$0x2] =	sbarrier.arrive $0xFFFF  }
0x39: {  	[sflag:s0] =	ssyncadd.tile.s32 @!p0 $0x1;
	_ =	shalt  }
.Lfunc_end2:
_tile_overlayer_lowered:
.L_overlay_start_2:
0x3a: {  	(tag) =	ssettag $0x2  }
0x3b: {  	s0 =	rddreg [dreg:$0x0];
	s2 =	stileid.u32  }
0x3c: {  	s1 =	rddreg [dreg:$0x1];
	p0 =	sne.s32 s2, $0x0  }
0x3d: {  	s3 =	rddreg [dreg:$0x2];
	[bflag:$0x3] =	sbarrier.arrive $0xFFFF;
	s2 =	simm.s32 @!p0 $0x1C01  }
0x3e: {  	[timem:s3], [sflag:s2] =	dma.local @!p0 [hbm:s0], s1  }
0x3f: {  	s0 =	simm.s32 @!p0 $0x1  }
0x40: {  	_ =	swait.ge @!p0 [sflag:s0], s1  }
0x41: {  	s1 =	ssub.s32 @!p0 $0x0, s1;
	[sflag:s0] =	ssyncset.done @!p0 $0x0  }
0x42: {  	[sflag:s0] =	ssyncadd.s32 @!p0 s1  }
0x43: {  	[bflag:$0x3] =	sbarrier.arrive $0xFFFF  }
0x44: {  	_ =	shalt  }

// kernel: scatter_offload_async_start.1
scs
__scs_entry_jumppad:
0x0: {  	(pc) =	sbr.rel $0x88, $3  }
0x1: {  	(tag) =	ssettag $0x0;
	lr =	simm.s32 $0x1  }
0x2: {  	[smem:$0x3F99] =	sst lr;
	_ =	strace $0xD0000000  }
0x3: {  	_ = 	snop  }
0x4: {  	_ = 	snop  }
0x5: {  	_ = 	snop  }
0x6: {  	_ = 	snop  }
0x7: {  	_ = 	snop  }
__scs_overlays_trampoline_lowered:
0x8: {  	[smem:$0x3FA8] =	sst s0  }
0x9: {  	[smem:$0x3FA9] =	sst s1  }
0xa: {  	[smem:$0x3FAA] =	sst s2  }
0xb: {  	[smem:$0x3FAB] =	sst s3  }
0xc: {  	[smem:$0x3FAC] =	sst s4  }
0xd: {  	[smem:$0x3FAD] =	sst s5  }
0xe: {  	[smem:$0x3FAE] =	sst s6  }
0xf: {  	[smem:$0x3FAF] =	sst s7  }
0x10: {  	[smem:$0x3FB0] =	sst s8  }
0x11: {  	[smem:$0x3FB1] =	sst s9;
	s0 =	simm.s32 @!p0 $0x0  }
0x12: {  	s1 =	sld [smem:$0x3F97];
	s0 =	simm.s32 @p0 $0x1  }
0x13: {  	[smem:$0x3FB2] =	sst s0;
	s0 =	simm.s32 @!p1 $0x0  }
0x14: {  	s2 =	sld [smem:$0x3F96];
	s0 =	simm.s32 @p1 $0x1  }
0x15: {  	[smem:$0x3FB3] =	sst s0;
	s0 =	simm.s32 @!p2 $0x0  }
0x16: {  	s3 =	sld [smem:$0x3FDB];
	s0 =	simm.s32 @p2 $0x1  }
0x17: {  	s4 =	simm.s32 $0x1BF5;
	[smem:$0x3FB5] =	sst s0  }
0x18: {  	s0 =	sld [smem:$0x3F98];
	_ =	swait.ge [sflag:s4], $0x0  }
0x19: {  	s7 =	sld [smem:$0x3F99]  }
0x1a: {  	s8 =	sadd.s32 $0xFFFFE003, lr  }
0x1b: {  	s9 =	sadd.s32 $0xFFFFFEF7, lr;
	s5 =	simm.s32 $0xFFFFFFFF;
	p2 =	slt.u32 s8, $0xFFFFF086  }
0x1c: {  	p1 =	slt.u32 s9, $0xF7A;
	s5 =	simm.s32 @!p2 $0x0  }
0x1d: {  	s5 =	simm.s32 @p1 $0x1;
	p0 =	seq.s32 s7, s2  }
0x1e: {  	s7 =	smul.u32 @!p0 $0xF7A, s2;
	p2 =	seq.s32 @!p0 s5, $0x0  }
0x1f: {  	s9 =	smul.u32 $0xF7A, s1;
	s8 =	simm.s32 @!p0 $0x1BF5;
	p2 =	por !p2, p0  }
0x20: {  	[sflag:s8] =	ssyncset.s32 @!p0 $0xFFFFF086;
	s6 =	sadd.s32 @!p0 s3, s7;
	s7 =	simm.s32 @!p0 $0x108  }
0x21: {  	s3 =	sadd.s32 s3, s9;
	s6 =	sadd.s32 @!p0 $0x88, s6;
	s7 =	simm.s32 @p2 $0x1082  }
0x22: {  	[simem:s7], [sflag:s8] =	dma.local @!p0 [hbm:s6], $0xF7A  }
0x23: {  	s9 =	sor.u32 $0xD0000000, s2;
	s6 =	simm.s32 $0x108;
	_ =	swait.ge @!p0 [sflag:s8], $0x0  }
0x24: {  	s3 =	sadd.s32 $0x88, s3;
	s6 =	simm.s32 @!p1 $0x1082;
	[sflag:s4] =	ssyncset.s32 $0xFFFFF086  }
0x25: {  	[simem:s6], [sflag:s4] =	dma.local [hbm:s3], $0xF7A  }
0x26: {  	[smem:$0x3F99] =	sst s1;
	(tag) =	ssettag s2;
	_ =	strace s9  }
0x27: {  	s1 =	sld [smem:$0x3FA9]  }
0x28: {  	s2 =	sld [smem:$0x3FAA]  }
0x29: {  	s4 =	sld [smem:$0x3FAC]  }
0x2a: {  	p0 =	seq.s32 s5, $0x0;
	s5 =	sld [smem:$0x3FAD]  }
0x2b: {  	s6 =	sld [smem:$0x3FAE]  }
0x2c: {  	s7 =	sld [smem:$0x3FAF]  }
0x2d: {  	s3 =	simm.s32 $0x108;
	s8 =	sld [smem:$0x3FB0]  }
0x2e: {  	s3 =	simm.s32 @!p0 $0x1082;
	s9 =	sld [smem:$0x3FB1]  }
0x2f: {  	lr =	sadd.s32 s0, s3;
	s0 =	sld [smem:$0x3FA8]  }
0x30: {  	s3 =	sld [smem:$0x3FAB]  }
0x31: {  	[smem:$0x3FB4] =	sst s10  }
0x32: {  	s10 =	sld [smem:$0x3FB2];
	_ =	sdelay $0x3  }
0x33: {  	p0 =	seq.s32 s10, $0x1;
	s10 =	sld [smem:$0x3FB4];
	_ =	sdelay $0x3  }
0x34: {  	[smem:$0x3FB4] =	sst s10  }
0x35: {  	s10 =	sld [smem:$0x3FB3];
	_ =	sdelay $0x3  }
0x36: {  	p1 =	seq.s32 s10, $0x1;
	s10 =	sld [smem:$0x3FB4];
	_ =	sdelay $0x3  }
0x37: {  	[smem:$0x3FB4] =	sst s10  }
0x38: {  	s10 =	sld [smem:$0x3FB5]  }
0x39: {  	_ = 	snop;
	(pc) =	sbr.ind lr, $3  }
0x3a: {  	_ = 	snop  }
0x3b: {  	_ = 	snop  }
0x3c: {  	p2 =	seq.s32 s10, $0x1;
	s10 =	sld [smem:$0x3FB4]  }
0x3d: {  	_ =	shalt  }
0x3e: {  	_ =	shalt  }
0x3f: {  	_ =	shalt  }
0x40: {  	_ =	shalt  }
0x41: {  	_ =	shalt  }
0x42: {  	_ =	shalt  }
0x43: {  	_ =	shalt  }
0x44: {  	_ =	shalt  }
0x45: {  	_ =	shalt  }
0x46: {  	_ =	shalt  }
0x47: {  	_ =	shalt  }
0x48: {  	_ =	shalt  }
0x49: {  	_ =	shalt  }
0x4a: {  	_ =	shalt  }
0x4b: {  	_ =	shalt  }
0x4c: {  	_ =	shalt  }
0x4d: {  	_ =	shalt  }
0x4e: {  	_ =	shalt  }
0x4f: {  	_ =	shalt  }
0x50: {  	_ =	shalt  }
0x51: {  	_ =	shalt  }
0x52: {  	_ =	shalt  }
0x53: {  	_ =	shalt  }
0x54: {  	_ =	shalt  }
0x55: {  	_ =	shalt  }
0x56: {  	_ =	shalt  }
0x57: {  	_ =	shalt  }
0x58: {  	_ =	shalt  }
0x59: {  	_ =	shalt  }
0x5a: {  	_ =	shalt  }
0x5b: {  	_ =	shalt  }
0x5c: {  	_ =	shalt  }
0x5d: {  	_ =	shalt  }
0x5e: {  	_ =	shalt  }
0x5f: {  	_ =	shalt  }
0x60: {  	_ =	shalt  }
0x61: {  	_ =	shalt  }
0x62: {  	_ =	shalt  }
0x63: {  	_ =	shalt  }
0x64: {  	_ =	shalt  }
0x65: {  	_ =	shalt  }
0x66: {  	_ =	shalt  }
0x67: {  	_ =	shalt  }
0x68: {  	_ =	shalt  }
0x69: {  	_ =	shalt  }
0x6a: {  	_ =	shalt  }
0x6b: {  	_ =	shalt  }
0x6c: {  	_ =	shalt  }
0x6d: {  	_ =	shalt  }
0x6e: {  	_ =	shalt  }
0x6f: {  	_ =	shalt  }
0x70: {  	_ =	shalt  }
0x71: {  	_ =	shalt  }
0x72: {  	_ =	shalt  }
0x73: {  	_ =	shalt  }
0x74: {  	_ =	shalt  }
0x75: {  	_ =	shalt  }
0x76: {  	_ =	shalt  }
0x77: {  	_ =	shalt  }
0x78: {  	_ =	shalt  }
0x79: {  	_ =	shalt  }
0x7a: {  	_ =	shalt  }
0x7b: {  	_ =	shalt  }
0x7c: {  	_ =	shalt  }
0x7d: {  	_ =	shalt  }
0x7e: {  	_ =	shalt  }
0x7f: {  	_ =	shalt  }
0x80: {  	_ =	shalt  }
0x81: {  	_ =	shalt  }
0x82: {  	_ =	shalt  }
0x83: {  	_ =	shalt  }
0x84: {  	_ =	shalt  }
0x85: {  	_ =	shalt  }
0x86: {  	_ =	shalt  }
0x87: {  	_ =	shalt  }
.Lfunc_end0:
.L_simem_size_0:
called_computation.1_lowered:
.L_overlay_start_0:
0x88: {  	s0 =	sld [smem:$0x3FD9]  }
0x89: {  	s1 =	sld [smem:$0x3FFE];
	_ =	sdelay $0x3  }
0x8a: {  	s0 =	sadd.s32 s1, s0  }
0x8b: {  	[smem:$0x3FC0] =	sst s0  }
0x8c: {  	_ = 	snop  }
0x8d: {  	(tm) =	ssettm $0x1  }
0x8e: {  	s15 =	sld [smem:$0x3FFB];
	_ =	sdelay $0x3  }
0x8f: {  	_ =	strace s15  }
0x90: {  	s0 =	sld [smem:$0x3FFC];
	_ =	sdelay $0x3  }
0x91: {  	_ =	strace s0  }
0x92: {  	s0 =	sld [smem:$0x3FFD];
	_ =	sdelay $0x3  }
0x93: {  	_ =	strace s0  }
0x94: {  	_ =	strace $0x8FFFFFFF  }
0x95: {  	s16 =	sld [smem:$0x3FDB];
	_ =	sdelay $0x1  }
0x96: {  	s17 =	simm.s32 $_scs_section_size  }
0x97: {  	s2 =	simm.s32 $_size__tile_overlayer_lowered;
	s3 =	simm.s32 $_tile_overlayer_lowered  }
0x98: {  	s20 =	simm.s32 $0x1BFF;
	s19 =	sshll.u32 s3, $0x1;
	s0 =	sadd.s32 s17, s16  }
0x99: {  	s4 =	simm.s32 $0x0;
	s18 =	sshll.u32 s2, $0x1;
	s2 =	sadd.s32 s19, s0  }
0x9a: {  	[timem:s4], [sflag:s20] =	dma.local [hbm:s2], s18  }
0x9b: {  	_ =	swait.ge [sflag:s20], s18  }
0x9c: {  	s1 =	ssub.s32 $0x0, s18;
	[sflag:s20] =	ssyncset.done $0x0  }
0x9d: {  	[sflag:s20] =	ssyncadd.s32 s1;
	_ =	sdelay $0x1  }
0x9e: {  	s21 =	simm.s32 $0x1B8B  }
0x9f: {  	_ =	swait.ge [sflag:s21], $0x1  }
0xa0: {  	[sflag:s21] =	ssyncset.done $0x0  }
0xa1: {  	s23 =	simm.s32 $0x1B8E;
	s22 =	sld [smem:$0x3FFE];
	[sflag:s21] =	ssyncadd.s32 $0xFFFFFFFF  }
0xa2: {  	s24 =	simm.s32 $execute0_lowered;
	[smem:$0x3FD2] =	sst s23  }
0xa3: {  	s2 =	sshll.u32 s24, $0x1;
	_ =	strace $0x80000049;
	[dreg:$0x1] =	wrdreg $0xFFFFFFFF  }
0xa4: {  	s25 =	simm.s32 $_size_execute0_lowered;
	s0 =	sadd.s32 s0, s2;
	[dreg:$0x0] =	wrdreg $0x0  }
0xa5: {  	s2 =	sshll.u32 s25, $0x1;
	[dreg:$0x2] =	wrdreg s0  }
0xa6: {  	[dreg:$0x3] =	wrdreg s2  }
0xa7: {  	[dreg:$0x4] =	wrdreg $0xC0  }
0xa8: {  	_ =	task [dreg:s4], $0x5FFFF  }
0xa9: {  	[dreg:$0x1] =	wrdreg $0xFFFFFFFF  }
0xaa: {  	[dreg:$0x0] =	wrdreg $0x60  }
0xab: {  	[dreg:$0x2] =	wrdreg s22  }
0xac: {  	[dreg:$0x3] =	wrdreg $0xA  }
0xad: {  	_ =	task.clear_ibuf [dreg:s4], $0x4FFFF;
	_ =	strace $0x90000049  }
0xae: {  	s26 =	simm.s32 $0xA;
	_ =	strace $0x8000004B  }
0xaf: {  	_ =	swait.ge [sflag:s26], $0x1  }
0xb0: {  	[sflag:s26] =	ssyncadd.s32 $0xFFFFFFFF  }
0xb1: {  	_ =	strace $0x9000004B  }
0xb2: {  	_ =	sfence  }
0xb3: {  	s28 =	sld [smem:$0x0];
	_ =	sdelay $0x1  }
0xb4: {  	s29 =	srdreg.scid  }
0xb5: {  	s30 =	sshll.u32 s29, $0xD;
	s31 =	sshrl.u32 s29, $0x2  }
0xb6: {  	s1 =	sand.u32 $0x1, s29;
	s2 =	sand.u32 $0x4000, s30;
	s0 =	sadd.s32 s31, s28  }
0xb7: {  	s1 =	sor.u32 s2, s1;
	s0 =	sshll.u32 s0, $0x11  }
0xb8: {  	s0 =	sor.u32 s0, s1  }
0xb9: {  	s0 =	sadd.s32 $0x8F2B, s0  }
0xba: {  	[sflag:s0] =	ssyncadd.remote.s32 $0x1  }
0xbb: {  	_ =	sfence.sel $0xFFFF  }
0xbc: {  	[dreg:$0x0] =	wrdreg $0xFFFFFFFF;
	(pc) =	sbr.abs _section_cstart, $3  }
0xbd: {  	[dreg:$0x1] =	wrdreg $0xFFFFFFFF  }
0xbe: {  	_ =	task.clear_ibuf [dreg:s4], $0x2FFFF;
	_ =	strace $0x9FFFFFFF  }
0xbf: {  	(tm) =	ssettm $0x7FFFFFFF  }
tec
execute0_lowered:
.L_overlay_start_1:
0x0: {  	(tag) =	ssettag $0x1  }
0x1: {  	s1 =	rddreg [dreg:$0x0]  }
0x2: {  	s0 =	rddreg [dreg:$0x1];
	s2 =	stileid.u32  }
0x3: {  	_ =	strace $0x8000004A;
	s3 =	simm.s32 $0x3E;
	p0 =	sne.s32 s2, $0x0  }
0x4: {  	[sflag:s3] =	ssyncpa.u1 $0x0;
	s4 =	simm.s32 @!p0 $0x1C3E;
	s5 =	simm.s32 @!p0 $0x0  }
0x5: {  	[spmem:s5], [sflag:s4] =	dma.local @!p0 [hbm:s1], $0x3000  }
0x6: {  	s4 =	simm.s32 @!p0 $0x3E  }
0x7: {  	_ =	swait.ge @!p0 [sflag:s4], $0x3000  }
0x8: {  	[sflag:s4] =	ssyncset.done @!p0 $0x0  }
0x9: {  	s28 =	simm.s32 $0x1;
	[sflag:s4] =	ssyncadd.s32 @!p0 $0xFFFFD000  }
0xa: {  	s30 =	simm.s32 $0x2;
	s7 =	simm.s32 $0x2000;
	[bflag:$0x0] =	sbarrier.arrive $0xFFFF  }
0xb: {  	s29 =	sadd.s32 $0x5000, s1;
	s31 =	sadd.s32 $0x3000, s1;
	[sflag:s3] =	ssyncpa.u1 $0x1  }
0xc: {  	s6 =	sshll.u32 s2, $0x8;
	s2 =	simm.s32 $0x0;
	[sflag:s28] =	ssyncpa.u1 $0x0  }
0xd: {  	s3 =	sadd.s32 s29, s6;
	(ifvalue) =	ssetifvalue $0x18000;
	[sflag:s30] =	ssyncpa.u1 $0x0  }
0xe: {  	[tilespmem:s7], [sflag:$0x2] =	stream.linear.gather [hbm4b:s3+s2], $0x800, $0x38;
	[tilespmem:$0x3800] =	vst v63  }
0xf: {  	s5 =	sadd.s32 s31, s6;
	s3 =	simm.s32 $0x3000  }
0x10: {  	[tilespmem:s3], [sflag:$0x2] =	stream.linear.gather [hbm4b:s5+s2], $0x800, $0x38;
	[tilespmem:$0x3800] =	vst v63  }
0x11: {  	_ =	swait.ge [sflag:s30], $0x1000  }
0x12: {  	[sflag:s30] =	ssyncset.done $0x0  }
0x13: {  	[sflag:s30] =	ssyncadd.s32 $0xFFFFF000  }
0x14: {  	v0 =	vld.msk [tilespmem:s7+$0x0 ss:$0x1], $0xffff;
	_ =	sdelay $0x4  }
0x15: {  	v0 =	vmin.u32 v0, $0x18000;
	_ =	sdelay $0x3  }
0x16: {  	vm0 =	vmmov $0xffff;
	s4 =	simm.s32 $0x0;
	s5 =	simm.s32 $0x2010  }
0x17: {  	[spmem:s2] =	stream.indirect_vreg.scatter.add.s32 [tilespmem:s3], [sflag:$0x1], $0x1, v0, vm0, $0x4038;
	[tilespmem:$0x3800] =	vst v63  }
.LBB2_1:
0x18: {  	v0 =	vld.msk [tilespmem:s5+$0x0 ss:$0x1], $0xffff;
	s4 =	sadd.s32 $0x10, s4  }
0x19: {  	p1 =	slt.u32 s4, $0x7F0;
	_ =	sdelay $0x4  }
0x1a: {  	v0 =	vmin.u32 v0, $0x18000  }
.Ltmp0:
0x1b: {  	(pc) =	sbr.rel @p1 .LBB2_1-.Ltmp0, $3  }
0x1c: {  	_ =	sdelay $0x1  }
0x1d: {  	s5 =	sadd.s32 $0x10, s5;
	s3 =	sadd.s32 $0x10, s3  }
0x1e: {  	[spmem:s2] =	stream.indirect_vreg.scatter.add.s32 [tilespmem:s3], [sflag:$0x1], $0x1, v0, vm0, $0x4038;
	[tilespmem:$0x3800] =	vst v63  }
0x1f: {  	s2 =	simm.s32 $0x1  }
0x20: {  	_ =	swait.ge [sflag:s2], $0x800  }
0x21: {  	[sflag:s2] =	ssyncset.done $0x0  }
0x22: {  	[sflag:s2] =	ssyncadd.s32 $0xFFFFF800  }
0x23: {  	_ =	sfence.sel $0x180000  }
0x24: {  	s3 =	simm.s32 $0x2;
	[bflag:$0x0] =	sbarrier.arrive $0xFFFF  }
0x25: {  	[sflag:s3] =	ssyncpa.u1 $0x1  }
0x26: {  	[sflag:s2] =	ssyncpa.u1 $0x1  }
0x27: {  	_ =	sfence.stream.spmem  }
0x28: {  	s31 =	simm.s32 $0x3D;
	[bflag:$0x0] =	sbarrier.arrive $0xFFFF  }
0x29: {  	s2 =	simm.s32 @p0 $0x3D;
	[sflag:s31] =	ssyncpa.u1 $0x0  }
0x2a: {  	[sflag:s2] =	ssyncpa.u1 @p0 $0x1  }
0x2b: {  	[bflag:$0x0] =	sbarrier.arrive @p0 $0xFFFF  }
0x2c: {  	_ =	strace @p0 $0x9000004A  }
0x2d: {  	s3 =	simm.s32 @!p0 $0x1C3D;
	s2 =	simm.s32 @!p0 $0x0;
	[bflag:$0x2] =	sbarrier.arrive @p0 $0xFFFF  }
0x2e: {  	[hbm:s1], [sflag:s3] =	dma.local @!p0 [spmem:s2], $0x3000  }
0x2f: {  	s1 =	simm.s32 @!p0 $0x3D  }
0x30: {  	_ =	swait.ge @!p0 [sflag:s1], $0x3000  }
0x31: {  	[sflag:s1] =	ssyncset.done @!p0 $0x0  }
0x32: {  	[sflag:s1] =	ssyncadd.s32 @!p0 $0xFFFFD000  }
0x33: {  	[sflag:s1] =	ssyncpa.u1 @!p0 $0x1  }
0x34: {  	[bflag:$0x0] =	sbarrier.arrive @!p0 $0xFFFF  }
0x35: {  	_ =	strace @!p0 $0x9000004A  }
0x36: {  	s0 =	sadd.s32 @!p0 $0x100000, s0;
	[bflag:$0x2] =	sbarrier.arrive @!p0 $0xFFFF  }
0x37: {  	[sflag:s0] =	ssyncadd.tile.s32 @!p0 $0x1;
	_ =	shalt  }
.Lfunc_end2:
_tile_overlayer_lowered:
.L_overlay_start_2:
0x38: {  	(tag) =	ssettag $0x2  }
0x39: {  	s0 =	rddreg [dreg:$0x0];
	s2 =	stileid.u32  }
0x3a: {  	s1 =	rddreg [dreg:$0x1];
	p0 =	sne.s32 s2, $0x0  }
0x3b: {  	s3 =	rddreg [dreg:$0x2];
	[bflag:$0x3] =	sbarrier.arrive $0xFFFF;
	s2 =	simm.s32 @!p0 $0x1C01  }
0x3c: {  	[timem:s3], [sflag:s2] =	dma.local @!p0 [hbm:s0], s1  }
0x3d: {  	s0 =	simm.s32 @!p0 $0x1  }
0x3e: {  	_ =	swait.ge @!p0 [sflag:s0], s1  }
0x3f: {  	s1 =	ssub.s32 @!p0 $0x0, s1;
	[sflag:s0] =	ssyncset.done @!p0 $0x0  }
0x40: {  	[sflag:s0] =	ssyncadd.s32 @!p0 s1  }
0x41: {  	[bflag:$0x3] =	sbarrier.arrive $0xFFFF  }
0x42: {  	_ =	shalt  }

// kernel: scatter_offload_async_start.2
scs
__scs_entry_jumppad:
0x0: {  	(pc) =	sbr.rel $0x88, $3  }
0x1: {  	(tag) =	ssettag $0x0;
	lr =	simm.s32 $0x1  }
0x2: {  	[smem:$0x3F99] =	sst lr;
	_ =	strace $0xD0000000  }
0x3: {  	_ = 	snop  }
0x4: {  	_ = 	snop  }
0x5: {  	_ = 	snop  }
0x6: {  	_ = 	snop  }
0x7: {  	_ = 	snop  }
__scs_overlays_trampoline_lowered:
0x8: {  	[smem:$0x3FA8] =	sst s0  }
0x9: {  	[smem:$0x3FA9] =	sst s1  }
0xa: {  	[smem:$0x3FAA] =	sst s2  }
0xb: {  	[smem:$0x3FAB] =	sst s3  }
0xc: {  	[smem:$0x3FAC] =	sst s4  }
0xd: {  	[smem:$0x3FAD] =	sst s5  }
0xe: {  	[smem:$0x3FAE] =	sst s6  }
0xf: {  	[smem:$0x3FAF] =	sst s7  }
0x10: {  	[smem:$0x3FB0] =	sst s8  }
0x11: {  	[smem:$0x3FB1] =	sst s9;
	s0 =	simm.s32 @!p0 $0x0  }
0x12: {  	s1 =	sld [smem:$0x3F97];
	s0 =	simm.s32 @p0 $0x1  }
0x13: {  	[smem:$0x3FB2] =	sst s0;
	s0 =	simm.s32 @!p1 $0x0  }
0x14: {  	s2 =	sld [smem:$0x3F96];
	s0 =	simm.s32 @p1 $0x1  }
0x15: {  	[smem:$0x3FB3] =	sst s0;
	s0 =	simm.s32 @!p2 $0x0  }
0x16: {  	s3 =	sld [smem:$0x3FDB];
	s0 =	simm.s32 @p2 $0x1  }
0x17: {  	s4 =	simm.s32 $0x1BF5;
	[smem:$0x3FB5] =	sst s0  }
0x18: {  	s0 =	sld [smem:$0x3F98];
	_ =	swait.ge [sflag:s4], $0x0  }
0x19: {  	s7 =	sld [smem:$0x3F99]  }
0x1a: {  	s8 =	sadd.s32 $0xFFFFE003, lr  }
0x1b: {  	s9 =	sadd.s32 $0xFFFFFEF7, lr;
	s5 =	simm.s32 $0xFFFFFFFF;
	p2 =	slt.u32 s8, $0xFFFFF086  }
0x1c: {  	p1 =	slt.u32 s9, $0xF7A;
	s5 =	simm.s32 @!p2 $0x0  }
0x1d: {  	s5 =	simm.s32 @p1 $0x1;
	p0 =	seq.s32 s7, s2  }
0x1e: {  	s7 =	smul.u32 @!p0 $0xF7A, s2;
	p2 =	seq.s32 @!p0 s5, $0x0  }
0x1f: {  	s9 =	smul.u32 $0xF7A, s1;
	s8 =	simm.s32 @!p0 $0x1BF5;
	p2 =	por !p2, p0  }
0x20: {  	[sflag:s8] =	ssyncset.s32 @!p0 $0xFFFFF086;
	s6 =	sadd.s32 @!p0 s3, s7;
	s7 =	simm.s32 @!p0 $0x108  }
0x21: {  	s3 =	sadd.s32 s3, s9;
	s6 =	sadd.s32 @!p0 $0x88, s6;
	s7 =	simm.s32 @p2 $0x1082  }
0x22: {  	[simem:s7], [sflag:s8] =	dma.local @!p0 [hbm:s6], $0xF7A  }
0x23: {  	s9 =	sor.u32 $0xD0000000, s2;
	s6 =	simm.s32 $0x108;
	_ =	swait.ge @!p0 [sflag:s8], $0x0  }
0x24: {  	s3 =	sadd.s32 $0x88, s3;
	s6 =	simm.s32 @!p1 $0x1082;
	[sflag:s4] =	ssyncset.s32 $0xFFFFF086  }
0x25: {  	[simem:s6], [sflag:s4] =	dma.local [hbm:s3], $0xF7A  }
0x26: {  	[smem:$0x3F99] =	sst s1;
	(tag) =	ssettag s2;
	_ =	strace s9  }
0x27: {  	s1 =	sld [smem:$0x3FA9]  }
0x28: {  	s2 =	sld [smem:$0x3FAA]  }
0x29: {  	s4 =	sld [smem:$0x3FAC]  }
0x2a: {  	p0 =	seq.s32 s5, $0x0;
	s5 =	sld [smem:$0x3FAD]  }
0x2b: {  	s6 =	sld [smem:$0x3FAE]  }
0x2c: {  	s7 =	sld [smem:$0x3FAF]  }
0x2d: {  	s3 =	simm.s32 $0x108;
	s8 =	sld [smem:$0x3FB0]  }
0x2e: {  	s3 =	simm.s32 @!p0 $0x1082;
	s9 =	sld [smem:$0x3FB1]  }
0x2f: {  	lr =	sadd.s32 s0, s3;
	s0 =	sld [smem:$0x3FA8]  }
0x30: {  	s3 =	sld [smem:$0x3FAB]  }
0x31: {  	[smem:$0x3FB4] =	sst s10  }
0x32: {  	s10 =	sld [smem:$0x3FB2];
	_ =	sdelay $0x3  }
0x33: {  	p0 =	seq.s32 s10, $0x1;
	s10 =	sld [smem:$0x3FB4];
	_ =	sdelay $0x3  }
0x34: {  	[smem:$0x3FB4] =	sst s10  }
0x35: {  	s10 =	sld [smem:$0x3FB3];
	_ =	sdelay $0x3  }
0x36: {  	p1 =	seq.s32 s10, $0x1;
	s10 =	sld [smem:$0x3FB4];
	_ =	sdelay $0x3  }
0x37: {  	[smem:$0x3FB4] =	sst s10  }
0x38: {  	s10 =	sld [smem:$0x3FB5]  }
0x39: {  	_ = 	snop;
	(pc) =	sbr.ind lr, $3  }
0x3a: {  	_ = 	snop  }
0x3b: {  	_ = 	snop  }
0x3c: {  	p2 =	seq.s32 s10, $0x1;
	s10 =	sld [smem:$0x3FB4]  }
0x3d: {  	_ =	shalt  }
0x3e: {  	_ =	shalt  }
0x3f: {  	_ =	shalt  }
0x40: {  	_ =	shalt  }
0x41: {  	_ =	shalt  }
0x42: {  	_ =	shalt  }
0x43: {  	_ =	shalt  }
0x44: {  	_ =	shalt  }
0x45: {  	_ =	shalt  }
0x46: {  	_ =	shalt  }
0x47: {  	_ =	shalt  }
0x48: {  	_ =	shalt  }
0x49: {  	_ =	shalt  }
0x4a: {  	_ =	shalt  }
0x4b: {  	_ =	shalt  }
0x4c: {  	_ =	shalt  }
0x4d: {  	_ =	shalt  }
0x4e: {  	_ =	shalt  }
0x4f: {  	_ =	shalt  }
0x50: {  	_ =	shalt  }
0x51: {  	_ =	shalt  }
0x52: {  	_ =	shalt  }
0x53: {  	_ =	shalt  }
0x54: {  	_ =	shalt  }
0x55: {  	_ =	shalt  }
0x56: {  	_ =	shalt  }
0x57: {  	_ =	shalt  }
0x58: {  	_ =	shalt  }
0x59: {  	_ =	shalt  }
0x5a: {  	_ =	shalt  }
0x5b: {  	_ =	shalt  }
0x5c: {  	_ =	shalt  }
0x5d: {  	_ =	shalt  }
0x5e: {  	_ =	shalt  }
0x5f: {  	_ =	shalt  }
0x60: {  	_ =	shalt  }
0x61: {  	_ =	shalt  }
0x62: {  	_ =	shalt  }
0x63: {  	_ =	shalt  }
0x64: {  	_ =	shalt  }
0x65: {  	_ =	shalt  }
0x66: {  	_ =	shalt  }
0x67: {  	_ =	shalt  }
0x68: {  	_ =	shalt  }
0x69: {  	_ =	shalt  }
0x6a: {  	_ =	shalt  }
0x6b: {  	_ =	shalt  }
0x6c: {  	_ =	shalt  }
0x6d: {  	_ =	shalt  }
0x6e: {  	_ =	shalt  }
0x6f: {  	_ =	shalt  }
0x70: {  	_ =	shalt  }
0x71: {  	_ =	shalt  }
0x72: {  	_ =	shalt  }
0x73: {  	_ =	shalt  }
0x74: {  	_ =	shalt  }
0x75: {  	_ =	shalt  }
0x76: {  	_ =	shalt  }
0x77: {  	_ =	shalt  }
0x78: {  	_ =	shalt  }
0x79: {  	_ =	shalt  }
0x7a: {  	_ =	shalt  }
0x7b: {  	_ =	shalt  }
0x7c: {  	_ =	shalt  }
0x7d: {  	_ =	shalt  }
0x7e: {  	_ =	shalt  }
0x7f: {  	_ =	shalt  }
0x80: {  	_ =	shalt  }
0x81: {  	_ =	shalt  }
0x82: {  	_ =	shalt  }
0x83: {  	_ =	shalt  }
0x84: {  	_ =	shalt  }
0x85: {  	_ =	shalt  }
0x86: {  	_ =	shalt  }
0x87: {  	_ =	shalt  }
.Lfunc_end0:
.L_simem_size_0:
called_computation.2_lowered:
.L_overlay_start_0:
0x88: {  	s0 =	sld [smem:$0x3FD9]  }
0x89: {  	s1 =	sld [smem:$0x3FFE];
	_ =	sdelay $0x3  }
0x8a: {  	s0 =	sadd.s32 s1, s0  }
0x8b: {  	[smem:$0x3FC0] =	sst s0  }
0x8c: {  	_ = 	snop  }
0x8d: {  	(tm) =	ssettm $0x1  }
0x8e: {  	s15 =	sld [smem:$0x3FFB];
	_ =	sdelay $0x3  }
0x8f: {  	_ =	strace s15  }
0x90: {  	s0 =	sld [smem:$0x3FFC];
	_ =	sdelay $0x3  }
0x91: {  	_ =	strace s0  }
0x92: {  	s0 =	sld [smem:$0x3FFD];
	_ =	sdelay $0x3  }
0x93: {  	_ =	strace s0  }
0x94: {  	_ =	strace $0x8FFFFFFF  }
0x95: {  	s16 =	sld [smem:$0x3FDB];
	_ =	sdelay $0x1  }
0x96: {  	s17 =	simm.s32 $_scs_section_size  }
0x97: {  	s2 =	simm.s32 $_size__tile_overlayer_lowered;
	s3 =	simm.s32 $_tile_overlayer_lowered  }
0x98: {  	s20 =	simm.s32 $0x1BFF;
	s19 =	sshll.u32 s3, $0x1;
	s0 =	sadd.s32 s17, s16  }
0x99: {  	s4 =	simm.s32 $0x0;
	s18 =	sshll.u32 s2, $0x1;
	s2 =	sadd.s32 s19, s0  }
0x9a: {  	[timem:s4], [sflag:s20] =	dma.local [hbm:s2], s18  }
0x9b: {  	_ =	swait.ge [sflag:s20], s18  }
0x9c: {  	s1 =	ssub.s32 $0x0, s18;
	[sflag:s20] =	ssyncset.done $0x0  }
0x9d: {  	[sflag:s20] =	ssyncadd.s32 s1;
	_ =	sdelay $0x1  }
0x9e: {  	s21 =	simm.s32 $0x1B8B  }
0x9f: {  	_ =	swait.ge [sflag:s21], $0x1  }
0xa0: {  	[sflag:s21] =	ssyncset.done $0x0  }
0xa1: {  	s23 =	simm.s32 $0x1B8E;
	s22 =	sld [smem:$0x3FFE];
	[sflag:s21] =	ssyncadd.s32 $0xFFFFFFFF  }
0xa2: {  	s24 =	simm.s32 $execute0_lowered;
	[smem:$0x3FD2] =	sst s23  }
0xa3: {  	s2 =	sshll.u32 s24, $0x1;
	_ =	strace $0x8000004C;
	[dreg:$0x1] =	wrdreg $0xFFFFFFFF  }
0xa4: {  	s25 =	simm.s32 $_size_execute0_lowered;
	s0 =	sadd.s32 s0, s2;
	[dreg:$0x0] =	wrdreg $0x0  }
0xa5: {  	s2 =	sshll.u32 s25, $0x1;
	[dreg:$0x2] =	wrdreg s0  }
0xa6: {  	[dreg:$0x3] =	wrdreg s2  }
0xa7: {  	[dreg:$0x4] =	wrdreg $0xC0  }
0xa8: {  	_ =	task [dreg:s4], $0x5FFFF  }
0xa9: {  	[dreg:$0x1] =	wrdreg $0xFFFFFFFF  }
0xaa: {  	[dreg:$0x0] =	wrdreg $0x60  }
0xab: {  	[dreg:$0x2] =	wrdreg s22  }
0xac: {  	[dreg:$0x3] =	wrdreg $0x9  }
0xad: {  	_ =	task.clear_ibuf [dreg:s4], $0x4FFFF;
	_ =	strace $0x9000004C  }
0xae: {  	s26 =	simm.s32 $0x9;
	_ =	strace $0x8000004E  }
0xaf: {  	_ =	swait.ge [sflag:s26], $0x1  }
0xb0: {  	[sflag:s26] =	ssyncadd.s32 $0xFFFFFFFF  }
0xb1: {  	_ =	strace $0x9000004E  }
0xb2: {  	_ =	sfence  }
0xb3: {  	s28 =	sld [smem:$0x0];
	_ =	sdelay $0x1  }
0xb4: {  	s29 =	srdreg.scid  }
0xb5: {  	s30 =	sshll.u32 s29, $0xD;
	s31 =	sshrl.u32 s29, $0x2  }
0xb6: {  	s1 =	sand.u32 $0x1, s29;
	s2 =	sand.u32 $0x4000, s30;
	s0 =	sadd.s32 s31, s28  }
0xb7: {  	s1 =	sor.u32 s2, s1;
	s0 =	sshll.u32 s0, $0x11  }
0xb8: {  	s0 =	sor.u32 s0, s1  }
0xb9: {  	s0 =	sadd.s32 $0x8F2B, s0  }
0xba: {  	[sflag:s0] =	ssyncadd.remote.s32 $0x1  }
0xbb: {  	_ =	sfence.sel $0xFFFF  }
0xbc: {  	[dreg:$0x0] =	wrdreg $0xFFFFFFFF;
	(pc) =	sbr.abs _section_cstart, $3  }
0xbd: {  	[dreg:$0x1] =	wrdreg $0xFFFFFFFF  }
0xbe: {  	_ =	task.clear_ibuf [dreg:s4], $0x2FFFF;
	_ =	strace $0x9FFFFFFF  }
0xbf: {  	(tm) =	ssettm $0x7FFFFFFF  }
tec
execute0_lowered:
.L_overlay_start_1:
0x0: {  	(tag) =	ssettag $0x1  }
0x1: {  	s2 =	rddreg [dreg:$0x0]  }
0x2: {  	s0 =	rddreg [dreg:$0x1];
	_ =	strace $0x8000004D;
	s3 =	stileid.u32  }
0x3: {  	s4 =	simm.s32 $0x3E;
	s1 =	sadd.s32 $0xB000, s2;
	p0 =	sne.s32 s3, $0x0  }
0x4: {  	[sflag:s4] =	ssyncpa.u1 $0x0;
	s5 =	simm.s32 @!p0 $0x1C3E;
	s6 =	simm.s32 @!p0 $0x0  }
0x5: {  	[spmem:s6], [sflag:s5] =	dma.local @!p0 [hbm:s1], $0x1000  }
0x6: {  	s5 =	simm.s32 @!p0 $0x3E  }
0x7: {  	_ =	swait.ge @!p0 [sflag:s5], $0x1000  }
0x8: {  	[sflag:s5] =	ssyncset.done @!p0 $0x0  }
0x9: {  	s26 =	simm.s32 $0x1;
	[sflag:s5] =	ssyncadd.s32 @!p0 $0xFFFFF000  }
0xa: {  	s29 =	simm.s32 $0x2;
	s7 =	simm.s32 $0x1000;
	[bflag:$0x0] =	sbarrier.arrive $0xFFFF  }
0xb: {  	s28 =	sadd.s32 $0x6000, s2;
	s30 =	sadd.s32 $0x4000, s2;
	[sflag:s4] =	ssyncpa.u1 $0x1  }
0xc: {  	s3 =	sshll.u32 s3, $0x8;
	s2 =	simm.s32 $0x0;
	[sflag:s26] =	ssyncpa.u1 $0x0  }
0xd: {  	s4 =	sadd.s32 s28, s3;
	(ifvalue) =	ssetifvalue $0x8000;
	[sflag:s29] =	ssyncpa.u1 $0x0  }
0xe: {  	[tilespmem:s7], [sflag:$0x2] =	stream.linear.gather [hbm4b:s4+s2], $0x800, $0x38;
	[tilespmem:$0x2800] =	vst v63  }
0xf: {  	s31 =	sadd.s32 s30, s3;
	s3 =	simm.s32 $0x2000  }
0x10: {  	[tilespmem:s3], [sflag:$0x2] =	stream.linear.gather [hbm4b:s31+s2], $0x800, $0x38;
	[tilespmem:$0x2800] =	vst v63  }
0x11: {  	_ =	swait.ge [sflag:s29], $0x1000  }
0x12: {  	[sflag:s29] =	ssyncset.done $0x0  }
0x13: {  	[sflag:s29] =	ssyncadd.s32 $0xFFFFF000  }
0x14: {  	v0 =	vld.msk [tilespmem:s7+$0x0 ss:$0x1], $0xffff;
	_ =	sdelay $0x4  }
0x15: {  	v0 =	vmin.u32 v0, $0x8000;
	_ =	sdelay $0x3  }
0x16: {  	vm0 =	vmmov $0xffff;
	s5 =	simm.s32 $0x1010;
	s4 =	simm.s32 $0x0  }
0x17: {  	[spmem:s2] =	stream.indirect_vreg.scatter.add.s32 [tilespmem:s3], [sflag:$0x1], $0x1, v0, vm0, $0x4038;
	[tilespmem:$0x2800] =	vst v63  }
.LBB2_1:
0x18: {  	v0 =	vld.msk [tilespmem:s5+$0x0 ss:$0x1], $0xffff;
	s4 =	sadd.s32 $0x10, s4  }
0x19: {  	p1 =	slt.u32 s4, $0x7F0;
	_ =	sdelay $0x4  }
0x1a: {  	v0 =	vmin.u32 v0, $0x8000  }
.Ltmp0:
0x1b: {  	(pc) =	sbr.rel @p1 .LBB2_1-.Ltmp0, $3  }
0x1c: {  	_ =	sdelay $0x1  }
0x1d: {  	s5 =	sadd.s32 $0x10, s5;
	s3 =	sadd.s32 $0x10, s3  }
0x1e: {  	[spmem:s2] =	stream.indirect_vreg.scatter.add.s32 [tilespmem:s3], [sflag:$0x1], $0x1, v0, vm0, $0x4038;
	[tilespmem:$0x2800] =	vst v63  }
0x1f: {  	s2 =	simm.s32 $0x1  }
0x20: {  	_ =	swait.ge [sflag:s2], $0x800  }
0x21: {  	[sflag:s2] =	ssyncset.done $0x0  }
0x22: {  	[sflag:s2] =	ssyncadd.s32 $0xFFFFF800  }
0x23: {  	_ =	sfence.sel $0x180000  }
0x24: {  	s3 =	simm.s32 $0x2;
	[bflag:$0x0] =	sbarrier.arrive $0xFFFF  }
0x25: {  	[sflag:s3] =	ssyncpa.u1 $0x1  }
0x26: {  	[sflag:s2] =	ssyncpa.u1 $0x1  }
0x27: {  	_ =	sfence.stream.spmem  }
0x28: {  	s31 =	simm.s32 $0x3D;
	[bflag:$0x0] =	sbarrier.arrive $0xFFFF  }
0x29: {  	s2 =	simm.s32 @p0 $0x3D;
	[sflag:s31] =	ssyncpa.u1 $0x0  }
0x2a: {  	[sflag:s2] =	ssyncpa.u1 @p0 $0x1  }
0x2b: {  	[bflag:$0x0] =	sbarrier.arrive @p0 $0xFFFF  }
0x2c: {  	_ =	strace @p0 $0x9000004D  }
0x2d: {  	s3 =	simm.s32 @!p0 $0x1C3D;
	s2 =	simm.s32 @!p0 $0x0;
	[bflag:$0x2] =	sbarrier.arrive @p0 $0xFFFF  }
0x2e: {  	[hbm:s1], [sflag:s3] =	dma.local @!p0 [spmem:s2], $0x1000  }
0x2f: {  	s1 =	simm.s32 @!p0 $0x3D  }
0x30: {  	_ =	swait.ge @!p0 [sflag:s1], $0x1000  }
0x31: {  	[sflag:s1] =	ssyncset.done @!p0 $0x0  }
0x32: {  	[sflag:s1] =	ssyncadd.s32 @!p0 $0xFFFFF000  }
0x33: {  	[sflag:s1] =	ssyncpa.u1 @!p0 $0x1  }
0x34: {  	[bflag:$0x0] =	sbarrier.arrive @!p0 $0xFFFF  }
0x35: {  	_ =	strace @!p0 $0x9000004D  }
0x36: {  	s0 =	sadd.s32 @!p0 $0x100000, s0;
	[bflag:$0x2] =	sbarrier.arrive @!p0 $0xFFFF  }
0x37: {  	[sflag:s0] =	ssyncadd.tile.s32 @!p0 $0x1;
	_ =	shalt  }
.Lfunc_end2:
_tile_overlayer_lowered:
.L_overlay_start_2:
0x38: {  	(tag) =	ssettag $0x2  }
0x39: {  	s0 =	rddreg [dreg:$0x0];
	s2 =	stileid.u32  }
0x3a: {  	s1 =	rddreg [dreg:$0x1];
	p0 =	sne.s32 s2, $0x0  }
0x3b: {  	s3 =	rddreg [dreg:$0x2];
	[bflag:$0x3] =	sbarrier.arrive $0xFFFF;
	s2 =	simm.s32 @!p0 $0x1C01  }
0x3c: {  	[timem:s3], [sflag:s2] =	dma.local @!p0 [hbm:s0], s1  }
0x3d: {  	s0 =	simm.s32 @!p0 $0x1  }
0x3e: {  	_ =	swait.ge @!p0 [sflag:s0], s1  }
0x3f: {  	s1 =	ssub.s32 @!p0 $0x0, s1;
	[sflag:s0] =	ssyncset.done @!p0 $0x0  }
0x40: {  	[sflag:s0] =	ssyncadd.s32 @!p0 s1  }
0x41: {  	[bflag:$0x3] =	sbarrier.arrive $0xFFFF  }
0x42: {  	_ =	shalt  }

// kernel: scatter_offload_async_start
scs
__scs_entry_jumppad:
0x0: {  	(pc) =	sbr.rel $0x88, $3  }
0x1: {  	(tag) =	ssettag $0x0;
	lr =	simm.s32 $0x1  }
0x2: {  	[smem:$0x3F99] =	sst lr;
	_ =	strace $0xD0000000  }
0x3: {  	_ = 	snop  }
0x4: {  	_ = 	snop  }
0x5: {  	_ = 	snop  }
0x6: {  	_ = 	snop  }
0x7: {  	_ = 	snop  }
__scs_overlays_trampoline_lowered:
0x8: {  	[smem:$0x3FA8] =	sst s0  }
0x9: {  	[smem:$0x3FA9] =	sst s1  }
0xa: {  	[smem:$0x3FAA] =	sst s2  }
0xb: {  	[smem:$0x3FAB] =	sst s3  }
0xc: {  	[smem:$0x3FAC] =	sst s4  }
0xd: {  	[smem:$0x3FAD] =	sst s5  }
0xe: {  	[smem:$0x3FAE] =	sst s6  }
0xf: {  	[smem:$0x3FAF] =	sst s7  }
0x10: {  	[smem:$0x3FB0] =	sst s8  }
0x11: {  	[smem:$0x3FB1] =	sst s9;
	s0 =	simm.s32 @!p0 $0x0  }
0x12: {  	s1 =	sld [smem:$0x3F97];
	s0 =	simm.s32 @p0 $0x1  }
0x13: {  	[smem:$0x3FB2] =	sst s0;
	s0 =	simm.s32 @!p1 $0x0  }
0x14: {  	s2 =	sld [smem:$0x3F96];
	s0 =	simm.s32 @p1 $0x1  }
0x15: {  	[smem:$0x3FB3] =	sst s0;
	s0 =	simm.s32 @!p2 $0x0  }
0x16: {  	s3 =	sld [smem:$0x3FDB];
	s0 =	simm.s32 @p2 $0x1  }
0x17: {  	s4 =	simm.s32 $0x1BF5;
	[smem:$0x3FB5] =	sst s0  }
0x18: {  	s0 =	sld [smem:$0x3F98];
	_ =	swait.ge [sflag:s4], $0x0  }
0x19: {  	s7 =	sld [smem:$0x3F99]  }
0x1a: {  	s8 =	sadd.s32 $0xFFFFE003, lr  }
0x1b: {  	s9 =	sadd.s32 $0xFFFFFEF7, lr;
	s5 =	simm.s32 $0xFFFFFFFF;
	p2 =	slt.u32 s8, $0xFFFFF086  }
0x1c: {  	p1 =	slt.u32 s9, $0xF7A;
	s5 =	simm.s32 @!p2 $0x0  }
0x1d: {  	s5 =	simm.s32 @p1 $0x1;
	p0 =	seq.s32 s7, s2  }
0x1e: {  	s7 =	smul.u32 @!p0 $0xF7A, s2;
	p2 =	seq.s32 @!p0 s5, $0x0  }
0x1f: {  	s9 =	smul.u32 $0xF7A, s1;
	s8 =	simm.s32 @!p0 $0x1BF5;
	p2 =	por !p2, p0  }
0x20: {  	[sflag:s8] =	ssyncset.s32 @!p0 $0xFFFFF086;
	s6 =	sadd.s32 @!p0 s3, s7;
	s7 =	simm.s32 @!p0 $0x108  }
0x21: {  	s3 =	sadd.s32 s3, s9;
	s6 =	sadd.s32 @!p0 $0x88, s6;
	s7 =	simm.s32 @p2 $0x1082  }
0x22: {  	[simem:s7], [sflag:s8] =	dma.local @!p0 [hbm:s6], $0xF7A  }
0x23: {  	s9 =	sor.u32 $0xD0000000, s2;
	s6 =	simm.s32 $0x108;
	_ =	swait.ge @!p0 [sflag:s8], $0x0  }
0x24: {  	s3 =	sadd.s32 $0x88, s3;
	s6 =	simm.s32 @!p1 $0x1082;
	[sflag:s4] =	ssyncset.s32 $0xFFFFF086  }
0x25: {  	[simem:s6], [sflag:s4] =	dma.local [hbm:s3], $0xF7A  }
0x26: {  	[smem:$0x3F99] =	sst s1;
	(tag) =	ssettag s2;
	_ =	strace s9  }
0x27: {  	s1 =	sld [smem:$0x3FA9]  }
0x28: {  	s2 =	sld [smem:$0x3FAA]  }
0x29: {  	s4 =	sld [smem:$0x3FAC]  }
0x2a: {  	p0 =	seq.s32 s5, $0x0;
	s5 =	sld [smem:$0x3FAD]  }
0x2b: {  	s6 =	sld [smem:$0x3FAE]  }
0x2c: {  	s7 =	sld [smem:$0x3FAF]  }
0x2d: {  	s3 =	simm.s32 $0x108;
	s8 =	sld [smem:$0x3FB0]  }
0x2e: {  	s3 =	simm.s32 @!p0 $0x1082;
	s9 =	sld [smem:$0x3FB1]  }
0x2f: {  	lr =	sadd.s32 s0, s3;
	s0 =	sld [smem:$0x3FA8]  }
0x30: {  	s3 =	sld [smem:$0x3FAB]  }
0x31: {  	[smem:$0x3FB4] =	sst s10  }
0x32: {  	s10 =	sld [smem:$0x3FB2];
	_ =	sdelay $0x3  }
0x33: {  	p0 =	seq.s32 s10, $0x1;
	s10 =	sld [smem:$0x3FB4];
	_ =	sdelay $0x3  }
0x34: {  	[smem:$0x3FB4] =	sst s10  }
0x35: {  	s10 =	sld [smem:$0x3FB3];
	_ =	sdelay $0x3  }
0x36: {  	p1 =	seq.s32 s10, $0x1;
	s10 =	sld [smem:$0x3FB4];
	_ =	sdelay $0x3  }
0x37: {  	[smem:$0x3FB4] =	sst s10  }
0x38: {  	s10 =	sld [smem:$0x3FB5]  }
0x39: {  	_ = 	snop;
	(pc) =	sbr.ind lr, $3  }
0x3a: {  	_ = 	snop  }
0x3b: {  	_ = 	snop  }
0x3c: {  	p2 =	seq.s32 s10, $0x1;
	s10 =	sld [smem:$0x3FB4]  }
0x3d: {  	_ =	shalt  }
0x3e: {  	_ =	shalt  }
0x3f: {  	_ =	shalt  }
0x40: {  	_ =	shalt  }
0x41: {  	_ =	shalt  }
0x42: {  	_ =	shalt  }
0x43: {  	_ =	shalt  }
0x44: {  	_ =	shalt  }
0x45: {  	_ =	shalt  }
0x46: {  	_ =	shalt  }
0x47: {  	_ =	shalt  }
0x48: {  	_ =	shalt  }
0x49: {  	_ =	shalt  }
0x4a: {  	_ =	shalt  }
0x4b: {  	_ =	shalt  }
0x4c: {  	_ =	shalt  }
0x4d: {  	_ =	shalt  }
0x4e: {  	_ =	shalt  }
0x4f: {  	_ =	shalt  }
0x50: {  	_ =	shalt  }
0x51: {  	_ =	shalt  }
0x52: {  	_ =	shalt  }
0x53: {  	_ =	shalt  }
0x54: {  	_ =	shalt  }
0x55: {  	_ =	shalt  }
0x56: {  	_ =	shalt  }
0x57: {  	_ =	shalt  }
0x58: {  	_ =	shalt  }
0x59: {  	_ =	shalt  }
0x5a: {  	_ =	shalt  }
0x5b: {  	_ =	shalt  }
0x5c: {  	_ =	shalt  }
0x5d: {  	_ =	shalt  }
0x5e: {  	_ =	shalt  }
0x5f: {  	_ =	shalt  }
0x60: {  	_ =	shalt  }
0x61: {  	_ =	shalt  }
0x62: {  	_ =	shalt  }
0x63: {  	_ =	shalt  }
0x64: {  	_ =	shalt  }
0x65: {  	_ =	shalt  }
0x66: {  	_ =	shalt  }
0x67: {  	_ =	shalt  }
0x68: {  	_ =	shalt  }
0x69: {  	_ =	shalt  }
0x6a: {  	_ =	shalt  }
0x6b: {  	_ =	shalt  }
0x6c: {  	_ =	shalt  }
0x6d: {  	_ =	shalt  }
0x6e: {  	_ =	shalt  }
0x6f: {  	_ =	shalt  }
0x70: {  	_ =	shalt  }
0x71: {  	_ =	shalt  }
0x72: {  	_ =	shalt  }
0x73: {  	_ =	shalt  }
0x74: {  	_ =	shalt  }
0x75: {  	_ =	shalt  }
0x76: {  	_ =	shalt  }
0x77: {  	_ =	shalt  }
0x78: {  	_ =	shalt  }
0x79: {  	_ =	shalt  }
0x7a: {  	_ =	shalt  }
0x7b: {  	_ =	shalt  }
0x7c: {  	_ =	shalt  }
0x7d: {  	_ =	shalt  }
0x7e: {  	_ =	shalt  }
0x7f: {  	_ =	shalt  }
0x80: {  	_ =	shalt  }
0x81: {  	_ =	shalt  }
0x82: {  	_ =	shalt  }
0x83: {  	_ =	shalt  }
0x84: {  	_ =	shalt  }
0x85: {  	_ =	shalt  }
0x86: {  	_ =	shalt  }
0x87: {  	_ =	shalt  }
.Lfunc_end0:
.L_simem_size_0:
called_computation_lowered:
.L_overlay_start_0:
0x88: {  	s0 =	sld [smem:$0x3FD9]  }
0x89: {  	s1 =	sld [smem:$0x3FFE];
	_ =	sdelay $0x3  }
0x8a: {  	s0 =	sadd.s32 s1, s0  }
0x8b: {  	[smem:$0x3FC0] =	sst s0  }
0x8c: {  	_ = 	snop  }
0x8d: {  	(tm) =	ssettm $0x1  }
0x8e: {  	s15 =	sld [smem:$0x3FFB];
	_ =	sdelay $0x3  }
0x8f: {  	_ =	strace s15  }
0x90: {  	s0 =	sld [smem:$0x3FFC];
	_ =	sdelay $0x3  }
0x91: {  	_ =	strace s0  }
0x92: {  	s0 =	sld [smem:$0x3FFD];
	_ =	sdelay $0x3  }
0x93: {  	_ =	strace s0  }
0x94: {  	_ =	strace $0x8FFFFFFF  }
0x95: {  	s16 =	sld [smem:$0x3FDB];
	_ =	sdelay $0x1  }
0x96: {  	s17 =	simm.s32 $_scs_section_size  }
0x97: {  	s2 =	simm.s32 $_size__tile_overlayer_lowered;
	s3 =	simm.s32 $_tile_overlayer_lowered  }
0x98: {  	s20 =	simm.s32 $0x1BFF;
	s19 =	sshll.u32 s3, $0x1;
	s0 =	sadd.s32 s17, s16  }
0x99: {  	s4 =	simm.s32 $0x0;
	s18 =	sshll.u32 s2, $0x1;
	s2 =	sadd.s32 s19, s0  }
0x9a: {  	[timem:s4], [sflag:s20] =	dma.local [hbm:s2], s18  }
0x9b: {  	_ =	swait.ge [sflag:s20], s18  }
0x9c: {  	s1 =	ssub.s32 $0x0, s18;
	[sflag:s20] =	ssyncset.done $0x0  }
0x9d: {  	[sflag:s20] =	ssyncadd.s32 s1;
	_ =	sdelay $0x1  }
0x9e: {  	s21 =	simm.s32 $0x1B8B  }
0x9f: {  	_ =	swait.ge [sflag:s21], $0x1  }
0xa0: {  	[sflag:s21] =	ssyncset.done $0x0  }
0xa1: {  	s23 =	simm.s32 $0x1B8E;
	s22 =	sld [smem:$0x3FFE];
	[sflag:s21] =	ssyncadd.s32 $0xFFFFFFFF  }
0xa2: {  	s24 =	simm.s32 $execute0_lowered;
	[smem:$0x3FD2] =	sst s23  }
0xa3: {  	s2 =	sshll.u32 s24, $0x1;
	_ =	strace $0x80000052;
	[dreg:$0x1] =	wrdreg $0xFFFFFFFF  }
0xa4: {  	s25 =	simm.s32 $_size_execute0_lowered;
	s0 =	sadd.s32 s0, s2;
	[dreg:$0x0] =	wrdreg $0x0  }
0xa5: {  	s2 =	sshll.u32 s25, $0x1;
	[dreg:$0x2] =	wrdreg s0  }
0xa6: {  	[dreg:$0x3] =	wrdreg s2  }
0xa7: {  	[dreg:$0x4] =	wrdreg $0xC0  }
0xa8: {  	_ =	task [dreg:s4], $0x5FFFF  }
0xa9: {  	[dreg:$0x1] =	wrdreg $0xFFFFFFFF  }
0xaa: {  	[dreg:$0x0] =	wrdreg $0x60  }
0xab: {  	[dreg:$0x2] =	wrdreg s22  }
0xac: {  	[dreg:$0x3] =	wrdreg $0x9  }
0xad: {  	_ =	task.clear_ibuf [dreg:s4], $0x4FFFF;
	_ =	strace $0x90000052  }
0xae: {  	s26 =	simm.s32 $0x9;
	_ =	strace $0x80000054  }
0xaf: {  	_ =	swait.ge [sflag:s26], $0x1  }
0xb0: {  	[sflag:s26] =	ssyncadd.s32 $0xFFFFFFFF  }
0xb1: {  	_ =	strace $0x90000054  }
0xb2: {  	_ =	sfence  }
0xb3: {  	s28 =	sld [smem:$0x0];
	_ =	sdelay $0x1  }
0xb4: {  	s29 =	srdreg.scid  }
0xb5: {  	s30 =	sshll.u32 s29, $0xD;
	s31 =	sshrl.u32 s29, $0x2  }
0xb6: {  	s1 =	sand.u32 $0x1, s29;
	s2 =	sand.u32 $0x4000, s30;
	s0 =	sadd.s32 s31, s28  }
0xb7: {  	s1 =	sor.u32 s2, s1;
	s0 =	sshll.u32 s0, $0x11  }
0xb8: {  	s0 =	sor.u32 s0, s1  }
0xb9: {  	s0 =	sadd.s32 $0x8F2B, s0  }
0xba: {  	[sflag:s0] =	ssyncadd.remote.s32 $0x1  }
0xbb: {  	_ =	sfence.sel $0xFFFF  }
0xbc: {  	[dreg:$0x0] =	wrdreg $0xFFFFFFFF;
	(pc) =	sbr.abs _section_cstart, $3  }
0xbd: {  	[dreg:$0x1] =	wrdreg $0xFFFFFFFF  }
0xbe: {  	_ =	task.clear_ibuf [dreg:s4], $0x2FFFF;
	_ =	strace $0x9FFFFFFF  }
0xbf: {  	(tm) =	ssettm $0x7FFFFFFF  }
tec
execute0_lowered:
.L_overlay_start_1:
0x0: {  	(tag) =	ssettag $0x1  }
0x1: {  	s1 =	rddreg [dreg:$0x0];
	_ =	strace $0x80000053;
	s3 =	simm.s32 $0x1  }
0x2: {  	v1 =	vimm.s32 $0xFFFFFFFF;
	[sflag:s3] =	ssyncpa.u1 $0x0  }
0x3: {  	[tilespmem:$0x10] =	vst v1  }
0x4: {  	v0 =	vimm.s32 $0x80000000;
	[tilespmem:$0x20] =	vst v1  }
0x5: {  	[tilespmem:$0x30] =	vst v0  }
0x6: {  	s0 =	simm.s32 $0x2;
	[tilespmem:$0x40] =	vst v0  }
0x7: {  	s6 =	simm.s32 $0x7;
	s2 =	stileid.u32;
	s7 =	simm.s32 $0x8;
	[tilespmem:$0x50] =	vst v0  }
0x8: {  	s31 =	simm.s32 $0x9;
	s14 =	simm.s32 $0x0;
	s15 =	simm.s32 $0x100;
	[tilespmem:$0x60] =	vst v1  }
0x9: {  	s19 =	simm.s32 $0x4900;
	s20 =	simm.s32 $0xF;
	s21 =	simm.s32 $0x50;
	[tilespmem:$0x70] =	vst v1  }
0xa: {  	s22 =	simm.s32 $0x20FF;
	s23 =	simm.s32 $0x20;
	s24 =	simm.s32 $0x30;
	[tilespmem:$0x80] =	vst v1  }
0xb: {  	s25 =	simm.s32 $0x40FF;
	s26 =	simm.s32 $0x80;
	s30 =	simm.s32 $0x0;
	v1 =	vimm.s32 $0x0;
	[tilespmem:$0xB0] =	vst v0  }
.Ltmp0:
0xc: {  	s29 =	simm.s32 $0x0;
	s4 =	sadd.s32 $0x3000, s1;
	[tilespmem:$0x90] =	vst v1;
	(pc) =	sbr.rel .LBB2_1-.Ltmp0, $4  }
0xd: {  	s5 =	sadd.s32 $0x5000, s1;
	s8 =	sshll.u32 s2, $0xB;
	[tilespmem:$0xA0] =	vst v1;
	[sflag:s0] =	ssyncpa.u1 $0x0  }
0xe: {  	s10 =	sshll.u32 s2, $0x1;
	s12 =	sshllo.u32 s2, $0x1;
	[sflag:s6] =	ssyncpa.u1 $0x0  }
0xf: {  	vm0 =	vmmov $0xffff;
	v2 =	vlaneseq.u32;
	s9 =	sadd.s32 $0x800, s8;
	s11 =	sor.u32 $0x81, s10;
	[sflag:s7] =	ssyncpa.u1 $0x0  }
0x10: {  	vm1 =	vmxor vm1, vm1;
	vm2 =	vmmov $0x1;
	vm3 =	vcmask $0x3F3C;
	s13 =	sor.u32 $0x80, s10;
	s28 =	smov.u32 s8;
	[sflag:s31] =	ssyncpa.u1 $0x0  }
.LBB2_3:
0x11: {  	s0 =	sshrl.u32 s28, $0x3  }
0x12: {  	s2 =	sand.u32 $0x7, s28;
	s0 =	sadd.s32 s4, s0  }
0x13: {  	[tilespmem:s15], [sflag:$0x7] =	stream.linear.gather [hbm4b:s0+s2], $0x800, $0x38;
	[tilespmem:$0x4920] =	vst v63  }
.LBB2_4:
0x14: {  	s0 =	sadd.s32 $0x800, s28  }
0x15: {  	s2 =	smov.u32 s8;
	s29 =	sadd.s32 $0x1, s29;
	p0 =	slt.s32 s0, s9  }
0x16: {  	s2 =	smov.u32 @p0 s0;
	p0 =	sne.s32 s29, $0x4  }
.Ltmp1:
0x17: {  	_ = 	snop;
	(pc) =	sbr.rel @!p0 .LBB2_13-.Ltmp1, $2  }
0x18: {  	_ =	sdelay $0x2  }
0x19: {  	s30 =	smov.u32 s28;
	s28 =	smov.u32 s2  }
.LBB2_1:
0x1a: {  	p0 =	sgt.s32 s29, $0x1  }
.Ltmp2:
0x1b: {  	_ = 	snop;
	(pc) =	sbr.rel @p0 .LBB2_11-.Ltmp2, $1  }
0x1c: {  	_ =	sdelay $0x3  }
0x1d: {  	p0 =	seq.s32 s29, $0x0  }
.Ltmp3:
0x1e: {  	_ = 	snop;
	(pc) =	sbr.rel @p0 .LBB2_3-.Ltmp3, $1  }
0x1f: {  	_ =	sdelay $0x3  }
0x20: {  	_ =	swait.ge [sflag:s6], $0x800  }
0x21: {  	[sflag:s6] =	ssyncset.done $0x0  }
0x22: {  	[sflag:s6] =	ssyncadd.s32 $0xFFFFF800;
	(ifvalue) =	ssetifvalue $0xFFFFFFFF;
	v3 =	vld.msk [tilespmem:s15+$0x0 ss:$0x1], $0xffff;
	_ =	sdelay $0x4  }
0x23: {  	v4 =	vperm.xlane v3, v1  }
0x24: {  	vm4 =	vlt.u32 v3, $0x800  }
0x25: {  	v3 =	vnsel vm4, $0xFFFFFFFE, v3;
	vm4 =	vlt.u32 v4, $0x800  }
0x26: {  	[tilespmem:$0x70] =	vst v3;
	v3 =	vnsel vm4, $0xFFFFFFFE, v4  }
0x27: {  	s17 =	simm.s32 $0x8F0;
	[tilespmem:$0x80] =	vst v3  }
0x28: {  	v3 =	vld.msk [tilespmem:s17+$0x0 ss:$0x1], $0xffff;
	_ =	sdelay $0x4  }
0x29: {  	(xrf1) =	vunique.msk.u32 $0xffff, v3;
	_ =	sdelay $0xd  }
0x2a: {  	v4 =	vimm.s32 $0xFFFFFFFF;
	v5, _, _ =	vpop (xrf1)  }
0x2b: {  	vm5 =	vne.s32 v3, v4;
	vm4 =	veq.s32 v5, v2  }
0x2c: {  	vm6 =	vlt.u32 v3, $0x800;
	vm4 =	vmand vm5, vm4  }
0x2d: {  	vm4 =	vmand vm6, vm4  }
0x2e: {  	v4 =	vnsel vm4, $0xFFFFFFFF, v3;
	_ =	sdelay $0x3  }
0x2f: {  	s0 =	simm.s32 $0x20F0;
	(ifvalue) =	ssetifvalue $0xFFFFFFFF  }
0x30: {  	v3 =	vperm.xlane v3, v1;
	[tilespmem:s0], [sflag:$0x8] =	stream.indirect_vreg.gather [hbm4b:s1+s14], $0x1, v4, vm0, $0x4038;
	v4 =	vnsel vm6, $0xFFFFFFFE, v4;
	[tilespmem:$0x4920] =	vst v63  }
0x31: {  	s2 =	simm.s32 $0x0;
	s16 =	simm.s32 $0x8E0;
	[tilespmem:s17+$0x0] =	vst v4  }
.LBB2_6:
0x32: {  	v4 =	vld.msk [tilespmem:s16+$0x0 ss:$0x1], $0xffff;
	s2 =	sadd.s32 $0x10, s2;
	v5 =	vmov v3;
	s17 =	smov.u32 s16  }
0x33: {  	p0 =	slt.u32 s2, $0x7F0;
	_ =	sdelay $0x4  }
0x34: {  	v3 =	vperm.xlane v4, v1;
	(xrf1) =	vunique.msk.u32 $0xffff, v4;
	_ =	sdelay $0xd  }
0x35: {  	v6, _, _ =	vpop (xrf1)  }
0x36: {  	vm5 =	vne.s32 v4, v5;
	vm4 =	veq.s32 v6, v2  }
0x37: {  	vm6 =	vlt.u32 v4, $0x800;
	vm4 =	vmand vm5, vm4  }
0x38: {  	vm4 =	vmand vm6, vm4  }
0x39: {  	v4 =	vnsel vm4, $0xFFFFFFFF, v4  }
.Ltmp4:
0x3a: {  	v5 =	vnsel vm6, $0xFFFFFFFE, v4;
	(pc) =	sbr.rel @p0 .LBB2_6-.Ltmp4, $3  }
0x3b: {  	_ =	sdelay $0x1  }
0x3c: {  	s16 =	sadd.s32 $0xFFFFFFF0, s16;
	s0 =	sadd.s32 $0xFFFFFFF0, s0;
	(ifvalue) =	ssetifvalue $0xFFFFFFFF  }
0x3d: {  	[tilespmem:s0], [sflag:$0x8] =	stream.indirect_vreg.gather [hbm4b:s1+s14], $0x1, v4, vm0, $0x4038;
	[tilespmem:s17+$0x0] =	vst v5  }
.Ltmp5:
0x3e: {  	(pc) =	sbr.rel .LBB2_4-.Ltmp5, $4  }
0x3f: {  	_ = 	snop  }
0x40: {  	s0 =	sshrl.u32 s30, $0x3  }
0x41: {  	s2 =	simm.s32 $0x2900;
	s0 =	sadd.s32 s5, s0  }
0x42: {  	[tilespmem:s2], [sflag:$0x8] =	stream.linear.gather [hbm:s0], $0x800, $0x38;
	[tilespmem:$0x4920] =	vst v63  }
.LBB2_11:
0x43: {  	p0 =	seq.s32 s29, $0x2  }
.Ltmp6:
0x44: {  	_ = 	snop;
	(pc) =	sbr.rel @!p0 .LBB2_12-.Ltmp6, $1  }
0x45: {  	_ =	sdelay $0x3  }
0x46: {  	_ =	swait.ge [sflag:s7], $0x1000  }
0x47: {  	[sflag:s7] =	ssyncset.done $0x0  }
0x48: {  	s0 =	simm.s32 $0x8FF;
	[sflag:s7] =	ssyncadd.s32 $0xFFFFF000  }
0x49: {  	[spmem:s11] =	stream.linear.scatter [tilespmem:s0], [sflag:$0x1], $0x1, $0x38;
	[tilespmem:$0x4920] =	vst v63  }
0x4a: {  	_ =	swait.ge [sflag:s3], $0x1  }
0x4b: {  	[sflag:s3] =	ssyncset.done $0x0  }
0x4c: {  	[sflag:s3] =	ssyncadd.s32 $0xFFFFFFFF  }
0x4d: {  	v4 =	vld [tilespmem:$0x10]  }
0x4e: {  	v5 =	vld [tilespmem:$0x70]  }
0x4f: {  	v3 =	vld [tilespmem:$0x80];
	_ =	sdelay $0x2  }
0x50: {  	(v2sf) =	vpush v4, $0x0  }
0x51: {  	(v2sf) =	vpush v5, $0x0  }
0x52: {  	(v2sf) =	vpush v3, $0x0;
	_ =	sdelay $0xc  }
0x53: {  	s18 =	spop (v2sf)  }
0x54: {  	s2 =	spop (v2sf)  }
0x55: {  	s30 =	spop (v2sf)  }
0x56: {  	p0 =	seq.s32 s18, s2;
	p1 =	seq.s32 s30, s18  }
0x57: {  	p1 =	por p0, p1  }
0x58: {  	s2 =	simm.s32 $0x10;
	v4 =	vpsel p1, $0xFFFFFFFF, v4  }
0x59: {  	[tilespmem:s2+$0x0] =	vst.msk $0x1, v4  }
0x5a: {  	v4 =	vld [tilespmem:$0x30]  }
0x5b: {  	v5 =	vld [tilespmem:$0x2900]  }
0x5c: {  	v6 =	vld [tilespmem:$0x40];
	_ =	sdelay $0x3  }
0x5d: {  	vm4 =	vmmov vm1;
	vm6 =	vmmov vm2;
	vm5 =	vgt.s32 v4, v5  }
0x5e: {  	s16 =	simm.s32 $0x2900;
	vm4 =	vmmov @p0 vm2;
	v5 =	vsel vm5, v4, v5;
	vm5 =	vgt.s32 v4, v6  }
0x5f: {  	vm6 =	vmmov @p1 vm1;
	v4 =	vsel vm5, v4, v6;
	[tilespmem:s16+$0x0] =	vst.msk vm4, v5  }
0x60: {  	[tilespmem:s19+$0x0] =	vst.msk vm6, v4  }
0x61: {  	v4 =	vld [tilespmem:$0x20F0];
	_ =	sdelay $0x4  }
0x62: {  	v4 =	vshift.insert v4, v1, s20;
	_ =	sdelay $0x1  }
0x63: {  	v5 =	vimm.s32 $0x80000000;
	[tilespmem:s21+$0x0] =	vst.msk $0x1, v4  }
0x64: {  	[tilespmem:s22+$0x0] =	vst.msk $0x1, v5  }
0x65: {  	v4 =	vld [tilespmem:$0x8F0];
	_ =	sdelay $0x4  }
0x66: {  	v4 =	vshift.insert v4, v1, s20;
	_ =	sdelay $0x1  }
0x67: {  	[tilespmem:s23+$0x0] =	vst.msk $0x1, v4  }
0x68: {  	v6 =	vld [tilespmem:s16+$0x0]  }
0x69: {  	s17 =	simm.s32 $0x100  }
0x6a: {  	v7 =	vld [tilespmem:s17+$0x0];
	_ =	sdelay $0x2  }
0x6b: {  	vm4 =	vgt.s32 v6, v5  }
0x6c: {  	v5 =	vsel vm4, v6, v5  }
0x6d: {  	vm4 =	vne.s32 v7, $0xFFFFFFFF;
	v5 =	vxor.u32 $0x80000000, v5  }
0x6e: {  	(xrf0) =	vmax.seg.scan.u32 vm4, v5  }
0x6f: {  	s18 =	simm.s32 $0x1900  }
0x70: {  	v8 =	vld [tilespmem:s18+$0x0]  }
0x71: {  	v6 =	vld [tilespmem:$0xA0];
	_ =	sdelay $0x2  }
0x72: {  	v5 =	vperm.xlane v4, v1;
	v9, _, _ =	vpop (xrf0)  }
0x73: {  	vm6 =	veq.s32 v7, v3;
	v9 =	vxor.u32 $0x80000000, v9  }
0x74: {  	vm8 =	veq.s32 v7, v5;
	vm5 =	veq.s32 v6, $0x1;
	vm7 =	vgt.s32 v9, v8  }
0x75: {  	vm8 =	vmor vm8, vm6;
	v6 =	vsel vm7, v9, v8;
	vm7 =	vgt.u32 v7, $0xFFFFFFFD  }
0x76: {  	v10 =	vld [tilespmem:$0x90];
	vm9 =	vmand vm4, vm3;
	vm4 =	vmor vm5, vm6;
	vm5 =	vmor vm8, vm7  }
0x77: {  	v8 =	vsel vm5, $0xFFFFFFFF, v7;
	_ =	sdelay $0x1  }
0x78: {  	s31 =	simm.s32 $0x3900  }
0x79: {  	s0 =	simm.s32 $0x0;
	s2 =	simm.s32 $0x2910;
	s16 =	simm.s32 $0x110;
	v11 =	vsel vm9, $0x80000000, v9;
	v6 =	vsel vm6, v9, v6  }
0x7a: {  	s17 =	simm.s32 $0x3910;
	s18 =	simm.s32 $0x1910;
	[tilespmem:s31+$0x0] =	vst v6;
	v6 =	vsel vm6, v9, v10;
	v7 =	vshift.insert v11, v0, s20;
	(ifvalue) =	ssetifvalue $0xFFFFFFFF  }
.LBB2_9:
0x7b: {  	[hbm4b:s1+s14] =	stream.indirect_vreg.scatter [tilespmem:s31], [sflag:$0x2], $0x1, v8, vm0, $0x4038;
	[tilespmem:$0x4920] =	vst v63  }
0x7c: {  	s0 =	sadd.s32 $0x10, s0;
	s31 =	smov.u32 s17;
	v8 =	vld [tilespmem:s2+$0x0]  }
0x7d: {  	p0 =	slt.u32 s0, $0x7F0  }
0x7e: {  	v9 =	vld [tilespmem:s16+$0x0];
	_ =	sdelay $0x2  }
0x7f: {  	vm5 =	vgt.s32 v8, v7  }
0x80: {  	v7 =	vsel vm5, v8, v7  }
0x81: {  	vm5 =	vne.s32 v9, $0xFFFFFFFF;
	v7 =	vxor.u32 $0x80000000, v7  }
0x82: {  	(xrf0) =	vmax.seg.scan.u32 vm5, v7;
	_ =	sdelay $0x2  }
0x83: {  	v7 =	vld [tilespmem:s18+$0x0];
	_ =	sdelay $0x1  }
0x84: {  	vm6 =	veq.s32 v9, v3;
	vm7 =	veq.s32 v9, v5  }
0x85: {  	vm8 =	vgt.u32 v9, $0xFFFFFFFD;
	vm4 =	vmor vm4, vm6;
	vm7 =	vmor vm7, vm6;
	v8, _, _ =	vpop (xrf0)  }
0x86: {  	vm5 =	vmand vm5, vm3;
	vm7 =	vmor vm7, vm8;
	v10 =	vxor.u32 $0x80000000, v8  }
.Ltmp7:
0x87: {  	v8 =	vsel vm7, $0xFFFFFFFF, v9;
	vm7 =	vgt.s32 v10, v7;
	v9 =	vsel vm5, $0x80000000, v10;
	(pc) =	sbr.rel @p0 .LBB2_9-.Ltmp7, $4  }
0x88: {  	v6 =	vsel vm6, v10, v6;
	v11 =	vsel vm7, v10, v7;
	v7 =	vshift.insert v9, v0, s20  }
0x89: {  	v9 =	vsel vm6, v10, v11  }
0x8a: {  	s2 =	sadd.s32 $0x10, s2;
	s16 =	sadd.s32 $0x10, s16;
	[tilespmem:s17+$0x0] =	vst v9  }
0x8b: {  	s18 =	sadd.s32 $0x10, s18;
	s17 =	sadd.s32 $0x10, s17;
	(ifvalue) =	ssetifvalue $0xFFFFFFFF  }
0x8c: {  	_ =	sdelay $0x3  }
0x8d: {  	[hbm4b:s1+s14] =	stream.indirect_vreg.scatter [tilespmem:s31], [sflag:$0x2], $0x1, v8, vm0, $0x4038;
	[tilespmem:$0x4920] =	vst v63  }
0x8e: {  	v3 =	vld [tilespmem:$0x40F0];
	_ =	sdelay $0x4  }
0x8f: {  	v3 =	vshift.insert v3, v1, s20;
	_ =	sdelay $0x1  }
0x90: {  	[tilespmem:s24+$0x0] =	vst.msk $0x1, v3  }
0x91: {  	v3 =	vsel vm4, $0x1, v1;
	[tilespmem:$0x90] =	vst v6  }
0x92: {  	[tilespmem:$0xA0] =	vst v3  }
0x93: {  	[spmem:s12] =	stream.linear.scatter [tilespmem:s25], [sflag:$0x1], $0x1, $0x38;
	[tilespmem:$0x4920] =	vst v63  }
0x94: {  	v3 =	vmctz.xlane vm4;
	_ =	swait.ge [sflag:s3], $0x1  }
0x95: {  	(v2sf) =	vpush v4, $0x0  }
0x96: {  	(v2sf) =	vpush v3, $0x0;
	_ =	sdelay $0xd  }
0x97: {  	s0 =	spop (v2sf)  }
0x98: {  	s2 =	spop (v2sf)  }
0x99: {  	[sflag:s3] =	ssyncset.done $0x0;
	p0 =	sne.s32 s30, s0;
	p1 =	slt.s32 s2, $0xF  }
0x9a: {  	[sflag:s3] =	ssyncadd.s32 $0xFFFFFFFF;
	v3 =	vimm.s32 @!p0 $0xFFFFFFFF;
	s2 =	simm.s32 @!p1 $0xF  }
0x9b: {  	[tilespmem:$0x80] =	vst @!p0 v3;
	s31 =	sadd.s32 $0x90, s2  }
0x9c: {  	[spmem:s10] =	stream.linear.scatter [tilespmem:s31], [sflag:$0x1], $0x1, $0x38;
	[tilespmem:$0x4920] =	vst v63  }
0x9d: {  	_ =	swait.ge [sflag:s3], $0x1  }
0x9e: {  	[sflag:s3] =	ssyncset.done $0x0  }
0x9f: {  	[sflag:s3] =	ssyncadd.s32 $0xFFFFFFFF  }
0xa0: {  	[spmem:s13] =	stream.linear.scatter [tilespmem:s26], [sflag:$0x1], $0x1, $0x38;
	[tilespmem:$0x4920] =	vst v63  }
0xa1: {  	_ =	swait.ge [sflag:s3], $0x1  }
0xa2: {  	[sflag:s3] =	ssyncset.done $0x0  }
0xa3: {  	[sflag:s3] =	ssyncadd.s32 $0xFFFFFFFF;
	(ifvalue) =	ssetifvalue $0xFFFFFFFF;
	v3 =	vld [tilespmem:$0x10];
	_ =	sdelay $0x3  }
.Ltmp8:
0xa4: {  	_ = 	snop;
	(pc) =	sbr.rel .LBB2_4-.Ltmp8, $3  }
0xa5: {  	_ =	sdelay $0x1  }
0xa6: {  	(ifvalue) =	ssetifvalue $0xFFFFFFFF  }
0xa7: {  	[hbm4b:s1+s14] =	stream.indirect_vreg.scatter [tilespmem:s19], [sflag:$0x9], $0x1, v3, vm0, $0x4038;
	[tilespmem:$0x4920] =	vst v63  }
.LBB2_12:
0xa8: {  	s0 =	simm.s32 $0x2  }
0xa9: {  	_ =	swait.ge [sflag:s0], $0x800  }
0xaa: {  	[sflag:s0] =	ssyncset.done $0x0  }
0xab: {  	s31 =	simm.s32 $0x9;
	[sflag:s0] =	ssyncadd.s32 $0xFFFFF800  }
0xac: {  	_ =	swait.ge [sflag:s31], $0x10  }
0xad: {  	[sflag:s31] =	ssyncset.done $0x0  }
0xae: {  	[sflag:s31] =	ssyncadd.s32 $0xFFFFFFF0  }
.LBB2_13:
0xaf: {  	_ =	sfence.sel $0x180000  }
0xb0: {  	s0 =	simm.s32 $0x7;
	[bflag:$0x0] =	sbarrier.arrive $0xFFFF  }
0xb1: {  	s26 =	simm.s32 $0x8;
	[sflag:s0] =	ssyncpa.u1 $0x1  }
0xb2: {  	s28 =	simm.s32 $0x9;
	[sflag:s26] =	ssyncpa.u1 $0x1  }
0xb3: {  	[sflag:s28] =	ssyncpa.u1 $0x1  }
0xb4: {  	_ =	sfence.stream.spmem  }
0xb5: {  	s29 =	simm.s32 $0x3;
	[bflag:$0x0] =	sbarrier.arrive $0xFFFF  }
0xb6: {  	s30 =	simm.s32 $0x4;
	[sflag:s29] =	ssyncpa.u1 $0x1  }
0xb7: {  	s31 =	simm.s32 $0x3C;
	s2 =	stileid.u32;
	[sflag:s30] =	ssyncpa.u1 $0x1  }
0xb8: {  	p0 =	sne.s32 s2, $0x0;
	[sflag:s31] =	ssyncpa.u1 $0x1  }
0xb9: {  	s0 =	simm.s32 @p0 $0x1;
	_ =	sfence @p0  }
0xba: {  	[sflag:s0] =	ssyncpa.u1 @p0 $0x1;
	s0 =	simm.s32 @p0 $0x2  }
0xbb: {  	[sflag:s0] =	ssyncpa.u1 @p0 $0x1  }
0xbc: {  	_ =	strace @p0 $0x90000053  }
0xbd: {  	[bflag:$0x2] =	sbarrier.arrive @p0 $0xFFFF  }
0xbe: {  	_ =	shalt @p0  }
.LBB2_14:
0xbf: {  	_ =	sfence.stream.spmem;
	s0 =	simm.s32 $0x5  }
0xc0: {  	s2 =	simm.s32 $0x80;
	s3 =	simm.s32 $0xC0;
	[sflag:s0] =	ssyncpa.u1 $0x0  }
0xc1: {  	[tilespmem:s3], [sflag:$0x5] =	stream.linear.gather [spmem:s2], $0x20, $0x38;
	[tilespmem:$0x4920] =	vst v63  }
0xc2: {  	s30 =	simm.s32 $0xE0;
	s2 =	simm.s32 $0x0  }
0xc3: {  	[tilespmem:s30], [sflag:$0x5] =	stream.linear.gather [spmem:s2], $0x20, $0x38;
	[tilespmem:$0x4920] =	vst v63  }
.Ltmp9:
0xc4: {  	_ = 	snop;
	(pc) =	sbr.rel .LBB2_15-.Ltmp9, $4  }
0xc5: {  	_ =	swait.ge [sflag:s0], $0x40  }
0xc6: {  	[sflag:s0] =	ssyncset.done $0x0  }
0xc7: {  	s31 =	simm.s32 $0x6;
	[sflag:s0] =	ssyncadd.s32 $0xFFFFFFC0  }
0xc8: {  	s3 =	simm.s32 $0x0;
	[sflag:s31] =	ssyncpa.u1 $0x0  }
.LBB2_20:
0xc9: {  	p0 =	sgt.u32 s4, $0x7FF  }
0xca: {  	s0 =	sshrl.u32 @!p0 s4, $0x3  }
0xcb: {  	s4 =	sand.u32 @!p0 $0x7, s4;
	s5 =	simm.s32 @!p0 $0xB0;
	s0 =	sadd.s32 @!p0 s1, s0  }
0xcc: {  	[tilespmem:s5], [sflag:$0x6] =	stream.linear.gather @!p0 [hbm4b:s0+s4], $0x1, $0x38;
	[tilespmem:$0x4920] =	vst v63  }
0xcd: {  	s0 =	simm.s32 @!p0 $0x6  }
0xce: {  	_ =	swait.ge @!p0 [sflag:s0], $0x1  }
0xcf: {  	[sflag:s0] =	ssyncset.done @!p0 $0x0  }
0xd0: {  	[sflag:s0] =	ssyncadd.s32 @!p0 $0xFFFFFFFF  }
0xd1: {  	v1 =	vld.msk @!p0 [tilespmem:$0xB0], $0x1  }
0xd2: {  	v2 =	vld.msk @!p0 [tilespmem:s3+$0xE0], $0x1;
	_ =	sdelay $0x4  }
0xd3: {  	vm0 =	vgt.s32 @!p0 v2, v1  }
0xd4: {  	v1 =	vsel @!p0 vm0, v2, v1  }
0xd5: {  	[tilespmem:s3+$0xE0] =	vst.msk @!p0 $0x1, v1  }
0xd6: {  	[tilespmem:s2+$0xC0] =	vst.msk $0x1, v0  }
0xd7: {  	v0 =	vld.msk [tilespmem:s3+$0xE0], $0x1;
	_ =	sdelay $0x4  }
0xd8: {  	[tilespmem:s2+$0xE0] =	vst.msk $0x1, v0;
	s2 =	sadd.s32 $0x1, s2  }
.LBB2_22:
0xd9: {  	s3 =	sadd.s32 $0x1, s3  }
0xda: {  	p0 =	sne.s32 s3, $0x20  }
.Ltmp10:
0xdb: {  	_ = 	snop;
	(pc) =	sbr.rel @!p0 .LBB2_23-.Ltmp10, $1  }
0xdc: {  	_ =	sdelay $0x3  }
.LBB2_15:
0xdd: {  	v0 =	vld.msk [tilespmem:s3+$0xC0], $0x1;
	_ =	sdelay $0x4  }
0xde: {  	(v2sf) =	vpush v0, $0x0;
	_ =	sdelay $0xe  }
0xdf: {  	s4 =	spop (v2sf)  }
0xe0: {  	p0 =	seq.s32 s4, $0xFFFFFFFF  }
.Ltmp11:
0xe1: {  	_ = 	snop;
	(pc) =	sbr.rel @p0 .LBB2_22-.Ltmp11, $1  }
0xe2: {  	_ =	sdelay $0x3  }
0xe3: {  	p0 =	slt.s32 s2, $0x1  }
.Ltmp12:
0xe4: {  	_ = 	snop;
	(pc) =	sbr.rel @p0 .LBB2_20-.Ltmp12, $1  }
0xe5: {  	_ =	sdelay $0x3  }
0xe6: {  	s0 =	simm.s32 $0xC0;
	p0 =	por $0x0, $0x0  }
0xe7: {  	v1 =	vld.msk @!p0 [tilespmem:s0+$0x0], $0x1;
	_ =	sdelay $0x4  }
0xe8: {  	(v2sf) =	vpush @!p0 v1, $0x0;
	_ =	sdelay $0xd  }
0xe9: {  	p2 =	sne.s32 s2, $0x1  }
.Ltmp13:
0xea: {  	s5 =	spop @!p0 (v2sf);
	(pc) =	sbr.rel @!p2 .LBB2_19-.Ltmp13, $4  }
0xeb: {  	p1 =	seq.s32 @!p0 s4, s5  }
0xec: {  	s5 =	simm.s32 $0x0;
	p1 =	por !p1, p0  }
0xed: {  	s7 =	simm.s32 $0xFFFFFFFF;
	s5 =	simm.s32 @p1 $0xFFFFFFFF  }
0xee: {  	s6 =	simm.s32 $0x1;
	s5 =	smov.u32 @p0 s7  }
.LBB2_18:
0xef: {  	s7 =	smov.u32 s5;
	p0 =	sne.s32 s5, $0xFFFFFFFF  }
0xf0: {  	s0 =	sadd.s32 $0x1, s0;
	s5 =	smov.u32 s6;
	s6 =	sadd.s32 $0x1, s6  }
0xf1: {  	p1 =	sne.s32 s2, s6;
	v1 =	vld.msk @!p0 [tilespmem:s0+$0x0], $0x1;
	_ =	sdelay $0x4  }
0xf2: {  	(v2sf) =	vpush @!p0 v1, $0x0;
	_ =	sdelay $0xe  }
.Ltmp14:
0xf3: {  	s8 =	spop @!p0 (v2sf);
	(pc) =	sbr.rel @p1 .LBB2_18-.Ltmp14, $4  }
0xf4: {  	p2 =	seq.s32 @!p0 s4, s8  }
0xf5: {  	p2 =	por !p2, p0  }
0xf6: {  	s5 =	simm.s32 @p2 $0xFFFFFFFF  }
0xf7: {  	s5 =	smov.u32 @p0 s7  }
.LBB2_19:
0xf8: {  	p0 =	sne.s32 s5, $0xFFFFFFFF  }
.Ltmp15:
0xf9: {  	_ = 	snop;
	(pc) =	sbr.rel @!p0 .LBB2_20-.Ltmp15, $1  }
0xfa: {  	_ =	sdelay $0x3  }
0xfb: {  	v0 =	vld.msk [tilespmem:s3+$0xE0], $0x1  }
0xfc: {  	v1 =	vld.msk [tilespmem:s5+$0xE0], $0x1;
	_ =	sdelay $0x2  }
.Ltmp16:
0xfd: {  	_ = 	snop;
	(pc) =	sbr.rel .LBB2_22-.Ltmp16, $4  }
0xfe: {  	_ = 	snop  }
0xff: {  	vm0 =	vgt.s32 v1, v0  }
0x100: {  	v0 =	vsel vm0, v1, v0  }
0x101: {  	[tilespmem:s5+$0xE0] =	vst.msk $0x1, v0  }
.LBB2_23:
0x102: {  	p0 =	slt.s32 s2, $0x1  }
.Ltmp17:
0x103: {  	_ = 	snop;
	(pc) =	sbr.rel @p0 .LBB2_27-.Ltmp17, $3  }
0x104: {  	_ =	sdelay $0x1  }
0x105: {  	s0 =	simm.s32 $0x6  }
0x106: {  	[sflag:s0] =	ssyncpa.u1 $0x1;
	s0 =	simm.s32 $0x0  }
0x107: {  	s3 =	simm.s32 $0xC0  }
0x108: {  	v0 =	vld.msk [tilespmem:s3+$0x0], $0x1;
	_ =	sdelay $0x4  }
0x109: {  	(v2sf) =	vpush v0, $0x0;
	_ =	sdelay $0xe  }
0x10a: {  	s2 =	sadd.s32 $0xFFFFFFFF, s2;
	s4 =	spop (v2sf)  }
0x10b: {  	p1 =	sne.s32 s2, $0x0;
	p0 =	sgt.u32 s4, $0x7FF  }
.Ltmp18:
0x10c: {  	s5 =	sshrl.u32 @!p0 s4, $0x3;
	(pc) =	sbr.rel @!p1 .LBB2_26-.Ltmp18, $4  }
0x10d: {  	s3 =	simm.s32 $0xE0;
	s4 =	sand.u32 @!p0 $0x7, s4;
	s5 =	sadd.s32 @!p0 s1, s5  }
0x10e: {  	[hbm4b:s5+s4] =	stream.linear.scatter @!p0 [tilespmem:s3], [sflag:$0x5], $0x1, $0x38;
	[tilespmem:$0x4920] =	vst v63  }
0x10f: {  	s5 =	simm.s32 $0x0  }
0x110: {  	s4 =	simm.s32 $0xC1;
	s5 =	simm.s32 @!p0 $0x4  }
.LBB2_25:
0x111: {  	v0 =	vld.msk [tilespmem:s4+$0x0], $0x1;
	s2 =	sadd.s32 $0xFFFFFFFF, s2;
	s0 =	sadd.s32 s0, s5  }
0x112: {  	p0 =	sne.s32 s2, $0x0;
	_ =	sdelay $0x3  }
0x113: {  	(v2sf) =	vpush v0, $0x0;
	_ =	sdelay $0xe  }
.Ltmp19:
0x114: {  	s6 =	spop (v2sf);
	(pc) =	sbr.rel @p0 .LBB2_25-.Ltmp19, $4  }
0x115: {  	s5 =	simm.s32 $0x0;
	p1 =	sgt.u32 s6, $0x7FF  }
0x116: {  	s3 =	sadd.s32 $0x1, s3;
	s5 =	simm.s32 @!p1 $0x4;
	s7 =	sshrl.u32 @!p1 s6, $0x3  }
0x117: {  	s4 =	sadd.s32 $0x1, s4;
	s6 =	sand.u32 @!p1 $0x7, s6;
	s7 =	sadd.s32 @!p1 s1, s7  }
0x118: {  	[hbm4b:s7+s6] =	stream.linear.scatter @!p1 [tilespmem:s3], [sflag:$0x5], $0x1, $0x38;
	[tilespmem:$0x4920] =	vst v63  }
.LBB2_26:
0x119: {  	s0 =	sadd.s32 s0, s5  }
0x11a: {  	s0 =	sshrl.u32 s0, $0x2  }
.LBB2_27:
0x11b: {  	s1 =	simm.s32 $0x5  }
0x11c: {  	_ =	swait.ge [sflag:s1], s0  }
0x11d: {  	s28 =	ssub.s32 $0x0, s0;
	[sflag:s1] =	ssyncset.done $0x0  }
0x11e: {  	[sflag:s1] =	ssyncadd.s32 s28  }
0x11f: {  	[sflag:s1] =	ssyncpa.u1 $0x1  }
0x120: {  	s29 =	simm.s32 $0x1;
	_ =	sfence  }
0x121: {  	s30 =	simm.s32 $0x2;
	[sflag:s29] =	ssyncpa.u1 $0x1  }
0x122: {  	[sflag:s30] =	ssyncpa.u1 $0x1  }
0x123: {  	_ =	strace $0x90000053  }
0x124: {  	[bflag:$0x2] =	sbarrier.arrive $0xFFFF  }
0x125: {  	s31 =	rddreg [dreg:$0x1]  }
0x126: {  	s0 =	sadd.s32 $0x100000, s31  }
0x127: {  	[sflag:s0] =	ssyncadd.tile.s32 $0x1;
	_ =	shalt  }
.Lfunc_end2:
_tile_overlayer_lowered:
.L_overlay_start_2:
0x128: {  	(tag) =	ssettag $0x2  }
0x129: {  	s0 =	rddreg [dreg:$0x0];
	s2 =	stileid.u32  }
0x12a: {  	s1 =	rddreg [dreg:$0x1];
	p0 =	sne.s32 s2, $0x0  }
0x12b: {  	s3 =	rddreg [dreg:$0x2];
	[bflag:$0x3] =	sbarrier.arrive $0xFFFF;
	s2 =	simm.s32 @!p0 $0x1C01  }
0x12c: {  	[timem:s3], [sflag:s2] =	dma.local @!p0 [hbm:s0], s1  }
0x12d: {  	s0 =	simm.s32 @!p0 $0x1  }
0x12e: {  	_ =	swait.ge @!p0 [sflag:s0], s1  }
0x12f: {  	s1 =	ssub.s32 @!p0 $0x0, s1;
	[sflag:s0] =	ssyncset.done @!p0 $0x0  }
0x130: {  	[sflag:s0] =	ssyncadd.s32 @!p0 s1  }
0x131: {  	[bflag:$0x3] =	sbarrier.arrive $0xFFFF  }
0x132: {  	_ =	shalt  }

</sc_bundles>
